<compile_context>
chip_gen: v7x
topology: tpu7x:2x2x1
jax: 0.10.2.dev20260603
libtpu: 0.0.44.dev20260713+nightly
codegen_flags: <defaults>
</compile_context>

<pallas_src>
import jax
import jax.numpy as jnp
from jax import lax
from jax.experimental import pallas as pl
from jax.experimental.pallas import tpu as pltpu
from jax.experimental.pallas import tpu_sc as plsc

N = 10000
D = 128
H = 128
C_OUT = 47
E = 320000
W2 = 64

NC = 2
NS = 16
NW = NC * NS
EPW = 10240
E_PAD = NW * EPW
N_PAD = 10240
RT = N_PAD // NS



def _fill(ref, nrows, ncols, value):
    v = jnp.full((16,), value, dtype=jnp.float32)
    nchunk = ncols // 16

    def body(i, carry):
        ref[i // nchunk, pl.ds((i % nchunk) * 16, 16)] = v
        return carry

    lax.fori_loop(0, nrows * nchunk, body, 0)


def _sc_agg(table, src2, dst2, with_deg, mch, nbuf, g):
    width = table.shape[1]
    rpw = EPW // g
    nm = rpw // mch
    assert nm % 2 == 0 and rpw == nm * mch and mch % nbuf == 0
    nmp = nm // 2

    def body(*refs):
        if with_deg:
            (src2_h, dst2_h, table_h, acc_o, deg_o,
             src_v, dst_v, rows_v, acc_sh) = refs[:9]
            gsem = refs[9:9 + nbuf]
            ssem = refs[9 + nbuf:9 + 2 * nbuf]
            isem = refs[9 + 2 * nbuf]
            ones_v, deg_sh, dsem = refs[10 + 2 * nbuf:]
        else:
            (src2_h, dst2_h, table_h, acc_o,
             src_v, dst_v, rows_v, acc_sh) = refs[:8]
            gsem = refs[8:8 + nbuf]
            ssem = refs[8 + nbuf:8 + 2 * nbuf]
            isem = refs[8 + 2 * nbuf]
        cid = lax.axis_index("c")
        sid = lax.axis_index("s")
        wid = cid * NS + sid

        def gather(idx_row, p):
            pltpu.async_copy(table_h.at[idx_row], rows_v.at[p], gsem[p])

        def wait_gather(p):
            pltpu.make_async_copy(table_h.at[src_v.at[0, 0]],
                                  rows_v.at[p], gsem[p]).wait()

        def scatter(p, idx_row):
            pltpu.async_copy(rows_v.at[p], acc_sh.at[idx_row], ssem[p],
                             add=True)

        def wait_scatter(p):
            pltpu.make_async_copy(rows_v.at[p], acc_sh.at[dst_v.at[0, 0]],
                                  ssem[p]).wait()

        def drain_deg():
            for _ in range(mch):
                pltpu.make_async_copy(ones_v, deg_sh.at[dst_v.at[0, 0]],
                                      dsem).wait()

        _fill(rows_v.at[0], g, width, 0.0)
        for k in range(RT // g):
            pltpu.sync_copy(rows_v.at[0], acc_sh.at[pl.ds(sid * RT + k * g, g)])
        if with_deg:
            _fill(ones_v, g, 16, 0.0)
            for k in range(RT // g):
                pltpu.sync_copy(ones_v, deg_sh.at[pl.ds(sid * RT + k * g, g)])
            _fill(ones_v, g, 16, 1.0)

        plsc.subcore_barrier()

        def idx_off(m):
            return pl.multiple_of(wid * rpw + m * mch, 4)

        pltpu.sync_copy(src2_h.at[pl.ds(idx_off(0), mch)], src_v.at[0])
        pltpu.sync_copy(dst2_h.at[pl.ds(idx_off(0), mch)], dst_v.at[0])
        for j in range(nbuf - 1):
            gather(src_v.at[0, j], j)

        def half(t, hf):
            m = 2 * t + hf

            def drain_prev():
                wait_scatter(nbuf - 1)
                if with_deg:
                    drain_deg()

            if hf == 0:
                pl.when(t > 0)(drain_prev)
            else:
                drain_prev()

            def prefetch():
                pltpu.async_copy(src2_h.at[pl.ds(idx_off(m + 1), mch)],
                                 src_v.at[1 - hf], isem)
                pltpu.async_copy(dst2_h.at[pl.ds(idx_off(m + 1), mch)],
                                 dst_v.at[1 - hf], isem)

            if hf == 1:
                pl.when(t < nmp - 1)(prefetch)
            else:
                prefetch()

            for j in range(mch):
                p = j % nbuf
                wait_gather(p)
                scatter(p, dst_v.at[hf, j])
                if with_deg:
                    pltpu.async_copy(ones_v, deg_sh.at[dst_v.at[hf, j]],
                                     dsem, add=True)
                q = (p + nbuf - 1) % nbuf
                if j > 0:
                    wait_scatter(q)
                jn = j + nbuf - 1
                if jn < mch:
                    gather(src_v.at[hf, jn], q)
                else:
                    if jn == mch:
                        def idx_arrived():
                            pltpu.make_async_copy(
                                src2_h.at[pl.ds(idx_off(m + 1), mch)],
                                src_v.at[1 - hf], isem).wait()
                            pltpu.make_async_copy(
                                dst2_h.at[pl.ds(idx_off(m + 1), mch)],
                                dst_v.at[1 - hf], isem).wait()
                        if hf == 1:
                            pl.when(t < nmp - 1)(idx_arrived)
                        else:
                            idx_arrived()

                    def boundary():
                        gather(src_v.at[1 - hf, jn - mch], q)
                    if hf == 1:
                        pl.when(t < nmp - 1)(boundary)
                    else:
                        boundary()

        def pair(t, carry):
            half(t, 0)
            half(t, 1)
            return carry

        lax.fori_loop(0, nmp, pair, 0)

        wait_scatter(nbuf - 1)
        if with_deg:
            drain_deg()

        plsc.subcore_barrier()

        pltpu.sync_copy(acc_sh.at[pl.ds(sid * RT, RT)],
                        acc_o.at[cid, pl.ds(sid * RT, RT)])
        if with_deg:
            pltpu.sync_copy(deg_sh.at[pl.ds(sid * RT, RT)],
                            deg_o.at[cid, pl.ds(sid * RT, RT)])

    out_type = [jax.ShapeDtypeStruct((NC, N_PAD, width), jnp.float32)]
    scratch = ([pltpu.VMEM((2, mch, g), jnp.int32),
                pltpu.VMEM((2, mch, g), jnp.int32),
                pltpu.VMEM((nbuf, g, width), jnp.float32),
                pltpu.VMEM_SHARED((N_PAD, width), jnp.float32)]
               + [pltpu.SemaphoreType.DMA] * (2 * nbuf + 1))
    if with_deg:
        out_type.append(jax.ShapeDtypeStruct((NC, N_PAD, 16), jnp.float32))
        scratch += [pltpu.VMEM((g, 16), jnp.float32),
                    pltpu.VMEM_SHARED((N_PAD, 16), jnp.float32),
                    pltpu.SemaphoreType.DMA]

    fn = pl.kernel(
        body,
        out_type=out_type,
        mesh=plsc.VectorSubcoreMesh(core_axis_name="c", subcore_axis_name="s"),
        scratch_types=scratch,
        compiler_params=pltpu.CompilerParams(use_tc_tiling_on_sc=False),
    )
    return fn(src2, dst2, table)


R = 400
NB = N // R


def _tc_mid(x, acc, deg, ws0, wn0, b0, wn1p, ws1p, b1p):
    def body(x_r, a_r, d_r, ws0_r, wn0_r, b0_r, wn_r, ws_r, b_r, hw_o, hs_o):
        degv = d_r[0, :, 0:1] + d_r[1, :, 0:1]
        mean = (a_r[0] + a_r[1]) / jnp.maximum(degv, 1.0)
        h = (jnp.dot(x_r[...], ws0_r[...], preferred_element_type=jnp.float32)
             + jnp.dot(mean, wn0_r[...], preferred_element_type=jnp.float32)
             + b0_r[...])
        h = jnp.maximum(h, 0.0)
        nrm = jnp.sqrt(jnp.sum(h * h, axis=1, keepdims=True))
        h = h / jnp.maximum(nrm, 1e-12)
        hw_o[...] = jnp.dot(h, wn_r[...], preferred_element_type=jnp.float32)
        hs_o[...] = jnp.dot(h, ws_r[...],
                            preferred_element_type=jnp.float32) + b_r[...]

    return pl.pallas_call(
        body,
        grid=(NB,),
        in_specs=[pl.BlockSpec((R, D), lambda i: (i, 0)),
                  pl.BlockSpec((NC, R, D), lambda i: (0, i, 0)),
                  pl.BlockSpec((NC, R, 16), lambda i: (0, i, 0)),
                  pl.BlockSpec((D, H), lambda i: (0, 0)),
                  pl.BlockSpec((D, H), lambda i: (0, 0)),
                  pl.BlockSpec((1, H), lambda i: (0, 0)),
                  pl.BlockSpec((H, W2), lambda i: (0, 0)),
                  pl.BlockSpec((H, W2), lambda i: (0, 0)),
                  pl.BlockSpec((1, W2), lambda i: (0, 0))],
        out_specs=[pl.BlockSpec((R, W2), lambda i: (i, 0)),
                   pl.BlockSpec((R, W2), lambda i: (i, 0))],
        out_shape=[jax.ShapeDtypeStruct((N, W2), jnp.float32),
                   jax.ShapeDtypeStruct((N, W2), jnp.float32)],
    )(x, acc, deg, ws0, wn0, b0, wn1p, ws1p, b1p)


def _tc_final(hs1, acc, deg):
    def body(s_r, a_r, d_r, o_r):
        degv = d_r[0, :, 0:1] + d_r[1, :, 0:1]
        o_r[...] = s_r[...] + (a_r[0] + a_r[1]) / jnp.maximum(degv, 1.0)

    return pl.pallas_call(
        body,
        grid=(NB,),
        in_specs=[pl.BlockSpec((R, W2), lambda i: (i, 0)),
                  pl.BlockSpec((NC, R, W2), lambda i: (0, i, 0)),
                  pl.BlockSpec((NC, R, 16), lambda i: (0, i, 0))],
        out_specs=pl.BlockSpec((R, W2), lambda i: (i, 0)),
        out_shape=jax.ShapeDtypeStruct((N, W2), jnp.float32),
    )(hs1, acc, deg)


def kernel(features, edge_index, W_self0, W_neigh0, b0, W_self1, W_neigh1, b1):
    ppw = (E_PAD - E) // NW
    pad_src = jnp.zeros((NW, ppw), jnp.int32)
    pad_dst = jnp.broadcast_to(N + jnp.arange(ppw, dtype=jnp.int32),
                               (NW, ppw))
    src_p = jnp.concatenate([edge_index[0].reshape(NW, E // NW), pad_src],
                            axis=1)
    dst_p = jnp.concatenate([edge_index[1].reshape(NW, E // NW), pad_dst],
                            axis=1)
    wn1p = jnp.zeros((H, W2), jnp.float32).at[:, :C_OUT].set(W_neigh1)
    ws1p = jnp.zeros((H, W2), jnp.float32).at[:, :C_OUT].set(W_self1)
    b1p = jnp.zeros((1, W2), jnp.float32).at[0, :C_OUT].set(b1)

    acc0, deg = _sc_agg(features, src_p.reshape(-1, 64), dst_p.reshape(-1, 64),
                        with_deg=True, mch=8, nbuf=4, g=64)
    hw1, hs1 = _tc_mid(features, acc0, deg, W_self0, W_neigh0,
                       b0.reshape(1, H), wn1p, ws1p, b1p)
    (acc1,) = _sc_agg(hw1, src_p.reshape(-1, 128), dst_p.reshape(-1, 128),
                      with_deg=False, mch=8, nbuf=4, g=128)
    out64 = _tc_final(hs1, acc1, deg)
    return out64[:, :C_OUT]

# --- scband reference (transcript-rebuilt; emitter-appended) ---
"""Pipeline reference for scband-graph-sage-68143951118848 (READ-ONLY COPY).

The authoritative reference and input builder live on the scoring server;
editing this copy changes nothing except your own understanding.
"""

import jax, jax.numpy as jnp
import numpy as np

N_NODES = 10000
D_FEAT = 128
N_HIDDEN = 128
N_CLASSES = 47
N_EDGES = 320000


def setup_inputs(seed: int = 0) -> dict:
    key = jax.random.key(seed)
    ks = jax.random.split(key, 8)
    features = jax.random.normal(ks[0], (N_NODES, D_FEAT), dtype=jnp.float32)
    edge_index = jax.random.randint(ks[1], (2, N_EDGES), 0, N_NODES, dtype=jnp.int32)
    W_self0 = jax.random.normal(ks[2], (D_FEAT, N_HIDDEN), dtype=jnp.float32) / np.sqrt(D_FEAT)
    W_neigh0 = jax.random.normal(ks[3], (D_FEAT, N_HIDDEN), dtype=jnp.float32) / np.sqrt(D_FEAT)
    b0 = jnp.zeros((N_HIDDEN,), dtype=jnp.float32)
    W_self1 = jax.random.normal(ks[4], (N_HIDDEN, N_CLASSES), dtype=jnp.float32) / np.sqrt(N_HIDDEN)
    W_neigh1 = jax.random.normal(ks[5], (N_HIDDEN, N_CLASSES), dtype=jnp.float32) / np.sqrt(N_HIDDEN)
    b1 = jnp.zeros((N_CLASSES,), dtype=jnp.float32)
    return {"features": features, "edge_index": edge_index,
            "W_self0": W_self0, "W_neigh0": W_neigh0, "b0": b0,
            "W_self1": W_self1, "W_neigh1": W_neigh1, "b1": b1}


def _sage_layer(x, src, dst, W_self, W_neigh, b):
    # DGL-style SAGEConv with mean aggregator: fc_self(h) + fc_neigh(mean_{u in N(v)} h_u)
    msg = x[src]  # gather over source nodes
    agg = jax.ops.segment_sum(msg, dst, num_segments=N_NODES)  # scatter-add by dst
    deg = jax.ops.segment_sum(jnp.ones((src.shape[0],), jnp.float32), dst, num_segments=N_NODES)
    mean = agg / jnp.maximum(deg, 1.0)[:, None]
    return x @ W_self + mean @ W_neigh + b


def _l2_normalize(h):
    # norm2 = F.normalize(h, p=2, dim=1)
    n = jnp.sqrt(jnp.sum(h * h, axis=1, keepdims=True))
    return h / jnp.maximum(n, 1e-12)


def reference(features, edge_index, W_self0, W_neigh0, b0, W_self1, W_neigh1, b1):
    src = edge_index[0]
    dst = edge_index[1]
    # hidden layer: SAGEConv -> relu -> L2 normalize (feat_drop=0.0)
    h = _sage_layer(features, src, dst, W_self0, W_neigh0, b0)
    h = jax.nn.relu(h)
    h = _l2_normalize(h)
    # output layer: SAGEConv, no activation, no norm
    out = _sage_layer(h, src, dst, W_self1, W_neigh1, b1)
    return out

if __name__ == "__main__":
    import jax
    _d = setup_inputs()
    print(jax.jit(kernel)(*tuple(_d.values())))

</pallas_src>

<mosaic_0001>
#map = affine_map<(d0, d1) -> (0, 0)>
#map1 = affine_map<(d0, d1) -> (0, 0, 0)>
module attributes {stable_mosaic.version = 14 : i64} {
  func.func @body(%arg0: i32, %arg1: i32, %arg2: memref<5120x64xi32, #tpu.memory_space<hbm>>, %arg3: memref<5120x64xi32, #tpu.memory_space<hbm>>, %arg4: memref<10000x128xf32, #tpu.memory_space<hbm>>, %arg5: memref<2x10240x128xf32, #tpu.memory_space<hbm>>, %arg6: memref<2x10240x16xf32, #tpu.memory_space<hbm>>, %arg7: memref<2x8x64xi32, #tpu.memory_space<vmem>>, %arg8: memref<2x8x64xi32, #tpu.memory_space<vmem>>, %arg9: memref<4x64x128xf32, #tpu.memory_space<vmem>>, %arg10: memref<10240x128xf32, #tpu.memory_space<vmem_shared>>, %arg11: memref<!tpu.dma_semaphore, #tpu.memory_space<semaphore_mem>>, %arg12: memref<!tpu.dma_semaphore, #tpu.memory_space<semaphore_mem>>, %arg13: memref<!tpu.dma_semaphore, #tpu.memory_space<semaphore_mem>>, %arg14: memref<!tpu.dma_semaphore, #tpu.memory_space<semaphore_mem>>, %arg15: memref<!tpu.dma_semaphore, #tpu.memory_space<semaphore_mem>>, %arg16: memref<!tpu.dma_semaphore, #tpu.memory_space<semaphore_mem>>, %arg17: memref<!tpu.dma_semaphore, #tpu.memory_space<semaphore_mem>>, %arg18: memref<!tpu.dma_semaphore, #tpu.memory_space<semaphore_mem>>, %arg19: memref<!tpu.dma_semaphore, #tpu.memory_space<semaphore_mem>>, %arg20: memref<64x16xf32, #tpu.memory_space<vmem>>, %arg21: memref<10240x16xf32, #tpu.memory_space<vmem_shared>>, %arg22: memref<!tpu.dma_semaphore, #tpu.memory_space<semaphore_mem>>) attributes {dimension_semantics = [#tpu.dimension_semantics<core_parallel>, #tpu.dimension_semantics<subcore_parallel>], iteration_bounds = array<i64: 2, 16>, scalar_prefetch = 0 : i64, scratch_operands = 16 : i64, tpu.core_type = #tpu.core_type<sc_vector_subcore>, window_params = [{transform_indices = #map}, {transform_indices = #map}, {transform_indices = #map}, {transform_indices = #map1}, {transform_indices = #map1}]} {
    %mul3A = arith.constant 16 : i32
    %mul3A_0 = arith.muli %arg0, %mul3A : i32
    %add3A = arith.addi %mul3A_0, %arg1 : i32
    %broadcast_in_dim3A = arith.constant 0.000000e+00 : f32
    %broadcast_in_dim3A_1 = vector.broadcast %broadcast_in_dim3A : f32 to vector<16xf32>
    %scan3A = arith.constant 0 : i32
    %scan3A_2 = arith.constant 0 : i32
    %scan3A_3 = arith.constant 0 : i32
    %scan3A_4 = arith.constant 512 : i32
    %scan3A_5 = arith.addi %scan3A_3, %scan3A_4 : i32
    %scan3A_6 = arith.constant 1 : i32
    scf.for %scan3A_253 = %scan3A_3 to %scan3A_5 step %scan3A_6  : i32 {
      %jit3A = arith.constant 8 : i32
      %div3A = arith.divsi %scan3A_253, %jit3A : i32
      %sign3A = arith.constant 0 : i32
      %sign3A_254 = arith.cmpi sgt, %scan3A_253, %sign3A : i32
      %sign3A_255 = arith.extui %sign3A_254 : i1 to i32
      %sign3A_256 = arith.constant 0 : i32
      %sign3A_257 = arith.cmpi slt, %scan3A_253, %sign3A_256 : i32
      %sign3A_258 = arith.extui %sign3A_257 : i1 to i32
      %sign3A_259 = arith.subi %sign3A_255, %sign3A_258 : i32
      %sign3A_260 = arith.constant 0 : i32
      %sign3A_261 = arith.cmpi sgt, %jit3A, %sign3A_260 : i32
      %sign3A_262 = arith.extui %sign3A_261 : i1 to i32
      %sign3A_263 = arith.constant 0 : i32
      %sign3A_264 = arith.cmpi slt, %jit3A, %sign3A_263 : i32
      %sign3A_265 = arith.extui %sign3A_264 : i1 to i32
      %sign3A_266 = arith.subi %sign3A_262, %sign3A_265 : i32
      %ne3A = arith.cmpi ne, %sign3A_259, %sign3A_266 : i32
      %rem3A = arith.remsi %scan3A_253, %jit3A : i32
      %ne3A_267 = arith.constant 0 : i32
      %ne3A_268 = arith.cmpi ne, %rem3A, %ne3A_267 : i32
      %and3A = arith.andi %ne3A, %ne3A_268 : i1
      %sub3A = arith.constant 1 : i32
      %sub3A_269 = arith.subi %div3A, %sub3A : i32
      %select_n3A = arith.select %and3A, %sub3A_269, %div3A : i32
      %jit3A_270 = arith.constant 8 : i32
      %eq3A = arith.constant 0 : i32
      %eq3A_271 = arith.cmpi eq, %jit3A_270, %eq3A : i32
      %jit3A_272 = arith.constant 1 : i32
      %select_n3A_273 = arith.select %eq3A_271, %jit3A_272, %jit3A_270 : i32
      %rem3A_274 = arith.remsi %scan3A_253, %select_n3A_273 : i32
      %ne3A_275 = arith.constant 0 : i32
      %ne3A_276 = arith.cmpi ne, %rem3A_274, %ne3A_275 : i32
      %lt3A = arith.constant 0 : i32
      %lt3A_277 = arith.cmpi slt, %rem3A_274, %lt3A : i32
      %lt3A_278 = arith.constant 0 : i32
      %lt3A_279 = arith.cmpi slt, %select_n3A_273, %lt3A_278 : i32
      %ne3A_280 = arith.xori %lt3A_277, %lt3A_279 : i1
      %and3A_281 = arith.andi %ne3A_280, %ne3A_276 : i1
      %add3A_282 = arith.addi %rem3A_274, %select_n3A_273 : i32
      %select_n3A_283 = arith.select %and3A_281, %add3A_282, %rem3A_274 : i32
      %mul3A_284 = arith.constant 16 : i32
      %mul3A_285 = arith.muli %select_n3A_283, %mul3A_284 : i32
      %swap3A = arith.constant 0 : i32
      %swap3A_286 = arith.constant 0 : i32
      %swap3A_287 = tpu.memref_slice %arg9[%scan3A_2, %swap3A, %swap3A_286] : memref<4x64x128xf32, #tpu.memory_space<vmem>> -> memref<1x64x128xf32, #tpu.memory_space<vmem>>
      %swap3A_288 = tpu.memref_squeeze %swap3A_287 : memref<1x64x128xf32, #tpu.memory_space<vmem>> -> memref<64x128xf32, #tpu.memory_space<vmem>>
      %swap3A_289 = arith.index_cast %select_n3A : i32 to index
      %swap3A_290 = arith.index_cast %mul3A_285 : i32 to index
      %swap3A_291 = tpu.vector_load %swap3A_288[%swap3A_289, %swap3A_290] {strides = array<i32>} : memref<64x128xf32, #tpu.memory_space<vmem>>, vector<1x16xf32>,
      %swap3A_292 = vector.shape_cast %swap3A_291 : vector<1x16xf32> to vector<16xf32>
      %swap3A_293 = vector.shape_cast %broadcast_in_dim3A_1 : vector<16xf32> to vector<1x16xf32>
      tpu.vector_store %swap3A_288[%swap3A_289, %swap3A_290], %swap3A_293 {strides = array<i32>} : memref<64x128xf32, #tpu.memory_space<vmem>>, vector<1x16xf32>,
    }
    %scan3A_7 = arith.constant 512 : i32
    %mul3A_8 = arith.constant 640 : i32
    %mul3A_9 = arith.muli %arg1, %mul3A_8 : i32
    %add3A_10 = arith.constant 0 : i32
    %add3A_11 = arith.addi %mul3A_9, %add3A_10 : i32
    %run_scoped3A = arith.constant 0 : i32
    "tpu.region"() ({
      %run_scoped3A_253 = tpu.sem_alloc : memref<!tpu.dma_semaphore, #tpu.memory_space<semaphore_mem>>
      %dma_start3A_254 = arith.constant 0 : i32
      %dma_start3A_255 = arith.constant 0 : i32
      %dma_start3A_256 = tpu.memref_slice %arg9[%run_scoped3A, %dma_start3A_254, %dma_start3A_255] : memref<4x64x128xf32, #tpu.memory_space<vmem>> -> memref<1x64x128xf32, #tpu.memory_space<vmem>>
      %dma_start3A_257 = tpu.memref_squeeze %dma_start3A_256 : memref<1x64x128xf32, #tpu.memory_space<vmem>> -> memref<64x128xf32, #tpu.memory_space<vmem>>
      %dma_start3A_258 = arith.constant 0 : i32
      %dma_start3A_259 = tpu.memref_slice %arg10[%add3A_11, %dma_start3A_258] : memref<10240x128xf32, #tpu.memory_space<vmem_shared>> -> memref<64x128xf32, #tpu.memory_space<vmem_shared>>
      %dma_start3A_260 = arith.constant 0 : i32
      %dma_start3A_261 = tpu.memref_slice %arg10[%add3A_11, %dma_start3A_260] : memref<10240x128xf32, #tpu.memory_space<vmem_shared>> -> memref<64x128xf32, #tpu.memory_space<vmem_shared>>
      %dma_start3A_262 = arith.constant 0 : i32
      %dma_start3A_263 = arith.constant 0 : i32
      %dma_start3A_264 = tpu.memref_slice %arg9[%run_scoped3A, %dma_start3A_262, %dma_start3A_263] : memref<4x64x128xf32, #tpu.memory_space<vmem>> -> memref<1x64x128xf32, #tpu.memory_space<vmem>>
      %dma_start3A_265 = tpu.memref_squeeze %dma_start3A_264 : memref<1x64x128xf32, #tpu.memory_space<vmem>> -> memref<64x128xf32, #tpu.memory_space<vmem>>
      tpu.enqueue_dma source(%dma_start3A_265 : memref<64x128xf32, #tpu.memory_space<vmem>>) target(%dma_start3A_261 : memref<64x128xf32, #tpu.memory_space<vmem_shared>>) target_semaphore(%run_scoped3A_253 : memref<!tpu.dma_semaphore, #tpu.memory_space<semaphore_mem>>)
      %dma_wait3A_266 = arith.constant 0 : i32
      %dma_wait3A_267 = arith.constant 0 : i32
      %dma_wait3A_268 = tpu.memref_slice %arg9[%run_scoped3A, %dma_wait3A_266, %dma_wait3A_267] : memref<4x64x128xf32, #tpu.memory_space<vmem>> -> memref<1x64x128xf32, #tpu.memory_space<vmem>>
      %dma_wait3A_269 = tpu.memref_squeeze %dma_wait3A_268 : memref<1x64x128xf32, #tpu.memory_space<vmem>> -> memref<64x128xf32, #tpu.memory_space<vmem>>
      %dma_wait3A_270 = arith.constant 0 : i32
      %dma_wait3A_271 = tpu.memref_slice %arg10[%add3A_11, %dma_wait3A_270] : memref<10240x128xf32, #tpu.memory_space<vmem_shared>> -> memref<64x128xf32, #tpu.memory_space<vmem_shared>>
      %dma_wait3A_272 = arith.constant 0 : i32
      %dma_wait3A_273 = tpu.memref_slice %arg10[%add3A_11, %dma_wait3A_272] : memref<10240x128xf32, #tpu.memory_space<vmem_shared>> -> memref<64x128xf32, #tpu.memory_space<vmem_shared>>
      %dma_wait3A_274 = arith.constant 0 : i32
      %dma_wait3A_275 = arith.constant 0 : i32
      %dma_wait3A_276 = tpu.memref_slice %arg9[%run_scoped3A, %dma_wait3A_274, %dma_wait3A_275] : memref<4x64x128xf32, #tpu.memory_space<vmem>> -> memref<1x64x128xf32, #tpu.memory_space<vmem>>
      %dma_wait3A_277 = tpu.memref_squeeze %dma_wait3A_276 : memref<1x64x128xf32, #tpu.memory_space<vmem>> -> memref<64x128xf32, #tpu.memory_space<vmem>>
      tpu.wait_dma2 semaphore(%run_scoped3A_253 : memref<!tpu.dma_semaphore, #tpu.memory_space<semaphore_mem>>) src(%dma_wait3A_277 : memref<64x128xf32, #tpu.memory_space<vmem>>) dst(%dma_wait3A_273 : memref<64x128xf32, #tpu.memory_space<vmem_shared>>)
      tpu.yield
    }) : () -> ()
    %mul3A_12 = arith.constant 640 : i32
    %mul3A_13 = arith.muli %arg1, %mul3A_12 : i32
    %add3A_14 = arith.constant 64 : i32
    %add3A_15 = arith.addi %mul3A_13, %add3A_14 : i32
    %run_scoped3A_16 = arith.constant 0 : i32
    "tpu.region"() ({
      %run_scoped3A_253 = tpu.sem_alloc : memref<!tpu.dma_semaphore, #tpu.memory_space<semaphore_mem>>
      %dma_start3A_254 = arith.constant 0 : i32
      %dma_start3A_255 = arith.constant 0 : i32
      %dma_start3A_256 = tpu.memref_slice %arg9[%run_scoped3A_16, %dma_start3A_254, %dma_start3A_255] : memref<4x64x128xf32, #tpu.memory_space<vmem>> -> memref<1x64x128xf32, #tpu.memory_space<vmem>>
      %dma_start3A_257 = tpu.memref_squeeze %dma_start3A_256 : memref<1x64x128xf32, #tpu.memory_space<vmem>> -> memref<64x128xf32, #tpu.memory_space<vmem>>
      %dma_start3A_258 = arith.constant 0 : i32
      %dma_start3A_259 = tpu.memref_slice %arg10[%add3A_15, %dma_start3A_258] : memref<10240x128xf32, #tpu.memory_space<vmem_shared>> -> memref<64x128xf32, #tpu.memory_space<vmem_shared>>
      %dma_start3A_260 = arith.constant 0 : i32
      %dma_start3A_261 = tpu.memref_slice %arg10[%add3A_15, %dma_start3A_260] : memref<10240x128xf32, #tpu.memory_space<vmem_shared>> -> memref<64x128xf32, #tpu.memory_space<vmem_shared>>
      %dma_start3A_262 = arith.constant 0 : i32
      %dma_start3A_263 = arith.constant 0 : i32
      %dma_start3A_264 = tpu.memref_slice %arg9[%run_scoped3A_16, %dma_start3A_262, %dma_start3A_263] : memref<4x64x128xf32, #tpu.memory_space<vmem>> -> memref<1x64x128xf32, #tpu.memory_space<vmem>>
      %dma_start3A_265 = tpu.memref_squeeze %dma_start3A_264 : memref<1x64x128xf32, #tpu.memory_space<vmem>> -> memref<64x128xf32, #tpu.memory_space<vmem>>
      tpu.enqueue_dma source(%dma_start3A_265 : memref<64x128xf32, #tpu.memory_space<vmem>>) target(%dma_start3A_261 : memref<64x128xf32, #tpu.memory_space<vmem_shared>>) target_semaphore(%run_scoped3A_253 : memref<!tpu.dma_semaphore, #tpu.memory_space<semaphore_mem>>)
      %dma_wait3A_266 = arith.constant 0 : i32
      %dma_wait3A_267 = arith.constant 0 : i32
      %dma_wait3A_268 = tpu.memref_slice %arg9[%run_scoped3A_16, %dma_wait3A_266, %dma_wait3A_267] : memref<4x64x128xf32, #tpu.memory_space<vmem>> -> memref<1x64x128xf32, #tpu.memory_space<vmem>>
      %dma_wait3A_269 = tpu.memref_squeeze %dma_wait3A_268 : memref<1x64x128xf32, #tpu.memory_space<vmem>> -> memref<64x128xf32, #tpu.memory_space<vmem>>
      %dma_wait3A_270 = arith.constant 0 : i32
      %dma_wait3A_271 = tpu.memref_slice %arg10[%add3A_15, %dma_wait3A_270] : memref<10240x128xf32, #tpu.memory_space<vmem_shared>> -> memref<64x128xf32, #tpu.memory_space<vmem_shared>>
      %dma_wait3A_272 = arith.constant 0 : i32
      %dma_wait3A_273 = tpu.memref_slice %arg10[%add3A_15, %dma_wait3A_272] : memref<10240x128xf32, #tpu.memory_space<vmem_shared>> -> memref<64x128xf32, #tpu.memory_space<vmem_shared>>
      %dma_wait3A_274 = arith.constant 0 : i32
      %dma_wait3A_275 = arith.constant 0 : i32
      %dma_wait3A_276 = tpu.memref_slice %arg9[%run_scoped3A_16, %dma_wait3A_274, %dma_wait3A_275] : memref<4x64x128xf32, #tpu.memory_space<vmem>> -> memref<1x64x128xf32, #tpu.memory_space<vmem>>
      %dma_wait3A_277 = tpu.memref_squeeze %dma_wait3A_276 : memref<1x64x128xf32, #tpu.memory_space<vmem>> -> memref<64x128xf32, #tpu.memory_space<vmem>>
      tpu.wait_dma2 semaphore(%run_scoped3A_253 : memref<!tpu.dma_semaphore, #tpu.memory_space<semaphore_mem>>) src(%dma_wait3A_277 : memref<64x128xf32, #tpu.memory_space<vmem>>) dst(%dma_wait3A_273 : memref<64x128xf32, #tpu.memory_space<vmem_shared>>)
      tpu.yield
    }) : () -> ()
    %mul3A_17 = arith.constant 640 : i32
    %mul3A_18 = arith.muli %arg1, %mul3A_17 : i32
    %add3A_19 = arith.constant 128 : i32
    %add3A_20 = arith.addi %mul3A_18, %add3A_19 : i32
    %run_scoped3A_21 = arith.constant 0 : i32
    "tpu.region"() ({
      %run_scoped3A_253 = tpu.sem_alloc : memref<!tpu.dma_semaphore, #tpu.memory_space<semaphore_mem>>
      %dma_start3A_254 = arith.constant 0 : i32
      %dma_start3A_255 = arith.constant 0 : i32
      %dma_start3A_256 = tpu.memref_slice %arg9[%run_scoped3A_21, %dma_start3A_254, %dma_start3A_255] : memref<4x64x128xf32, #tpu.memory_space<vmem>> -> memref<1x64x128xf32, #tpu.memory_space<vmem>>
      %dma_start3A_257 = tpu.memref_squeeze %dma_start3A_256 : memref<1x64x128xf32, #tpu.memory_space<vmem>> -> memref<64x128xf32, #tpu.memory_space<vmem>>
      %dma_start3A_258 = arith.constant 0 : i32
      %dma_start3A_259 = tpu.memref_slice %arg10[%add3A_20, %dma_start3A_258] : memref<10240x128xf32, #tpu.memory_space<vmem_shared>> -> memref<64x128xf32, #tpu.memory_space<vmem_shared>>
      %dma_start3A_260 = arith.constant 0 : i32
      %dma_start3A_261 = tpu.memref_slice %arg10[%add3A_20, %dma_start3A_260] : memref<10240x128xf32, #tpu.memory_space<vmem_shared>> -> memref<64x128xf32, #tpu.memory_space<vmem_shared>>
      %dma_start3A_262 = arith.constant 0 : i32
      %dma_start3A_263 = arith.constant 0 : i32
      %dma_start3A_264 = tpu.memref_slice %arg9[%run_scoped3A_21, %dma_start3A_262, %dma_start3A_263] : memref<4x64x128xf32, #tpu.memory_space<vmem>> -> memref<1x64x128xf32, #tpu.memory_space<vmem>>
      %dma_start3A_265 = tpu.memref_squeeze %dma_start3A_264 : memref<1x64x128xf32, #tpu.memory_space<vmem>> -> memref<64x128xf32, #tpu.memory_space<vmem>>
      tpu.enqueue_dma source(%dma_start3A_265 : memref<64x128xf32, #tpu.memory_space<vmem>>) target(%dma_start3A_261 : memref<64x128xf32, #tpu.memory_space<vmem_shared>>) target_semaphore(%run_scoped3A_253 : memref<!tpu.dma_semaphore, #tpu.memory_space<semaphore_mem>>)
      %dma_wait3A_266 = arith.constant 0 : i32
      %dma_wait3A_267 = arith.constant 0 : i32
      %dma_wait3A_268 = tpu.memref_slice %arg9[%run_scoped3A_21, %dma_wait3A_266, %dma_wait3A_267] : memref<4x64x128xf32, #tpu.memory_space<vmem>> -> memref<1x64x128xf32, #tpu.memory_space<vmem>>
      %dma_wait3A_269 = tpu.memref_squeeze %dma_wait3A_268 : memref<1x64x128xf32, #tpu.memory_space<vmem>> -> memref<64x128xf32, #tpu.memory_space<vmem>>
      %dma_wait3A_270 = arith.constant 0 : i32
      %dma_wait3A_271 = tpu.memref_slice %arg10[%add3A_20, %dma_wait3A_270] : memref<10240x128xf32, #tpu.memory_space<vmem_shared>> -> memref<64x128xf32, #tpu.memory_space<vmem_shared>>
      %dma_wait3A_272 = arith.constant 0 : i32
      %dma_wait3A_273 = tpu.memref_slice %arg10[%add3A_20, %dma_wait3A_272] : memref<10240x128xf32, #tpu.memory_space<vmem_shared>> -> memref<64x128xf32, #tpu.memory_space<vmem_shared>>
      %dma_wait3A_274 = arith.constant 0 : i32
      %dma_wait3A_275 = arith.constant 0 : i32
      %dma_wait3A_276 = tpu.memref_slice %arg9[%run_scoped3A_21, %dma_wait3A_274, %dma_wait3A_275] : memref<4x64x128xf32, #tpu.memory_space<vmem>> -> memref<1x64x128xf32, #tpu.memory_space<vmem>>
      %dma_wait3A_277 = tpu.memref_squeeze %dma_wait3A_276 : memref<1x64x128xf32, #tpu.memory_space<vmem>> -> memref<64x128xf32, #tpu.memory_space<vmem>>
      tpu.wait_dma2 semaphore(%run_scoped3A_253 : memref<!tpu.dma_semaphore, #tpu.memory_space<semaphore_mem>>) src(%dma_wait3A_277 : memref<64x128xf32, #tpu.memory_space<vmem>>) dst(%dma_wait3A_273 : memref<64x128xf32, #tpu.memory_space<vmem_shared>>)
      tpu.yield
    }) : () -> ()
    %mul3A_22 = arith.constant 640 : i32
    %mul3A_23 = arith.muli %arg1, %mul3A_22 : i32
    %add3A_24 = arith.constant 192 : i32
    %add3A_25 = arith.addi %mul3A_23, %add3A_24 : i32
    %run_scoped3A_26 = arith.constant 0 : i32
    "tpu.region"() ({
      %run_scoped3A_253 = tpu.sem_alloc : memref<!tpu.dma_semaphore, #tpu.memory_space<semaphore_mem>>
      %dma_start3A_254 = arith.constant 0 : i32
      %dma_start3A_255 = arith.constant 0 : i32
      %dma_start3A_256 = tpu.memref_slice %arg9[%run_scoped3A_26, %dma_start3A_254, %dma_start3A_255] : memref<4x64x128xf32, #tpu.memory_space<vmem>> -> memref<1x64x128xf32, #tpu.memory_space<vmem>>
      %dma_start3A_257 = tpu.memref_squeeze %dma_start3A_256 : memref<1x64x128xf32, #tpu.memory_space<vmem>> -> memref<64x128xf32, #tpu.memory_space<vmem>>
      %dma_start3A_258 = arith.constant 0 : i32
      %dma_start3A_259 = tpu.memref_slice %arg10[%add3A_25, %dma_start3A_258] : memref<10240x128xf32, #tpu.memory_space<vmem_shared>> -> memref<64x128xf32, #tpu.memory_space<vmem_shared>>
      %dma_start3A_260 = arith.constant 0 : i32
      %dma_start3A_261 = tpu.memref_slice %arg10[%add3A_25, %dma_start3A_260] : memref<10240x128xf32, #tpu.memory_space<vmem_shared>> -> memref<64x128xf32, #tpu.memory_space<vmem_shared>>
      %dma_start3A_262 = arith.constant 0 : i32
      %dma_start3A_263 = arith.constant 0 : i32
      %dma_start3A_264 = tpu.memref_slice %arg9[%run_scoped3A_26, %dma_start3A_262, %dma_start3A_263] : memref<4x64x128xf32, #tpu.memory_space<vmem>> -> memref<1x64x128xf32, #tpu.memory_space<vmem>>
      %dma_start3A_265 = tpu.memref_squeeze %dma_start3A_264 : memref<1x64x128xf32, #tpu.memory_space<vmem>> -> memref<64x128xf32, #tpu.memory_space<vmem>>
      tpu.enqueue_dma source(%dma_start3A_265 : memref<64x128xf32, #tpu.memory_space<vmem>>) target(%dma_start3A_261 : memref<64x128xf32, #tpu.memory_space<vmem_shared>>) target_semaphore(%run_scoped3A_253 : memref<!tpu.dma_semaphore, #tpu.memory_space<semaphore_mem>>)
      %dma_wait3A_266 = arith.constant 0 : i32
      %dma_wait3A_267 = arith.constant 0 : i32
      %dma_wait3A_268 = tpu.memref_slice %arg9[%run_scoped3A_26, %dma_wait3A_266, %dma_wait3A_267] : memref<4x64x128xf32, #tpu.memory_space<vmem>> -> memref<1x64x128xf32, #tpu.memory_space<vmem>>
      %dma_wait3A_269 = tpu.memref_squeeze %dma_wait3A_268 : memref<1x64x128xf32, #tpu.memory_space<vmem>> -> memref<64x128xf32, #tpu.memory_space<vmem>>
      %dma_wait3A_270 = arith.constant 0 : i32
      %dma_wait3A_271 = tpu.memref_slice %arg10[%add3A_25, %dma_wait3A_270] : memref<10240x128xf32, #tpu.memory_space<vmem_shared>> -> memref<64x128xf32, #tpu.memory_space<vmem_shared>>
      %dma_wait3A_272 = arith.constant 0 : i32
      %dma_wait3A_273 = tpu.memref_slice %arg10[%add3A_25, %dma_wait3A_272] : memref<10240x128xf32, #tpu.memory_space<vmem_shared>> -> memref<64x128xf32, #tpu.memory_space<vmem_shared>>
      %dma_wait3A_274 = arith.constant 0 : i32
      %dma_wait3A_275 = arith.constant 0 : i32
      %dma_wait3A_276 = tpu.memref_slice %arg9[%run_scoped3A_26, %dma_wait3A_274, %dma_wait3A_275] : memref<4x64x128xf32, #tpu.memory_space<vmem>> -> memref<1x64x128xf32, #tpu.memory_space<vmem>>
      %dma_wait3A_277 = tpu.memref_squeeze %dma_wait3A_276 : memref<1x64x128xf32, #tpu.memory_space<vmem>> -> memref<64x128xf32, #tpu.memory_space<vmem>>
      tpu.wait_dma2 semaphore(%run_scoped3A_253 : memref<!tpu.dma_semaphore, #tpu.memory_space<semaphore_mem>>) src(%dma_wait3A_277 : memref<64x128xf32, #tpu.memory_space<vmem>>) dst(%dma_wait3A_273 : memref<64x128xf32, #tpu.memory_space<vmem_shared>>)
      tpu.yield
    }) : () -> ()
    %mul3A_27 = arith.constant 640 : i32
    %mul3A_28 = arith.muli %arg1, %mul3A_27 : i32
    %add3A_29 = arith.constant 256 : i32
    %add3A_30 = arith.addi %mul3A_28, %add3A_29 : i32
    %run_scoped3A_31 = arith.constant 0 : i32
    "tpu.region"() ({
      %run_scoped3A_253 = tpu.sem_alloc : memref<!tpu.dma_semaphore, #tpu.memory_space<semaphore_mem>>
      %dma_start3A_254 = arith.constant 0 : i32
      %dma_start3A_255 = arith.constant 0 : i32
      %dma_start3A_256 = tpu.memref_slice %arg9[%run_scoped3A_31, %dma_start3A_254, %dma_start3A_255] : memref<4x64x128xf32, #tpu.memory_space<vmem>> -> memref<1x64x128xf32, #tpu.memory_space<vmem>>
      %dma_start3A_257 = tpu.memref_squeeze %dma_start3A_256 : memref<1x64x128xf32, #tpu.memory_space<vmem>> -> memref<64x128xf32, #tpu.memory_space<vmem>>
      %dma_start3A_258 = arith.constant 0 : i32
      %dma_start3A_259 = tpu.memref_slice %arg10[%add3A_30, %dma_start3A_258] : memref<10240x128xf32, #tpu.memory_space<vmem_shared>> -> memref<64x128xf32, #tpu.memory_space<vmem_shared>>
      %dma_start3A_260 = arith.constant 0 : i32
      %dma_start3A_261 = tpu.memref_slice %arg10[%add3A_30, %dma_start3A_260] : memref<10240x128xf32, #tpu.memory_space<vmem_shared>> -> memref<64x128xf32, #tpu.memory_space<vmem_shared>>
      %dma_start3A_262 = arith.constant 0 : i32
      %dma_start3A_263 = arith.constant 0 : i32
      %dma_start3A_264 = tpu.memref_slice %arg9[%run_scoped3A_31, %dma_start3A_262, %dma_start3A_263] : memref<4x64x128xf32, #tpu.memory_space<vmem>> -> memref<1x64x128xf32, #tpu.memory_space<vmem>>
      %dma_start3A_265 = tpu.memref_squeeze %dma_start3A_264 : memref<1x64x128xf32, #tpu.memory_space<vmem>> -> memref<64x128xf32, #tpu.memory_space<vmem>>
      tpu.enqueue_dma source(%dma_start3A_265 : memref<64x128xf32, #tpu.memory_space<vmem>>) target(%dma_start3A_261 : memref<64x128xf32, #tpu.memory_space<vmem_shared>>) target_semaphore(%run_scoped3A_253 : memref<!tpu.dma_semaphore, #tpu.memory_space<semaphore_mem>>)
      %dma_wait3A_266 = arith.constant 0 : i32
      %dma_wait3A_267 = arith.constant 0 : i32
      %dma_wait3A_268 = tpu.memref_slice %arg9[%run_scoped3A_31, %dma_wait3A_266, %dma_wait3A_267] : memref<4x64x128xf32, #tpu.memory_space<vmem>> -> memref<1x64x128xf32, #tpu.memory_space<vmem>>
      %dma_wait3A_269 = tpu.memref_squeeze %dma_wait3A_268 : memref<1x64x128xf32, #tpu.memory_space<vmem>> -> memref<64x128xf32, #tpu.memory_space<vmem>>
      %dma_wait3A_270 = arith.constant 0 : i32
      %dma_wait3A_271 = tpu.memref_slice %arg10[%add3A_30, %dma_wait3A_270] : memref<10240x128xf32, #tpu.memory_space<vmem_shared>> -> memref<64x128xf32, #tpu.memory_space<vmem_shared>>
      %dma_wait3A_272 = arith.constant 0 : i32
      %dma_wait3A_273 = tpu.memref_slice %arg10[%add3A_30, %dma_wait3A_272] : memref<10240x128xf32, #tpu.memory_space<vmem_shared>> -> memref<64x128xf32, #tpu.memory_space<vmem_shared>>
      %dma_wait3A_274 = arith.constant 0 : i32
      %dma_wait3A_275 = arith.constant 0 : i32
      %dma_wait3A_276 = tpu.memref_slice %arg9[%run_scoped3A_31, %dma_wait3A_274, %dma_wait3A_275] : memref<4x64x128xf32, #tpu.memory_space<vmem>> -> memref<1x64x128xf32, #tpu.memory_space<vmem>>
      %dma_wait3A_277 = tpu.memref_squeeze %dma_wait3A_276 : memref<1x64x128xf32, #tpu.memory_space<vmem>> -> memref<64x128xf32, #tpu.memory_space<vmem>>
      tpu.wait_dma2 semaphore(%run_scoped3A_253 : memref<!tpu.dma_semaphore, #tpu.memory_space<semaphore_mem>>) src(%dma_wait3A_277 : memref<64x128xf32, #tpu.memory_space<vmem>>) dst(%dma_wait3A_273 : memref<64x128xf32, #tpu.memory_space<vmem_shared>>)
      tpu.yield
    }) : () -> ()
    %mul3A_32 = arith.constant 640 : i32
    %mul3A_33 = arith.muli %arg1, %mul3A_32 : i32
    %add3A_34 = arith.constant 320 : i32
    %add3A_35 = arith.addi %mul3A_33, %add3A_34 : i32
    %run_scoped3A_36 = arith.constant 0 : i32
    "tpu.region"() ({
      %run_scoped3A_253 = tpu.sem_alloc : memref<!tpu.dma_semaphore, #tpu.memory_space<semaphore_mem>>
      %dma_start3A_254 = arith.constant 0 : i32
      %dma_start3A_255 = arith.constant 0 : i32
      %dma_start3A_256 = tpu.memref_slice %arg9[%run_scoped3A_36, %dma_start3A_254, %dma_start3A_255] : memref<4x64x128xf32, #tpu.memory_space<vmem>> -> memref<1x64x128xf32, #tpu.memory_space<vmem>>
      %dma_start3A_257 = tpu.memref_squeeze %dma_start3A_256 : memref<1x64x128xf32, #tpu.memory_space<vmem>> -> memref<64x128xf32, #tpu.memory_space<vmem>>
      %dma_start3A_258 = arith.constant 0 : i32
      %dma_start3A_259 = tpu.memref_slice %arg10[%add3A_35, %dma_start3A_258] : memref<10240x128xf32, #tpu.memory_space<vmem_shared>> -> memref<64x128xf32, #tpu.memory_space<vmem_shared>>
      %dma_start3A_260 = arith.constant 0 : i32
      %dma_start3A_261 = tpu.memref_slice %arg10[%add3A_35, %dma_start3A_260] : memref<10240x128xf32, #tpu.memory_space<vmem_shared>> -> memref<64x128xf32, #tpu.memory_space<vmem_shared>>
      %dma_start3A_262 = arith.constant 0 : i32
      %dma_start3A_263 = arith.constant 0 : i32
      %dma_start3A_264 = tpu.memref_slice %arg9[%run_scoped3A_36, %dma_start3A_262, %dma_start3A_263] : memref<4x64x128xf32, #tpu.memory_space<vmem>> -> memref<1x64x128xf32, #tpu.memory_space<vmem>>
      %dma_start3A_265 = tpu.memref_squeeze %dma_start3A_264 : memref<1x64x128xf32, #tpu.memory_space<vmem>> -> memref<64x128xf32, #tpu.memory_space<vmem>>
      tpu.enqueue_dma source(%dma_start3A_265 : memref<64x128xf32, #tpu.memory_space<vmem>>) target(%dma_start3A_261 : memref<64x128xf32, #tpu.memory_space<vmem_shared>>) target_semaphore(%run_scoped3A_253 : memref<!tpu.dma_semaphore, #tpu.memory_space<semaphore_mem>>)
      %dma_wait3A_266 = arith.constant 0 : i32
      %dma_wait3A_267 = arith.constant 0 : i32
      %dma_wait3A_268 = tpu.memref_slice %arg9[%run_scoped3A_36, %dma_wait3A_266, %dma_wait3A_267] : memref<4x64x128xf32, #tpu.memory_space<vmem>> -> memref<1x64x128xf32, #tpu.memory_space<vmem>>
      %dma_wait3A_269 = tpu.memref_squeeze %dma_wait3A_268 : memref<1x64x128xf32, #tpu.memory_space<vmem>> -> memref<64x128xf32, #tpu.memory_space<vmem>>
      %dma_wait3A_270 = arith.constant 0 : i32
      %dma_wait3A_271 = tpu.memref_slice %arg10[%add3A_35, %dma_wait3A_270] : memref<10240x128xf32, #tpu.memory_space<vmem_shared>> -> memref<64x128xf32, #tpu.memory_space<vmem_shared>>
      %dma_wait3A_272 = arith.constant 0 : i32
      %dma_wait3A_273 = tpu.memref_slice %arg10[%add3A_35, %dma_wait3A_272] : memref<10240x128xf32, #tpu.memory_space<vmem_shared>> -> memref<64x128xf32, #tpu.memory_space<vmem_shared>>
      %dma_wait3A_274 = arith.constant 0 : i32
      %dma_wait3A_275 = arith.constant 0 : i32
      %dma_wait3A_276 = tpu.memref_slice %arg9[%run_scoped3A_36, %dma_wait3A_274, %dma_wait3A_275] : memref<4x64x128xf32, #tpu.memory_space<vmem>> -> memref<1x64x128xf32, #tpu.memory_space<vmem>>
      %dma_wait3A_277 = tpu.memref_squeeze %dma_wait3A_276 : memref<1x64x128xf32, #tpu.memory_space<vmem>> -> memref<64x128xf32, #tpu.memory_space<vmem>>
      tpu.wait_dma2 semaphore(%run_scoped3A_253 : memref<!tpu.dma_semaphore, #tpu.memory_space<semaphore_mem>>) src(%dma_wait3A_277 : memref<64x128xf32, #tpu.memory_space<vmem>>) dst(%dma_wait3A_273 : memref<64x128xf32, #tpu.memory_space<vmem_shared>>)
      tpu.yield
    }) : () -> ()
    %mul3A_37 = arith.constant 640 : i32
    %mul3A_38 = arith.muli %arg1, %mul3A_37 : i32
    %add3A_39 = arith.constant 384 : i32
    %add3A_40 = arith.addi %mul3A_38, %add3A_39 : i32
    %run_scoped3A_41 = arith.constant 0 : i32
    "tpu.region"() ({
      %run_scoped3A_253 = tpu.sem_alloc : memref<!tpu.dma_semaphore, #tpu.memory_space<semaphore_mem>>
      %dma_start3A_254 = arith.constant 0 : i32
      %dma_start3A_255 = arith.constant 0 : i32
      %dma_start3A_256 = tpu.memref_slice %arg9[%run_scoped3A_41, %dma_start3A_254, %dma_start3A_255] : memref<4x64x128xf32, #tpu.memory_space<vmem>> -> memref<1x64x128xf32, #tpu.memory_space<vmem>>
      %dma_start3A_257 = tpu.memref_squeeze %dma_start3A_256 : memref<1x64x128xf32, #tpu.memory_space<vmem>> -> memref<64x128xf32, #tpu.memory_space<vmem>>
      %dma_start3A_258 = arith.constant 0 : i32
      %dma_start3A_259 = tpu.memref_slice %arg10[%add3A_40, %dma_start3A_258] : memref<10240x128xf32, #tpu.memory_space<vmem_shared>> -> memref<64x128xf32, #tpu.memory_space<vmem_shared>>
      %dma_start3A_260 = arith.constant 0 : i32
      %dma_start3A_261 = tpu.memref_slice %arg10[%add3A_40, %dma_start3A_260] : memref<10240x128xf32, #tpu.memory_space<vmem_shared>> -> memref<64x128xf32, #tpu.memory_space<vmem_shared>>
      %dma_start3A_262 = arith.constant 0 : i32
      %dma_start3A_263 = arith.constant 0 : i32
      %dma_start3A_264 = tpu.memref_slice %arg9[%run_scoped3A_41, %dma_start3A_262, %dma_start3A_263] : memref<4x64x128xf32, #tpu.memory_space<vmem>> -> memref<1x64x128xf32, #tpu.memory_space<vmem>>
      %dma_start3A_265 = tpu.memref_squeeze %dma_start3A_264 : memref<1x64x128xf32, #tpu.memory_space<vmem>> -> memref<64x128xf32, #tpu.memory_space<vmem>>
      tpu.enqueue_dma source(%dma_start3A_265 : memref<64x128xf32, #tpu.memory_space<vmem>>) target(%dma_start3A_261 : memref<64x128xf32, #tpu.memory_space<vmem_shared>>) target_semaphore(%run_scoped3A_253 : memref<!tpu.dma_semaphore, #tpu.memory_space<semaphore_mem>>)
      %dma_wait3A_266 = arith.constant 0 : i32
      %dma_wait3A_267 = arith.constant 0 : i32
      %dma_wait3A_268 = tpu.memref_slice %arg9[%run_scoped3A_41, %dma_wait3A_266, %dma_wait3A_267] : memref<4x64x128xf32, #tpu.memory_space<vmem>> -> memref<1x64x128xf32, #tpu.memory_space<vmem>>
      %dma_wait3A_269 = tpu.memref_squeeze %dma_wait3A_268 : memref<1x64x128xf32, #tpu.memory_space<vmem>> -> memref<64x128xf32, #tpu.memory_space<vmem>>
      %dma_wait3A_270 = arith.constant 0 : i32
      %dma_wait3A_271 = tpu.memref_slice %arg10[%add3A_40, %dma_wait3A_270] : memref<10240x128xf32, #tpu.memory_space<vmem_shared>> -> memref<64x128xf32, #tpu.memory_space<vmem_shared>>
      %dma_wait3A_272 = arith.constant 0 : i32
      %dma_wait3A_273 = tpu.memref_slice %arg10[%add3A_40, %dma_wait3A_272] : memref<10240x128xf32, #tpu.memory_space<vmem_shared>> -> memref<64x128xf32, #tpu.memory_space<vmem_shared>>
      %dma_wait3A_274 = arith.constant 0 : i32
      %dma_wait3A_275 = arith.constant 0 : i32
      %dma_wait3A_276 = tpu.memref_slice %arg9[%run_scoped3A_41, %dma_wait3A_274, %dma_wait3A_275] : memref<4x64x128xf32, #tpu.memory_space<vmem>> -> memref<1x64x128xf32, #tpu.memory_space<vmem>>
      %dma_wait3A_277 = tpu.memref_squeeze %dma_wait3A_276 : memref<1x64x128xf32, #tpu.memory_space<vmem>> -> memref<64x128xf32, #tpu.memory_space<vmem>>
      tpu.wait_dma2 semaphore(%run_scoped3A_253 : memref<!tpu.dma_semaphore, #tpu.memory_space<semaphore_mem>>) src(%dma_wait3A_277 : memref<64x128xf32, #tpu.memory_space<vmem>>) dst(%dma_wait3A_273 : memref<64x128xf32, #tpu.memory_space<vmem_shared>>)
      tpu.yield
    }) : () -> ()
    %mul3A_42 = arith.constant 640 : i32
    %mul3A_43 = arith.muli %arg1, %mul3A_42 : i32
    %add3A_44 = arith.constant 448 : i32
    %add3A_45 = arith.addi %mul3A_43, %add3A_44 : i32
    %run_scoped3A_46 = arith.constant 0 : i32
    "tpu.region"() ({
      %run_scoped3A_253 = tpu.sem_alloc : memref<!tpu.dma_semaphore, #tpu.memory_space<semaphore_mem>>
      %dma_start3A_254 = arith.constant 0 : i32
      %dma_start3A_255 = arith.constant 0 : i32
      %dma_start3A_256 = tpu.memref_slice %arg9[%run_scoped3A_46, %dma_start3A_254, %dma_start3A_255] : memref<4x64x128xf32, #tpu.memory_space<vmem>> -> memref<1x64x128xf32, #tpu.memory_space<vmem>>
      %dma_start3A_257 = tpu.memref_squeeze %dma_start3A_256 : memref<1x64x128xf32, #tpu.memory_space<vmem>> -> memref<64x128xf32, #tpu.memory_space<vmem>>
      %dma_start3A_258 = arith.constant 0 : i32
      %dma_start3A_259 = tpu.memref_slice %arg10[%add3A_45, %dma_start3A_258] : memref<10240x128xf32, #tpu.memory_space<vmem_shared>> -> memref<64x128xf32, #tpu.memory_space<vmem_shared>>
      %dma_start3A_260 = arith.constant 0 : i32
      %dma_start3A_261 = tpu.memref_slice %arg10[%add3A_45, %dma_start3A_260] : memref<10240x128xf32, #tpu.memory_space<vmem_shared>> -> memref<64x128xf32, #tpu.memory_space<vmem_shared>>
      %dma_start3A_262 = arith.constant 0 : i32
      %dma_start3A_263 = arith.constant 0 : i32
      %dma_start3A_264 = tpu.memref_slice %arg9[%run_scoped3A_46, %dma_start3A_262, %dma_start3A_263] : memref<4x64x128xf32, #tpu.memory_space<vmem>> -> memref<1x64x128xf32, #tpu.memory_space<vmem>>
      %dma_start3A_265 = tpu.memref_squeeze %dma_start3A_264 : memref<1x64x128xf32, #tpu.memory_space<vmem>> -> memref<64x128xf32, #tpu.memory_space<vmem>>
      tpu.enqueue_dma source(%dma_start3A_265 : memref<64x128xf32, #tpu.memory_space<vmem>>) target(%dma_start3A_261 : memref<64x128xf32, #tpu.memory_space<vmem_shared>>) target_semaphore(%run_scoped3A_253 : memref<!tpu.dma_semaphore, #tpu.memory_space<semaphore_mem>>)
      %dma_wait3A_266 = arith.constant 0 : i32
      %dma_wait3A_267 = arith.constant 0 : i32
      %dma_wait3A_268 = tpu.memref_slice %arg9[%run_scoped3A_46, %dma_wait3A_266, %dma_wait3A_267] : memref<4x64x128xf32, #tpu.memory_space<vmem>> -> memref<1x64x128xf32, #tpu.memory_space<vmem>>
      %dma_wait3A_269 = tpu.memref_squeeze %dma_wait3A_268 : memref<1x64x128xf32, #tpu.memory_space<vmem>> -> memref<64x128xf32, #tpu.memory_space<vmem>>
      %dma_wait3A_270 = arith.constant 0 : i32
      %dma_wait3A_271 = tpu.memref_slice %arg10[%add3A_45, %dma_wait3A_270] : memref<10240x128xf32, #tpu.memory_space<vmem_shared>> -> memref<64x128xf32, #tpu.memory_space<vmem_shared>>
      %dma_wait3A_272 = arith.constant 0 : i32
      %dma_wait3A_273 = tpu.memref_slice %arg10[%add3A_45, %dma_wait3A_272] : memref<10240x128xf32, #tpu.memory_space<vmem_shared>> -> memref<64x128xf32, #tpu.memory_space<vmem_shared>>
      %dma_wait3A_274 = arith.constant 0 : i32
      %dma_wait3A_275 = arith.constant 0 : i32
      %dma_wait3A_276 = tpu.memref_slice %arg9[%run_scoped3A_46, %dma_wait3A_274, %dma_wait3A_275] : memref<4x64x128xf32, #tpu.memory_space<vmem>> -> memref<1x64x128xf32, #tpu.memory_space<vmem>>
      %dma_wait3A_277 = tpu.memref_squeeze %dma_wait3A_276 : memref<1x64x128xf32, #tpu.memory_space<vmem>> -> memref<64x128xf32, #tpu.memory_space<vmem>>
      tpu.wait_dma2 semaphore(%run_scoped3A_253 : memref<!tpu.dma_semaphore, #tpu.memory_space<semaphore_mem>>) src(%dma_wait3A_277 : memref<64x128xf32, #tpu.memory_space<vmem>>) dst(%dma_wait3A_273 : memref<64x128xf32, #tpu.memory_space<vmem_shared>>)
      tpu.yield
    }) : () -> ()
    %mul3A_47 = arith.constant 640 : i32
    %mul3A_48 = arith.muli %arg1, %mul3A_47 : i32
    %add3A_49 = arith.constant 512 : i32
    %add3A_50 = arith.addi %mul3A_48, %add3A_49 : i32
    %run_scoped3A_51 = arith.constant 0 : i32
    "tpu.region"() ({
      %run_scoped3A_253 = tpu.sem_alloc : memref<!tpu.dma_semaphore, #tpu.memory_space<semaphore_mem>>
      %dma_start3A_254 = arith.constant 0 : i32
      %dma_start3A_255 = arith.constant 0 : i32
      %dma_start3A_256 = tpu.memref_slice %arg9[%run_scoped3A_51, %dma_start3A_254, %dma_start3A_255] : memref<4x64x128xf32, #tpu.memory_space<vmem>> -> memref<1x64x128xf32, #tpu.memory_space<vmem>>
      %dma_start3A_257 = tpu.memref_squeeze %dma_start3A_256 : memref<1x64x128xf32, #tpu.memory_space<vmem>> -> memref<64x128xf32, #tpu.memory_space<vmem>>
      %dma_start3A_258 = arith.constant 0 : i32
      %dma_start3A_259 = tpu.memref_slice %arg10[%add3A_50, %dma_start3A_258] : memref<10240x128xf32, #tpu.memory_space<vmem_shared>> -> memref<64x128xf32, #tpu.memory_space<vmem_shared>>
      %dma_start3A_260 = arith.constant 0 : i32
      %dma_start3A_261 = tpu.memref_slice %arg10[%add3A_50, %dma_start3A_260] : memref<10240x128xf32, #tpu.memory_space<vmem_shared>> -> memref<64x128xf32, #tpu.memory_space<vmem_shared>>
      %dma_start3A_262 = arith.constant 0 : i32
      %dma_start3A_263 = arith.constant 0 : i32
      %dma_start3A_264 = tpu.memref_slice %arg9[%run_scoped3A_51, %dma_start3A_262, %dma_start3A_263] : memref<4x64x128xf32, #tpu.memory_space<vmem>> -> memref<1x64x128xf32, #tpu.memory_space<vmem>>
      %dma_start3A_265 = tpu.memref_squeeze %dma_start3A_264 : memref<1x64x128xf32, #tpu.memory_space<vmem>> -> memref<64x128xf32, #tpu.memory_space<vmem>>
      tpu.enqueue_dma source(%dma_start3A_265 : memref<64x128xf32, #tpu.memory_space<vmem>>) target(%dma_start3A_261 : memref<64x128xf32, #tpu.memory_space<vmem_shared>>) target_semaphore(%run_scoped3A_253 : memref<!tpu.dma_semaphore, #tpu.memory_space<semaphore_mem>>)
      %dma_wait3A_266 = arith.constant 0 : i32
      %dma_wait3A_267 = arith.constant 0 : i32
      %dma_wait3A_268 = tpu.memref_slice %arg9[%run_scoped3A_51, %dma_wait3A_266, %dma_wait3A_267] : memref<4x64x128xf32, #tpu.memory_space<vmem>> -> memref<1x64x128xf32, #tpu.memory_space<vmem>>
      %dma_wait3A_269 = tpu.memref_squeeze %dma_wait3A_268 : memref<1x64x128xf32, #tpu.memory_space<vmem>> -> memref<64x128xf32, #tpu.memory_space<vmem>>
      %dma_wait3A_270 = arith.constant 0 : i32
      %dma_wait3A_271 = tpu.memref_slice %arg10[%add3A_50, %dma_wait3A_270] : memref<10240x128xf32, #tpu.memory_space<vmem_shared>> -> memref<64x128xf32, #tpu.memory_space<vmem_shared>>
      %dma_wait3A_272 = arith.constant 0 : i32
      %dma_wait3A_273 = tpu.memref_slice %arg10[%add3A_50, %dma_wait3A_272] : memref<10240x128xf32, #tpu.memory_space<vmem_shared>> -> memref<64x128xf32, #tpu.memory_space<vmem_shared>>
      %dma_wait3A_274 = arith.constant 0 : i32
      %dma_wait3A_275 = arith.constant 0 : i32
      %dma_wait3A_276 = tpu.memref_slice %arg9[%run_scoped3A_51, %dma_wait3A_274, %dma_wait3A_275] : memref<4x64x128xf32, #tpu.memory_space<vmem>> -> memref<1x64x128xf32, #tpu.memory_space<vmem>>
      %dma_wait3A_277 = tpu.memref_squeeze %dma_wait3A_276 : memref<1x64x128xf32, #tpu.memory_space<vmem>> -> memref<64x128xf32, #tpu.memory_space<vmem>>
      tpu.wait_dma2 semaphore(%run_scoped3A_253 : memref<!tpu.dma_semaphore, #tpu.memory_space<semaphore_mem>>) src(%dma_wait3A_277 : memref<64x128xf32, #tpu.memory_space<vmem>>) dst(%dma_wait3A_273 : memref<64x128xf32, #tpu.memory_space<vmem_shared>>)
      tpu.yield
    }) : () -> ()
    %mul3A_52 = arith.constant 640 : i32
    %mul3A_53 = arith.muli %arg1, %mul3A_52 : i32
    %add3A_54 = arith.constant 576 : i32
    %add3A_55 = arith.addi %mul3A_53, %add3A_54 : i32
    %run_scoped3A_56 = arith.constant 0 : i32
    "tpu.region"() ({
      %run_scoped3A_253 = tpu.sem_alloc : memref<!tpu.dma_semaphore, #tpu.memory_space<semaphore_mem>>
      %dma_start3A_254 = arith.constant 0 : i32
      %dma_start3A_255 = arith.constant 0 : i32
      %dma_start3A_256 = tpu.memref_slice %arg9[%run_scoped3A_56, %dma_start3A_254, %dma_start3A_255] : memref<4x64x128xf32, #tpu.memory_space<vmem>> -> memref<1x64x128xf32, #tpu.memory_space<vmem>>
      %dma_start3A_257 = tpu.memref_squeeze %dma_start3A_256 : memref<1x64x128xf32, #tpu.memory_space<vmem>> -> memref<64x128xf32, #tpu.memory_space<vmem>>
      %dma_start3A_258 = arith.constant 0 : i32
      %dma_start3A_259 = tpu.memref_slice %arg10[%add3A_55, %dma_start3A_258] : memref<10240x128xf32, #tpu.memory_space<vmem_shared>> -> memref<64x128xf32, #tpu.memory_space<vmem_shared>>
      %dma_start3A_260 = arith.constant 0 : i32
      %dma_start3A_261 = tpu.memref_slice %arg10[%add3A_55, %dma_start3A_260] : memref<10240x128xf32, #tpu.memory_space<vmem_shared>> -> memref<64x128xf32, #tpu.memory_space<vmem_shared>>
      %dma_start3A_262 = arith.constant 0 : i32
      %dma_start3A_263 = arith.constant 0 : i32
      %dma_start3A_264 = tpu.memref_slice %arg9[%run_scoped3A_56, %dma_start3A_262, %dma_start3A_263] : memref<4x64x128xf32, #tpu.memory_space<vmem>> -> memref<1x64x128xf32, #tpu.memory_space<vmem>>
      %dma_start3A_265 = tpu.memref_squeeze %dma_start3A_264 : memref<1x64x128xf32, #tpu.memory_space<vmem>> -> memref<64x128xf32, #tpu.memory_space<vmem>>
      tpu.enqueue_dma source(%dma_start3A_265 : memref<64x128xf32, #tpu.memory_space<vmem>>) target(%dma_start3A_261 : memref<64x128xf32, #tpu.memory_space<vmem_shared>>) target_semaphore(%run_scoped3A_253 : memref<!tpu.dma_semaphore, #tpu.memory_space<semaphore_mem>>)
      %dma_wait3A_266 = arith.constant 0 : i32
      %dma_wait3A_267 = arith.constant 0 : i32
      %dma_wait3A_268 = tpu.memref_slice %arg9[%run_scoped3A_56, %dma_wait3A_266, %dma_wait3A_267] : memref<4x64x128xf32, #tpu.memory_space<vmem>> -> memref<1x64x128xf32, #tpu.memory_space<vmem>>
      %dma_wait3A_269 = tpu.memref_squeeze %dma_wait3A_268 : memref<1x64x128xf32, #tpu.memory_space<vmem>> -> memref<64x128xf32, #tpu.memory_space<vmem>>
      %dma_wait3A_270 = arith.constant 0 : i32
      %dma_wait3A_271 = tpu.memref_slice %arg10[%add3A_55, %dma_wait3A_270] : memref<10240x128xf32, #tpu.memory_space<vmem_shared>> -> memref<64x128xf32, #tpu.memory_space<vmem_shared>>
      %dma_wait3A_272 = arith.constant 0 : i32
      %dma_wait3A_273 = tpu.memref_slice %arg10[%add3A_55, %dma_wait3A_272] : memref<10240x128xf32, #tpu.memory_space<vmem_shared>> -> memref<64x128xf32, #tpu.memory_space<vmem_shared>>
      %dma_wait3A_274 = arith.constant 0 : i32
      %dma_wait3A_275 = arith.constant 0 : i32
      %dma_wait3A_276 = tpu.memref_slice %arg9[%run_scoped3A_56, %dma_wait3A_274, %dma_wait3A_275] : memref<4x64x128xf32, #tpu.memory_space<vmem>> -> memref<1x64x128xf32, #tpu.memory_space<vmem>>
      %dma_wait3A_277 = tpu.memref_squeeze %dma_wait3A_276 : memref<1x64x128xf32, #tpu.memory_space<vmem>> -> memref<64x128xf32, #tpu.memory_space<vmem>>
      tpu.wait_dma2 semaphore(%run_scoped3A_253 : memref<!tpu.dma_semaphore, #tpu.memory_space<semaphore_mem>>) src(%dma_wait3A_277 : memref<64x128xf32, #tpu.memory_space<vmem>>) dst(%dma_wait3A_273 : memref<64x128xf32, #tpu.memory_space<vmem_shared>>)
      tpu.yield
    }) : () -> ()
    %broadcast_in_dim3A_57 = arith.constant 0.000000e+00 : f32
    %broadcast_in_dim3A_58 = vector.broadcast %broadcast_in_dim3A_57 : f32 to vector<16xf32>
    %scan3A_59 = arith.constant 0 : i32
    %scan3A_60 = arith.constant 0 : i32
    %scan3A_61 = arith.constant 64 : i32
    %scan3A_62 = arith.addi %scan3A_60, %scan3A_61 : i32
    %scan3A_63 = arith.constant 1 : i32
    scf.for %scan3A_253 = %scan3A_60 to %scan3A_62 step %scan3A_63  : i32 {
      %jit3A = arith.constant 1 : i32
      %div3A = arith.divsi %scan3A_253, %jit3A : i32
      %sign3A = arith.constant 0 : i32
      %sign3A_254 = arith.cmpi sgt, %scan3A_253, %sign3A : i32
      %sign3A_255 = arith.extui %sign3A_254 : i1 to i32
      %sign3A_256 = arith.constant 0 : i32
      %sign3A_257 = arith.cmpi slt, %scan3A_253, %sign3A_256 : i32
      %sign3A_258 = arith.extui %sign3A_257 : i1 to i32
      %sign3A_259 = arith.subi %sign3A_255, %sign3A_258 : i32
      %sign3A_260 = arith.constant 0 : i32
      %sign3A_261 = arith.cmpi sgt, %jit3A, %sign3A_260 : i32
      %sign3A_262 = arith.extui %sign3A_261 : i1 to i32
      %sign3A_263 = arith.constant 0 : i32
      %sign3A_264 = arith.cmpi slt, %jit3A, %sign3A_263 : i32
      %sign3A_265 = arith.extui %sign3A_264 : i1 to i32
      %sign3A_266 = arith.subi %sign3A_262, %sign3A_265 : i32
      %ne3A = arith.cmpi ne, %sign3A_259, %sign3A_266 : i32
      %rem3A = arith.remsi %scan3A_253, %jit3A : i32
      %ne3A_267 = arith.constant 0 : i32
      %ne3A_268 = arith.cmpi ne, %rem3A, %ne3A_267 : i32
      %and3A = arith.andi %ne3A, %ne3A_268 : i1
      %sub3A = arith.constant 1 : i32
      %sub3A_269 = arith.subi %div3A, %sub3A : i32
      %select_n3A = arith.select %and3A, %sub3A_269, %div3A : i32
      %jit3A_270 = arith.constant 1 : i32
      %eq3A = arith.constant 0 : i32
      %eq3A_271 = arith.cmpi eq, %jit3A_270, %eq3A : i32
      %jit3A_272 = arith.constant 1 : i32
      %select_n3A_273 = arith.select %eq3A_271, %jit3A_272, %jit3A_270 : i32
      %rem3A_274 = arith.remsi %scan3A_253, %select_n3A_273 : i32
      %ne3A_275 = arith.constant 0 : i32
      %ne3A_276 = arith.cmpi ne, %rem3A_274, %ne3A_275 : i32
      %lt3A = arith.constant 0 : i32
      %lt3A_277 = arith.cmpi slt, %rem3A_274, %lt3A : i32
      %lt3A_278 = arith.constant 0 : i32
      %lt3A_279 = arith.cmpi slt, %select_n3A_273, %lt3A_278 : i32
      %ne3A_280 = arith.xori %lt3A_277, %lt3A_279 : i1
      %and3A_281 = arith.andi %ne3A_280, %ne3A_276 : i1
      %add3A_282 = arith.addi %rem3A_274, %select_n3A_273 : i32
      %select_n3A_283 = arith.select %and3A_281, %add3A_282, %rem3A_274 : i32
      %mul3A_284 = arith.constant 16 : i32
      %mul3A_285 = arith.muli %select_n3A_283, %mul3A_284 : i32
      %swap3A = arith.index_cast %select_n3A : i32 to index
      %swap3A_286 = arith.index_cast %mul3A_285 : i32 to index
      %swap3A_287 = tpu.vector_load %arg20[%swap3A, %swap3A_286] {strides = array<i32>} : memref<64x16xf32, #tpu.memory_space<vmem>>, vector<1x16xf32>,
      %swap3A_288 = vector.shape_cast %swap3A_287 : vector<1x16xf32> to vector<16xf32>
      %swap3A_289 = vector.shape_cast %broadcast_in_dim3A_58 : vector<16xf32> to vector<1x16xf32>
      tpu.vector_store %arg20[%swap3A, %swap3A_286], %swap3A_289 {strides = array<i32>} : memref<64x16xf32, #tpu.memory_space<vmem>>, vector<1x16xf32>,
    }
    %scan3A_64 = arith.constant 64 : i32
    %mul3A_65 = arith.constant 640 : i32
    %mul3A_66 = arith.muli %arg1, %mul3A_65 : i32
    %add3A_67 = arith.constant 0 : i32
    %add3A_68 = arith.addi %mul3A_66, %add3A_67 : i32
    "tpu.region"() ({
      %run_scoped3A_253 = tpu.sem_alloc : memref<!tpu.dma_semaphore, #tpu.memory_space<semaphore_mem>>
      %dma_start3A_254 = arith.constant 0 : i32
      %dma_start3A_255 = tpu.memref_slice %arg21[%add3A_68, %dma_start3A_254] : memref<10240x16xf32, #tpu.memory_space<vmem_shared>> -> memref<64x16xf32, #tpu.memory_space<vmem_shared>>
      %dma_start3A_256 = arith.constant 0 : i32
      %dma_start3A_257 = tpu.memref_slice %arg21[%add3A_68, %dma_start3A_256] : memref<10240x16xf32, #tpu.memory_space<vmem_shared>> -> memref<64x16xf32, #tpu.memory_space<vmem_shared>>
      tpu.enqueue_dma source(%arg20 : memref<64x16xf32, #tpu.memory_space<vmem>>) target(%dma_start3A_257 : memref<64x16xf32, #tpu.memory_space<vmem_shared>>) target_semaphore(%run_scoped3A_253 : memref<!tpu.dma_semaphore, #tpu.memory_space<semaphore_mem>>)
      %dma_wait3A_258 = arith.constant 0 : i32
      %dma_wait3A_259 = tpu.memref_slice %arg21[%add3A_68, %dma_wait3A_258] : memref<10240x16xf32, #tpu.memory_space<vmem_shared>> -> memref<64x16xf32, #tpu.memory_space<vmem_shared>>
      %dma_wait3A_260 = arith.constant 0 : i32
      %dma_wait3A_261 = tpu.memref_slice %arg21[%add3A_68, %dma_wait3A_260] : memref<10240x16xf32, #tpu.memory_space<vmem_shared>> -> memref<64x16xf32, #tpu.memory_space<vmem_shared>>
      tpu.wait_dma2 semaphore(%run_scoped3A_253 : memref<!tpu.dma_semaphore, #tpu.memory_space<semaphore_mem>>) src(%arg20 : memref<64x16xf32, #tpu.memory_space<vmem>>) dst(%dma_wait3A_261 : memref<64x16xf32, #tpu.memory_space<vmem_shared>>)
      tpu.yield
    }) : () -> ()
    %mul3A_69 = arith.constant 640 : i32
    %mul3A_70 = arith.muli %arg1, %mul3A_69 : i32
    %add3A_71 = arith.constant 64 : i32
    %add3A_72 = arith.addi %mul3A_70, %add3A_71 : i32
    "tpu.region"() ({
      %run_scoped3A_253 = tpu.sem_alloc : memref<!tpu.dma_semaphore, #tpu.memory_space<semaphore_mem>>
      %dma_start3A_254 = arith.constant 0 : i32
      %dma_start3A_255 = tpu.memref_slice %arg21[%add3A_72, %dma_start3A_254] : memref<10240x16xf32, #tpu.memory_space<vmem_shared>> -> memref<64x16xf32, #tpu.memory_space<vmem_shared>>
      %dma_start3A_256 = arith.constant 0 : i32
      %dma_start3A_257 = tpu.memref_slice %arg21[%add3A_72, %dma_start3A_256] : memref<10240x16xf32, #tpu.memory_space<vmem_shared>> -> memref<64x16xf32, #tpu.memory_space<vmem_shared>>
      tpu.enqueue_dma source(%arg20 : memref<64x16xf32, #tpu.memory_space<vmem>>) target(%dma_start3A_257 : memref<64x16xf32, #tpu.memory_space<vmem_shared>>) target_semaphore(%run_scoped3A_253 : memref<!tpu.dma_semaphore, #tpu.memory_space<semaphore_mem>>)
      %dma_wait3A_258 = arith.constant 0 : i32
      %dma_wait3A_259 = tpu.memref_slice %arg21[%add3A_72, %dma_wait3A_258] : memref<10240x16xf32, #tpu.memory_space<vmem_shared>> -> memref<64x16xf32, #tpu.memory_space<vmem_shared>>
      %dma_wait3A_260 = arith.constant 0 : i32
      %dma_wait3A_261 = tpu.memref_slice %arg21[%add3A_72, %dma_wait3A_260] : memref<10240x16xf32, #tpu.memory_space<vmem_shared>> -> memref<64x16xf32, #tpu.memory_space<vmem_shared>>
      tpu.wait_dma2 semaphore(%run_scoped3A_253 : memref<!tpu.dma_semaphore, #tpu.memory_space<semaphore_mem>>) src(%arg20 : memref<64x16xf32, #tpu.memory_space<vmem>>) dst(%dma_wait3A_261 : memref<64x16xf32, #tpu.memory_space<vmem_shared>>)
      tpu.yield
    }) : () -> ()
    %mul3A_73 = arith.constant 640 : i32
    %mul3A_74 = arith.muli %arg1, %mul3A_73 : i32
    %add3A_75 = arith.constant 128 : i32
    %add3A_76 = arith.addi %mul3A_74, %add3A_75 : i32
    "tpu.region"() ({
      %run_scoped3A_253 = tpu.sem_alloc : memref<!tpu.dma_semaphore, #tpu.memory_space<semaphore_mem>>
      %dma_start3A_254 = arith.constant 0 : i32
      %dma_start3A_255 = tpu.memref_slice %arg21[%add3A_76, %dma_start3A_254] : memref<10240x16xf32, #tpu.memory_space<vmem_shared>> -> memref<64x16xf32, #tpu.memory_space<vmem_shared>>
      %dma_start3A_256 = arith.constant 0 : i32
      %dma_start3A_257 = tpu.memref_slice %arg21[%add3A_76, %dma_start3A_256] : memref<10240x16xf32, #tpu.memory_space<vmem_shared>> -> memref<64x16xf32, #tpu.memory_space<vmem_shared>>
      tpu.enqueue_dma source(%arg20 : memref<64x16xf32, #tpu.memory_space<vmem>>) target(%dma_start3A_257 : memref<64x16xf32, #tpu.memory_space<vmem_shared>>) target_semaphore(%run_scoped3A_253 : memref<!tpu.dma_semaphore, #tpu.memory_space<semaphore_mem>>)
      %dma_wait3A_258 = arith.constant 0 : i32
      %dma_wait3A_259 = tpu.memref_slice %arg21[%add3A_76, %dma_wait3A_258] : memref<10240x16xf32, #tpu.memory_space<vmem_shared>> -> memref<64x16xf32, #tpu.memory_space<vmem_shared>>
      %dma_wait3A_260 = arith.constant 0 : i32
      %dma_wait3A_261 = tpu.memref_slice %arg21[%add3A_76, %dma_wait3A_260] : memref<10240x16xf32, #tpu.memory_space<vmem_shared>> -> memref<64x16xf32, #tpu.memory_space<vmem_shared>>
      tpu.wait_dma2 semaphore(%run_scoped3A_253 : memref<!tpu.dma_semaphore, #tpu.memory_space<semaphore_mem>>) src(%arg20 : memref<64x16xf32, #tpu.memory_space<vmem>>) dst(%dma_wait3A_261 : memref<64x16xf32, #tpu.memory_space<vmem_shared>>)
      tpu.yield
    }) : () -> ()
    %mul3A_77 = arith.constant 640 : i32
    %mul3A_78 = arith.muli %arg1, %mul3A_77 : i32
    %add3A_79 = arith.constant 192 : i32
    %add3A_80 = arith.addi %mul3A_78, %add3A_79 : i32
    "tpu.region"() ({
      %run_scoped3A_253 = tpu.sem_alloc : memref<!tpu.dma_semaphore, #tpu.memory_space<semaphore_mem>>
      %dma_start3A_254 = arith.constant 0 : i32
      %dma_start3A_255 = tpu.memref_slice %arg21[%add3A_80, %dma_start3A_254] : memref<10240x16xf32, #tpu.memory_space<vmem_shared>> -> memref<64x16xf32, #tpu.memory_space<vmem_shared>>
      %dma_start3A_256 = arith.constant 0 : i32
      %dma_start3A_257 = tpu.memref_slice %arg21[%add3A_80, %dma_start3A_256] : memref<10240x16xf32, #tpu.memory_space<vmem_shared>> -> memref<64x16xf32, #tpu.memory_space<vmem_shared>>
      tpu.enqueue_dma source(%arg20 : memref<64x16xf32, #tpu.memory_space<vmem>>) target(%dma_start3A_257 : memref<64x16xf32, #tpu.memory_space<vmem_shared>>) target_semaphore(%run_scoped3A_253 : memref<!tpu.dma_semaphore, #tpu.memory_space<semaphore_mem>>)
      %dma_wait3A_258 = arith.constant 0 : i32
      %dma_wait3A_259 = tpu.memref_slice %arg21[%add3A_80, %dma_wait3A_258] : memref<10240x16xf32, #tpu.memory_space<vmem_shared>> -> memref<64x16xf32, #tpu.memory_space<vmem_shared>>
      %dma_wait3A_260 = arith.constant 0 : i32
      %dma_wait3A_261 = tpu.memref_slice %arg21[%add3A_80, %dma_wait3A_260] : memref<10240x16xf32, #tpu.memory_space<vmem_shared>> -> memref<64x16xf32, #tpu.memory_space<vmem_shared>>
      tpu.wait_dma2 semaphore(%run_scoped3A_253 : memref<!tpu.dma_semaphore, #tpu.memory_space<semaphore_mem>>) src(%arg20 : memref<64x16xf32, #tpu.memory_space<vmem>>) dst(%dma_wait3A_261 : memref<64x16xf32, #tpu.memory_space<vmem_shared>>)
      tpu.yield
    }) : () -> ()
    %mul3A_81 = arith.constant 640 : i32
    %mul3A_82 = arith.muli %arg1, %mul3A_81 : i32
    %add3A_83 = arith.constant 256 : i32
    %add3A_84 = arith.addi %mul3A_82, %add3A_83 : i32
    "tpu.region"() ({
      %run_scoped3A_253 = tpu.sem_alloc : memref<!tpu.dma_semaphore, #tpu.memory_space<semaphore_mem>>
      %dma_start3A_254 = arith.constant 0 : i32
      %dma_start3A_255 = tpu.memref_slice %arg21[%add3A_84, %dma_start3A_254] : memref<10240x16xf32, #tpu.memory_space<vmem_shared>> -> memref<64x16xf32, #tpu.memory_space<vmem_shared>>
      %dma_start3A_256 = arith.constant 0 : i32
      %dma_start3A_257 = tpu.memref_slice %arg21[%add3A_84, %dma_start3A_256] : memref<10240x16xf32, #tpu.memory_space<vmem_shared>> -> memref<64x16xf32, #tpu.memory_space<vmem_shared>>
      tpu.enqueue_dma source(%arg20 : memref<64x16xf32, #tpu.memory_space<vmem>>) target(%dma_start3A_257 : memref<64x16xf32, #tpu.memory_space<vmem_shared>>) target_semaphore(%run_scoped3A_253 : memref<!tpu.dma_semaphore, #tpu.memory_space<semaphore_mem>>)
      %dma_wait3A_258 = arith.constant 0 : i32
      %dma_wait3A_259 = tpu.memref_slice %arg21[%add3A_84, %dma_wait3A_258] : memref<10240x16xf32, #tpu.memory_space<vmem_shared>> -> memref<64x16xf32, #tpu.memory_space<vmem_shared>>
      %dma_wait3A_260 = arith.constant 0 : i32
      %dma_wait3A_261 = tpu.memref_slice %arg21[%add3A_84, %dma_wait3A_260] : memref<10240x16xf32, #tpu.memory_space<vmem_shared>> -> memref<64x16xf32, #tpu.memory_space<vmem_shared>>
      tpu.wait_dma2 semaphore(%run_scoped3A_253 : memref<!tpu.dma_semaphore, #tpu.memory_space<semaphore_mem>>) src(%arg20 : memref<64x16xf32, #tpu.memory_space<vmem>>) dst(%dma_wait3A_261 : memref<64x16xf32, #tpu.memory_space<vmem_shared>>)
      tpu.yield
    }) : () -> ()
    %mul3A_85 = arith.constant 640 : i32
    %mul3A_86 = arith.muli %arg1, %mul3A_85 : i32
    %add3A_87 = arith.constant 320 : i32
    %add3A_88 = arith.addi %mul3A_86, %add3A_87 : i32
    "tpu.region"() ({
      %run_scoped3A_253 = tpu.sem_alloc : memref<!tpu.dma_semaphore, #tpu.memory_space<semaphore_mem>>
      %dma_start3A_254 = arith.constant 0 : i32
      %dma_start3A_255 = tpu.memref_slice %arg21[%add3A_88, %dma_start3A_254] : memref<10240x16xf32, #tpu.memory_space<vmem_shared>> -> memref<64x16xf32, #tpu.memory_space<vmem_shared>>
      %dma_start3A_256 = arith.constant 0 : i32
      %dma_start3A_257 = tpu.memref_slice %arg21[%add3A_88, %dma_start3A_256] : memref<10240x16xf32, #tpu.memory_space<vmem_shared>> -> memref<64x16xf32, #tpu.memory_space<vmem_shared>>
      tpu.enqueue_dma source(%arg20 : memref<64x16xf32, #tpu.memory_space<vmem>>) target(%dma_start3A_257 : memref<64x16xf32, #tpu.memory_space<vmem_shared>>) target_semaphore(%run_scoped3A_253 : memref<!tpu.dma_semaphore, #tpu.memory_space<semaphore_mem>>)
      %dma_wait3A_258 = arith.constant 0 : i32
      %dma_wait3A_259 = tpu.memref_slice %arg21[%add3A_88, %dma_wait3A_258] : memref<10240x16xf32, #tpu.memory_space<vmem_shared>> -> memref<64x16xf32, #tpu.memory_space<vmem_shared>>
      %dma_wait3A_260 = arith.constant 0 : i32
      %dma_wait3A_261 = tpu.memref_slice %arg21[%add3A_88, %dma_wait3A_260] : memref<10240x16xf32, #tpu.memory_space<vmem_shared>> -> memref<64x16xf32, #tpu.memory_space<vmem_shared>>
      tpu.wait_dma2 semaphore(%run_scoped3A_253 : memref<!tpu.dma_semaphore, #tpu.memory_space<semaphore_mem>>) src(%arg20 : memref<64x16xf32, #tpu.memory_space<vmem>>) dst(%dma_wait3A_261 : memref<64x16xf32, #tpu.memory_space<vmem_shared>>)
      tpu.yield
    }) : () -> ()
    %mul3A_89 = arith.constant 640 : i32
    %mul3A_90 = arith.muli %arg1, %mul3A_89 : i32
    %add3A_91 = arith.constant 384 : i32
    %add3A_92 = arith.addi %mul3A_90, %add3A_91 : i32
    "tpu.region"() ({
      %run_scoped3A_253 = tpu.sem_alloc : memref<!tpu.dma_semaphore, #tpu.memory_space<semaphore_mem>>
      %dma_start3A_254 = arith.constant 0 : i32
      %dma_start3A_255 = tpu.memref_slice %arg21[%add3A_92, %dma_start3A_254] : memref<10240x16xf32, #tpu.memory_space<vmem_shared>> -> memref<64x16xf32, #tpu.memory_space<vmem_shared>>
      %dma_start3A_256 = arith.constant 0 : i32
      %dma_start3A_257 = tpu.memref_slice %arg21[%add3A_92, %dma_start3A_256] : memref<10240x16xf32, #tpu.memory_space<vmem_shared>> -> memref<64x16xf32, #tpu.memory_space<vmem_shared>>
      tpu.enqueue_dma source(%arg20 : memref<64x16xf32, #tpu.memory_space<vmem>>) target(%dma_start3A_257 : memref<64x16xf32, #tpu.memory_space<vmem_shared>>) target_semaphore(%run_scoped3A_253 : memref<!tpu.dma_semaphore, #tpu.memory_space<semaphore_mem>>)
      %dma_wait3A_258 = arith.constant 0 : i32
      %dma_wait3A_259 = tpu.memref_slice %arg21[%add3A_92, %dma_wait3A_258] : memref<10240x16xf32, #tpu.memory_space<vmem_shared>> -> memref<64x16xf32, #tpu.memory_space<vmem_shared>>
      %dma_wait3A_260 = arith.constant 0 : i32
      %dma_wait3A_261 = tpu.memref_slice %arg21[%add3A_92, %dma_wait3A_260] : memref<10240x16xf32, #tpu.memory_space<vmem_shared>> -> memref<64x16xf32, #tpu.memory_space<vmem_shared>>
      tpu.wait_dma2 semaphore(%run_scoped3A_253 : memref<!tpu.dma_semaphore, #tpu.memory_space<semaphore_mem>>) src(%arg20 : memref<64x16xf32, #tpu.memory_space<vmem>>) dst(%dma_wait3A_261 : memref<64x16xf32, #tpu.memory_space<vmem_shared>>)
      tpu.yield
    }) : () -> ()
    %mul3A_93 = arith.constant 640 : i32
    %mul3A_94 = arith.muli %arg1, %mul3A_93 : i32
    %add3A_95 = arith.constant 448 : i32
    %add3A_96 = arith.addi %mul3A_94, %add3A_95 : i32
    "tpu.region"() ({
      %run_scoped3A_253 = tpu.sem_alloc : memref<!tpu.dma_semaphore, #tpu.memory_space<semaphore_mem>>
      %dma_start3A_254 = arith.constant 0 : i32
      %dma_start3A_255 = tpu.memref_slice %arg21[%add3A_96, %dma_start3A_254] : memref<10240x16xf32, #tpu.memory_space<vmem_shared>> -> memref<64x16xf32, #tpu.memory_space<vmem_shared>>
      %dma_start3A_256 = arith.constant 0 : i32
      %dma_start3A_257 = tpu.memref_slice %arg21[%add3A_96, %dma_start3A_256] : memref<10240x16xf32, #tpu.memory_space<vmem_shared>> -> memref<64x16xf32, #tpu.memory_space<vmem_shared>>
      tpu.enqueue_dma source(%arg20 : memref<64x16xf32, #tpu.memory_space<vmem>>) target(%dma_start3A_257 : memref<64x16xf32, #tpu.memory_space<vmem_shared>>) target_semaphore(%run_scoped3A_253 : memref<!tpu.dma_semaphore, #tpu.memory_space<semaphore_mem>>)
      %dma_wait3A_258 = arith.constant 0 : i32
      %dma_wait3A_259 = tpu.memref_slice %arg21[%add3A_96, %dma_wait3A_258] : memref<10240x16xf32, #tpu.memory_space<vmem_shared>> -> memref<64x16xf32, #tpu.memory_space<vmem_shared>>
      %dma_wait3A_260 = arith.constant 0 : i32
      %dma_wait3A_261 = tpu.memref_slice %arg21[%add3A_96, %dma_wait3A_260] : memref<10240x16xf32, #tpu.memory_space<vmem_shared>> -> memref<64x16xf32, #tpu.memory_space<vmem_shared>>
      tpu.wait_dma2 semaphore(%run_scoped3A_253 : memref<!tpu.dma_semaphore, #tpu.memory_space<semaphore_mem>>) src(%arg20 : memref<64x16xf32, #tpu.memory_space<vmem>>) dst(%dma_wait3A_261 : memref<64x16xf32, #tpu.memory_space<vmem_shared>>)
      tpu.yield
    }) : () -> ()
    %mul3A_97 = arith.constant 640 : i32
    %mul3A_98 = arith.muli %arg1, %mul3A_97 : i32
    %add3A_99 = arith.constant 512 : i32
    %add3A_100 = arith.addi %mul3A_98, %add3A_99 : i32
    "tpu.region"() ({
      %run_scoped3A_253 = tpu.sem_alloc : memref<!tpu.dma_semaphore, #tpu.memory_space<semaphore_mem>>
      %dma_start3A_254 = arith.constant 0 : i32
      %dma_start3A_255 = tpu.memref_slice %arg21[%add3A_100, %dma_start3A_254] : memref<10240x16xf32, #tpu.memory_space<vmem_shared>> -> memref<64x16xf32, #tpu.memory_space<vmem_shared>>
      %dma_start3A_256 = arith.constant 0 : i32
      %dma_start3A_257 = tpu.memref_slice %arg21[%add3A_100, %dma_start3A_256] : memref<10240x16xf32, #tpu.memory_space<vmem_shared>> -> memref<64x16xf32, #tpu.memory_space<vmem_shared>>
      tpu.enqueue_dma source(%arg20 : memref<64x16xf32, #tpu.memory_space<vmem>>) target(%dma_start3A_257 : memref<64x16xf32, #tpu.memory_space<vmem_shared>>) target_semaphore(%run_scoped3A_253 : memref<!tpu.dma_semaphore, #tpu.memory_space<semaphore_mem>>)
      %dma_wait3A_258 = arith.constant 0 : i32
      %dma_wait3A_259 = tpu.memref_slice %arg21[%add3A_100, %dma_wait3A_258] : memref<10240x16xf32, #tpu.memory_space<vmem_shared>> -> memref<64x16xf32, #tpu.memory_space<vmem_shared>>
      %dma_wait3A_260 = arith.constant 0 : i32
      %dma_wait3A_261 = tpu.memref_slice %arg21[%add3A_100, %dma_wait3A_260] : memref<10240x16xf32, #tpu.memory_space<vmem_shared>> -> memref<64x16xf32, #tpu.memory_space<vmem_shared>>
      tpu.wait_dma2 semaphore(%run_scoped3A_253 : memref<!tpu.dma_semaphore, #tpu.memory_space<semaphore_mem>>) src(%arg20 : memref<64x16xf32, #tpu.memory_space<vmem>>) dst(%dma_wait3A_261 : memref<64x16xf32, #tpu.memory_space<vmem_shared>>)
      tpu.yield
    }) : () -> ()
    %mul3A_101 = arith.constant 640 : i32
    %mul3A_102 = arith.muli %arg1, %mul3A_101 : i32
    %add3A_103 = arith.constant 576 : i32
    %add3A_104 = arith.addi %mul3A_102, %add3A_103 : i32
    "tpu.region"() ({
      %run_scoped3A_253 = tpu.sem_alloc : memref<!tpu.dma_semaphore, #tpu.memory_space<semaphore_mem>>
      %dma_start3A_254 = arith.constant 0 : i32
      %dma_start3A_255 = tpu.memref_slice %arg21[%add3A_104, %dma_start3A_254] : memref<10240x16xf32, #tpu.memory_space<vmem_shared>> -> memref<64x16xf32, #tpu.memory_space<vmem_shared>>
      %dma_start3A_256 = arith.constant 0 : i32
      %dma_start3A_257 = tpu.memref_slice %arg21[%add3A_104, %dma_start3A_256] : memref<10240x16xf32, #tpu.memory_space<vmem_shared>> -> memref<64x16xf32, #tpu.memory_space<vmem_shared>>
      tpu.enqueue_dma source(%arg20 : memref<64x16xf32, #tpu.memory_space<vmem>>) target(%dma_start3A_257 : memref<64x16xf32, #tpu.memory_space<vmem_shared>>) target_semaphore(%run_scoped3A_253 : memref<!tpu.dma_semaphore, #tpu.memory_space<semaphore_mem>>)
      %dma_wait3A_258 = arith.constant 0 : i32
      %dma_wait3A_259 = tpu.memref_slice %arg21[%add3A_104, %dma_wait3A_258] : memref<10240x16xf32, #tpu.memory_space<vmem_shared>> -> memref<64x16xf32, #tpu.memory_space<vmem_shared>>
      %dma_wait3A_260 = arith.constant 0 : i32
      %dma_wait3A_261 = tpu.memref_slice %arg21[%add3A_104, %dma_wait3A_260] : memref<10240x16xf32, #tpu.memory_space<vmem_shared>> -> memref<64x16xf32, #tpu.memory_space<vmem_shared>>
      tpu.wait_dma2 semaphore(%run_scoped3A_253 : memref<!tpu.dma_semaphore, #tpu.memory_space<semaphore_mem>>) src(%arg20 : memref<64x16xf32, #tpu.memory_space<vmem>>) dst(%dma_wait3A_261 : memref<64x16xf32, #tpu.memory_space<vmem_shared>>)
      tpu.yield
    }) : () -> ()
    %broadcast_in_dim3A_105 = arith.constant 1.000000e+00 : f32
    %broadcast_in_dim3A_106 = vector.broadcast %broadcast_in_dim3A_105 : f32 to vector<16xf32>
    %scan3A_107 = arith.constant 0 : i32
    %scan3A_108 = arith.constant 0 : i32
    %scan3A_109 = arith.constant 64 : i32
    %scan3A_110 = arith.addi %scan3A_108, %scan3A_109 : i32
    %scan3A_111 = arith.constant 1 : i32
    scf.for %scan3A_253 = %scan3A_108 to %scan3A_110 step %scan3A_111  : i32 {
      %jit3A = arith.constant 1 : i32
      %div3A = arith.divsi %scan3A_253, %jit3A : i32
      %sign3A = arith.constant 0 : i32
      %sign3A_254 = arith.cmpi sgt, %scan3A_253, %sign3A : i32
      %sign3A_255 = arith.extui %sign3A_254 : i1 to i32
      %sign3A_256 = arith.constant 0 : i32
      %sign3A_257 = arith.cmpi slt, %scan3A_253, %sign3A_256 : i32
      %sign3A_258 = arith.extui %sign3A_257 : i1 to i32
      %sign3A_259 = arith.subi %sign3A_255, %sign3A_258 : i32
      %sign3A_260 = arith.constant 0 : i32
      %sign3A_261 = arith.cmpi sgt, %jit3A, %sign3A_260 : i32
      %sign3A_262 = arith.extui %sign3A_261 : i1 to i32
      %sign3A_263 = arith.constant 0 : i32
      %sign3A_264 = arith.cmpi slt, %jit3A, %sign3A_263 : i32
      %sign3A_265 = arith.extui %sign3A_264 : i1 to i32
      %sign3A_266 = arith.subi %sign3A_262, %sign3A_265 : i32
      %ne3A = arith.cmpi ne, %sign3A_259, %sign3A_266 : i32
      %rem3A = arith.remsi %scan3A_253, %jit3A : i32
      %ne3A_267 = arith.constant 0 : i32
      %ne3A_268 = arith.cmpi ne, %rem3A, %ne3A_267 : i32
      %and3A = arith.andi %ne3A, %ne3A_268 : i1
      %sub3A = arith.constant 1 : i32
      %sub3A_269 = arith.subi %div3A, %sub3A : i32
      %select_n3A = arith.select %and3A, %sub3A_269, %div3A : i32
      %jit3A_270 = arith.constant 1 : i32
      %eq3A = arith.constant 0 : i32
      %eq3A_271 = arith.cmpi eq, %jit3A_270, %eq3A : i32
      %jit3A_272 = arith.constant 1 : i32
      %select_n3A_273 = arith.select %eq3A_271, %jit3A_272, %jit3A_270 : i32
      %rem3A_274 = arith.remsi %scan3A_253, %select_n3A_273 : i32
      %ne3A_275 = arith.constant 0 : i32
      %ne3A_276 = arith.cmpi ne, %rem3A_274, %ne3A_275 : i32
      %lt3A = arith.constant 0 : i32
      %lt3A_277 = arith.cmpi slt, %rem3A_274, %lt3A : i32
      %lt3A_278 = arith.constant 0 : i32
      %lt3A_279 = arith.cmpi slt, %select_n3A_273, %lt3A_278 : i32
      %ne3A_280 = arith.xori %lt3A_277, %lt3A_279 : i1
      %and3A_281 = arith.andi %ne3A_280, %ne3A_276 : i1
      %add3A_282 = arith.addi %rem3A_274, %select_n3A_273 : i32
      %select_n3A_283 = arith.select %and3A_281, %add3A_282, %rem3A_274 : i32
      %mul3A_284 = arith.constant 16 : i32
      %mul3A_285 = arith.muli %select_n3A_283, %mul3A_284 : i32
      %swap3A = arith.index_cast %select_n3A : i32 to index
      %swap3A_286 = arith.index_cast %mul3A_285 : i32 to index
      %swap3A_287 = tpu.vector_load %arg20[%swap3A, %swap3A_286] {strides = array<i32>} : memref<64x16xf32, #tpu.memory_space<vmem>>, vector<1x16xf32>,
      %swap3A_288 = vector.shape_cast %swap3A_287 : vector<1x16xf32> to vector<16xf32>
      %swap3A_289 = vector.shape_cast %broadcast_in_dim3A_106 : vector<16xf32> to vector<1x16xf32>
      tpu.vector_store %arg20[%swap3A, %swap3A_286], %swap3A_289 {strides = array<i32>} : memref<64x16xf32, #tpu.memory_space<vmem>>, vector<1x16xf32>,
    }
    %scan3A_112 = arith.constant 64 : i32
    %barrier3A = arith.constant 0 : index
    tpu.barrier barrier_id(%barrier3A)
    %mul3A_113 = arith.constant 160 : i32
    %mul3A_114 = arith.muli %add3A, %mul3A_113 : i32
    %add3A_115 = arith.constant 0 : i32
    %add3A_116 = arith.addi %mul3A_114, %add3A_115 : i32
    %multiple_of3A = tpu.assume_multiple %add3A_116, 4 : i32
    %run_scoped3A_117 = arith.constant 0 : i32
    "tpu.region"() ({
      %run_scoped3A_253 = tpu.sem_alloc : memref<!tpu.dma_semaphore, #tpu.memory_space<semaphore_mem>>
      %dma_start3A_254 = arith.constant 0 : i32
      %dma_start3A_255 = arith.constant 0 : i32
      %dma_start3A_256 = tpu.memref_slice %arg7[%run_scoped3A_117, %dma_start3A_254, %dma_start3A_255] : memref<2x8x64xi32, #tpu.memory_space<vmem>> -> memref<1x8x64xi32, #tpu.memory_space<vmem>>
      %dma_start3A_257 = tpu.memref_squeeze %dma_start3A_256 : memref<1x8x64xi32, #tpu.memory_space<vmem>> -> memref<8x64xi32, #tpu.memory_space<vmem>>
      %dma_start3A_258 = arith.constant 0 : i32
      %dma_start3A_259 = tpu.memref_slice %arg2[%multiple_of3A, %dma_start3A_258] : memref<5120x64xi32, #tpu.memory_space<hbm>> -> memref<8x64xi32, #tpu.memory_space<hbm>>
      %dma_start3A_260 = arith.constant 0 : i32
      %dma_start3A_261 = arith.constant 0 : i32
      %dma_start3A_262 = tpu.memref_slice %arg7[%run_scoped3A_117, %dma_start3A_260, %dma_start3A_261] : memref<2x8x64xi32, #tpu.memory_space<vmem>> -> memref<1x8x64xi32, #tpu.memory_space<vmem>>
      %dma_start3A_263 = tpu.memref_squeeze %dma_start3A_262 : memref<1x8x64xi32, #tpu.memory_space<vmem>> -> memref<8x64xi32, #tpu.memory_space<vmem>>
      %dma_start3A_264 = arith.constant 0 : i32
      %dma_start3A_265 = tpu.memref_slice %arg2[%multiple_of3A, %dma_start3A_264] : memref<5120x64xi32, #tpu.memory_space<hbm>> -> memref<8x64xi32, #tpu.memory_space<hbm>>
      tpu.enqueue_dma source(%dma_start3A_265 : memref<8x64xi32, #tpu.memory_space<hbm>>) target(%dma_start3A_263 : memref<8x64xi32, #tpu.memory_space<vmem>>) target_semaphore(%run_scoped3A_253 : memref<!tpu.dma_semaphore, #tpu.memory_space<semaphore_mem>>)
      %dma_wait3A_266 = arith.constant 0 : i32
      %dma_wait3A_267 = arith.constant 0 : i32
      %dma_wait3A_268 = tpu.memref_slice %arg7[%run_scoped3A_117, %dma_wait3A_266, %dma_wait3A_267] : memref<2x8x64xi32, #tpu.memory_space<vmem>> -> memref<1x8x64xi32, #tpu.memory_space<vmem>>
      %dma_wait3A_269 = tpu.memref_squeeze %dma_wait3A_268 : memref<1x8x64xi32, #tpu.memory_space<vmem>> -> memref<8x64xi32, #tpu.memory_space<vmem>>
      %dma_wait3A_270 = arith.constant 0 : i32
      %dma_wait3A_271 = tpu.memref_slice %arg2[%multiple_of3A, %dma_wait3A_270] : memref<5120x64xi32, #tpu.memory_space<hbm>> -> memref<8x64xi32, #tpu.memory_space<hbm>>
      %dma_wait3A_272 = arith.constant 0 : i32
      %dma_wait3A_273 = arith.constant 0 : i32
      %dma_wait3A_274 = tpu.memref_slice %arg7[%run_scoped3A_117, %dma_wait3A_272, %dma_wait3A_273] : memref<2x8x64xi32, #tpu.memory_space<vmem>> -> memref<1x8x64xi32, #tpu.memory_space<vmem>>
      %dma_wait3A_275 = tpu.memref_squeeze %dma_wait3A_274 : memref<1x8x64xi32, #tpu.memory_space<vmem>> -> memref<8x64xi32, #tpu.memory_space<vmem>>
      %dma_wait3A_276 = arith.constant 0 : i32
      %dma_wait3A_277 = tpu.memref_slice %arg2[%multiple_of3A, %dma_wait3A_276] : memref<5120x64xi32, #tpu.memory_space<hbm>> -> memref<8x64xi32, #tpu.memory_space<hbm>>
      tpu.wait_dma2 semaphore(%run_scoped3A_253 : memref<!tpu.dma_semaphore, #tpu.memory_space<semaphore_mem>>) src(%dma_wait3A_277 : memref<8x64xi32, #tpu.memory_space<hbm>>) dst(%dma_wait3A_275 : memref<8x64xi32, #tpu.memory_space<vmem>>)
      tpu.yield
    }) : () -> ()
    %mul3A_118 = arith.constant 160 : i32
    %mul3A_119 = arith.muli %add3A, %mul3A_118 : i32
    %add3A_120 = arith.constant 0 : i32
    %add3A_121 = arith.addi %mul3A_119, %add3A_120 : i32
    %multiple_of3A_122 = tpu.assume_multiple %add3A_121, 4 : i32
    %run_scoped3A_123 = arith.constant 0 : i32
    "tpu.region"() ({
      %run_scoped3A_253 = tpu.sem_alloc : memref<!tpu.dma_semaphore, #tpu.memory_space<semaphore_mem>>
      %dma_start3A_254 = arith.constant 0 : i32
      %dma_start3A_255 = arith.constant 0 : i32
      %dma_start3A_256 = tpu.memref_slice %arg8[%run_scoped3A_123, %dma_start3A_254, %dma_start3A_255] : memref<2x8x64xi32, #tpu.memory_space<vmem>> -> memref<1x8x64xi32, #tpu.memory_space<vmem>>
      %dma_start3A_257 = tpu.memref_squeeze %dma_start3A_256 : memref<1x8x64xi32, #tpu.memory_space<vmem>> -> memref<8x64xi32, #tpu.memory_space<vmem>>
      %dma_start3A_258 = arith.constant 0 : i32
      %dma_start3A_259 = tpu.memref_slice %arg3[%multiple_of3A_122, %dma_start3A_258] : memref<5120x64xi32, #tpu.memory_space<hbm>> -> memref<8x64xi32, #tpu.memory_space<hbm>>
      %dma_start3A_260 = arith.constant 0 : i32
      %dma_start3A_261 = arith.constant 0 : i32
      %dma_start3A_262 = tpu.memref_slice %arg8[%run_scoped3A_123, %dma_start3A_260, %dma_start3A_261] : memref<2x8x64xi32, #tpu.memory_space<vmem>> -> memref<1x8x64xi32, #tpu.memory_space<vmem>>
      %dma_start3A_263 = tpu.memref_squeeze %dma_start3A_262 : memref<1x8x64xi32, #tpu.memory_space<vmem>> -> memref<8x64xi32, #tpu.memory_space<vmem>>
      %dma_start3A_264 = arith.constant 0 : i32
      %dma_start3A_265 = tpu.memref_slice %arg3[%multiple_of3A_122, %dma_start3A_264] : memref<5120x64xi32, #tpu.memory_space<hbm>> -> memref<8x64xi32, #tpu.memory_space<hbm>>
      tpu.enqueue_dma source(%dma_start3A_265 : memref<8x64xi32, #tpu.memory_space<hbm>>) target(%dma_start3A_263 : memref<8x64xi32, #tpu.memory_space<vmem>>) target_semaphore(%run_scoped3A_253 : memref<!tpu.dma_semaphore, #tpu.memory_space<semaphore_mem>>)
      %dma_wait3A_266 = arith.constant 0 : i32
      %dma_wait3A_267 = arith.constant 0 : i32
      %dma_wait3A_268 = tpu.memref_slice %arg8[%run_scoped3A_123, %dma_wait3A_266, %dma_wait3A_267] : memref<2x8x64xi32, #tpu.memory_space<vmem>> -> memref<1x8x64xi32, #tpu.memory_space<vmem>>
      %dma_wait3A_269 = tpu.memref_squeeze %dma_wait3A_268 : memref<1x8x64xi32, #tpu.memory_space<vmem>> -> memref<8x64xi32, #tpu.memory_space<vmem>>
      %dma_wait3A_270 = arith.constant 0 : i32
      %dma_wait3A_271 = tpu.memref_slice %arg3[%multiple_of3A_122, %dma_wait3A_270] : memref<5120x64xi32, #tpu.memory_space<hbm>> -> memref<8x64xi32, #tpu.memory_space<hbm>>
      %dma_wait3A_272 = arith.constant 0 : i32
      %dma_wait3A_273 = arith.constant 0 : i32
      %dma_wait3A_274 = tpu.memref_slice %arg8[%run_scoped3A_123, %dma_wait3A_272, %dma_wait3A_273] : memref<2x8x64xi32, #tpu.memory_space<vmem>> -> memref<1x8x64xi32, #tpu.memory_space<vmem>>
      %dma_wait3A_275 = tpu.memref_squeeze %dma_wait3A_274 : memref<1x8x64xi32, #tpu.memory_space<vmem>> -> memref<8x64xi32, #tpu.memory_space<vmem>>
      %dma_wait3A_276 = arith.constant 0 : i32
      %dma_wait3A_277 = tpu.memref_slice %arg3[%multiple_of3A_122, %dma_wait3A_276] : memref<5120x64xi32, #tpu.memory_space<hbm>> -> memref<8x64xi32, #tpu.memory_space<hbm>>
      tpu.wait_dma2 semaphore(%run_scoped3A_253 : memref<!tpu.dma_semaphore, #tpu.memory_space<semaphore_mem>>) src(%dma_wait3A_277 : memref<8x64xi32, #tpu.memory_space<hbm>>) dst(%dma_wait3A_275 : memref<8x64xi32, #tpu.memory_space<vmem>>)
      tpu.yield
    }) : () -> ()
    %dma_start3A = arith.constant 0 : i32
    %dma_start3A_124 = arith.constant 0 : i32
    %dma_start3A_125 = arith.constant 0 : i32
    %dma_start3A_126 = arith.constant 0 : i32
    %dma_start3A_127 = arith.constant 0 : i32
    %dma_start3A_128 = tpu.memref_slice %arg9[%dma_start3A_125, %dma_start3A_126, %dma_start3A_127] : memref<4x64x128xf32, #tpu.memory_space<vmem>> -> memref<1x64x128xf32, #tpu.memory_space<vmem>>
    %dma_start3A_129 = tpu.memref_squeeze %dma_start3A_128 : memref<1x64x128xf32, #tpu.memory_space<vmem>> -> memref<64x128xf32, #tpu.memory_space<vmem>>
    %dma_start3A_130 = arith.constant 0 : i32
    %dma_start3A_131 = tpu.memref_slice %arg7[%dma_start3A, %dma_start3A_124, %dma_start3A_130] : memref<2x8x64xi32, #tpu.memory_space<vmem>> -> memref<1x1x64xi32, #tpu.memory_space<vmem>>
    %dma_start3A_132 = tpu.memref_squeeze %dma_start3A_131 : memref<1x1x64xi32, #tpu.memory_space<vmem>> -> memref<64xi32, #tpu.memory_space<vmem>>
    %dma_start3A_133 = arith.constant 0 : i32
    %dma_start3A_134 = arith.constant 0 : i32
    %dma_start3A_135 = tpu.memref_slice %arg4[%dma_start3A_133, %dma_start3A_134] : memref<10000x128xf32, #tpu.memory_space<hbm>> -> memref<10000x128xf32, #tpu.memory_space<hbm>>
    tpu.enqueue_indirect_dma source(%dma_start3A_135 : memref<10000x128xf32, #tpu.memory_space<hbm>>) target(%dma_start3A_129 : memref<64x128xf32, #tpu.memory_space<vmem>>) offsets(%dma_start3A_132 : memref<64xi32, #tpu.memory_space<vmem>>) semaphore(%arg11 : memref<!tpu.dma_semaphore, #tpu.memory_space<semaphore_mem>>)
    %dma_start3A_136 = arith.constant 0 : i32
    %dma_start3A_137 = arith.constant 1 : i32
    %dma_start3A_138 = arith.constant 1 : i32
    %dma_start3A_139 = arith.constant 0 : i32
    %dma_start3A_140 = arith.constant 0 : i32
    %dma_start3A_141 = tpu.memref_slice %arg9[%dma_start3A_138, %dma_start3A_139, %dma_start3A_140] : memref<4x64x128xf32, #tpu.memory_space<vmem>> -> memref<1x64x128xf32, #tpu.memory_space<vmem>>
    %dma_start3A_142 = tpu.memref_squeeze %dma_start3A_141 : memref<1x64x128xf32, #tpu.memory_space<vmem>> -> memref<64x128xf32, #tpu.memory_space<vmem>>
    %dma_start3A_143 = arith.constant 0 : i32
    %dma_start3A_144 = tpu.memref_slice %arg7[%dma_start3A_136, %dma_start3A_137, %dma_start3A_143] : memref<2x8x64xi32, #tpu.memory_space<vmem>> -> memref<1x1x64xi32, #tpu.memory_space<vmem>>
    %dma_start3A_145 = tpu.memref_squeeze %dma_start3A_144 : memref<1x1x64xi32, #tpu.memory_space<vmem>> -> memref<64xi32, #tpu.memory_space<vmem>>
    %dma_start3A_146 = arith.constant 0 : i32
    %dma_start3A_147 = arith.constant 0 : i32
    %dma_start3A_148 = tpu.memref_slice %arg4[%dma_start3A_146, %dma_start3A_147] : memref<10000x128xf32, #tpu.memory_space<hbm>> -> memref<10000x128xf32, #tpu.memory_space<hbm>>
    tpu.enqueue_indirect_dma source(%dma_start3A_148 : memref<10000x128xf32, #tpu.memory_space<hbm>>) target(%dma_start3A_142 : memref<64x128xf32, #tpu.memory_space<vmem>>) offsets(%dma_start3A_145 : memref<64xi32, #tpu.memory_space<vmem>>) semaphore(%arg12 : memref<!tpu.dma_semaphore, #tpu.memory_space<semaphore_mem>>)
    %dma_start3A_149 = arith.constant 0 : i32
    %dma_start3A_150 = arith.constant 2 : i32
    %dma_start3A_151 = arith.constant 2 : i32
    %dma_start3A_152 = arith.constant 0 : i32
    %dma_start3A_153 = arith.constant 0 : i32
    %dma_start3A_154 = tpu.memref_slice %arg9[%dma_start3A_151, %dma_start3A_152, %dma_start3A_153] : memref<4x64x128xf32, #tpu.memory_space<vmem>> -> memref<1x64x128xf32, #tpu.memory_space<vmem>>
    %dma_start3A_155 = tpu.memref_squeeze %dma_start3A_154 : memref<1x64x128xf32, #tpu.memory_space<vmem>> -> memref<64x128xf32, #tpu.memory_space<vmem>>
    %dma_start3A_156 = arith.constant 0 : i32
    %dma_start3A_157 = tpu.memref_slice %arg7[%dma_start3A_149, %dma_start3A_150, %dma_start3A_156] : memref<2x8x64xi32, #tpu.memory_space<vmem>> -> memref<1x1x64xi32, #tpu.memory_space<vmem>>
    %dma_start3A_158 = tpu.memref_squeeze %dma_start3A_157 : memref<1x1x64xi32, #tpu.memory_space<vmem>> -> memref<64xi32, #tpu.memory_space<vmem>>
    %dma_start3A_159 = arith.constant 0 : i32
    %dma_start3A_160 = arith.constant 0 : i32
    %dma_start3A_161 = tpu.memref_slice %arg4[%dma_start3A_159, %dma_start3A_160] : memref<10000x128xf32, #tpu.memory_space<hbm>> -> memref<10000x128xf32, #tpu.memory_space<hbm>>
    tpu.enqueue_indirect_dma source(%dma_start3A_161 : memref<10000x128xf32, #tpu.memory_space<hbm>>) target(%dma_start3A_155 : memref<64x128xf32, #tpu.memory_space<vmem>>) offsets(%dma_start3A_158 : memref<64xi32, #tpu.memory_space<vmem>>) semaphore(%arg13 : memref<!tpu.dma_semaphore, #tpu.memory_space<semaphore_mem>>)
    %scan3A_162 = arith.constant 0 : i32
    %scan3A_163 = arith.constant 0 : i32
    %scan3A_164 = arith.constant 10 : i32
    %scan3A_165 = arith.addi %scan3A_163, %scan3A_164 : i32
    %scan3A_166 = arith.constant 1 : i32
    scf.for %scan3A_253 = %scan3A_163 to %scan3A_165 step %scan3A_166  : i32 {
      %mul3A_254 = arith.constant 2 : i32
      %mul3A_255 = arith.muli %mul3A_254, %scan3A_253 : i32
      %add3A_256 = arith.constant 0 : i32
      %add3A_257 = arith.addi %mul3A_255, %add3A_256 : i32
      %gt3A = arith.constant 0 : i32
      %gt3A_258 = arith.cmpi sgt, %scan3A_253, %gt3A : i32
      %convert_element_type3A = arith.extui %gt3A_258 : i1 to i32
      %cond3A = arith.constant 0 : i32
      %cond3A_259 = arith.cmpi ne, %convert_element_type3A, %cond3A : i32
      scf.if %cond3A_259 {
        %dma_wait3A_1344 = arith.constant 3 : i32
        %dma_wait3A_1345 = arith.constant 0 : i32
        %dma_wait3A_1346 = arith.constant 0 : i32
        %dma_wait3A_1347 = arith.constant 0 : i32
        %dma_wait3A_1348 = arith.constant 0 : i32
        %dma_wait3A_1349 = tpu.memref_slice %arg9[%dma_wait3A_1344, %dma_wait3A_1347, %dma_wait3A_1348] : memref<4x64x128xf32, #tpu.memory_space<vmem>> -> memref<1x64x128xf32, #tpu.memory_space<vmem>>
        %dma_wait3A_1350 = tpu.memref_squeeze %dma_wait3A_1349 : memref<1x64x128xf32, #tpu.memory_space<vmem>> -> memref<64x128xf32, #tpu.memory_space<vmem>>
        %dma_wait3A_1351 = arith.constant 0 : i32
        %dma_wait3A_1352 = tpu.memref_slice %arg8[%dma_wait3A_1345, %dma_wait3A_1346, %dma_wait3A_1351] : memref<2x8x64xi32, #tpu.memory_space<vmem>> -> memref<1x1x64xi32, #tpu.memory_space<vmem>>
        %dma_wait3A_1353 = tpu.memref_squeeze %dma_wait3A_1352 : memref<1x1x64xi32, #tpu.memory_space<vmem>> -> memref<64xi32, #tpu.memory_space<vmem>>
        %dma_wait3A_1354 = arith.constant 0 : i32
        %dma_wait3A_1355 = arith.constant 0 : i32
        %dma_wait3A_1356 = tpu.memref_slice %arg10[%dma_wait3A_1354, %dma_wait3A_1355] : memref<10240x128xf32, #tpu.memory_space<vmem_shared>> -> memref<10240x128xf32, #tpu.memory_space<vmem_shared>>
        tpu.wait_indirect_dma semaphore(%arg18 : memref<!tpu.dma_semaphore, #tpu.memory_space<semaphore_mem>>) src(%dma_wait3A_1350 : memref<64x128xf32, #tpu.memory_space<vmem>>) dst(%dma_wait3A_1356 : memref<10240x128xf32, #tpu.memory_space<vmem_shared>>)
        %dma_wait3A_1357 = arith.constant 0 : i32
        %dma_wait3A_1358 = arith.constant 0 : i32
        %dma_wait3A_1359 = arith.constant 0 : i32
        %dma_wait3A_1360 = tpu.memref_slice %arg8[%dma_wait3A_1357, %dma_wait3A_1358, %dma_wait3A_1359] : memref<2x8x64xi32, #tpu.memory_space<vmem>> -> memref<1x1x64xi32, #tpu.memory_space<vmem>>
        %dma_wait3A_1361 = tpu.memref_squeeze %dma_wait3A_1360 : memref<1x1x64xi32, #tpu.memory_space<vmem>> -> memref<64xi32, #tpu.memory_space<vmem>>
        %dma_wait3A_1362 = arith.constant 0 : i32
        %dma_wait3A_1363 = arith.constant 0 : i32
        %dma_wait3A_1364 = tpu.memref_slice %arg21[%dma_wait3A_1362, %dma_wait3A_1363] : memref<10240x16xf32, #tpu.memory_space<vmem_shared>> -> memref<10240x16xf32, #tpu.memory_space<vmem_shared>>
        tpu.wait_indirect_dma semaphore(%arg22 : memref<!tpu.dma_semaphore, #tpu.memory_space<semaphore_mem>>) src(%arg20 : memref<64x16xf32, #tpu.memory_space<vmem>>) dst(%dma_wait3A_1364 : memref<10240x16xf32, #tpu.memory_space<vmem_shared>>)
        %dma_wait3A_1365 = arith.constant 0 : i32
        %dma_wait3A_1366 = arith.constant 0 : i32
        %dma_wait3A_1367 = arith.constant 0 : i32
        %dma_wait3A_1368 = tpu.memref_slice %arg8[%dma_wait3A_1365, %dma_wait3A_1366, %dma_wait3A_1367] : memref<2x8x64xi32, #tpu.memory_space<vmem>> -> memref<1x1x64xi32, #tpu.memory_space<vmem>>
        %dma_wait3A_1369 = tpu.memref_squeeze %dma_wait3A_1368 : memref<1x1x64xi32, #tpu.memory_space<vmem>> -> memref<64xi32, #tpu.memory_space<vmem>>
        %dma_wait3A_1370 = arith.constant 0 : i32
        %dma_wait3A_1371 = arith.constant 0 : i32
        %dma_wait3A_1372 = tpu.memref_slice %arg21[%dma_wait3A_1370, %dma_wait3A_1371] : memref<10240x16xf32, #tpu.memory_space<vmem_shared>> -> memref<10240x16xf32, #tpu.memory_space<vmem_shared>>
        tpu.wait_indirect_dma semaphore(%arg22 : memref<!tpu.dma_semaphore, #tpu.memory_space<semaphore_mem>>) src(%arg20 : memref<64x16xf32, #tpu.memory_space<vmem>>) dst(%dma_wait3A_1372 : memref<10240x16xf32, #tpu.memory_space<vmem_shared>>)
        %dma_wait3A_1373 = arith.constant 0 : i32
        %dma_wait3A_1374 = arith.constant 0 : i32
        %dma_wait3A_1375 = arith.constant 0 : i32
        %dma_wait3A_1376 = tpu.memref_slice %arg8[%dma_wait3A_1373, %dma_wait3A_1374, %dma_wait3A_1375] : memref<2x8x64xi32, #tpu.memory_space<vmem>> -> memref<1x1x64xi32, #tpu.memory_space<vmem>>
        %dma_wait3A_1377 = tpu.memref_squeeze %dma_wait3A_1376 : memref<1x1x64xi32, #tpu.memory_space<vmem>> -> memref<64xi32, #tpu.memory_space<vmem>>
        %dma_wait3A_1378 = arith.constant 0 : i32
        %dma_wait3A_1379 = arith.constant 0 : i32
        %dma_wait3A_1380 = tpu.memref_slice %arg21[%dma_wait3A_1378, %dma_wait3A_1379] : memref<10240x16xf32, #tpu.memory_space<vmem_shared>> -> memref<10240x16xf32, #tpu.memory_space<vmem_shared>>
        tpu.wait_indirect_dma semaphore(%arg22 : memref<!tpu.dma_semaphore, #tpu.memory_space<semaphore_mem>>) src(%arg20 : memref<64x16xf32, #tpu.memory_space<vmem>>) dst(%dma_wait3A_1380 : memref<10240x16xf32, #tpu.memory_space<vmem_shared>>)
        %dma_wait3A_1381 = arith.constant 0 : i32
        %dma_wait3A_1382 = arith.constant 0 : i32
        %dma_wait3A_1383 = arith.constant 0 : i32
        %dma_wait3A_1384 = tpu.memref_slice %arg8[%dma_wait3A_1381, %dma_wait3A_1382, %dma_wait3A_1383] : memref<2x8x64xi32, #tpu.memory_space<vmem>> -> memref<1x1x64xi32, #tpu.memory_space<vmem>>
        %dma_wait3A_1385 = tpu.memref_squeeze %dma_wait3A_1384 : memref<1x1x64xi32, #tpu.memory_space<vmem>> -> memref<64xi32, #tpu.memory_space<vmem>>
        %dma_wait3A_1386 = arith.constant 0 : i32
        %dma_wait3A_1387 = arith.constant 0 : i32
        %dma_wait3A_1388 = tpu.memref_slice %arg21[%dma_wait3A_1386, %dma_wait3A_1387] : memref<10240x16xf32, #tpu.memory_space<vmem_shared>> -> memref<10240x16xf32, #tpu.memory_space<vmem_shared>>
        tpu.wait_indirect_dma semaphore(%arg22 : memref<!tpu.dma_semaphore, #tpu.memory_space<semaphore_mem>>) src(%arg20 : memref<64x16xf32, #tpu.memory_space<vmem>>) dst(%dma_wait3A_1388 : memref<10240x16xf32, #tpu.memory_space<vmem_shared>>)
        %dma_wait3A_1389 = arith.constant 0 : i32
        %dma_wait3A_1390 = arith.constant 0 : i32
        %dma_wait3A_1391 = arith.constant 0 : i32
        %dma_wait3A_1392 = tpu.memref_slice %arg8[%dma_wait3A_1389, %dma_wait3A_1390, %dma_wait3A_1391] : memref<2x8x64xi32, #tpu.memory_space<vmem>> -> memref<1x1x64xi32, #tpu.memory_space<vmem>>
        %dma_wait3A_1393 = tpu.memref_squeeze %dma_wait3A_1392 : memref<1x1x64xi32, #tpu.memory_space<vmem>> -> memref<64xi32, #tpu.memory_space<vmem>>
        %dma_wait3A_1394 = arith.constant 0 : i32
        %dma_wait3A_1395 = arith.constant 0 : i32
        %dma_wait3A_1396 = tpu.memref_slice %arg21[%dma_wait3A_1394, %dma_wait3A_1395] : memref<10240x16xf32, #tpu.memory_space<vmem_shared>> -> memref<10240x16xf32, #tpu.memory_space<vmem_shared>>
        tpu.wait_indirect_dma semaphore(%arg22 : memref<!tpu.dma_semaphore, #tpu.memory_space<semaphore_mem>>) src(%arg20 : memref<64x16xf32, #tpu.memory_space<vmem>>) dst(%dma_wait3A_1396 : memref<10240x16xf32, #tpu.memory_space<vmem_shared>>)
        %dma_wait3A_1397 = arith.constant 0 : i32
        %dma_wait3A_1398 = arith.constant 0 : i32
        %dma_wait3A_1399 = arith.constant 0 : i32
        %dma_wait3A_1400 = tpu.memref_slice %arg8[%dma_wait3A_1397, %dma_wait3A_1398, %dma_wait3A_1399] : memref<2x8x64xi32, #tpu.memory_space<vmem>> -> memref<1x1x64xi32, #tpu.memory_space<vmem>>
        %dma_wait3A_1401 = tpu.memref_squeeze %dma_wait3A_1400 : memref<1x1x64xi32, #tpu.memory_space<vmem>> -> memref<64xi32, #tpu.memory_space<vmem>>
        %dma_wait3A_1402 = arith.constant 0 : i32
        %dma_wait3A_1403 = arith.constant 0 : i32
        %dma_wait3A_1404 = tpu.memref_slice %arg21[%dma_wait3A_1402, %dma_wait3A_1403] : memref<10240x16xf32, #tpu.memory_space<vmem_shared>> -> memref<10240x16xf32, #tpu.memory_space<vmem_shared>>
        tpu.wait_indirect_dma semaphore(%arg22 : memref<!tpu.dma_semaphore, #tpu.memory_space<semaphore_mem>>) src(%arg20 : memref<64x16xf32, #tpu.memory_space<vmem>>) dst(%dma_wait3A_1404 : memref<10240x16xf32, #tpu.memory_space<vmem_shared>>)
        %dma_wait3A_1405 = arith.constant 0 : i32
        %dma_wait3A_1406 = arith.constant 0 : i32
        %dma_wait3A_1407 = arith.constant 0 : i32
        %dma_wait3A_1408 = tpu.memref_slice %arg8[%dma_wait3A_1405, %dma_wait3A_1406, %dma_wait3A_1407] : memref<2x8x64xi32, #tpu.memory_space<vmem>> -> memref<1x1x64xi32, #tpu.memory_space<vmem>>
        %dma_wait3A_1409 = tpu.memref_squeeze %dma_wait3A_1408 : memref<1x1x64xi32, #tpu.memory_space<vmem>> -> memref<64xi32, #tpu.memory_space<vmem>>
        %dma_wait3A_1410 = arith.constant 0 : i32
        %dma_wait3A_1411 = arith.constant 0 : i32
        %dma_wait3A_1412 = tpu.memref_slice %arg21[%dma_wait3A_1410, %dma_wait3A_1411] : memref<10240x16xf32, #tpu.memory_space<vmem_shared>> -> memref<10240x16xf32, #tpu.memory_space<vmem_shared>>
        tpu.wait_indirect_dma semaphore(%arg22 : memref<!tpu.dma_semaphore, #tpu.memory_space<semaphore_mem>>) src(%arg20 : memref<64x16xf32, #tpu.memory_space<vmem>>) dst(%dma_wait3A_1412 : memref<10240x16xf32, #tpu.memory_space<vmem_shared>>)
        %dma_wait3A_1413 = arith.constant 0 : i32
        %dma_wait3A_1414 = arith.constant 0 : i32
        %dma_wait3A_1415 = arith.constant 0 : i32
        %dma_wait3A_1416 = tpu.memref_slice %arg8[%dma_wait3A_1413, %dma_wait3A_1414, %dma_wait3A_1415] : memref<2x8x64xi32, #tpu.memory_space<vmem>> -> memref<1x1x64xi32, #tpu.memory_space<vmem>>
        %dma_wait3A_1417 = tpu.memref_squeeze %dma_wait3A_1416 : memref<1x1x64xi32, #tpu.memory_space<vmem>> -> memref<64xi32, #tpu.memory_space<vmem>>
        %dma_wait3A_1418 = arith.constant 0 : i32
        %dma_wait3A_1419 = arith.constant 0 : i32
        %dma_wait3A_1420 = tpu.memref_slice %arg21[%dma_wait3A_1418, %dma_wait3A_1419] : memref<10240x16xf32, #tpu.memory_space<vmem_shared>> -> memref<10240x16xf32, #tpu.memory_space<vmem_shared>>
        tpu.wait_indirect_dma semaphore(%arg22 : memref<!tpu.dma_semaphore, #tpu.memory_space<semaphore_mem>>) src(%arg20 : memref<64x16xf32, #tpu.memory_space<vmem>>) dst(%dma_wait3A_1420 : memref<10240x16xf32, #tpu.memory_space<vmem_shared>>)
      } else {
      }
      %add3A_260 = arith.constant 1 : i32
      %add3A_261 = arith.addi %add3A_257, %add3A_260 : i32
      %mul3A_262 = arith.constant 160 : i32
      %mul3A_263 = arith.muli %add3A, %mul3A_262 : i32
      %mul3A_264 = arith.constant 8 : i32
      %mul3A_265 = arith.muli %add3A_261, %mul3A_264 : i32
      %add3A_266 = arith.addi %mul3A_263, %mul3A_265 : i32
      %multiple_of3A_267 = tpu.assume_multiple %add3A_266, 4 : i32
      %dma_start3A_268 = arith.constant 1 : i32
      %dma_start3A_269 = arith.constant 0 : i32
      %dma_start3A_270 = arith.constant 0 : i32
      %dma_start3A_271 = tpu.memref_slice %arg7[%dma_start3A_268, %dma_start3A_269, %dma_start3A_270] : memref<2x8x64xi32, #tpu.memory_space<vmem>> -> memref<1x8x64xi32, #tpu.memory_space<vmem>>
      %dma_start3A_272 = tpu.memref_squeeze %dma_start3A_271 : memref<1x8x64xi32, #tpu.memory_space<vmem>> -> memref<8x64xi32, #tpu.memory_space<vmem>>
      %dma_start3A_273 = arith.constant 0 : i32
      %dma_start3A_274 = tpu.memref_slice %arg2[%multiple_of3A_267, %dma_start3A_273] : memref<5120x64xi32, #tpu.memory_space<hbm>> -> memref<8x64xi32, #tpu.memory_space<hbm>>
      %dma_start3A_275 = arith.constant 0 : i32
      %dma_start3A_276 = arith.constant 0 : i32
      %dma_start3A_277 = tpu.memref_slice %arg7[%dma_start3A_268, %dma_start3A_275, %dma_start3A_276] : memref<2x8x64xi32, #tpu.memory_space<vmem>> -> memref<1x8x64xi32, #tpu.memory_space<vmem>>
      %dma_start3A_278 = tpu.memref_squeeze %dma_start3A_277 : memref<1x8x64xi32, #tpu.memory_space<vmem>> -> memref<8x64xi32, #tpu.memory_space<vmem>>
      %dma_start3A_279 = arith.constant 0 : i32
      %dma_start3A_280 = tpu.memref_slice %arg2[%multiple_of3A_267, %dma_start3A_279] : memref<5120x64xi32, #tpu.memory_space<hbm>> -> memref<8x64xi32, #tpu.memory_space<hbm>>
      tpu.enqueue_dma source(%dma_start3A_280 : memref<8x64xi32, #tpu.memory_space<hbm>>) target(%dma_start3A_278 : memref<8x64xi32, #tpu.memory_space<vmem>>) target_semaphore(%arg19 : memref<!tpu.dma_semaphore, #tpu.memory_space<semaphore_mem>>)
      %add3A_281 = arith.constant 1 : i32
      %add3A_282 = arith.addi %add3A_257, %add3A_281 : i32
      %mul3A_283 = arith.constant 160 : i32
      %mul3A_284 = arith.muli %add3A, %mul3A_283 : i32
      %mul3A_285 = arith.constant 8 : i32
      %mul3A_286 = arith.muli %add3A_282, %mul3A_285 : i32
      %add3A_287 = arith.addi %mul3A_284, %mul3A_286 : i32
      %multiple_of3A_288 = tpu.assume_multiple %add3A_287, 4 : i32
      %dma_start3A_289 = arith.constant 1 : i32
      %dma_start3A_290 = arith.constant 0 : i32
      %dma_start3A_291 = arith.constant 0 : i32
      %dma_start3A_292 = tpu.memref_slice %arg8[%dma_start3A_289, %dma_start3A_290, %dma_start3A_291] : memref<2x8x64xi32, #tpu.memory_space<vmem>> -> memref<1x8x64xi32, #tpu.memory_space<vmem>>
      %dma_start3A_293 = tpu.memref_squeeze %dma_start3A_292 : memref<1x8x64xi32, #tpu.memory_space<vmem>> -> memref<8x64xi32, #tpu.memory_space<vmem>>
      %dma_start3A_294 = arith.constant 0 : i32
      %dma_start3A_295 = tpu.memref_slice %arg3[%multiple_of3A_288, %dma_start3A_294] : memref<5120x64xi32, #tpu.memory_space<hbm>> -> memref<8x64xi32, #tpu.memory_space<hbm>>
      %dma_start3A_296 = arith.constant 0 : i32
      %dma_start3A_297 = arith.constant 0 : i32
      %dma_start3A_298 = tpu.memref_slice %arg8[%dma_start3A_289, %dma_start3A_296, %dma_start3A_297] : memref<2x8x64xi32, #tpu.memory_space<vmem>> -> memref<1x8x64xi32, #tpu.memory_space<vmem>>
      %dma_start3A_299 = tpu.memref_squeeze %dma_start3A_298 : memref<1x8x64xi32, #tpu.memory_space<vmem>> -> memref<8x64xi32, #tpu.memory_space<vmem>>
      %dma_start3A_300 = arith.constant 0 : i32
      %dma_start3A_301 = tpu.memref_slice %arg3[%multiple_of3A_288, %dma_start3A_300] : memref<5120x64xi32, #tpu.memory_space<hbm>> -> memref<8x64xi32, #tpu.memory_space<hbm>>
      tpu.enqueue_dma source(%dma_start3A_301 : memref<8x64xi32, #tpu.memory_space<hbm>>) target(%dma_start3A_299 : memref<8x64xi32, #tpu.memory_space<vmem>>) target_semaphore(%arg19 : memref<!tpu.dma_semaphore, #tpu.memory_space<semaphore_mem>>)
      %dma_wait3A_302 = arith.constant 0 : i32
      %dma_wait3A_303 = arith.constant 0 : i32
      %dma_wait3A_304 = arith.constant 0 : i32
      %dma_wait3A_305 = arith.constant 0 : i32
      %dma_wait3A_306 = arith.constant 0 : i32
      %dma_wait3A_307 = tpu.memref_slice %arg9[%dma_wait3A_304, %dma_wait3A_305, %dma_wait3A_306] : memref<4x64x128xf32, #tpu.memory_space<vmem>> -> memref<1x64x128xf32, #tpu.memory_space<vmem>>
      %dma_wait3A_308 = tpu.memref_squeeze %dma_wait3A_307 : memref<1x64x128xf32, #tpu.memory_space<vmem>> -> memref<64x128xf32, #tpu.memory_space<vmem>>
      %dma_wait3A_309 = arith.constant 0 : i32
      %dma_wait3A_310 = tpu.memref_slice %arg7[%dma_wait3A_302, %dma_wait3A_303, %dma_wait3A_309] : memref<2x8x64xi32, #tpu.memory_space<vmem>> -> memref<1x1x64xi32, #tpu.memory_space<vmem>>
      %dma_wait3A_311 = tpu.memref_squeeze %dma_wait3A_310 : memref<1x1x64xi32, #tpu.memory_space<vmem>> -> memref<64xi32, #tpu.memory_space<vmem>>
      %dma_wait3A_312 = arith.constant 0 : i32
      %dma_wait3A_313 = arith.constant 0 : i32
      %dma_wait3A_314 = tpu.memref_slice %arg4[%dma_wait3A_312, %dma_wait3A_313] : memref<10000x128xf32, #tpu.memory_space<hbm>> -> memref<10000x128xf32, #tpu.memory_space<hbm>>
      tpu.wait_indirect_dma semaphore(%arg11 : memref<!tpu.dma_semaphore, #tpu.memory_space<semaphore_mem>>) src(%dma_wait3A_314 : memref<10000x128xf32, #tpu.memory_space<hbm>>) dst(%dma_wait3A_308 : memref<64x128xf32, #tpu.memory_space<vmem>>)
      %dma_start3A_315 = arith.constant 0 : i32
      %dma_start3A_316 = arith.constant 0 : i32
      %dma_start3A_317 = arith.constant 0 : i32
      %dma_start3A_318 = arith.constant 0 : i32
      %dma_start3A_319 = arith.constant 0 : i32
      %dma_start3A_320 = tpu.memref_slice %arg9[%dma_start3A_315, %dma_start3A_318, %dma_start3A_319] : memref<4x64x128xf32, #tpu.memory_space<vmem>> -> memref<1x64x128xf32, #tpu.memory_space<vmem>>
      %dma_start3A_321 = tpu.memref_squeeze %dma_start3A_320 : memref<1x64x128xf32, #tpu.memory_space<vmem>> -> memref<64x128xf32, #tpu.memory_space<vmem>>
      %dma_start3A_322 = arith.constant 0 : i32
      %dma_start3A_323 = tpu.memref_slice %arg8[%dma_start3A_316, %dma_start3A_317, %dma_start3A_322] : memref<2x8x64xi32, #tpu.memory_space<vmem>> -> memref<1x1x64xi32, #tpu.memory_space<vmem>>
      %dma_start3A_324 = tpu.memref_squeeze %dma_start3A_323 : memref<1x1x64xi32, #tpu.memory_space<vmem>> -> memref<64xi32, #tpu.memory_space<vmem>>
      %dma_start3A_325 = arith.constant 0 : i32
      %dma_start3A_326 = arith.constant 0 : i32
      %dma_start3A_327 = tpu.memref_slice %arg10[%dma_start3A_325, %dma_start3A_326] : memref<10240x128xf32, #tpu.memory_space<vmem_shared>> -> memref<10240x128xf32, #tpu.memory_space<vmem_shared>>
      tpu.enqueue_indirect_dma source(%dma_start3A_321 : memref<64x128xf32, #tpu.memory_space<vmem>>) target(%dma_start3A_327 : memref<10240x128xf32, #tpu.memory_space<vmem_shared>>) offsets(%dma_start3A_324 : memref<64xi32, #tpu.memory_space<vmem>>) semaphore(%arg15 : memref<!tpu.dma_semaphore, #tpu.memory_space<semaphore_mem>>) {add = true}
      %dma_start3A_328 = arith.constant 0 : i32
      %dma_start3A_329 = arith.constant 0 : i32
      %dma_start3A_330 = arith.constant 0 : i32
      %dma_start3A_331 = tpu.memref_slice %arg8[%dma_start3A_328, %dma_start3A_329, %dma_start3A_330] : memref<2x8x64xi32, #tpu.memory_space<vmem>> -> memref<1x1x64xi32, #tpu.memory_space<vmem>>
      %dma_start3A_332 = tpu.memref_squeeze %dma_start3A_331 : memref<1x1x64xi32, #tpu.memory_space<vmem>> -> memref<64xi32, #tpu.memory_space<vmem>>
      %dma_start3A_333 = arith.constant 0 : i32
      %dma_start3A_334 = arith.constant 0 : i32
      %dma_start3A_335 = tpu.memref_slice %arg21[%dma_start3A_333, %dma_start3A_334] : memref<10240x16xf32, #tpu.memory_space<vmem_shared>> -> memref<10240x16xf32, #tpu.memory_space<vmem_shared>>
      tpu.enqueue_indirect_dma source(%arg20 : memref<64x16xf32, #tpu.memory_space<vmem>>) target(%dma_start3A_335 : memref<10240x16xf32, #tpu.memory_space<vmem_shared>>) offsets(%dma_start3A_332 : memref<64xi32, #tpu.memory_space<vmem>>) semaphore(%arg22 : memref<!tpu.dma_semaphore, #tpu.memory_space<semaphore_mem>>) {add = true}
      %dma_start3A_336 = arith.constant 0 : i32
      %dma_start3A_337 = arith.constant 3 : i32
      %dma_start3A_338 = arith.constant 3 : i32
      %dma_start3A_339 = arith.constant 0 : i32
      %dma_start3A_340 = arith.constant 0 : i32
      %dma_start3A_341 = tpu.memref_slice %arg9[%dma_start3A_338, %dma_start3A_339, %dma_start3A_340] : memref<4x64x128xf32, #tpu.memory_space<vmem>> -> memref<1x64x128xf32, #tpu.memory_space<vmem>>
      %dma_start3A_342 = tpu.memref_squeeze %dma_start3A_341 : memref<1x64x128xf32, #tpu.memory_space<vmem>> -> memref<64x128xf32, #tpu.memory_space<vmem>>
      %dma_start3A_343 = arith.constant 0 : i32
      %dma_start3A_344 = tpu.memref_slice %arg7[%dma_start3A_336, %dma_start3A_337, %dma_start3A_343] : memref<2x8x64xi32, #tpu.memory_space<vmem>> -> memref<1x1x64xi32, #tpu.memory_space<vmem>>
      %dma_start3A_345 = tpu.memref_squeeze %dma_start3A_344 : memref<1x1x64xi32, #tpu.memory_space<vmem>> -> memref<64xi32, #tpu.memory_space<vmem>>
      %dma_start3A_346 = arith.constant 0 : i32
      %dma_start3A_347 = arith.constant 0 : i32
      %dma_start3A_348 = tpu.memref_slice %arg4[%dma_start3A_346, %dma_start3A_347] : memref<10000x128xf32, #tpu.memory_space<hbm>> -> memref<10000x128xf32, #tpu.memory_space<hbm>>
      tpu.enqueue_indirect_dma source(%dma_start3A_348 : memref<10000x128xf32, #tpu.memory_space<hbm>>) target(%dma_start3A_342 : memref<64x128xf32, #tpu.memory_space<vmem>>) offsets(%dma_start3A_345 : memref<64xi32, #tpu.memory_space<vmem>>) semaphore(%arg14 : memref<!tpu.dma_semaphore, #tpu.memory_space<semaphore_mem>>)
      %dma_wait3A_349 = arith.constant 0 : i32
      %dma_wait3A_350 = arith.constant 0 : i32
      %dma_wait3A_351 = arith.constant 1 : i32
      %dma_wait3A_352 = arith.constant 0 : i32
      %dma_wait3A_353 = arith.constant 0 : i32
      %dma_wait3A_354 = tpu.memref_slice %arg9[%dma_wait3A_351, %dma_wait3A_352, %dma_wait3A_353] : memref<4x64x128xf32, #tpu.memory_space<vmem>> -> memref<1x64x128xf32, #tpu.memory_space<vmem>>
      %dma_wait3A_355 = tpu.memref_squeeze %dma_wait3A_354 : memref<1x64x128xf32, #tpu.memory_space<vmem>> -> memref<64x128xf32, #tpu.memory_space<vmem>>
      %dma_wait3A_356 = arith.constant 0 : i32
      %dma_wait3A_357 = tpu.memref_slice %arg7[%dma_wait3A_349, %dma_wait3A_350, %dma_wait3A_356] : memref<2x8x64xi32, #tpu.memory_space<vmem>> -> memref<1x1x64xi32, #tpu.memory_space<vmem>>
      %dma_wait3A_358 = tpu.memref_squeeze %dma_wait3A_357 : memref<1x1x64xi32, #tpu.memory_space<vmem>> -> memref<64xi32, #tpu.memory_space<vmem>>
      %dma_wait3A_359 = arith.constant 0 : i32
      %dma_wait3A_360 = arith.constant 0 : i32
      %dma_wait3A_361 = tpu.memref_slice %arg4[%dma_wait3A_359, %dma_wait3A_360] : memref<10000x128xf32, #tpu.memory_space<hbm>> -> memref<10000x128xf32, #tpu.memory_space<hbm>>
      tpu.wait_indirect_dma semaphore(%arg12 : memref<!tpu.dma_semaphore, #tpu.memory_space<semaphore_mem>>) src(%dma_wait3A_361 : memref<10000x128xf32, #tpu.memory_space<hbm>>) dst(%dma_wait3A_355 : memref<64x128xf32, #tpu.memory_space<vmem>>)
      %dma_start3A_362 = arith.constant 1 : i32
      %dma_start3A_363 = arith.constant 0 : i32
      %dma_start3A_364 = arith.constant 1 : i32
      %dma_start3A_365 = arith.constant 0 : i32
      %dma_start3A_366 = arith.constant 0 : i32
      %dma_start3A_367 = tpu.memref_slice %arg9[%dma_start3A_362, %dma_start3A_365, %dma_start3A_366] : memref<4x64x128xf32, #tpu.memory_space<vmem>> -> memref<1x64x128xf32, #tpu.memory_space<vmem>>
      %dma_start3A_368 = tpu.memref_squeeze %dma_start3A_367 : memref<1x64x128xf32, #tpu.memory_space<vmem>> -> memref<64x128xf32, #tpu.memory_space<vmem>>
      %dma_start3A_369 = arith.constant 0 : i32
      %dma_start3A_370 = tpu.memref_slice %arg8[%dma_start3A_363, %dma_start3A_364, %dma_start3A_369] : memref<2x8x64xi32, #tpu.memory_space<vmem>> -> memref<1x1x64xi32, #tpu.memory_space<vmem>>
      %dma_start3A_371 = tpu.memref_squeeze %dma_start3A_370 : memref<1x1x64xi32, #tpu.memory_space<vmem>> -> memref<64xi32, #tpu.memory_space<vmem>>
      %dma_start3A_372 = arith.constant 0 : i32
      %dma_start3A_373 = arith.constant 0 : i32
      %dma_start3A_374 = tpu.memref_slice %arg10[%dma_start3A_372, %dma_start3A_373] : memref<10240x128xf32, #tpu.memory_space<vmem_shared>> -> memref<10240x128xf32, #tpu.memory_space<vmem_shared>>
      tpu.enqueue_indirect_dma source(%dma_start3A_368 : memref<64x128xf32, #tpu.memory_space<vmem>>) target(%dma_start3A_374 : memref<10240x128xf32, #tpu.memory_space<vmem_shared>>) offsets(%dma_start3A_371 : memref<64xi32, #tpu.memory_space<vmem>>) semaphore(%arg16 : memref<!tpu.dma_semaphore, #tpu.memory_space<semaphore_mem>>) {add = true}
      %dma_start3A_375 = arith.constant 0 : i32
      %dma_start3A_376 = arith.constant 1 : i32
      %dma_start3A_377 = arith.constant 0 : i32
      %dma_start3A_378 = tpu.memref_slice %arg8[%dma_start3A_375, %dma_start3A_376, %dma_start3A_377] : memref<2x8x64xi32, #tpu.memory_space<vmem>> -> memref<1x1x64xi32, #tpu.memory_space<vmem>>
      %dma_start3A_379 = tpu.memref_squeeze %dma_start3A_378 : memref<1x1x64xi32, #tpu.memory_space<vmem>> -> memref<64xi32, #tpu.memory_space<vmem>>
      %dma_start3A_380 = arith.constant 0 : i32
      %dma_start3A_381 = arith.constant 0 : i32
      %dma_start3A_382 = tpu.memref_slice %arg21[%dma_start3A_380, %dma_start3A_381] : memref<10240x16xf32, #tpu.memory_space<vmem_shared>> -> memref<10240x16xf32, #tpu.memory_space<vmem_shared>>
      tpu.enqueue_indirect_dma source(%arg20 : memref<64x16xf32, #tpu.memory_space<vmem>>) target(%dma_start3A_382 : memref<10240x16xf32, #tpu.memory_space<vmem_shared>>) offsets(%dma_start3A_379 : memref<64xi32, #tpu.memory_space<vmem>>) semaphore(%arg22 : memref<!tpu.dma_semaphore, #tpu.memory_space<semaphore_mem>>) {add = true}
      %dma_wait3A_383 = arith.constant 0 : i32
      %dma_wait3A_384 = arith.constant 0 : i32
      %dma_wait3A_385 = arith.constant 0 : i32
      %dma_wait3A_386 = arith.constant 0 : i32
      %dma_wait3A_387 = arith.constant 0 : i32
      %dma_wait3A_388 = tpu.memref_slice %arg9[%dma_wait3A_383, %dma_wait3A_386, %dma_wait3A_387] : memref<4x64x128xf32, #tpu.memory_space<vmem>> -> memref<1x64x128xf32, #tpu.memory_space<vmem>>
      %dma_wait3A_389 = tpu.memref_squeeze %dma_wait3A_388 : memref<1x64x128xf32, #tpu.memory_space<vmem>> -> memref<64x128xf32, #tpu.memory_space<vmem>>
      %dma_wait3A_390 = arith.constant 0 : i32
      %dma_wait3A_391 = tpu.memref_slice %arg8[%dma_wait3A_384, %dma_wait3A_385, %dma_wait3A_390] : memref<2x8x64xi32, #tpu.memory_space<vmem>> -> memref<1x1x64xi32, #tpu.memory_space<vmem>>
      %dma_wait3A_392 = tpu.memref_squeeze %dma_wait3A_391 : memref<1x1x64xi32, #tpu.memory_space<vmem>> -> memref<64xi32, #tpu.memory_space<vmem>>
      %dma_wait3A_393 = arith.constant 0 : i32
      %dma_wait3A_394 = arith.constant 0 : i32
      %dma_wait3A_395 = tpu.memref_slice %arg10[%dma_wait3A_393, %dma_wait3A_394] : memref<10240x128xf32, #tpu.memory_space<vmem_shared>> -> memref<10240x128xf32, #tpu.memory_space<vmem_shared>>
      tpu.wait_indirect_dma semaphore(%arg15 : memref<!tpu.dma_semaphore, #tpu.memory_space<semaphore_mem>>) src(%dma_wait3A_389 : memref<64x128xf32, #tpu.memory_space<vmem>>) dst(%dma_wait3A_395 : memref<10240x128xf32, #tpu.memory_space<vmem_shared>>)
      %dma_start3A_396 = arith.constant 0 : i32
      %dma_start3A_397 = arith.constant 4 : i32
      %dma_start3A_398 = arith.constant 0 : i32
      %dma_start3A_399 = arith.constant 0 : i32
      %dma_start3A_400 = arith.constant 0 : i32
      %dma_start3A_401 = tpu.memref_slice %arg9[%dma_start3A_398, %dma_start3A_399, %dma_start3A_400] : memref<4x64x128xf32, #tpu.memory_space<vmem>> -> memref<1x64x128xf32, #tpu.memory_space<vmem>>
      %dma_start3A_402 = tpu.memref_squeeze %dma_start3A_401 : memref<1x64x128xf32, #tpu.memory_space<vmem>> -> memref<64x128xf32, #tpu.memory_space<vmem>>
      %dma_start3A_403 = arith.constant 0 : i32
      %dma_start3A_404 = tpu.memref_slice %arg7[%dma_start3A_396, %dma_start3A_397, %dma_start3A_403] : memref<2x8x64xi32, #tpu.memory_space<vmem>> -> memref<1x1x64xi32, #tpu.memory_space<vmem>>
      %dma_start3A_405 = tpu.memref_squeeze %dma_start3A_404 : memref<1x1x64xi32, #tpu.memory_space<vmem>> -> memref<64xi32, #tpu.memory_space<vmem>>
      %dma_start3A_406 = arith.constant 0 : i32
      %dma_start3A_407 = arith.constant 0 : i32
      %dma_start3A_408 = tpu.memref_slice %arg4[%dma_start3A_406, %dma_start3A_407] : memref<10000x128xf32, #tpu.memory_space<hbm>> -> memref<10000x128xf32, #tpu.memory_space<hbm>>
      tpu.enqueue_indirect_dma source(%dma_start3A_408 : memref<10000x128xf32, #tpu.memory_space<hbm>>) target(%dma_start3A_402 : memref<64x128xf32, #tpu.memory_space<vmem>>) offsets(%dma_start3A_405 : memref<64xi32, #tpu.memory_space<vmem>>) semaphore(%arg11 : memref<!tpu.dma_semaphore, #tpu.memory_space<semaphore_mem>>)
      %dma_wait3A_409 = arith.constant 0 : i32
      %dma_wait3A_410 = arith.constant 0 : i32
      %dma_wait3A_411 = arith.constant 2 : i32
      %dma_wait3A_412 = arith.constant 0 : i32
      %dma_wait3A_413 = arith.constant 0 : i32
      %dma_wait3A_414 = tpu.memref_slice %arg9[%dma_wait3A_411, %dma_wait3A_412, %dma_wait3A_413] : memref<4x64x128xf32, #tpu.memory_space<vmem>> -> memref<1x64x128xf32, #tpu.memory_space<vmem>>
      %dma_wait3A_415 = tpu.memref_squeeze %dma_wait3A_414 : memref<1x64x128xf32, #tpu.memory_space<vmem>> -> memref<64x128xf32, #tpu.memory_space<vmem>>
      %dma_wait3A_416 = arith.constant 0 : i32
      %dma_wait3A_417 = tpu.memref_slice %arg7[%dma_wait3A_409, %dma_wait3A_410, %dma_wait3A_416] : memref<2x8x64xi32, #tpu.memory_space<vmem>> -> memref<1x1x64xi32, #tpu.memory_space<vmem>>
      %dma_wait3A_418 = tpu.memref_squeeze %dma_wait3A_417 : memref<1x1x64xi32, #tpu.memory_space<vmem>> -> memref<64xi32, #tpu.memory_space<vmem>>
      %dma_wait3A_419 = arith.constant 0 : i32
      %dma_wait3A_420 = arith.constant 0 : i32
      %dma_wait3A_421 = tpu.memref_slice %arg4[%dma_wait3A_419, %dma_wait3A_420] : memref<10000x128xf32, #tpu.memory_space<hbm>> -> memref<10000x128xf32, #tpu.memory_space<hbm>>
      tpu.wait_indirect_dma semaphore(%arg13 : memref<!tpu.dma_semaphore, #tpu.memory_space<semaphore_mem>>) src(%dma_wait3A_421 : memref<10000x128xf32, #tpu.memory_space<hbm>>) dst(%dma_wait3A_415 : memref<64x128xf32, #tpu.memory_space<vmem>>)
      %dma_start3A_422 = arith.constant 2 : i32
      %dma_start3A_423 = arith.constant 0 : i32
      %dma_start3A_424 = arith.constant 2 : i32
      %dma_start3A_425 = arith.constant 0 : i32
      %dma_start3A_426 = arith.constant 0 : i32
      %dma_start3A_427 = tpu.memref_slice %arg9[%dma_start3A_422, %dma_start3A_425, %dma_start3A_426] : memref<4x64x128xf32, #tpu.memory_space<vmem>> -> memref<1x64x128xf32, #tpu.memory_space<vmem>>
      %dma_start3A_428 = tpu.memref_squeeze %dma_start3A_427 : memref<1x64x128xf32, #tpu.memory_space<vmem>> -> memref<64x128xf32, #tpu.memory_space<vmem>>
      %dma_start3A_429 = arith.constant 0 : i32
      %dma_start3A_430 = tpu.memref_slice %arg8[%dma_start3A_423, %dma_start3A_424, %dma_start3A_429] : memref<2x8x64xi32, #tpu.memory_space<vmem>> -> memref<1x1x64xi32, #tpu.memory_space<vmem>>
      %dma_start3A_431 = tpu.memref_squeeze %dma_start3A_430 : memref<1x1x64xi32, #tpu.memory_space<vmem>> -> memref<64xi32, #tpu.memory_space<vmem>>
      %dma_start3A_432 = arith.constant 0 : i32
      %dma_start3A_433 = arith.constant 0 : i32
      %dma_start3A_434 = tpu.memref_slice %arg10[%dma_start3A_432, %dma_start3A_433] : memref<10240x128xf32, #tpu.memory_space<vmem_shared>> -> memref<10240x128xf32, #tpu.memory_space<vmem_shared>>
      tpu.enqueue_indirect_dma source(%dma_start3A_428 : memref<64x128xf32, #tpu.memory_space<vmem>>) target(%dma_start3A_434 : memref<10240x128xf32, #tpu.memory_space<vmem_shared>>) offsets(%dma_start3A_431 : memref<64xi32, #tpu.memory_space<vmem>>) semaphore(%arg17 : memref<!tpu.dma_semaphore, #tpu.memory_space<semaphore_mem>>) {add = true}
      %dma_start3A_435 = arith.constant 0 : i32
      %dma_start3A_436 = arith.constant 2 : i32
      %dma_start3A_437 = arith.constant 0 : i32
      %dma_start3A_438 = tpu.memref_slice %arg8[%dma_start3A_435, %dma_start3A_436, %dma_start3A_437] : memref<2x8x64xi32, #tpu.memory_space<vmem>> -> memref<1x1x64xi32, #tpu.memory_space<vmem>>
      %dma_start3A_439 = tpu.memref_squeeze %dma_start3A_438 : memref<1x1x64xi32, #tpu.memory_space<vmem>> -> memref<64xi32, #tpu.memory_space<vmem>>
      %dma_start3A_440 = arith.constant 0 : i32
      %dma_start3A_441 = arith.constant 0 : i32
      %dma_start3A_442 = tpu.memref_slice %arg21[%dma_start3A_440, %dma_start3A_441] : memref<10240x16xf32, #tpu.memory_space<vmem_shared>> -> memref<10240x16xf32, #tpu.memory_space<vmem_shared>>
      tpu.enqueue_indirect_dma source(%arg20 : memref<64x16xf32, #tpu.memory_space<vmem>>) target(%dma_start3A_442 : memref<10240x16xf32, #tpu.memory_space<vmem_shared>>) offsets(%dma_start3A_439 : memref<64xi32, #tpu.memory_space<vmem>>) semaphore(%arg22 : memref<!tpu.dma_semaphore, #tpu.memory_space<semaphore_mem>>) {add = true}
      %dma_wait3A_443 = arith.constant 1 : i32
      %dma_wait3A_444 = arith.constant 0 : i32
      %dma_wait3A_445 = arith.constant 0 : i32
      %dma_wait3A_446 = arith.constant 0 : i32
      %dma_wait3A_447 = arith.constant 0 : i32
      %dma_wait3A_448 = tpu.memref_slice %arg9[%dma_wait3A_443, %dma_wait3A_446, %dma_wait3A_447] : memref<4x64x128xf32, #tpu.memory_space<vmem>> -> memref<1x64x128xf32, #tpu.memory_space<vmem>>
      %dma_wait3A_449 = tpu.memref_squeeze %dma_wait3A_448 : memref<1x64x128xf32, #tpu.memory_space<vmem>> -> memref<64x128xf32, #tpu.memory_space<vmem>>
      %dma_wait3A_450 = arith.constant 0 : i32
      %dma_wait3A_451 = tpu.memref_slice %arg8[%dma_wait3A_444, %dma_wait3A_445, %dma_wait3A_450] : memref<2x8x64xi32, #tpu.memory_space<vmem>> -> memref<1x1x64xi32, #tpu.memory_space<vmem>>
      %dma_wait3A_452 = tpu.memref_squeeze %dma_wait3A_451 : memref<1x1x64xi32, #tpu.memory_space<vmem>> -> memref<64xi32, #tpu.memory_space<vmem>>
      %dma_wait3A_453 = arith.constant 0 : i32
      %dma_wait3A_454 = arith.constant 0 : i32
      %dma_wait3A_455 = tpu.memref_slice %arg10[%dma_wait3A_453, %dma_wait3A_454] : memref<10240x128xf32, #tpu.memory_space<vmem_shared>> -> memref<10240x128xf32, #tpu.memory_space<vmem_shared>>
      tpu.wait_indirect_dma semaphore(%arg16 : memref<!tpu.dma_semaphore, #tpu.memory_space<semaphore_mem>>) src(%dma_wait3A_449 : memref<64x128xf32, #tpu.memory_space<vmem>>) dst(%dma_wait3A_455 : memref<10240x128xf32, #tpu.memory_space<vmem_shared>>)
      %dma_start3A_456 = arith.constant 0 : i32
      %dma_start3A_457 = arith.constant 5 : i32
      %dma_start3A_458 = arith.constant 1 : i32
      %dma_start3A_459 = arith.constant 0 : i32
      %dma_start3A_460 = arith.constant 0 : i32
      %dma_start3A_461 = tpu.memref_slice %arg9[%dma_start3A_458, %dma_start3A_459, %dma_start3A_460] : memref<4x64x128xf32, #tpu.memory_space<vmem>> -> memref<1x64x128xf32, #tpu.memory_space<vmem>>
      %dma_start3A_462 = tpu.memref_squeeze %dma_start3A_461 : memref<1x64x128xf32, #tpu.memory_space<vmem>> -> memref<64x128xf32, #tpu.memory_space<vmem>>
      %dma_start3A_463 = arith.constant 0 : i32
      %dma_start3A_464 = tpu.memref_slice %arg7[%dma_start3A_456, %dma_start3A_457, %dma_start3A_463] : memref<2x8x64xi32, #tpu.memory_space<vmem>> -> memref<1x1x64xi32, #tpu.memory_space<vmem>>
      %dma_start3A_465 = tpu.memref_squeeze %dma_start3A_464 : memref<1x1x64xi32, #tpu.memory_space<vmem>> -> memref<64xi32, #tpu.memory_space<vmem>>
      %dma_start3A_466 = arith.constant 0 : i32
      %dma_start3A_467 = arith.constant 0 : i32
      %dma_start3A_468 = tpu.memref_slice %arg4[%dma_start3A_466, %dma_start3A_467] : memref<10000x128xf32, #tpu.memory_space<hbm>> -> memref<10000x128xf32, #tpu.memory_space<hbm>>
      tpu.enqueue_indirect_dma source(%dma_start3A_468 : memref<10000x128xf32, #tpu.memory_space<hbm>>) target(%dma_start3A_462 : memref<64x128xf32, #tpu.memory_space<vmem>>) offsets(%dma_start3A_465 : memref<64xi32, #tpu.memory_space<vmem>>) semaphore(%arg12 : memref<!tpu.dma_semaphore, #tpu.memory_space<semaphore_mem>>)
      %dma_wait3A_469 = arith.constant 0 : i32
      %dma_wait3A_470 = arith.constant 0 : i32
      %dma_wait3A_471 = arith.constant 3 : i32
      %dma_wait3A_472 = arith.constant 0 : i32
      %dma_wait3A_473 = arith.constant 0 : i32
      %dma_wait3A_474 = tpu.memref_slice %arg9[%dma_wait3A_471, %dma_wait3A_472, %dma_wait3A_473] : memref<4x64x128xf32, #tpu.memory_space<vmem>> -> memref<1x64x128xf32, #tpu.memory_space<vmem>>
      %dma_wait3A_475 = tpu.memref_squeeze %dma_wait3A_474 : memref<1x64x128xf32, #tpu.memory_space<vmem>> -> memref<64x128xf32, #tpu.memory_space<vmem>>
      %dma_wait3A_476 = arith.constant 0 : i32
      %dma_wait3A_477 = tpu.memref_slice %arg7[%dma_wait3A_469, %dma_wait3A_470, %dma_wait3A_476] : memref<2x8x64xi32, #tpu.memory_space<vmem>> -> memref<1x1x64xi32, #tpu.memory_space<vmem>>
      %dma_wait3A_478 = tpu.memref_squeeze %dma_wait3A_477 : memref<1x1x64xi32, #tpu.memory_space<vmem>> -> memref<64xi32, #tpu.memory_space<vmem>>
      %dma_wait3A_479 = arith.constant 0 : i32
      %dma_wait3A_480 = arith.constant 0 : i32
      %dma_wait3A_481 = tpu.memref_slice %arg4[%dma_wait3A_479, %dma_wait3A_480] : memref<10000x128xf32, #tpu.memory_space<hbm>> -> memref<10000x128xf32, #tpu.memory_space<hbm>>
      tpu.wait_indirect_dma semaphore(%arg14 : memref<!tpu.dma_semaphore, #tpu.memory_space<semaphore_mem>>) src(%dma_wait3A_481 : memref<10000x128xf32, #tpu.memory_space<hbm>>) dst(%dma_wait3A_475 : memref<64x128xf32, #tpu.memory_space<vmem>>)
      %dma_start3A_482 = arith.constant 3 : i32
      %dma_start3A_483 = arith.constant 0 : i32
      %dma_start3A_484 = arith.constant 3 : i32
      %dma_start3A_485 = arith.constant 0 : i32
      %dma_start3A_486 = arith.constant 0 : i32
      %dma_start3A_487 = tpu.memref_slice %arg9[%dma_start3A_482, %dma_start3A_485, %dma_start3A_486] : memref<4x64x128xf32, #tpu.memory_space<vmem>> -> memref<1x64x128xf32, #tpu.memory_space<vmem>>
      %dma_start3A_488 = tpu.memref_squeeze %dma_start3A_487 : memref<1x64x128xf32, #tpu.memory_space<vmem>> -> memref<64x128xf32, #tpu.memory_space<vmem>>
      %dma_start3A_489 = arith.constant 0 : i32
      %dma_start3A_490 = tpu.memref_slice %arg8[%dma_start3A_483, %dma_start3A_484, %dma_start3A_489] : memref<2x8x64xi32, #tpu.memory_space<vmem>> -> memref<1x1x64xi32, #tpu.memory_space<vmem>>
      %dma_start3A_491 = tpu.memref_squeeze %dma_start3A_490 : memref<1x1x64xi32, #tpu.memory_space<vmem>> -> memref<64xi32, #tpu.memory_space<vmem>>
      %dma_start3A_492 = arith.constant 0 : i32
      %dma_start3A_493 = arith.constant 0 : i32
      %dma_start3A_494 = tpu.memref_slice %arg10[%dma_start3A_492, %dma_start3A_493] : memref<10240x128xf32, #tpu.memory_space<vmem_shared>> -> memref<10240x128xf32, #tpu.memory_space<vmem_shared>>
      tpu.enqueue_indirect_dma source(%dma_start3A_488 : memref<64x128xf32, #tpu.memory_space<vmem>>) target(%dma_start3A_494 : memref<10240x128xf32, #tpu.memory_space<vmem_shared>>) offsets(%dma_start3A_491 : memref<64xi32, #tpu.memory_space<vmem>>) semaphore(%arg18 : memref<!tpu.dma_semaphore, #tpu.memory_space<semaphore_mem>>) {add = true}
      %dma_start3A_495 = arith.constant 0 : i32
      %dma_start3A_496 = arith.constant 3 : i32
      %dma_start3A_497 = arith.constant 0 : i32
      %dma_start3A_498 = tpu.memref_slice %arg8[%dma_start3A_495, %dma_start3A_496, %dma_start3A_497] : memref<2x8x64xi32, #tpu.memory_space<vmem>> -> memref<1x1x64xi32, #tpu.memory_space<vmem>>
      %dma_start3A_499 = tpu.memref_squeeze %dma_start3A_498 : memref<1x1x64xi32, #tpu.memory_space<vmem>> -> memref<64xi32, #tpu.memory_space<vmem>>
      %dma_start3A_500 = arith.constant 0 : i32
      %dma_start3A_501 = arith.constant 0 : i32
      %dma_start3A_502 = tpu.memref_slice %arg21[%dma_start3A_500, %dma_start3A_501] : memref<10240x16xf32, #tpu.memory_space<vmem_shared>> -> memref<10240x16xf32, #tpu.memory_space<vmem_shared>>
      tpu.enqueue_indirect_dma source(%arg20 : memref<64x16xf32, #tpu.memory_space<vmem>>) target(%dma_start3A_502 : memref<10240x16xf32, #tpu.memory_space<vmem_shared>>) offsets(%dma_start3A_499 : memref<64xi32, #tpu.memory_space<vmem>>) semaphore(%arg22 : memref<!tpu.dma_semaphore, #tpu.memory_space<semaphore_mem>>) {add = true}
      %dma_wait3A_503 = arith.constant 2 : i32
      %dma_wait3A_504 = arith.constant 0 : i32
      %dma_wait3A_505 = arith.constant 0 : i32
      %dma_wait3A_506 = arith.constant 0 : i32
      %dma_wait3A_507 = arith.constant 0 : i32
      %dma_wait3A_508 = tpu.memref_slice %arg9[%dma_wait3A_503, %dma_wait3A_506, %dma_wait3A_507] : memref<4x64x128xf32, #tpu.memory_space<vmem>> -> memref<1x64x128xf32, #tpu.memory_space<vmem>>
      %dma_wait3A_509 = tpu.memref_squeeze %dma_wait3A_508 : memref<1x64x128xf32, #tpu.memory_space<vmem>> -> memref<64x128xf32, #tpu.memory_space<vmem>>
      %dma_wait3A_510 = arith.constant 0 : i32
      %dma_wait3A_511 = tpu.memref_slice %arg8[%dma_wait3A_504, %dma_wait3A_505, %dma_wait3A_510] : memref<2x8x64xi32, #tpu.memory_space<vmem>> -> memref<1x1x64xi32, #tpu.memory_space<vmem>>
      %dma_wait3A_512 = tpu.memref_squeeze %dma_wait3A_511 : memref<1x1x64xi32, #tpu.memory_space<vmem>> -> memref<64xi32, #tpu.memory_space<vmem>>
      %dma_wait3A_513 = arith.constant 0 : i32
      %dma_wait3A_514 = arith.constant 0 : i32
      %dma_wait3A_515 = tpu.memref_slice %arg10[%dma_wait3A_513, %dma_wait3A_514] : memref<10240x128xf32, #tpu.memory_space<vmem_shared>> -> memref<10240x128xf32, #tpu.memory_space<vmem_shared>>
      tpu.wait_indirect_dma semaphore(%arg17 : memref<!tpu.dma_semaphore, #tpu.memory_space<semaphore_mem>>) src(%dma_wait3A_509 : memref<64x128xf32, #tpu.memory_space<vmem>>) dst(%dma_wait3A_515 : memref<10240x128xf32, #tpu.memory_space<vmem_shared>>)
      %dma_start3A_516 = arith.constant 0 : i32
      %dma_start3A_517 = arith.constant 6 : i32
      %dma_start3A_518 = arith.constant 2 : i32
      %dma_start3A_519 = arith.constant 0 : i32
      %dma_start3A_520 = arith.constant 0 : i32
      %dma_start3A_521 = tpu.memref_slice %arg9[%dma_start3A_518, %dma_start3A_519, %dma_start3A_520] : memref<4x64x128xf32, #tpu.memory_space<vmem>> -> memref<1x64x128xf32, #tpu.memory_space<vmem>>
      %dma_start3A_522 = tpu.memref_squeeze %dma_start3A_521 : memref<1x64x128xf32, #tpu.memory_space<vmem>> -> memref<64x128xf32, #tpu.memory_space<vmem>>
      %dma_start3A_523 = arith.constant 0 : i32
      %dma_start3A_524 = tpu.memref_slice %arg7[%dma_start3A_516, %dma_start3A_517, %dma_start3A_523] : memref<2x8x64xi32, #tpu.memory_space<vmem>> -> memref<1x1x64xi32, #tpu.memory_space<vmem>>
      %dma_start3A_525 = tpu.memref_squeeze %dma_start3A_524 : memref<1x1x64xi32, #tpu.memory_space<vmem>> -> memref<64xi32, #tpu.memory_space<vmem>>
      %dma_start3A_526 = arith.constant 0 : i32
      %dma_start3A_527 = arith.constant 0 : i32
      %dma_start3A_528 = tpu.memref_slice %arg4[%dma_start3A_526, %dma_start3A_527] : memref<10000x128xf32, #tpu.memory_space<hbm>> -> memref<10000x128xf32, #tpu.memory_space<hbm>>
      tpu.enqueue_indirect_dma source(%dma_start3A_528 : memref<10000x128xf32, #tpu.memory_space<hbm>>) target(%dma_start3A_522 : memref<64x128xf32, #tpu.memory_space<vmem>>) offsets(%dma_start3A_525 : memref<64xi32, #tpu.memory_space<vmem>>) semaphore(%arg13 : memref<!tpu.dma_semaphore, #tpu.memory_space<semaphore_mem>>)
      %dma_wait3A_529 = arith.constant 0 : i32
      %dma_wait3A_530 = arith.constant 0 : i32
      %dma_wait3A_531 = arith.constant 0 : i32
      %dma_wait3A_532 = arith.constant 0 : i32
      %dma_wait3A_533 = arith.constant 0 : i32
      %dma_wait3A_534 = tpu.memref_slice %arg9[%dma_wait3A_531, %dma_wait3A_532, %dma_wait3A_533] : memref<4x64x128xf32, #tpu.memory_space<vmem>> -> memref<1x64x128xf32, #tpu.memory_space<vmem>>
      %dma_wait3A_535 = tpu.memref_squeeze %dma_wait3A_534 : memref<1x64x128xf32, #tpu.memory_space<vmem>> -> memref<64x128xf32, #tpu.memory_space<vmem>>
      %dma_wait3A_536 = arith.constant 0 : i32
      %dma_wait3A_537 = tpu.memref_slice %arg7[%dma_wait3A_529, %dma_wait3A_530, %dma_wait3A_536] : memref<2x8x64xi32, #tpu.memory_space<vmem>> -> memref<1x1x64xi32, #tpu.memory_space<vmem>>
      %dma_wait3A_538 = tpu.memref_squeeze %dma_wait3A_537 : memref<1x1x64xi32, #tpu.memory_space<vmem>> -> memref<64xi32, #tpu.memory_space<vmem>>
      %dma_wait3A_539 = arith.constant 0 : i32
      %dma_wait3A_540 = arith.constant 0 : i32
      %dma_wait3A_541 = tpu.memref_slice %arg4[%dma_wait3A_539, %dma_wait3A_540] : memref<10000x128xf32, #tpu.memory_space<hbm>> -> memref<10000x128xf32, #tpu.memory_space<hbm>>
      tpu.wait_indirect_dma semaphore(%arg11 : memref<!tpu.dma_semaphore, #tpu.memory_space<semaphore_mem>>) src(%dma_wait3A_541 : memref<10000x128xf32, #tpu.memory_space<hbm>>) dst(%dma_wait3A_535 : memref<64x128xf32, #tpu.memory_space<vmem>>)
      %dma_start3A_542 = arith.constant 0 : i32
      %dma_start3A_543 = arith.constant 0 : i32
      %dma_start3A_544 = arith.constant 4 : i32
      %dma_start3A_545 = arith.constant 0 : i32
      %dma_start3A_546 = arith.constant 0 : i32
      %dma_start3A_547 = tpu.memref_slice %arg9[%dma_start3A_542, %dma_start3A_545, %dma_start3A_546] : memref<4x64x128xf32, #tpu.memory_space<vmem>> -> memref<1x64x128xf32, #tpu.memory_space<vmem>>
      %dma_start3A_548 = tpu.memref_squeeze %dma_start3A_547 : memref<1x64x128xf32, #tpu.memory_space<vmem>> -> memref<64x128xf32, #tpu.memory_space<vmem>>
      %dma_start3A_549 = arith.constant 0 : i32
      %dma_start3A_550 = tpu.memref_slice %arg8[%dma_start3A_543, %dma_start3A_544, %dma_start3A_549] : memref<2x8x64xi32, #tpu.memory_space<vmem>> -> memref<1x1x64xi32, #tpu.memory_space<vmem>>
      %dma_start3A_551 = tpu.memref_squeeze %dma_start3A_550 : memref<1x1x64xi32, #tpu.memory_space<vmem>> -> memref<64xi32, #tpu.memory_space<vmem>>
      %dma_start3A_552 = arith.constant 0 : i32
      %dma_start3A_553 = arith.constant 0 : i32
      %dma_start3A_554 = tpu.memref_slice %arg10[%dma_start3A_552, %dma_start3A_553] : memref<10240x128xf32, #tpu.memory_space<vmem_shared>> -> memref<10240x128xf32, #tpu.memory_space<vmem_shared>>
      tpu.enqueue_indirect_dma source(%dma_start3A_548 : memref<64x128xf32, #tpu.memory_space<vmem>>) target(%dma_start3A_554 : memref<10240x128xf32, #tpu.memory_space<vmem_shared>>) offsets(%dma_start3A_551 : memref<64xi32, #tpu.memory_space<vmem>>) semaphore(%arg15 : memref<!tpu.dma_semaphore, #tpu.memory_space<semaphore_mem>>) {add = true}
      %dma_start3A_555 = arith.constant 0 : i32
      %dma_start3A_556 = arith.constant 4 : i32
      %dma_start3A_557 = arith.constant 0 : i32
      %dma_start3A_558 = tpu.memref_slice %arg8[%dma_start3A_555, %dma_start3A_556, %dma_start3A_557] : memref<2x8x64xi32, #tpu.memory_space<vmem>> -> memref<1x1x64xi32, #tpu.memory_space<vmem>>
      %dma_start3A_559 = tpu.memref_squeeze %dma_start3A_558 : memref<1x1x64xi32, #tpu.memory_space<vmem>> -> memref<64xi32, #tpu.memory_space<vmem>>
      %dma_start3A_560 = arith.constant 0 : i32
      %dma_start3A_561 = arith.constant 0 : i32
      %dma_start3A_562 = tpu.memref_slice %arg21[%dma_start3A_560, %dma_start3A_561] : memref<10240x16xf32, #tpu.memory_space<vmem_shared>> -> memref<10240x16xf32, #tpu.memory_space<vmem_shared>>
      tpu.enqueue_indirect_dma source(%arg20 : memref<64x16xf32, #tpu.memory_space<vmem>>) target(%dma_start3A_562 : memref<10240x16xf32, #tpu.memory_space<vmem_shared>>) offsets(%dma_start3A_559 : memref<64xi32, #tpu.memory_space<vmem>>) semaphore(%arg22 : memref<!tpu.dma_semaphore, #tpu.memory_space<semaphore_mem>>) {add = true}
      %dma_wait3A_563 = arith.constant 3 : i32
      %dma_wait3A_564 = arith.constant 0 : i32
      %dma_wait3A_565 = arith.constant 0 : i32
      %dma_wait3A_566 = arith.constant 0 : i32
      %dma_wait3A_567 = arith.constant 0 : i32
      %dma_wait3A_568 = tpu.memref_slice %arg9[%dma_wait3A_563, %dma_wait3A_566, %dma_wait3A_567] : memref<4x64x128xf32, #tpu.memory_space<vmem>> -> memref<1x64x128xf32, #tpu.memory_space<vmem>>
      %dma_wait3A_569 = tpu.memref_squeeze %dma_wait3A_568 : memref<1x64x128xf32, #tpu.memory_space<vmem>> -> memref<64x128xf32, #tpu.memory_space<vmem>>
      %dma_wait3A_570 = arith.constant 0 : i32
      %dma_wait3A_571 = tpu.memref_slice %arg8[%dma_wait3A_564, %dma_wait3A_565, %dma_wait3A_570] : memref<2x8x64xi32, #tpu.memory_space<vmem>> -> memref<1x1x64xi32, #tpu.memory_space<vmem>>
      %dma_wait3A_572 = tpu.memref_squeeze %dma_wait3A_571 : memref<1x1x64xi32, #tpu.memory_space<vmem>> -> memref<64xi32, #tpu.memory_space<vmem>>
      %dma_wait3A_573 = arith.constant 0 : i32
      %dma_wait3A_574 = arith.constant 0 : i32
      %dma_wait3A_575 = tpu.memref_slice %arg10[%dma_wait3A_573, %dma_wait3A_574] : memref<10240x128xf32, #tpu.memory_space<vmem_shared>> -> memref<10240x128xf32, #tpu.memory_space<vmem_shared>>
      tpu.wait_indirect_dma semaphore(%arg18 : memref<!tpu.dma_semaphore, #tpu.memory_space<semaphore_mem>>) src(%dma_wait3A_569 : memref<64x128xf32, #tpu.memory_space<vmem>>) dst(%dma_wait3A_575 : memref<10240x128xf32, #tpu.memory_space<vmem_shared>>)
      %dma_start3A_576 = arith.constant 0 : i32
      %dma_start3A_577 = arith.constant 7 : i32
      %dma_start3A_578 = arith.constant 3 : i32
      %dma_start3A_579 = arith.constant 0 : i32
      %dma_start3A_580 = arith.constant 0 : i32
      %dma_start3A_581 = tpu.memref_slice %arg9[%dma_start3A_578, %dma_start3A_579, %dma_start3A_580] : memref<4x64x128xf32, #tpu.memory_space<vmem>> -> memref<1x64x128xf32, #tpu.memory_space<vmem>>
      %dma_start3A_582 = tpu.memref_squeeze %dma_start3A_581 : memref<1x64x128xf32, #tpu.memory_space<vmem>> -> memref<64x128xf32, #tpu.memory_space<vmem>>
      %dma_start3A_583 = arith.constant 0 : i32
      %dma_start3A_584 = tpu.memref_slice %arg7[%dma_start3A_576, %dma_start3A_577, %dma_start3A_583] : memref<2x8x64xi32, #tpu.memory_space<vmem>> -> memref<1x1x64xi32, #tpu.memory_space<vmem>>
      %dma_start3A_585 = tpu.memref_squeeze %dma_start3A_584 : memref<1x1x64xi32, #tpu.memory_space<vmem>> -> memref<64xi32, #tpu.memory_space<vmem>>
      %dma_start3A_586 = arith.constant 0 : i32
      %dma_start3A_587 = arith.constant 0 : i32
      %dma_start3A_588 = tpu.memref_slice %arg4[%dma_start3A_586, %dma_start3A_587] : memref<10000x128xf32, #tpu.memory_space<hbm>> -> memref<10000x128xf32, #tpu.memory_space<hbm>>
      tpu.enqueue_indirect_dma source(%dma_start3A_588 : memref<10000x128xf32, #tpu.memory_space<hbm>>) target(%dma_start3A_582 : memref<64x128xf32, #tpu.memory_space<vmem>>) offsets(%dma_start3A_585 : memref<64xi32, #tpu.memory_space<vmem>>) semaphore(%arg14 : memref<!tpu.dma_semaphore, #tpu.memory_space<semaphore_mem>>)
      %dma_wait3A_589 = arith.constant 0 : i32
      %dma_wait3A_590 = arith.constant 0 : i32
      %dma_wait3A_591 = arith.constant 1 : i32
      %dma_wait3A_592 = arith.constant 0 : i32
      %dma_wait3A_593 = arith.constant 0 : i32
      %dma_wait3A_594 = tpu.memref_slice %arg9[%dma_wait3A_591, %dma_wait3A_592, %dma_wait3A_593] : memref<4x64x128xf32, #tpu.memory_space<vmem>> -> memref<1x64x128xf32, #tpu.memory_space<vmem>>
      %dma_wait3A_595 = tpu.memref_squeeze %dma_wait3A_594 : memref<1x64x128xf32, #tpu.memory_space<vmem>> -> memref<64x128xf32, #tpu.memory_space<vmem>>
      %dma_wait3A_596 = arith.constant 0 : i32
      %dma_wait3A_597 = tpu.memref_slice %arg7[%dma_wait3A_589, %dma_wait3A_590, %dma_wait3A_596] : memref<2x8x64xi32, #tpu.memory_space<vmem>> -> memref<1x1x64xi32, #tpu.memory_space<vmem>>
      %dma_wait3A_598 = tpu.memref_squeeze %dma_wait3A_597 : memref<1x1x64xi32, #tpu.memory_space<vmem>> -> memref<64xi32, #tpu.memory_space<vmem>>
      %dma_wait3A_599 = arith.constant 0 : i32
      %dma_wait3A_600 = arith.constant 0 : i32
      %dma_wait3A_601 = tpu.memref_slice %arg4[%dma_wait3A_599, %dma_wait3A_600] : memref<10000x128xf32, #tpu.memory_space<hbm>> -> memref<10000x128xf32, #tpu.memory_space<hbm>>
      tpu.wait_indirect_dma semaphore(%arg12 : memref<!tpu.dma_semaphore, #tpu.memory_space<semaphore_mem>>) src(%dma_wait3A_601 : memref<10000x128xf32, #tpu.memory_space<hbm>>) dst(%dma_wait3A_595 : memref<64x128xf32, #tpu.memory_space<vmem>>)
      %dma_start3A_602 = arith.constant 1 : i32
      %dma_start3A_603 = arith.constant 0 : i32
      %dma_start3A_604 = arith.constant 5 : i32
      %dma_start3A_605 = arith.constant 0 : i32
      %dma_start3A_606 = arith.constant 0 : i32
      %dma_start3A_607 = tpu.memref_slice %arg9[%dma_start3A_602, %dma_start3A_605, %dma_start3A_606] : memref<4x64x128xf32, #tpu.memory_space<vmem>> -> memref<1x64x128xf32, #tpu.memory_space<vmem>>
      %dma_start3A_608 = tpu.memref_squeeze %dma_start3A_607 : memref<1x64x128xf32, #tpu.memory_space<vmem>> -> memref<64x128xf32, #tpu.memory_space<vmem>>
      %dma_start3A_609 = arith.constant 0 : i32
      %dma_start3A_610 = tpu.memref_slice %arg8[%dma_start3A_603, %dma_start3A_604, %dma_start3A_609] : memref<2x8x64xi32, #tpu.memory_space<vmem>> -> memref<1x1x64xi32, #tpu.memory_space<vmem>>
      %dma_start3A_611 = tpu.memref_squeeze %dma_start3A_610 : memref<1x1x64xi32, #tpu.memory_space<vmem>> -> memref<64xi32, #tpu.memory_space<vmem>>
      %dma_start3A_612 = arith.constant 0 : i32
      %dma_start3A_613 = arith.constant 0 : i32
      %dma_start3A_614 = tpu.memref_slice %arg10[%dma_start3A_612, %dma_start3A_613] : memref<10240x128xf32, #tpu.memory_space<vmem_shared>> -> memref<10240x128xf32, #tpu.memory_space<vmem_shared>>
      tpu.enqueue_indirect_dma source(%dma_start3A_608 : memref<64x128xf32, #tpu.memory_space<vmem>>) target(%dma_start3A_614 : memref<10240x128xf32, #tpu.memory_space<vmem_shared>>) offsets(%dma_start3A_611 : memref<64xi32, #tpu.memory_space<vmem>>) semaphore(%arg16 : memref<!tpu.dma_semaphore, #tpu.memory_space<semaphore_mem>>) {add = true}
      %dma_start3A_615 = arith.constant 0 : i32
      %dma_start3A_616 = arith.constant 5 : i32
      %dma_start3A_617 = arith.constant 0 : i32
      %dma_start3A_618 = tpu.memref_slice %arg8[%dma_start3A_615, %dma_start3A_616, %dma_start3A_617] : memref<2x8x64xi32, #tpu.memory_space<vmem>> -> memref<1x1x64xi32, #tpu.memory_space<vmem>>
      %dma_start3A_619 = tpu.memref_squeeze %dma_start3A_618 : memref<1x1x64xi32, #tpu.memory_space<vmem>> -> memref<64xi32, #tpu.memory_space<vmem>>
      %dma_start3A_620 = arith.constant 0 : i32
      %dma_start3A_621 = arith.constant 0 : i32
      %dma_start3A_622 = tpu.memref_slice %arg21[%dma_start3A_620, %dma_start3A_621] : memref<10240x16xf32, #tpu.memory_space<vmem_shared>> -> memref<10240x16xf32, #tpu.memory_space<vmem_shared>>
      tpu.enqueue_indirect_dma source(%arg20 : memref<64x16xf32, #tpu.memory_space<vmem>>) target(%dma_start3A_622 : memref<10240x16xf32, #tpu.memory_space<vmem_shared>>) offsets(%dma_start3A_619 : memref<64xi32, #tpu.memory_space<vmem>>) semaphore(%arg22 : memref<!tpu.dma_semaphore, #tpu.memory_space<semaphore_mem>>) {add = true}
      %dma_wait3A_623 = arith.constant 0 : i32
      %dma_wait3A_624 = arith.constant 0 : i32
      %dma_wait3A_625 = arith.constant 0 : i32
      %dma_wait3A_626 = arith.constant 0 : i32
      %dma_wait3A_627 = arith.constant 0 : i32
      %dma_wait3A_628 = tpu.memref_slice %arg9[%dma_wait3A_623, %dma_wait3A_626, %dma_wait3A_627] : memref<4x64x128xf32, #tpu.memory_space<vmem>> -> memref<1x64x128xf32, #tpu.memory_space<vmem>>
      %dma_wait3A_629 = tpu.memref_squeeze %dma_wait3A_628 : memref<1x64x128xf32, #tpu.memory_space<vmem>> -> memref<64x128xf32, #tpu.memory_space<vmem>>
      %dma_wait3A_630 = arith.constant 0 : i32
      %dma_wait3A_631 = tpu.memref_slice %arg8[%dma_wait3A_624, %dma_wait3A_625, %dma_wait3A_630] : memref<2x8x64xi32, #tpu.memory_space<vmem>> -> memref<1x1x64xi32, #tpu.memory_space<vmem>>
      %dma_wait3A_632 = tpu.memref_squeeze %dma_wait3A_631 : memref<1x1x64xi32, #tpu.memory_space<vmem>> -> memref<64xi32, #tpu.memory_space<vmem>>
      %dma_wait3A_633 = arith.constant 0 : i32
      %dma_wait3A_634 = arith.constant 0 : i32
      %dma_wait3A_635 = tpu.memref_slice %arg10[%dma_wait3A_633, %dma_wait3A_634] : memref<10240x128xf32, #tpu.memory_space<vmem_shared>> -> memref<10240x128xf32, #tpu.memory_space<vmem_shared>>
      tpu.wait_indirect_dma semaphore(%arg15 : memref<!tpu.dma_semaphore, #tpu.memory_space<semaphore_mem>>) src(%dma_wait3A_629 : memref<64x128xf32, #tpu.memory_space<vmem>>) dst(%dma_wait3A_635 : memref<10240x128xf32, #tpu.memory_space<vmem_shared>>)
      %add3A_636 = arith.constant 1 : i32
      %add3A_637 = arith.addi %add3A_257, %add3A_636 : i32
      %mul3A_638 = arith.constant 160 : i32
      %mul3A_639 = arith.muli %add3A, %mul3A_638 : i32
      %mul3A_640 = arith.constant 8 : i32
      %mul3A_641 = arith.muli %add3A_637, %mul3A_640 : i32
      %add3A_642 = arith.addi %mul3A_639, %mul3A_641 : i32
      %multiple_of3A_643 = tpu.assume_multiple %add3A_642, 4 : i32
      %dma_wait3A_644 = arith.constant 1 : i32
      %dma_wait3A_645 = arith.constant 0 : i32
      %dma_wait3A_646 = arith.constant 0 : i32
      %dma_wait3A_647 = tpu.memref_slice %arg7[%dma_wait3A_644, %dma_wait3A_645, %dma_wait3A_646] : memref<2x8x64xi32, #tpu.memory_space<vmem>> -> memref<1x8x64xi32, #tpu.memory_space<vmem>>
      %dma_wait3A_648 = tpu.memref_squeeze %dma_wait3A_647 : memref<1x8x64xi32, #tpu.memory_space<vmem>> -> memref<8x64xi32, #tpu.memory_space<vmem>>
      %dma_wait3A_649 = arith.constant 0 : i32
      %dma_wait3A_650 = tpu.memref_slice %arg2[%multiple_of3A_643, %dma_wait3A_649] : memref<5120x64xi32, #tpu.memory_space<hbm>> -> memref<8x64xi32, #tpu.memory_space<hbm>>
      %dma_wait3A_651 = arith.constant 0 : i32
      %dma_wait3A_652 = arith.constant 0 : i32
      %dma_wait3A_653 = tpu.memref_slice %arg7[%dma_wait3A_644, %dma_wait3A_651, %dma_wait3A_652] : memref<2x8x64xi32, #tpu.memory_space<vmem>> -> memref<1x8x64xi32, #tpu.memory_space<vmem>>
      %dma_wait3A_654 = tpu.memref_squeeze %dma_wait3A_653 : memref<1x8x64xi32, #tpu.memory_space<vmem>> -> memref<8x64xi32, #tpu.memory_space<vmem>>
      %dma_wait3A_655 = arith.constant 0 : i32
      %dma_wait3A_656 = tpu.memref_slice %arg2[%multiple_of3A_643, %dma_wait3A_655] : memref<5120x64xi32, #tpu.memory_space<hbm>> -> memref<8x64xi32, #tpu.memory_space<hbm>>
      tpu.wait_dma2 semaphore(%arg19 : memref<!tpu.dma_semaphore, #tpu.memory_space<semaphore_mem>>) src(%dma_wait3A_656 : memref<8x64xi32, #tpu.memory_space<hbm>>) dst(%dma_wait3A_654 : memref<8x64xi32, #tpu.memory_space<vmem>>)
      %add3A_657 = arith.constant 1 : i32
      %add3A_658 = arith.addi %add3A_257, %add3A_657 : i32
      %mul3A_659 = arith.constant 160 : i32
      %mul3A_660 = arith.muli %add3A, %mul3A_659 : i32
      %mul3A_661 = arith.constant 8 : i32
      %mul3A_662 = arith.muli %add3A_658, %mul3A_661 : i32
      %add3A_663 = arith.addi %mul3A_660, %mul3A_662 : i32
      %multiple_of3A_664 = tpu.assume_multiple %add3A_663, 4 : i32
      %dma_wait3A_665 = arith.constant 1 : i32
      %dma_wait3A_666 = arith.constant 0 : i32
      %dma_wait3A_667 = arith.constant 0 : i32
      %dma_wait3A_668 = tpu.memref_slice %arg8[%dma_wait3A_665, %dma_wait3A_666, %dma_wait3A_667] : memref<2x8x64xi32, #tpu.memory_space<vmem>> -> memref<1x8x64xi32, #tpu.memory_space<vmem>>
      %dma_wait3A_669 = tpu.memref_squeeze %dma_wait3A_668 : memref<1x8x64xi32, #tpu.memory_space<vmem>> -> memref<8x64xi32, #tpu.memory_space<vmem>>
      %dma_wait3A_670 = arith.constant 0 : i32
      %dma_wait3A_671 = tpu.memref_slice %arg3[%multiple_of3A_664, %dma_wait3A_670] : memref<5120x64xi32, #tpu.memory_space<hbm>> -> memref<8x64xi32, #tpu.memory_space<hbm>>
      %dma_wait3A_672 = arith.constant 0 : i32
      %dma_wait3A_673 = arith.constant 0 : i32
      %dma_wait3A_674 = tpu.memref_slice %arg8[%dma_wait3A_665, %dma_wait3A_672, %dma_wait3A_673] : memref<2x8x64xi32, #tpu.memory_space<vmem>> -> memref<1x8x64xi32, #tpu.memory_space<vmem>>
      %dma_wait3A_675 = tpu.memref_squeeze %dma_wait3A_674 : memref<1x8x64xi32, #tpu.memory_space<vmem>> -> memref<8x64xi32, #tpu.memory_space<vmem>>
      %dma_wait3A_676 = arith.constant 0 : i32
      %dma_wait3A_677 = tpu.memref_slice %arg3[%multiple_of3A_664, %dma_wait3A_676] : memref<5120x64xi32, #tpu.memory_space<hbm>> -> memref<8x64xi32, #tpu.memory_space<hbm>>
      tpu.wait_dma2 semaphore(%arg19 : memref<!tpu.dma_semaphore, #tpu.memory_space<semaphore_mem>>) src(%dma_wait3A_677 : memref<8x64xi32, #tpu.memory_space<hbm>>) dst(%dma_wait3A_675 : memref<8x64xi32, #tpu.memory_space<vmem>>)
      %dma_start3A_678 = arith.constant 1 : i32
      %dma_start3A_679 = arith.constant 0 : i32
      %dma_start3A_680 = arith.constant 0 : i32
      %dma_start3A_681 = arith.constant 0 : i32
      %dma_start3A_682 = arith.constant 0 : i32
      %dma_start3A_683 = tpu.memref_slice %arg9[%dma_start3A_680, %dma_start3A_681, %dma_start3A_682] : memref<4x64x128xf32, #tpu.memory_space<vmem>> -> memref<1x64x128xf32, #tpu.memory_space<vmem>>
      %dma_start3A_684 = tpu.memref_squeeze %dma_start3A_683 : memref<1x64x128xf32, #tpu.memory_space<vmem>> -> memref<64x128xf32, #tpu.memory_space<vmem>>
      %dma_start3A_685 = arith.constant 0 : i32
      %dma_start3A_686 = tpu.memref_slice %arg7[%dma_start3A_678, %dma_start3A_679, %dma_start3A_685] : memref<2x8x64xi32, #tpu.memory_space<vmem>> -> memref<1x1x64xi32, #tpu.memory_space<vmem>>
      %dma_start3A_687 = tpu.memref_squeeze %dma_start3A_686 : memref<1x1x64xi32, #tpu.memory_space<vmem>> -> memref<64xi32, #tpu.memory_space<vmem>>
      %dma_start3A_688 = arith.constant 0 : i32
      %dma_start3A_689 = arith.constant 0 : i32
      %dma_start3A_690 = tpu.memref_slice %arg4[%dma_start3A_688, %dma_start3A_689] : memref<10000x128xf32, #tpu.memory_space<hbm>> -> memref<10000x128xf32, #tpu.memory_space<hbm>>
      tpu.enqueue_indirect_dma source(%dma_start3A_690 : memref<10000x128xf32, #tpu.memory_space<hbm>>) target(%dma_start3A_684 : memref<64x128xf32, #tpu.memory_space<vmem>>) offsets(%dma_start3A_687 : memref<64xi32, #tpu.memory_space<vmem>>) semaphore(%arg11 : memref<!tpu.dma_semaphore, #tpu.memory_space<semaphore_mem>>)
      %dma_wait3A_691 = arith.constant 0 : i32
      %dma_wait3A_692 = arith.constant 0 : i32
      %dma_wait3A_693 = arith.constant 2 : i32
      %dma_wait3A_694 = arith.constant 0 : i32
      %dma_wait3A_695 = arith.constant 0 : i32
      %dma_wait3A_696 = tpu.memref_slice %arg9[%dma_wait3A_693, %dma_wait3A_694, %dma_wait3A_695] : memref<4x64x128xf32, #tpu.memory_space<vmem>> -> memref<1x64x128xf32, #tpu.memory_space<vmem>>
      %dma_wait3A_697 = tpu.memref_squeeze %dma_wait3A_696 : memref<1x64x128xf32, #tpu.memory_space<vmem>> -> memref<64x128xf32, #tpu.memory_space<vmem>>
      %dma_wait3A_698 = arith.constant 0 : i32
      %dma_wait3A_699 = tpu.memref_slice %arg7[%dma_wait3A_691, %dma_wait3A_692, %dma_wait3A_698] : memref<2x8x64xi32, #tpu.memory_space<vmem>> -> memref<1x1x64xi32, #tpu.memory_space<vmem>>
      %dma_wait3A_700 = tpu.memref_squeeze %dma_wait3A_699 : memref<1x1x64xi32, #tpu.memory_space<vmem>> -> memref<64xi32, #tpu.memory_space<vmem>>
      %dma_wait3A_701 = arith.constant 0 : i32
      %dma_wait3A_702 = arith.constant 0 : i32
      %dma_wait3A_703 = tpu.memref_slice %arg4[%dma_wait3A_701, %dma_wait3A_702] : memref<10000x128xf32, #tpu.memory_space<hbm>> -> memref<10000x128xf32, #tpu.memory_space<hbm>>
      tpu.wait_indirect_dma semaphore(%arg13 : memref<!tpu.dma_semaphore, #tpu.memory_space<semaphore_mem>>) src(%dma_wait3A_703 : memref<10000x128xf32, #tpu.memory_space<hbm>>) dst(%dma_wait3A_697 : memref<64x128xf32, #tpu.memory_space<vmem>>)
      %dma_start3A_704 = arith.constant 2 : i32
      %dma_start3A_705 = arith.constant 0 : i32
      %dma_start3A_706 = arith.constant 6 : i32
      %dma_start3A_707 = arith.constant 0 : i32
      %dma_start3A_708 = arith.constant 0 : i32
      %dma_start3A_709 = tpu.memref_slice %arg9[%dma_start3A_704, %dma_start3A_707, %dma_start3A_708] : memref<4x64x128xf32, #tpu.memory_space<vmem>> -> memref<1x64x128xf32, #tpu.memory_space<vmem>>
      %dma_start3A_710 = tpu.memref_squeeze %dma_start3A_709 : memref<1x64x128xf32, #tpu.memory_space<vmem>> -> memref<64x128xf32, #tpu.memory_space<vmem>>
      %dma_start3A_711 = arith.constant 0 : i32
      %dma_start3A_712 = tpu.memref_slice %arg8[%dma_start3A_705, %dma_start3A_706, %dma_start3A_711] : memref<2x8x64xi32, #tpu.memory_space<vmem>> -> memref<1x1x64xi32, #tpu.memory_space<vmem>>
      %dma_start3A_713 = tpu.memref_squeeze %dma_start3A_712 : memref<1x1x64xi32, #tpu.memory_space<vmem>> -> memref<64xi32, #tpu.memory_space<vmem>>
      %dma_start3A_714 = arith.constant 0 : i32
      %dma_start3A_715 = arith.constant 0 : i32
      %dma_start3A_716 = tpu.memref_slice %arg10[%dma_start3A_714, %dma_start3A_715] : memref<10240x128xf32, #tpu.memory_space<vmem_shared>> -> memref<10240x128xf32, #tpu.memory_space<vmem_shared>>
      tpu.enqueue_indirect_dma source(%dma_start3A_710 : memref<64x128xf32, #tpu.memory_space<vmem>>) target(%dma_start3A_716 : memref<10240x128xf32, #tpu.memory_space<vmem_shared>>) offsets(%dma_start3A_713 : memref<64xi32, #tpu.memory_space<vmem>>) semaphore(%arg17 : memref<!tpu.dma_semaphore, #tpu.memory_space<semaphore_mem>>) {add = true}
      %dma_start3A_717 = arith.constant 0 : i32
      %dma_start3A_718 = arith.constant 6 : i32
      %dma_start3A_719 = arith.constant 0 : i32
      %dma_start3A_720 = tpu.memref_slice %arg8[%dma_start3A_717, %dma_start3A_718, %dma_start3A_719] : memref<2x8x64xi32, #tpu.memory_space<vmem>> -> memref<1x1x64xi32, #tpu.memory_space<vmem>>
      %dma_start3A_721 = tpu.memref_squeeze %dma_start3A_720 : memref<1x1x64xi32, #tpu.memory_space<vmem>> -> memref<64xi32, #tpu.memory_space<vmem>>
      %dma_start3A_722 = arith.constant 0 : i32
      %dma_start3A_723 = arith.constant 0 : i32
      %dma_start3A_724 = tpu.memref_slice %arg21[%dma_start3A_722, %dma_start3A_723] : memref<10240x16xf32, #tpu.memory_space<vmem_shared>> -> memref<10240x16xf32, #tpu.memory_space<vmem_shared>>
      tpu.enqueue_indirect_dma source(%arg20 : memref<64x16xf32, #tpu.memory_space<vmem>>) target(%dma_start3A_724 : memref<10240x16xf32, #tpu.memory_space<vmem_shared>>) offsets(%dma_start3A_721 : memref<64xi32, #tpu.memory_space<vmem>>) semaphore(%arg22 : memref<!tpu.dma_semaphore, #tpu.memory_space<semaphore_mem>>) {add = true}
      %dma_wait3A_725 = arith.constant 1 : i32
      %dma_wait3A_726 = arith.constant 0 : i32
      %dma_wait3A_727 = arith.constant 0 : i32
      %dma_wait3A_728 = arith.constant 0 : i32
      %dma_wait3A_729 = arith.constant 0 : i32
      %dma_wait3A_730 = tpu.memref_slice %arg9[%dma_wait3A_725, %dma_wait3A_728, %dma_wait3A_729] : memref<4x64x128xf32, #tpu.memory_space<vmem>> -> memref<1x64x128xf32, #tpu.memory_space<vmem>>
      %dma_wait3A_731 = tpu.memref_squeeze %dma_wait3A_730 : memref<1x64x128xf32, #tpu.memory_space<vmem>> -> memref<64x128xf32, #tpu.memory_space<vmem>>
      %dma_wait3A_732 = arith.constant 0 : i32
      %dma_wait3A_733 = tpu.memref_slice %arg8[%dma_wait3A_726, %dma_wait3A_727, %dma_wait3A_732] : memref<2x8x64xi32, #tpu.memory_space<vmem>> -> memref<1x1x64xi32, #tpu.memory_space<vmem>>
      %dma_wait3A_734 = tpu.memref_squeeze %dma_wait3A_733 : memref<1x1x64xi32, #tpu.memory_space<vmem>> -> memref<64xi32, #tpu.memory_space<vmem>>
      %dma_wait3A_735 = arith.constant 0 : i32
      %dma_wait3A_736 = arith.constant 0 : i32
      %dma_wait3A_737 = tpu.memref_slice %arg10[%dma_wait3A_735, %dma_wait3A_736] : memref<10240x128xf32, #tpu.memory_space<vmem_shared>> -> memref<10240x128xf32, #tpu.memory_space<vmem_shared>>
      tpu.wait_indirect_dma semaphore(%arg16 : memref<!tpu.dma_semaphore, #tpu.memory_space<semaphore_mem>>) src(%dma_wait3A_731 : memref<64x128xf32, #tpu.memory_space<vmem>>) dst(%dma_wait3A_737 : memref<10240x128xf32, #tpu.memory_space<vmem_shared>>)
      %dma_start3A_738 = arith.constant 1 : i32
      %dma_start3A_739 = arith.constant 1 : i32
      %dma_start3A_740 = arith.constant 1 : i32
      %dma_start3A_741 = arith.constant 0 : i32
      %dma_start3A_742 = arith.constant 0 : i32
      %dma_start3A_743 = tpu.memref_slice %arg9[%dma_start3A_740, %dma_start3A_741, %dma_start3A_742] : memref<4x64x128xf32, #tpu.memory_space<vmem>> -> memref<1x64x128xf32, #tpu.memory_space<vmem>>
      %dma_start3A_744 = tpu.memref_squeeze %dma_start3A_743 : memref<1x64x128xf32, #tpu.memory_space<vmem>> -> memref<64x128xf32, #tpu.memory_space<vmem>>
      %dma_start3A_745 = arith.constant 0 : i32
      %dma_start3A_746 = tpu.memref_slice %arg7[%dma_start3A_738, %dma_start3A_739, %dma_start3A_745] : memref<2x8x64xi32, #tpu.memory_space<vmem>> -> memref<1x1x64xi32, #tpu.memory_space<vmem>>
      %dma_start3A_747 = tpu.memref_squeeze %dma_start3A_746 : memref<1x1x64xi32, #tpu.memory_space<vmem>> -> memref<64xi32, #tpu.memory_space<vmem>>
      %dma_start3A_748 = arith.constant 0 : i32
      %dma_start3A_749 = arith.constant 0 : i32
      %dma_start3A_750 = tpu.memref_slice %arg4[%dma_start3A_748, %dma_start3A_749] : memref<10000x128xf32, #tpu.memory_space<hbm>> -> memref<10000x128xf32, #tpu.memory_space<hbm>>
      tpu.enqueue_indirect_dma source(%dma_start3A_750 : memref<10000x128xf32, #tpu.memory_space<hbm>>) target(%dma_start3A_744 : memref<64x128xf32, #tpu.memory_space<vmem>>) offsets(%dma_start3A_747 : memref<64xi32, #tpu.memory_space<vmem>>) semaphore(%arg12 : memref<!tpu.dma_semaphore, #tpu.memory_space<semaphore_mem>>)
      %dma_wait3A_751 = arith.constant 0 : i32
      %dma_wait3A_752 = arith.constant 0 : i32
      %dma_wait3A_753 = arith.constant 3 : i32
      %dma_wait3A_754 = arith.constant 0 : i32
      %dma_wait3A_755 = arith.constant 0 : i32
      %dma_wait3A_756 = tpu.memref_slice %arg9[%dma_wait3A_753, %dma_wait3A_754, %dma_wait3A_755] : memref<4x64x128xf32, #tpu.memory_space<vmem>> -> memref<1x64x128xf32, #tpu.memory_space<vmem>>
      %dma_wait3A_757 = tpu.memref_squeeze %dma_wait3A_756 : memref<1x64x128xf32, #tpu.memory_space<vmem>> -> memref<64x128xf32, #tpu.memory_space<vmem>>
      %dma_wait3A_758 = arith.constant 0 : i32
      %dma_wait3A_759 = tpu.memref_slice %arg7[%dma_wait3A_751, %dma_wait3A_752, %dma_wait3A_758] : memref<2x8x64xi32, #tpu.memory_space<vmem>> -> memref<1x1x64xi32, #tpu.memory_space<vmem>>
      %dma_wait3A_760 = tpu.memref_squeeze %dma_wait3A_759 : memref<1x1x64xi32, #tpu.memory_space<vmem>> -> memref<64xi32, #tpu.memory_space<vmem>>
      %dma_wait3A_761 = arith.constant 0 : i32
      %dma_wait3A_762 = arith.constant 0 : i32
      %dma_wait3A_763 = tpu.memref_slice %arg4[%dma_wait3A_761, %dma_wait3A_762] : memref<10000x128xf32, #tpu.memory_space<hbm>> -> memref<10000x128xf32, #tpu.memory_space<hbm>>
      tpu.wait_indirect_dma semaphore(%arg14 : memref<!tpu.dma_semaphore, #tpu.memory_space<semaphore_mem>>) src(%dma_wait3A_763 : memref<10000x128xf32, #tpu.memory_space<hbm>>) dst(%dma_wait3A_757 : memref<64x128xf32, #tpu.memory_space<vmem>>)
      %dma_start3A_764 = arith.constant 3 : i32
      %dma_start3A_765 = arith.constant 0 : i32
      %dma_start3A_766 = arith.constant 7 : i32
      %dma_start3A_767 = arith.constant 0 : i32
      %dma_start3A_768 = arith.constant 0 : i32
      %dma_start3A_769 = tpu.memref_slice %arg9[%dma_start3A_764, %dma_start3A_767, %dma_start3A_768] : memref<4x64x128xf32, #tpu.memory_space<vmem>> -> memref<1x64x128xf32, #tpu.memory_space<vmem>>
      %dma_start3A_770 = tpu.memref_squeeze %dma_start3A_769 : memref<1x64x128xf32, #tpu.memory_space<vmem>> -> memref<64x128xf32, #tpu.memory_space<vmem>>
      %dma_start3A_771 = arith.constant 0 : i32
      %dma_start3A_772 = tpu.memref_slice %arg8[%dma_start3A_765, %dma_start3A_766, %dma_start3A_771] : memref<2x8x64xi32, #tpu.memory_space<vmem>> -> memref<1x1x64xi32, #tpu.memory_space<vmem>>
      %dma_start3A_773 = tpu.memref_squeeze %dma_start3A_772 : memref<1x1x64xi32, #tpu.memory_space<vmem>> -> memref<64xi32, #tpu.memory_space<vmem>>
      %dma_start3A_774 = arith.constant 0 : i32
      %dma_start3A_775 = arith.constant 0 : i32
      %dma_start3A_776 = tpu.memref_slice %arg10[%dma_start3A_774, %dma_start3A_775] : memref<10240x128xf32, #tpu.memory_space<vmem_shared>> -> memref<10240x128xf32, #tpu.memory_space<vmem_shared>>
      tpu.enqueue_indirect_dma source(%dma_start3A_770 : memref<64x128xf32, #tpu.memory_space<vmem>>) target(%dma_start3A_776 : memref<10240x128xf32, #tpu.memory_space<vmem_shared>>) offsets(%dma_start3A_773 : memref<64xi32, #tpu.memory_space<vmem>>) semaphore(%arg18 : memref<!tpu.dma_semaphore, #tpu.memory_space<semaphore_mem>>) {add = true}
      %dma_start3A_777 = arith.constant 0 : i32
      %dma_start3A_778 = arith.constant 7 : i32
      %dma_start3A_779 = arith.constant 0 : i32
      %dma_start3A_780 = tpu.memref_slice %arg8[%dma_start3A_777, %dma_start3A_778, %dma_start3A_779] : memref<2x8x64xi32, #tpu.memory_space<vmem>> -> memref<1x1x64xi32, #tpu.memory_space<vmem>>
      %dma_start3A_781 = tpu.memref_squeeze %dma_start3A_780 : memref<1x1x64xi32, #tpu.memory_space<vmem>> -> memref<64xi32, #tpu.memory_space<vmem>>
      %dma_start3A_782 = arith.constant 0 : i32
      %dma_start3A_783 = arith.constant 0 : i32
      %dma_start3A_784 = tpu.memref_slice %arg21[%dma_start3A_782, %dma_start3A_783] : memref<10240x16xf32, #tpu.memory_space<vmem_shared>> -> memref<10240x16xf32, #tpu.memory_space<vmem_shared>>
      tpu.enqueue_indirect_dma source(%arg20 : memref<64x16xf32, #tpu.memory_space<vmem>>) target(%dma_start3A_784 : memref<10240x16xf32, #tpu.memory_space<vmem_shared>>) offsets(%dma_start3A_781 : memref<64xi32, #tpu.memory_space<vmem>>) semaphore(%arg22 : memref<!tpu.dma_semaphore, #tpu.memory_space<semaphore_mem>>) {add = true}
      %dma_wait3A_785 = arith.constant 2 : i32
      %dma_wait3A_786 = arith.constant 0 : i32
      %dma_wait3A_787 = arith.constant 0 : i32
      %dma_wait3A_788 = arith.constant 0 : i32
      %dma_wait3A_789 = arith.constant 0 : i32
      %dma_wait3A_790 = tpu.memref_slice %arg9[%dma_wait3A_785, %dma_wait3A_788, %dma_wait3A_789] : memref<4x64x128xf32, #tpu.memory_space<vmem>> -> memref<1x64x128xf32, #tpu.memory_space<vmem>>
      %dma_wait3A_791 = tpu.memref_squeeze %dma_wait3A_790 : memref<1x64x128xf32, #tpu.memory_space<vmem>> -> memref<64x128xf32, #tpu.memory_space<vmem>>
      %dma_wait3A_792 = arith.constant 0 : i32
      %dma_wait3A_793 = tpu.memref_slice %arg8[%dma_wait3A_786, %dma_wait3A_787, %dma_wait3A_792] : memref<2x8x64xi32, #tpu.memory_space<vmem>> -> memref<1x1x64xi32, #tpu.memory_space<vmem>>
      %dma_wait3A_794 = tpu.memref_squeeze %dma_wait3A_793 : memref<1x1x64xi32, #tpu.memory_space<vmem>> -> memref<64xi32, #tpu.memory_space<vmem>>
      %dma_wait3A_795 = arith.constant 0 : i32
      %dma_wait3A_796 = arith.constant 0 : i32
      %dma_wait3A_797 = tpu.memref_slice %arg10[%dma_wait3A_795, %dma_wait3A_796] : memref<10240x128xf32, #tpu.memory_space<vmem_shared>> -> memref<10240x128xf32, #tpu.memory_space<vmem_shared>>
      tpu.wait_indirect_dma semaphore(%arg17 : memref<!tpu.dma_semaphore, #tpu.memory_space<semaphore_mem>>) src(%dma_wait3A_791 : memref<64x128xf32, #tpu.memory_space<vmem>>) dst(%dma_wait3A_797 : memref<10240x128xf32, #tpu.memory_space<vmem_shared>>)
      %dma_start3A_798 = arith.constant 1 : i32
      %dma_start3A_799 = arith.constant 2 : i32
      %dma_start3A_800 = arith.constant 2 : i32
      %dma_start3A_801 = arith.constant 0 : i32
      %dma_start3A_802 = arith.constant 0 : i32
      %dma_start3A_803 = tpu.memref_slice %arg9[%dma_start3A_800, %dma_start3A_801, %dma_start3A_802] : memref<4x64x128xf32, #tpu.memory_space<vmem>> -> memref<1x64x128xf32, #tpu.memory_space<vmem>>
      %dma_start3A_804 = tpu.memref_squeeze %dma_start3A_803 : memref<1x64x128xf32, #tpu.memory_space<vmem>> -> memref<64x128xf32, #tpu.memory_space<vmem>>
      %dma_start3A_805 = arith.constant 0 : i32
      %dma_start3A_806 = tpu.memref_slice %arg7[%dma_start3A_798, %dma_start3A_799, %dma_start3A_805] : memref<2x8x64xi32, #tpu.memory_space<vmem>> -> memref<1x1x64xi32, #tpu.memory_space<vmem>>
      %dma_start3A_807 = tpu.memref_squeeze %dma_start3A_806 : memref<1x1x64xi32, #tpu.memory_space<vmem>> -> memref<64xi32, #tpu.memory_space<vmem>>
      %dma_start3A_808 = arith.constant 0 : i32
      %dma_start3A_809 = arith.constant 0 : i32
      %dma_start3A_810 = tpu.memref_slice %arg4[%dma_start3A_808, %dma_start3A_809] : memref<10000x128xf32, #tpu.memory_space<hbm>> -> memref<10000x128xf32, #tpu.memory_space<hbm>>
      tpu.enqueue_indirect_dma source(%dma_start3A_810 : memref<10000x128xf32, #tpu.memory_space<hbm>>) target(%dma_start3A_804 : memref<64x128xf32, #tpu.memory_space<vmem>>) offsets(%dma_start3A_807 : memref<64xi32, #tpu.memory_space<vmem>>) semaphore(%arg13 : memref<!tpu.dma_semaphore, #tpu.memory_space<semaphore_mem>>)
      %mul3A_811 = arith.constant 2 : i32
      %mul3A_812 = arith.muli %mul3A_811, %scan3A_253 : i32
      %add3A_813 = arith.constant 1 : i32
      %add3A_814 = arith.addi %mul3A_812, %add3A_813 : i32
      %dma_wait3A_815 = arith.constant 3 : i32
      %dma_wait3A_816 = arith.constant 0 : i32
      %dma_wait3A_817 = arith.constant 0 : i32
      %dma_wait3A_818 = arith.constant 0 : i32
      %dma_wait3A_819 = arith.constant 0 : i32
      %dma_wait3A_820 = tpu.memref_slice %arg9[%dma_wait3A_815, %dma_wait3A_818, %dma_wait3A_819] : memref<4x64x128xf32, #tpu.memory_space<vmem>> -> memref<1x64x128xf32, #tpu.memory_space<vmem>>
      %dma_wait3A_821 = tpu.memref_squeeze %dma_wait3A_820 : memref<1x64x128xf32, #tpu.memory_space<vmem>> -> memref<64x128xf32, #tpu.memory_space<vmem>>
      %dma_wait3A_822 = arith.constant 0 : i32
      %dma_wait3A_823 = tpu.memref_slice %arg8[%dma_wait3A_816, %dma_wait3A_817, %dma_wait3A_822] : memref<2x8x64xi32, #tpu.memory_space<vmem>> -> memref<1x1x64xi32, #tpu.memory_space<vmem>>
      %dma_wait3A_824 = tpu.memref_squeeze %dma_wait3A_823 : memref<1x1x64xi32, #tpu.memory_space<vmem>> -> memref<64xi32, #tpu.memory_space<vmem>>
      %dma_wait3A_825 = arith.constant 0 : i32
      %dma_wait3A_826 = arith.constant 0 : i32
      %dma_wait3A_827 = tpu.memref_slice %arg10[%dma_wait3A_825, %dma_wait3A_826] : memref<10240x128xf32, #tpu.memory_space<vmem_shared>> -> memref<10240x128xf32, #tpu.memory_space<vmem_shared>>
      tpu.wait_indirect_dma semaphore(%arg18 : memref<!tpu.dma_semaphore, #tpu.memory_space<semaphore_mem>>) src(%dma_wait3A_821 : memref<64x128xf32, #tpu.memory_space<vmem>>) dst(%dma_wait3A_827 : memref<10240x128xf32, #tpu.memory_space<vmem_shared>>)
      %dma_wait3A_828 = arith.constant 0 : i32
      %dma_wait3A_829 = arith.constant 0 : i32
      %dma_wait3A_830 = arith.constant 0 : i32
      %dma_wait3A_831 = tpu.memref_slice %arg8[%dma_wait3A_828, %dma_wait3A_829, %dma_wait3A_830] : memref<2x8x64xi32, #tpu.memory_space<vmem>> -> memref<1x1x64xi32, #tpu.memory_space<vmem>>
      %dma_wait3A_832 = tpu.memref_squeeze %dma_wait3A_831 : memref<1x1x64xi32, #tpu.memory_space<vmem>> -> memref<64xi32, #tpu.memory_space<vmem>>
      %dma_wait3A_833 = arith.constant 0 : i32
      %dma_wait3A_834 = arith.constant 0 : i32
      %dma_wait3A_835 = tpu.memref_slice %arg21[%dma_wait3A_833, %dma_wait3A_834] : memref<10240x16xf32, #tpu.memory_space<vmem_shared>> -> memref<10240x16xf32, #tpu.memory_space<vmem_shared>>
      tpu.wait_indirect_dma semaphore(%arg22 : memref<!tpu.dma_semaphore, #tpu.memory_space<semaphore_mem>>) src(%arg20 : memref<64x16xf32, #tpu.memory_space<vmem>>) dst(%dma_wait3A_835 : memref<10240x16xf32, #tpu.memory_space<vmem_shared>>)
      %dma_wait3A_836 = arith.constant 0 : i32
      %dma_wait3A_837 = arith.constant 0 : i32
      %dma_wait3A_838 = arith.constant 0 : i32
      %dma_wait3A_839 = tpu.memref_slice %arg8[%dma_wait3A_836, %dma_wait3A_837, %dma_wait3A_838] : memref<2x8x64xi32, #tpu.memory_space<vmem>> -> memref<1x1x64xi32, #tpu.memory_space<vmem>>
      %dma_wait3A_840 = tpu.memref_squeeze %dma_wait3A_839 : memref<1x1x64xi32, #tpu.memory_space<vmem>> -> memref<64xi32, #tpu.memory_space<vmem>>
      %dma_wait3A_841 = arith.constant 0 : i32
      %dma_wait3A_842 = arith.constant 0 : i32
      %dma_wait3A_843 = tpu.memref_slice %arg21[%dma_wait3A_841, %dma_wait3A_842] : memref<10240x16xf32, #tpu.memory_space<vmem_shared>> -> memref<10240x16xf32, #tpu.memory_space<vmem_shared>>
      tpu.wait_indirect_dma semaphore(%arg22 : memref<!tpu.dma_semaphore, #tpu.memory_space<semaphore_mem>>) src(%arg20 : memref<64x16xf32, #tpu.memory_space<vmem>>) dst(%dma_wait3A_843 : memref<10240x16xf32, #tpu.memory_space<vmem_shared>>)
      %dma_wait3A_844 = arith.constant 0 : i32
      %dma_wait3A_845 = arith.constant 0 : i32
      %dma_wait3A_846 = arith.constant 0 : i32
      %dma_wait3A_847 = tpu.memref_slice %arg8[%dma_wait3A_844, %dma_wait3A_845, %dma_wait3A_846] : memref<2x8x64xi32, #tpu.memory_space<vmem>> -> memref<1x1x64xi32, #tpu.memory_space<vmem>>
      %dma_wait3A_848 = tpu.memref_squeeze %dma_wait3A_847 : memref<1x1x64xi32, #tpu.memory_space<vmem>> -> memref<64xi32, #tpu.memory_space<vmem>>
      %dma_wait3A_849 = arith.constant 0 : i32
      %dma_wait3A_850 = arith.constant 0 : i32
      %dma_wait3A_851 = tpu.memref_slice %arg21[%dma_wait3A_849, %dma_wait3A_850] : memref<10240x16xf32, #tpu.memory_space<vmem_shared>> -> memref<10240x16xf32, #tpu.memory_space<vmem_shared>>
      tpu.wait_indirect_dma semaphore(%arg22 : memref<!tpu.dma_semaphore, #tpu.memory_space<semaphore_mem>>) src(%arg20 : memref<64x16xf32, #tpu.memory_space<vmem>>) dst(%dma_wait3A_851 : memref<10240x16xf32, #tpu.memory_space<vmem_shared>>)
      %dma_wait3A_852 = arith.constant 0 : i32
      %dma_wait3A_853 = arith.constant 0 : i32
      %dma_wait3A_854 = arith.constant 0 : i32
      %dma_wait3A_855 = tpu.memref_slice %arg8[%dma_wait3A_852, %dma_wait3A_853, %dma_wait3A_854] : memref<2x8x64xi32, #tpu.memory_space<vmem>> -> memref<1x1x64xi32, #tpu.memory_space<vmem>>
      %dma_wait3A_856 = tpu.memref_squeeze %dma_wait3A_855 : memref<1x1x64xi32, #tpu.memory_space<vmem>> -> memref<64xi32, #tpu.memory_space<vmem>>
      %dma_wait3A_857 = arith.constant 0 : i32
      %dma_wait3A_858 = arith.constant 0 : i32
      %dma_wait3A_859 = tpu.memref_slice %arg21[%dma_wait3A_857, %dma_wait3A_858] : memref<10240x16xf32, #tpu.memory_space<vmem_shared>> -> memref<10240x16xf32, #tpu.memory_space<vmem_shared>>
      tpu.wait_indirect_dma semaphore(%arg22 : memref<!tpu.dma_semaphore, #tpu.memory_space<semaphore_mem>>) src(%arg20 : memref<64x16xf32, #tpu.memory_space<vmem>>) dst(%dma_wait3A_859 : memref<10240x16xf32, #tpu.memory_space<vmem_shared>>)
      %dma_wait3A_860 = arith.constant 0 : i32
      %dma_wait3A_861 = arith.constant 0 : i32
      %dma_wait3A_862 = arith.constant 0 : i32
      %dma_wait3A_863 = tpu.memref_slice %arg8[%dma_wait3A_860, %dma_wait3A_861, %dma_wait3A_862] : memref<2x8x64xi32, #tpu.memory_space<vmem>> -> memref<1x1x64xi32, #tpu.memory_space<vmem>>
      %dma_wait3A_864 = tpu.memref_squeeze %dma_wait3A_863 : memref<1x1x64xi32, #tpu.memory_space<vmem>> -> memref<64xi32, #tpu.memory_space<vmem>>
      %dma_wait3A_865 = arith.constant 0 : i32
      %dma_wait3A_866 = arith.constant 0 : i32
      %dma_wait3A_867 = tpu.memref_slice %arg21[%dma_wait3A_865, %dma_wait3A_866] : memref<10240x16xf32, #tpu.memory_space<vmem_shared>> -> memref<10240x16xf32, #tpu.memory_space<vmem_shared>>
      tpu.wait_indirect_dma semaphore(%arg22 : memref<!tpu.dma_semaphore, #tpu.memory_space<semaphore_mem>>) src(%arg20 : memref<64x16xf32, #tpu.memory_space<vmem>>) dst(%dma_wait3A_867 : memref<10240x16xf32, #tpu.memory_space<vmem_shared>>)
      %dma_wait3A_868 = arith.constant 0 : i32
      %dma_wait3A_869 = arith.constant 0 : i32
      %dma_wait3A_870 = arith.constant 0 : i32
      %dma_wait3A_871 = tpu.memref_slice %arg8[%dma_wait3A_868, %dma_wait3A_869, %dma_wait3A_870] : memref<2x8x64xi32, #tpu.memory_space<vmem>> -> memref<1x1x64xi32, #tpu.memory_space<vmem>>
      %dma_wait3A_872 = tpu.memref_squeeze %dma_wait3A_871 : memref<1x1x64xi32, #tpu.memory_space<vmem>> -> memref<64xi32, #tpu.memory_space<vmem>>
      %dma_wait3A_873 = arith.constant 0 : i32
      %dma_wait3A_874 = arith.constant 0 : i32
      %dma_wait3A_875 = tpu.memref_slice %arg21[%dma_wait3A_873, %dma_wait3A_874] : memref<10240x16xf32, #tpu.memory_space<vmem_shared>> -> memref<10240x16xf32, #tpu.memory_space<vmem_shared>>
      tpu.wait_indirect_dma semaphore(%arg22 : memref<!tpu.dma_semaphore, #tpu.memory_space<semaphore_mem>>) src(%arg20 : memref<64x16xf32, #tpu.memory_space<vmem>>) dst(%dma_wait3A_875 : memref<10240x16xf32, #tpu.memory_space<vmem_shared>>)
      %dma_wait3A_876 = arith.constant 0 : i32
      %dma_wait3A_877 = arith.constant 0 : i32
      %dma_wait3A_878 = arith.constant 0 : i32
      %dma_wait3A_879 = tpu.memref_slice %arg8[%dma_wait3A_876, %dma_wait3A_877, %dma_wait3A_878] : memref<2x8x64xi32, #tpu.memory_space<vmem>> -> memref<1x1x64xi32, #tpu.memory_space<vmem>>
      %dma_wait3A_880 = tpu.memref_squeeze %dma_wait3A_879 : memref<1x1x64xi32, #tpu.memory_space<vmem>> -> memref<64xi32, #tpu.memory_space<vmem>>
      %dma_wait3A_881 = arith.constant 0 : i32
      %dma_wait3A_882 = arith.constant 0 : i32
      %dma_wait3A_883 = tpu.memref_slice %arg21[%dma_wait3A_881, %dma_wait3A_882] : memref<10240x16xf32, #tpu.memory_space<vmem_shared>> -> memref<10240x16xf32, #tpu.memory_space<vmem_shared>>
      tpu.wait_indirect_dma semaphore(%arg22 : memref<!tpu.dma_semaphore, #tpu.memory_space<semaphore_mem>>) src(%arg20 : memref<64x16xf32, #tpu.memory_space<vmem>>) dst(%dma_wait3A_883 : memref<10240x16xf32, #tpu.memory_space<vmem_shared>>)
      %dma_wait3A_884 = arith.constant 0 : i32
      %dma_wait3A_885 = arith.constant 0 : i32
      %dma_wait3A_886 = arith.constant 0 : i32
      %dma_wait3A_887 = tpu.memref_slice %arg8[%dma_wait3A_884, %dma_wait3A_885, %dma_wait3A_886] : memref<2x8x64xi32, #tpu.memory_space<vmem>> -> memref<1x1x64xi32, #tpu.memory_space<vmem>>
      %dma_wait3A_888 = tpu.memref_squeeze %dma_wait3A_887 : memref<1x1x64xi32, #tpu.memory_space<vmem>> -> memref<64xi32, #tpu.memory_space<vmem>>
      %dma_wait3A_889 = arith.constant 0 : i32
      %dma_wait3A_890 = arith.constant 0 : i32
      %dma_wait3A_891 = tpu.memref_slice %arg21[%dma_wait3A_889, %dma_wait3A_890] : memref<10240x16xf32, #tpu.memory_space<vmem_shared>> -> memref<10240x16xf32, #tpu.memory_space<vmem_shared>>
      tpu.wait_indirect_dma semaphore(%arg22 : memref<!tpu.dma_semaphore, #tpu.memory_space<semaphore_mem>>) src(%arg20 : memref<64x16xf32, #tpu.memory_space<vmem>>) dst(%dma_wait3A_891 : memref<10240x16xf32, #tpu.memory_space<vmem_shared>>)
      %lt3A = arith.constant 9 : i32
      %lt3A_892 = arith.cmpi slt, %scan3A_253, %lt3A : i32
      %convert_element_type3A_893 = arith.extui %lt3A_892 : i1 to i32
      %cond3A_894 = arith.constant 0 : i32
      %cond3A_895 = arith.cmpi ne, %convert_element_type3A_893, %cond3A_894 : i32
      scf.if %cond3A_895 {
        %add3A_1344 = arith.constant 1 : i32
        %add3A_1345 = arith.addi %add3A_814, %add3A_1344 : i32
        %mul3A_1346 = arith.constant 160 : i32
        %mul3A_1347 = arith.muli %add3A, %mul3A_1346 : i32
        %mul3A_1348 = arith.constant 8 : i32
        %mul3A_1349 = arith.muli %add3A_1345, %mul3A_1348 : i32
        %add3A_1350 = arith.addi %mul3A_1347, %mul3A_1349 : i32
        %multiple_of3A_1351 = tpu.assume_multiple %add3A_1350, 4 : i32
        %dma_start3A_1352 = arith.constant 0 : i32
        %dma_start3A_1353 = arith.constant 0 : i32
        %dma_start3A_1354 = arith.constant 0 : i32
        %dma_start3A_1355 = tpu.memref_slice %arg7[%dma_start3A_1352, %dma_start3A_1353, %dma_start3A_1354] : memref<2x8x64xi32, #tpu.memory_space<vmem>> -> memref<1x8x64xi32, #tpu.memory_space<vmem>>
        %dma_start3A_1356 = tpu.memref_squeeze %dma_start3A_1355 : memref<1x8x64xi32, #tpu.memory_space<vmem>> -> memref<8x64xi32, #tpu.memory_space<vmem>>
        %dma_start3A_1357 = arith.constant 0 : i32
        %dma_start3A_1358 = tpu.memref_slice %arg2[%multiple_of3A_1351, %dma_start3A_1357] : memref<5120x64xi32, #tpu.memory_space<hbm>> -> memref<8x64xi32, #tpu.memory_space<hbm>>
        %dma_start3A_1359 = arith.constant 0 : i32
        %dma_start3A_1360 = arith.constant 0 : i32
        %dma_start3A_1361 = tpu.memref_slice %arg7[%dma_start3A_1352, %dma_start3A_1359, %dma_start3A_1360] : memref<2x8x64xi32, #tpu.memory_space<vmem>> -> memref<1x8x64xi32, #tpu.memory_space<vmem>>
        %dma_start3A_1362 = tpu.memref_squeeze %dma_start3A_1361 : memref<1x8x64xi32, #tpu.memory_space<vmem>> -> memref<8x64xi32, #tpu.memory_space<vmem>>
        %dma_start3A_1363 = arith.constant 0 : i32
        %dma_start3A_1364 = tpu.memref_slice %arg2[%multiple_of3A_1351, %dma_start3A_1363] : memref<5120x64xi32, #tpu.memory_space<hbm>> -> memref<8x64xi32, #tpu.memory_space<hbm>>
        tpu.enqueue_dma source(%dma_start3A_1364 : memref<8x64xi32, #tpu.memory_space<hbm>>) target(%dma_start3A_1362 : memref<8x64xi32, #tpu.memory_space<vmem>>) target_semaphore(%arg19 : memref<!tpu.dma_semaphore, #tpu.memory_space<semaphore_mem>>)
        %add3A_1365 = arith.constant 1 : i32
        %add3A_1366 = arith.addi %add3A_814, %add3A_1365 : i32
        %mul3A_1367 = arith.constant 160 : i32
        %mul3A_1368 = arith.muli %add3A, %mul3A_1367 : i32
        %mul3A_1369 = arith.constant 8 : i32
        %mul3A_1370 = arith.muli %add3A_1366, %mul3A_1369 : i32
        %add3A_1371 = arith.addi %mul3A_1368, %mul3A_1370 : i32
        %multiple_of3A_1372 = tpu.assume_multiple %add3A_1371, 4 : i32
        %dma_start3A_1373 = arith.constant 0 : i32
        %dma_start3A_1374 = arith.constant 0 : i32
        %dma_start3A_1375 = arith.constant 0 : i32
        %dma_start3A_1376 = tpu.memref_slice %arg8[%dma_start3A_1373, %dma_start3A_1374, %dma_start3A_1375] : memref<2x8x64xi32, #tpu.memory_space<vmem>> -> memref<1x8x64xi32, #tpu.memory_space<vmem>>
        %dma_start3A_1377 = tpu.memref_squeeze %dma_start3A_1376 : memref<1x8x64xi32, #tpu.memory_space<vmem>> -> memref<8x64xi32, #tpu.memory_space<vmem>>
        %dma_start3A_1378 = arith.constant 0 : i32
        %dma_start3A_1379 = tpu.memref_slice %arg3[%multiple_of3A_1372, %dma_start3A_1378] : memref<5120x64xi32, #tpu.memory_space<hbm>> -> memref<8x64xi32, #tpu.memory_space<hbm>>
        %dma_start3A_1380 = arith.constant 0 : i32
        %dma_start3A_1381 = arith.constant 0 : i32
        %dma_start3A_1382 = tpu.memref_slice %arg8[%dma_start3A_1373, %dma_start3A_1380, %dma_start3A_1381] : memref<2x8x64xi32, #tpu.memory_space<vmem>> -> memref<1x8x64xi32, #tpu.memory_space<vmem>>
        %dma_start3A_1383 = tpu.memref_squeeze %dma_start3A_1382 : memref<1x8x64xi32, #tpu.memory_space<vmem>> -> memref<8x64xi32, #tpu.memory_space<vmem>>
        %dma_start3A_1384 = arith.constant 0 : i32
        %dma_start3A_1385 = tpu.memref_slice %arg3[%multiple_of3A_1372, %dma_start3A_1384] : memref<5120x64xi32, #tpu.memory_space<hbm>> -> memref<8x64xi32, #tpu.memory_space<hbm>>
        tpu.enqueue_dma source(%dma_start3A_1385 : memref<8x64xi32, #tpu.memory_space<hbm>>) target(%dma_start3A_1383 : memref<8x64xi32, #tpu.memory_space<vmem>>) target_semaphore(%arg19 : memref<!tpu.dma_semaphore, #tpu.memory_space<semaphore_mem>>)
      } else {
      }
      %dma_wait3A_896 = arith.constant 0 : i32
      %dma_wait3A_897 = arith.constant 0 : i32
      %dma_wait3A_898 = arith.constant 0 : i32
      %dma_wait3A_899 = arith.constant 0 : i32
      %dma_wait3A_900 = arith.constant 0 : i32
      %dma_wait3A_901 = tpu.memref_slice %arg9[%dma_wait3A_898, %dma_wait3A_899, %dma_wait3A_900] : memref<4x64x128xf32, #tpu.memory_space<vmem>> -> memref<1x64x128xf32, #tpu.memory_space<vmem>>
      %dma_wait3A_902 = tpu.memref_squeeze %dma_wait3A_901 : memref<1x64x128xf32, #tpu.memory_space<vmem>> -> memref<64x128xf32, #tpu.memory_space<vmem>>
      %dma_wait3A_903 = arith.constant 0 : i32
      %dma_wait3A_904 = tpu.memref_slice %arg7[%dma_wait3A_896, %dma_wait3A_897, %dma_wait3A_903] : memref<2x8x64xi32, #tpu.memory_space<vmem>> -> memref<1x1x64xi32, #tpu.memory_space<vmem>>
      %dma_wait3A_905 = tpu.memref_squeeze %dma_wait3A_904 : memref<1x1x64xi32, #tpu.memory_space<vmem>> -> memref<64xi32, #tpu.memory_space<vmem>>
      %dma_wait3A_906 = arith.constant 0 : i32
      %dma_wait3A_907 = arith.constant 0 : i32
      %dma_wait3A_908 = tpu.memref_slice %arg4[%dma_wait3A_906, %dma_wait3A_907] : memref<10000x128xf32, #tpu.memory_space<hbm>> -> memref<10000x128xf32, #tpu.memory_space<hbm>>
      tpu.wait_indirect_dma semaphore(%arg11 : memref<!tpu.dma_semaphore, #tpu.memory_space<semaphore_mem>>) src(%dma_wait3A_908 : memref<10000x128xf32, #tpu.memory_space<hbm>>) dst(%dma_wait3A_902 : memref<64x128xf32, #tpu.memory_space<vmem>>)
      %dma_start3A_909 = arith.constant 0 : i32
      %dma_start3A_910 = arith.constant 1 : i32
      %dma_start3A_911 = arith.constant 0 : i32
      %dma_start3A_912 = arith.constant 0 : i32
      %dma_start3A_913 = arith.constant 0 : i32
      %dma_start3A_914 = tpu.memref_slice %arg9[%dma_start3A_909, %dma_start3A_912, %dma_start3A_913] : memref<4x64x128xf32, #tpu.memory_space<vmem>> -> memref<1x64x128xf32, #tpu.memory_space<vmem>>
      %dma_start3A_915 = tpu.memref_squeeze %dma_start3A_914 : memref<1x64x128xf32, #tpu.memory_space<vmem>> -> memref<64x128xf32, #tpu.memory_space<vmem>>
      %dma_start3A_916 = arith.constant 0 : i32
      %dma_start3A_917 = tpu.memref_slice %arg8[%dma_start3A_910, %dma_start3A_911, %dma_start3A_916] : memref<2x8x64xi32, #tpu.memory_space<vmem>> -> memref<1x1x64xi32, #tpu.memory_space<vmem>>
      %dma_start3A_918 = tpu.memref_squeeze %dma_start3A_917 : memref<1x1x64xi32, #tpu.memory_space<vmem>> -> memref<64xi32, #tpu.memory_space<vmem>>
      %dma_start3A_919 = arith.constant 0 : i32
      %dma_start3A_920 = arith.constant 0 : i32
      %dma_start3A_921 = tpu.memref_slice %arg10[%dma_start3A_919, %dma_start3A_920] : memref<10240x128xf32, #tpu.memory_space<vmem_shared>> -> memref<10240x128xf32, #tpu.memory_space<vmem_shared>>
      tpu.enqueue_indirect_dma source(%dma_start3A_915 : memref<64x128xf32, #tpu.memory_space<vmem>>) target(%dma_start3A_921 : memref<10240x128xf32, #tpu.memory_space<vmem_shared>>) offsets(%dma_start3A_918 : memref<64xi32, #tpu.memory_space<vmem>>) semaphore(%arg15 : memref<!tpu.dma_semaphore, #tpu.memory_space<semaphore_mem>>) {add = true}
      %dma_start3A_922 = arith.constant 1 : i32
      %dma_start3A_923 = arith.constant 0 : i32
      %dma_start3A_924 = arith.constant 0 : i32
      %dma_start3A_925 = tpu.memref_slice %arg8[%dma_start3A_922, %dma_start3A_923, %dma_start3A_924] : memref<2x8x64xi32, #tpu.memory_space<vmem>> -> memref<1x1x64xi32, #tpu.memory_space<vmem>>
      %dma_start3A_926 = tpu.memref_squeeze %dma_start3A_925 : memref<1x1x64xi32, #tpu.memory_space<vmem>> -> memref<64xi32, #tpu.memory_space<vmem>>
      %dma_start3A_927 = arith.constant 0 : i32
      %dma_start3A_928 = arith.constant 0 : i32
      %dma_start3A_929 = tpu.memref_slice %arg21[%dma_start3A_927, %dma_start3A_928] : memref<10240x16xf32, #tpu.memory_space<vmem_shared>> -> memref<10240x16xf32, #tpu.memory_space<vmem_shared>>
      tpu.enqueue_indirect_dma source(%arg20 : memref<64x16xf32, #tpu.memory_space<vmem>>) target(%dma_start3A_929 : memref<10240x16xf32, #tpu.memory_space<vmem_shared>>) offsets(%dma_start3A_926 : memref<64xi32, #tpu.memory_space<vmem>>) semaphore(%arg22 : memref<!tpu.dma_semaphore, #tpu.memory_space<semaphore_mem>>) {add = true}
      %dma_start3A_930 = arith.constant 1 : i32
      %dma_start3A_931 = arith.constant 3 : i32
      %dma_start3A_932 = arith.constant 3 : i32
      %dma_start3A_933 = arith.constant 0 : i32
      %dma_start3A_934 = arith.constant 0 : i32
      %dma_start3A_935 = tpu.memref_slice %arg9[%dma_start3A_932, %dma_start3A_933, %dma_start3A_934] : memref<4x64x128xf32, #tpu.memory_space<vmem>> -> memref<1x64x128xf32, #tpu.memory_space<vmem>>
      %dma_start3A_936 = tpu.memref_squeeze %dma_start3A_935 : memref<1x64x128xf32, #tpu.memory_space<vmem>> -> memref<64x128xf32, #tpu.memory_space<vmem>>
      %dma_start3A_937 = arith.constant 0 : i32
      %dma_start3A_938 = tpu.memref_slice %arg7[%dma_start3A_930, %dma_start3A_931, %dma_start3A_937] : memref<2x8x64xi32, #tpu.memory_space<vmem>> -> memref<1x1x64xi32, #tpu.memory_space<vmem>>
      %dma_start3A_939 = tpu.memref_squeeze %dma_start3A_938 : memref<1x1x64xi32, #tpu.memory_space<vmem>> -> memref<64xi32, #tpu.memory_space<vmem>>
      %dma_start3A_940 = arith.constant 0 : i32
      %dma_start3A_941 = arith.constant 0 : i32
      %dma_start3A_942 = tpu.memref_slice %arg4[%dma_start3A_940, %dma_start3A_941] : memref<10000x128xf32, #tpu.memory_space<hbm>> -> memref<10000x128xf32, #tpu.memory_space<hbm>>
      tpu.enqueue_indirect_dma source(%dma_start3A_942 : memref<10000x128xf32, #tpu.memory_space<hbm>>) target(%dma_start3A_936 : memref<64x128xf32, #tpu.memory_space<vmem>>) offsets(%dma_start3A_939 : memref<64xi32, #tpu.memory_space<vmem>>) semaphore(%arg14 : memref<!tpu.dma_semaphore, #tpu.memory_space<semaphore_mem>>)
      %dma_wait3A_943 = arith.constant 0 : i32
      %dma_wait3A_944 = arith.constant 0 : i32
      %dma_wait3A_945 = arith.constant 1 : i32
      %dma_wait3A_946 = arith.constant 0 : i32
      %dma_wait3A_947 = arith.constant 0 : i32
      %dma_wait3A_948 = tpu.memref_slice %arg9[%dma_wait3A_945, %dma_wait3A_946, %dma_wait3A_947] : memref<4x64x128xf32, #tpu.memory_space<vmem>> -> memref<1x64x128xf32, #tpu.memory_space<vmem>>
      %dma_wait3A_949 = tpu.memref_squeeze %dma_wait3A_948 : memref<1x64x128xf32, #tpu.memory_space<vmem>> -> memref<64x128xf32, #tpu.memory_space<vmem>>
      %dma_wait3A_950 = arith.constant 0 : i32
      %dma_wait3A_951 = tpu.memref_slice %arg7[%dma_wait3A_943, %dma_wait3A_944, %dma_wait3A_950] : memref<2x8x64xi32, #tpu.memory_space<vmem>> -> memref<1x1x64xi32, #tpu.memory_space<vmem>>
      %dma_wait3A_952 = tpu.memref_squeeze %dma_wait3A_951 : memref<1x1x64xi32, #tpu.memory_space<vmem>> -> memref<64xi32, #tpu.memory_space<vmem>>
      %dma_wait3A_953 = arith.constant 0 : i32
      %dma_wait3A_954 = arith.constant 0 : i32
      %dma_wait3A_955 = tpu.memref_slice %arg4[%dma_wait3A_953, %dma_wait3A_954] : memref<10000x128xf32, #tpu.memory_space<hbm>> -> memref<10000x128xf32, #tpu.memory_space<hbm>>
      tpu.wait_indirect_dma semaphore(%arg12 : memref<!tpu.dma_semaphore, #tpu.memory_space<semaphore_mem>>) src(%dma_wait3A_955 : memref<10000x128xf32, #tpu.memory_space<hbm>>) dst(%dma_wait3A_949 : memref<64x128xf32, #tpu.memory_space<vmem>>)
      %dma_start3A_956 = arith.constant 1 : i32
      %dma_start3A_957 = arith.constant 1 : i32
      %dma_start3A_958 = arith.constant 1 : i32
      %dma_start3A_959 = arith.constant 0 : i32
      %dma_start3A_960 = arith.constant 0 : i32
      %dma_start3A_961 = tpu.memref_slice %arg9[%dma_start3A_956, %dma_start3A_959, %dma_start3A_960] : memref<4x64x128xf32, #tpu.memory_space<vmem>> -> memref<1x64x128xf32, #tpu.memory_space<vmem>>
      %dma_start3A_962 = tpu.memref_squeeze %dma_start3A_961 : memref<1x64x128xf32, #tpu.memory_space<vmem>> -> memref<64x128xf32, #tpu.memory_space<vmem>>
      %dma_start3A_963 = arith.constant 0 : i32
      %dma_start3A_964 = tpu.memref_slice %arg8[%dma_start3A_957, %dma_start3A_958, %dma_start3A_963] : memref<2x8x64xi32, #tpu.memory_space<vmem>> -> memref<1x1x64xi32, #tpu.memory_space<vmem>>
      %dma_start3A_965 = tpu.memref_squeeze %dma_start3A_964 : memref<1x1x64xi32, #tpu.memory_space<vmem>> -> memref<64xi32, #tpu.memory_space<vmem>>
      %dma_start3A_966 = arith.constant 0 : i32
      %dma_start3A_967 = arith.constant 0 : i32
      %dma_start3A_968 = tpu.memref_slice %arg10[%dma_start3A_966, %dma_start3A_967] : memref<10240x128xf32, #tpu.memory_space<vmem_shared>> -> memref<10240x128xf32, #tpu.memory_space<vmem_shared>>
      tpu.enqueue_indirect_dma source(%dma_start3A_962 : memref<64x128xf32, #tpu.memory_space<vmem>>) target(%dma_start3A_968 : memref<10240x128xf32, #tpu.memory_space<vmem_shared>>) offsets(%dma_start3A_965 : memref<64xi32, #tpu.memory_space<vmem>>) semaphore(%arg16 : memref<!tpu.dma_semaphore, #tpu.memory_space<semaphore_mem>>) {add = true}
      %dma_start3A_969 = arith.constant 1 : i32
      %dma_start3A_970 = arith.constant 1 : i32
      %dma_start3A_971 = arith.constant 0 : i32
      %dma_start3A_972 = tpu.memref_slice %arg8[%dma_start3A_969, %dma_start3A_970, %dma_start3A_971] : memref<2x8x64xi32, #tpu.memory_space<vmem>> -> memref<1x1x64xi32, #tpu.memory_space<vmem>>
      %dma_start3A_973 = tpu.memref_squeeze %dma_start3A_972 : memref<1x1x64xi32, #tpu.memory_space<vmem>> -> memref<64xi32, #tpu.memory_space<vmem>>
      %dma_start3A_974 = arith.constant 0 : i32
      %dma_start3A_975 = arith.constant 0 : i32
      %dma_start3A_976 = tpu.memref_slice %arg21[%dma_start3A_974, %dma_start3A_975] : memref<10240x16xf32, #tpu.memory_space<vmem_shared>> -> memref<10240x16xf32, #tpu.memory_space<vmem_shared>>
      tpu.enqueue_indirect_dma source(%arg20 : memref<64x16xf32, #tpu.memory_space<vmem>>) target(%dma_start3A_976 : memref<10240x16xf32, #tpu.memory_space<vmem_shared>>) offsets(%dma_start3A_973 : memref<64xi32, #tpu.memory_space<vmem>>) semaphore(%arg22 : memref<!tpu.dma_semaphore, #tpu.memory_space<semaphore_mem>>) {add = true}
      %dma_wait3A_977 = arith.constant 0 : i32
      %dma_wait3A_978 = arith.constant 0 : i32
      %dma_wait3A_979 = arith.constant 0 : i32
      %dma_wait3A_980 = arith.constant 0 : i32
      %dma_wait3A_981 = arith.constant 0 : i32
      %dma_wait3A_982 = tpu.memref_slice %arg9[%dma_wait3A_977, %dma_wait3A_980, %dma_wait3A_981] : memref<4x64x128xf32, #tpu.memory_space<vmem>> -> memref<1x64x128xf32, #tpu.memory_space<vmem>>
      %dma_wait3A_983 = tpu.memref_squeeze %dma_wait3A_982 : memref<1x64x128xf32, #tpu.memory_space<vmem>> -> memref<64x128xf32, #tpu.memory_space<vmem>>
      %dma_wait3A_984 = arith.constant 0 : i32
      %dma_wait3A_985 = tpu.memref_slice %arg8[%dma_wait3A_978, %dma_wait3A_979, %dma_wait3A_984] : memref<2x8x64xi32, #tpu.memory_space<vmem>> -> memref<1x1x64xi32, #tpu.memory_space<vmem>>
      %dma_wait3A_986 = tpu.memref_squeeze %dma_wait3A_985 : memref<1x1x64xi32, #tpu.memory_space<vmem>> -> memref<64xi32, #tpu.memory_space<vmem>>
      %dma_wait3A_987 = arith.constant 0 : i32
      %dma_wait3A_988 = arith.constant 0 : i32
      %dma_wait3A_989 = tpu.memref_slice %arg10[%dma_wait3A_987, %dma_wait3A_988] : memref<10240x128xf32, #tpu.memory_space<vmem_shared>> -> memref<10240x128xf32, #tpu.memory_space<vmem_shared>>
      tpu.wait_indirect_dma semaphore(%arg15 : memref<!tpu.dma_semaphore, #tpu.memory_space<semaphore_mem>>) src(%dma_wait3A_983 : memref<64x128xf32, #tpu.memory_space<vmem>>) dst(%dma_wait3A_989 : memref<10240x128xf32, #tpu.memory_space<vmem_shared>>)
      %dma_start3A_990 = arith.constant 1 : i32
      %dma_start3A_991 = arith.constant 4 : i32
      %dma_start3A_992 = arith.constant 0 : i32
      %dma_start3A_993 = arith.constant 0 : i32
      %dma_start3A_994 = arith.constant 0 : i32
      %dma_start3A_995 = tpu.memref_slice %arg9[%dma_start3A_992, %dma_start3A_993, %dma_start3A_994] : memref<4x64x128xf32, #tpu.memory_space<vmem>> -> memref<1x64x128xf32, #tpu.memory_space<vmem>>
      %dma_start3A_996 = tpu.memref_squeeze %dma_start3A_995 : memref<1x64x128xf32, #tpu.memory_space<vmem>> -> memref<64x128xf32, #tpu.memory_space<vmem>>
      %dma_start3A_997 = arith.constant 0 : i32
      %dma_start3A_998 = tpu.memref_slice %arg7[%dma_start3A_990, %dma_start3A_991, %dma_start3A_997] : memref<2x8x64xi32, #tpu.memory_space<vmem>> -> memref<1x1x64xi32, #tpu.memory_space<vmem>>
      %dma_start3A_999 = tpu.memref_squeeze %dma_start3A_998 : memref<1x1x64xi32, #tpu.memory_space<vmem>> -> memref<64xi32, #tpu.memory_space<vmem>>
      %dma_start3A_1000 = arith.constant 0 : i32
      %dma_start3A_1001 = arith.constant 0 : i32
      %dma_start3A_1002 = tpu.memref_slice %arg4[%dma_start3A_1000, %dma_start3A_1001] : memref<10000x128xf32, #tpu.memory_space<hbm>> -> memref<10000x128xf32, #tpu.memory_space<hbm>>
      tpu.enqueue_indirect_dma source(%dma_start3A_1002 : memref<10000x128xf32, #tpu.memory_space<hbm>>) target(%dma_start3A_996 : memref<64x128xf32, #tpu.memory_space<vmem>>) offsets(%dma_start3A_999 : memref<64xi32, #tpu.memory_space<vmem>>) semaphore(%arg11 : memref<!tpu.dma_semaphore, #tpu.memory_space<semaphore_mem>>)
      %dma_wait3A_1003 = arith.constant 0 : i32
      %dma_wait3A_1004 = arith.constant 0 : i32
      %dma_wait3A_1005 = arith.constant 2 : i32
      %dma_wait3A_1006 = arith.constant 0 : i32
      %dma_wait3A_1007 = arith.constant 0 : i32
      %dma_wait3A_1008 = tpu.memref_slice %arg9[%dma_wait3A_1005, %dma_wait3A_1006, %dma_wait3A_1007] : memref<4x64x128xf32, #tpu.memory_space<vmem>> -> memref<1x64x128xf32, #tpu.memory_space<vmem>>
      %dma_wait3A_1009 = tpu.memref_squeeze %dma_wait3A_1008 : memref<1x64x128xf32, #tpu.memory_space<vmem>> -> memref<64x128xf32, #tpu.memory_space<vmem>>
      %dma_wait3A_1010 = arith.constant 0 : i32
      %dma_wait3A_1011 = tpu.memref_slice %arg7[%dma_wait3A_1003, %dma_wait3A_1004, %dma_wait3A_1010] : memref<2x8x64xi32, #tpu.memory_space<vmem>> -> memref<1x1x64xi32, #tpu.memory_space<vmem>>
      %dma_wait3A_1012 = tpu.memref_squeeze %dma_wait3A_1011 : memref<1x1x64xi32, #tpu.memory_space<vmem>> -> memref<64xi32, #tpu.memory_space<vmem>>
      %dma_wait3A_1013 = arith.constant 0 : i32
      %dma_wait3A_1014 = arith.constant 0 : i32
      %dma_wait3A_1015 = tpu.memref_slice %arg4[%dma_wait3A_1013, %dma_wait3A_1014] : memref<10000x128xf32, #tpu.memory_space<hbm>> -> memref<10000x128xf32, #tpu.memory_space<hbm>>
      tpu.wait_indirect_dma semaphore(%arg13 : memref<!tpu.dma_semaphore, #tpu.memory_space<semaphore_mem>>) src(%dma_wait3A_1015 : memref<10000x128xf32, #tpu.memory_space<hbm>>) dst(%dma_wait3A_1009 : memref<64x128xf32, #tpu.memory_space<vmem>>)
      %dma_start3A_1016 = arith.constant 2 : i32
      %dma_start3A_1017 = arith.constant 1 : i32
      %dma_start3A_1018 = arith.constant 2 : i32
      %dma_start3A_1019 = arith.constant 0 : i32
      %dma_start3A_1020 = arith.constant 0 : i32
      %dma_start3A_1021 = tpu.memref_slice %arg9[%dma_start3A_1016, %dma_start3A_1019, %dma_start3A_1020] : memref<4x64x128xf32, #tpu.memory_space<vmem>> -> memref<1x64x128xf32, #tpu.memory_space<vmem>>
      %dma_start3A_1022 = tpu.memref_squeeze %dma_start3A_1021 : memref<1x64x128xf32, #tpu.memory_space<vmem>> -> memref<64x128xf32, #tpu.memory_space<vmem>>
      %dma_start3A_1023 = arith.constant 0 : i32
      %dma_start3A_1024 = tpu.memref_slice %arg8[%dma_start3A_1017, %dma_start3A_1018, %dma_start3A_1023] : memref<2x8x64xi32, #tpu.memory_space<vmem>> -> memref<1x1x64xi32, #tpu.memory_space<vmem>>
      %dma_start3A_1025 = tpu.memref_squeeze %dma_start3A_1024 : memref<1x1x64xi32, #tpu.memory_space<vmem>> -> memref<64xi32, #tpu.memory_space<vmem>>
      %dma_start3A_1026 = arith.constant 0 : i32
      %dma_start3A_1027 = arith.constant 0 : i32
      %dma_start3A_1028 = tpu.memref_slice %arg10[%dma_start3A_1026, %dma_start3A_1027] : memref<10240x128xf32, #tpu.memory_space<vmem_shared>> -> memref<10240x128xf32, #tpu.memory_space<vmem_shared>>
      tpu.enqueue_indirect_dma source(%dma_start3A_1022 : memref<64x128xf32, #tpu.memory_space<vmem>>) target(%dma_start3A_1028 : memref<10240x128xf32, #tpu.memory_space<vmem_shared>>) offsets(%dma_start3A_1025 : memref<64xi32, #tpu.memory_space<vmem>>) semaphore(%arg17 : memref<!tpu.dma_semaphore, #tpu.memory_space<semaphore_mem>>) {add = true}
      %dma_start3A_1029 = arith.constant 1 : i32
      %dma_start3A_1030 = arith.constant 2 : i32
      %dma_start3A_1031 = arith.constant 0 : i32
      %dma_start3A_1032 = tpu.memref_slice %arg8[%dma_start3A_1029, %dma_start3A_1030, %dma_start3A_1031] : memref<2x8x64xi32, #tpu.memory_space<vmem>> -> memref<1x1x64xi32, #tpu.memory_space<vmem>>
      %dma_start3A_1033 = tpu.memref_squeeze %dma_start3A_1032 : memref<1x1x64xi32, #tpu.memory_space<vmem>> -> memref<64xi32, #tpu.memory_space<vmem>>
      %dma_start3A_1034 = arith.constant 0 : i32
      %dma_start3A_1035 = arith.constant 0 : i32
      %dma_start3A_1036 = tpu.memref_slice %arg21[%dma_start3A_1034, %dma_start3A_1035] : memref<10240x16xf32, #tpu.memory_space<vmem_shared>> -> memref<10240x16xf32, #tpu.memory_space<vmem_shared>>
      tpu.enqueue_indirect_dma source(%arg20 : memref<64x16xf32, #tpu.memory_space<vmem>>) target(%dma_start3A_1036 : memref<10240x16xf32, #tpu.memory_space<vmem_shared>>) offsets(%dma_start3A_1033 : memref<64xi32, #tpu.memory_space<vmem>>) semaphore(%arg22 : memref<!tpu.dma_semaphore, #tpu.memory_space<semaphore_mem>>) {add = true}
      %dma_wait3A_1037 = arith.constant 1 : i32
      %dma_wait3A_1038 = arith.constant 0 : i32
      %dma_wait3A_1039 = arith.constant 0 : i32
      %dma_wait3A_1040 = arith.constant 0 : i32
      %dma_wait3A_1041 = arith.constant 0 : i32
      %dma_wait3A_1042 = tpu.memref_slice %arg9[%dma_wait3A_1037, %dma_wait3A_1040, %dma_wait3A_1041] : memref<4x64x128xf32, #tpu.memory_space<vmem>> -> memref<1x64x128xf32, #tpu.memory_space<vmem>>
      %dma_wait3A_1043 = tpu.memref_squeeze %dma_wait3A_1042 : memref<1x64x128xf32, #tpu.memory_space<vmem>> -> memref<64x128xf32, #tpu.memory_space<vmem>>
      %dma_wait3A_1044 = arith.constant 0 : i32
      %dma_wait3A_1045 = tpu.memref_slice %arg8[%dma_wait3A_1038, %dma_wait3A_1039, %dma_wait3A_1044] : memref<2x8x64xi32, #tpu.memory_space<vmem>> -> memref<1x1x64xi32, #tpu.memory_space<vmem>>
      %dma_wait3A_1046 = tpu.memref_squeeze %dma_wait3A_1045 : memref<1x1x64xi32, #tpu.memory_space<vmem>> -> memref<64xi32, #tpu.memory_space<vmem>>
      %dma_wait3A_1047 = arith.constant 0 : i32
      %dma_wait3A_1048 = arith.constant 0 : i32
      %dma_wait3A_1049 = tpu.memref_slice %arg10[%dma_wait3A_1047, %dma_wait3A_1048] : memref<10240x128xf32, #tpu.memory_space<vmem_shared>> -> memref<10240x128xf32, #tpu.memory_space<vmem_shared>>
      tpu.wait_indirect_dma semaphore(%arg16 : memref<!tpu.dma_semaphore, #tpu.memory_space<semaphore_mem>>) src(%dma_wait3A_1043 : memref<64x128xf32, #tpu.memory_space<vmem>>) dst(%dma_wait3A_1049 : memref<10240x128xf32, #tpu.memory_space<vmem_shared>>)
      %dma_start3A_1050 = arith.constant 1 : i32
      %dma_start3A_1051 = arith.constant 5 : i32
      %dma_start3A_1052 = arith.constant 1 : i32
      %dma_start3A_1053 = arith.constant 0 : i32
      %dma_start3A_1054 = arith.constant 0 : i32
      %dma_start3A_1055 = tpu.memref_slice %arg9[%dma_start3A_1052, %dma_start3A_1053, %dma_start3A_1054] : memref<4x64x128xf32, #tpu.memory_space<vmem>> -> memref<1x64x128xf32, #tpu.memory_space<vmem>>
      %dma_start3A_1056 = tpu.memref_squeeze %dma_start3A_1055 : memref<1x64x128xf32, #tpu.memory_space<vmem>> -> memref<64x128xf32, #tpu.memory_space<vmem>>
      %dma_start3A_1057 = arith.constant 0 : i32
      %dma_start3A_1058 = tpu.memref_slice %arg7[%dma_start3A_1050, %dma_start3A_1051, %dma_start3A_1057] : memref<2x8x64xi32, #tpu.memory_space<vmem>> -> memref<1x1x64xi32, #tpu.memory_space<vmem>>
      %dma_start3A_1059 = tpu.memref_squeeze %dma_start3A_1058 : memref<1x1x64xi32, #tpu.memory_space<vmem>> -> memref<64xi32, #tpu.memory_space<vmem>>
      %dma_start3A_1060 = arith.constant 0 : i32
      %dma_start3A_1061 = arith.constant 0 : i32
      %dma_start3A_1062 = tpu.memref_slice %arg4[%dma_start3A_1060, %dma_start3A_1061] : memref<10000x128xf32, #tpu.memory_space<hbm>> -> memref<10000x128xf32, #tpu.memory_space<hbm>>
      tpu.enqueue_indirect_dma source(%dma_start3A_1062 : memref<10000x128xf32, #tpu.memory_space<hbm>>) target(%dma_start3A_1056 : memref<64x128xf32, #tpu.memory_space<vmem>>) offsets(%dma_start3A_1059 : memref<64xi32, #tpu.memory_space<vmem>>) semaphore(%arg12 : memref<!tpu.dma_semaphore, #tpu.memory_space<semaphore_mem>>)
      %dma_wait3A_1063 = arith.constant 0 : i32
      %dma_wait3A_1064 = arith.constant 0 : i32
      %dma_wait3A_1065 = arith.constant 3 : i32
      %dma_wait3A_1066 = arith.constant 0 : i32
      %dma_wait3A_1067 = arith.constant 0 : i32
      %dma_wait3A_1068 = tpu.memref_slice %arg9[%dma_wait3A_1065, %dma_wait3A_1066, %dma_wait3A_1067] : memref<4x64x128xf32, #tpu.memory_space<vmem>> -> memref<1x64x128xf32, #tpu.memory_space<vmem>>
      %dma_wait3A_1069 = tpu.memref_squeeze %dma_wait3A_1068 : memref<1x64x128xf32, #tpu.memory_space<vmem>> -> memref<64x128xf32, #tpu.memory_space<vmem>>
      %dma_wait3A_1070 = arith.constant 0 : i32
      %dma_wait3A_1071 = tpu.memref_slice %arg7[%dma_wait3A_1063, %dma_wait3A_1064, %dma_wait3A_1070] : memref<2x8x64xi32, #tpu.memory_space<vmem>> -> memref<1x1x64xi32, #tpu.memory_space<vmem>>
      %dma_wait3A_1072 = tpu.memref_squeeze %dma_wait3A_1071 : memref<1x1x64xi32, #tpu.memory_space<vmem>> -> memref<64xi32, #tpu.memory_space<vmem>>
      %dma_wait3A_1073 = arith.constant 0 : i32
      %dma_wait3A_1074 = arith.constant 0 : i32
      %dma_wait3A_1075 = tpu.memref_slice %arg4[%dma_wait3A_1073, %dma_wait3A_1074] : memref<10000x128xf32, #tpu.memory_space<hbm>> -> memref<10000x128xf32, #tpu.memory_space<hbm>>
      tpu.wait_indirect_dma semaphore(%arg14 : memref<!tpu.dma_semaphore, #tpu.memory_space<semaphore_mem>>) src(%dma_wait3A_1075 : memref<10000x128xf32, #tpu.memory_space<hbm>>) dst(%dma_wait3A_1069 : memref<64x128xf32, #tpu.memory_space<vmem>>)
      %dma_start3A_1076 = arith.constant 3 : i32
      %dma_start3A_1077 = arith.constant 1 : i32
      %dma_start3A_1078 = arith.constant 3 : i32
      %dma_start3A_1079 = arith.constant 0 : i32
      %dma_start3A_1080 = arith.constant 0 : i32
      %dma_start3A_1081 = tpu.memref_slice %arg9[%dma_start3A_1076, %dma_start3A_1079, %dma_start3A_1080] : memref<4x64x128xf32, #tpu.memory_space<vmem>> -> memref<1x64x128xf32, #tpu.memory_space<vmem>>
      %dma_start3A_1082 = tpu.memref_squeeze %dma_start3A_1081 : memref<1x64x128xf32, #tpu.memory_space<vmem>> -> memref<64x128xf32, #tpu.memory_space<vmem>>
      %dma_start3A_1083 = arith.constant 0 : i32
      %dma_start3A_1084 = tpu.memref_slice %arg8[%dma_start3A_1077, %dma_start3A_1078, %dma_start3A_1083] : memref<2x8x64xi32, #tpu.memory_space<vmem>> -> memref<1x1x64xi32, #tpu.memory_space<vmem>>
      %dma_start3A_1085 = tpu.memref_squeeze %dma_start3A_1084 : memref<1x1x64xi32, #tpu.memory_space<vmem>> -> memref<64xi32, #tpu.memory_space<vmem>>
      %dma_start3A_1086 = arith.constant 0 : i32
      %dma_start3A_1087 = arith.constant 0 : i32
      %dma_start3A_1088 = tpu.memref_slice %arg10[%dma_start3A_1086, %dma_start3A_1087] : memref<10240x128xf32, #tpu.memory_space<vmem_shared>> -> memref<10240x128xf32, #tpu.memory_space<vmem_shared>>
      tpu.enqueue_indirect_dma source(%dma_start3A_1082 : memref<64x128xf32, #tpu.memory_space<vmem>>) target(%dma_start3A_1088 : memref<10240x128xf32, #tpu.memory_space<vmem_shared>>) offsets(%dma_start3A_1085 : memref<64xi32, #tpu.memory_space<vmem>>) semaphore(%arg18 : memref<!tpu.dma_semaphore, #tpu.memory_space<semaphore_mem>>) {add = true}
      %dma_start3A_1089 = arith.constant 1 : i32
      %dma_start3A_1090 = arith.constant 3 : i32
      %dma_start3A_1091 = arith.constant 0 : i32
      %dma_start3A_1092 = tpu.memref_slice %arg8[%dma_start3A_1089, %dma_start3A_1090, %dma_start3A_1091] : memref<2x8x64xi32, #tpu.memory_space<vmem>> -> memref<1x1x64xi32, #tpu.memory_space<vmem>>
      %dma_start3A_1093 = tpu.memref_squeeze %dma_start3A_1092 : memref<1x1x64xi32, #tpu.memory_space<vmem>> -> memref<64xi32, #tpu.memory_space<vmem>>
      %dma_start3A_1094 = arith.constant 0 : i32
      %dma_start3A_1095 = arith.constant 0 : i32
      %dma_start3A_1096 = tpu.memref_slice %arg21[%dma_start3A_1094, %dma_start3A_1095] : memref<10240x16xf32, #tpu.memory_space<vmem_shared>> -> memref<10240x16xf32, #tpu.memory_space<vmem_shared>>
      tpu.enqueue_indirect_dma source(%arg20 : memref<64x16xf32, #tpu.memory_space<vmem>>) target(%dma_start3A_1096 : memref<10240x16xf32, #tpu.memory_space<vmem_shared>>) offsets(%dma_start3A_1093 : memref<64xi32, #tpu.memory_space<vmem>>) semaphore(%arg22 : memref<!tpu.dma_semaphore, #tpu.memory_space<semaphore_mem>>) {add = true}
      %dma_wait3A_1097 = arith.constant 2 : i32
      %dma_wait3A_1098 = arith.constant 0 : i32
      %dma_wait3A_1099 = arith.constant 0 : i32
      %dma_wait3A_1100 = arith.constant 0 : i32
      %dma_wait3A_1101 = arith.constant 0 : i32
      %dma_wait3A_1102 = tpu.memref_slice %arg9[%dma_wait3A_1097, %dma_wait3A_1100, %dma_wait3A_1101] : memref<4x64x128xf32, #tpu.memory_space<vmem>> -> memref<1x64x128xf32, #tpu.memory_space<vmem>>
      %dma_wait3A_1103 = tpu.memref_squeeze %dma_wait3A_1102 : memref<1x64x128xf32, #tpu.memory_space<vmem>> -> memref<64x128xf32, #tpu.memory_space<vmem>>
      %dma_wait3A_1104 = arith.constant 0 : i32
      %dma_wait3A_1105 = tpu.memref_slice %arg8[%dma_wait3A_1098, %dma_wait3A_1099, %dma_wait3A_1104] : memref<2x8x64xi32, #tpu.memory_space<vmem>> -> memref<1x1x64xi32, #tpu.memory_space<vmem>>
      %dma_wait3A_1106 = tpu.memref_squeeze %dma_wait3A_1105 : memref<1x1x64xi32, #tpu.memory_space<vmem>> -> memref<64xi32, #tpu.memory_space<vmem>>
      %dma_wait3A_1107 = arith.constant 0 : i32
      %dma_wait3A_1108 = arith.constant 0 : i32
      %dma_wait3A_1109 = tpu.memref_slice %arg10[%dma_wait3A_1107, %dma_wait3A_1108] : memref<10240x128xf32, #tpu.memory_space<vmem_shared>> -> memref<10240x128xf32, #tpu.memory_space<vmem_shared>>
      tpu.wait_indirect_dma semaphore(%arg17 : memref<!tpu.dma_semaphore, #tpu.memory_space<semaphore_mem>>) src(%dma_wait3A_1103 : memref<64x128xf32, #tpu.memory_space<vmem>>) dst(%dma_wait3A_1109 : memref<10240x128xf32, #tpu.memory_space<vmem_shared>>)
      %dma_start3A_1110 = arith.constant 1 : i32
      %dma_start3A_1111 = arith.constant 6 : i32
      %dma_start3A_1112 = arith.constant 2 : i32
      %dma_start3A_1113 = arith.constant 0 : i32
      %dma_start3A_1114 = arith.constant 0 : i32
      %dma_start3A_1115 = tpu.memref_slice %arg9[%dma_start3A_1112, %dma_start3A_1113, %dma_start3A_1114] : memref<4x64x128xf32, #tpu.memory_space<vmem>> -> memref<1x64x128xf32, #tpu.memory_space<vmem>>
      %dma_start3A_1116 = tpu.memref_squeeze %dma_start3A_1115 : memref<1x64x128xf32, #tpu.memory_space<vmem>> -> memref<64x128xf32, #tpu.memory_space<vmem>>
      %dma_start3A_1117 = arith.constant 0 : i32
      %dma_start3A_1118 = tpu.memref_slice %arg7[%dma_start3A_1110, %dma_start3A_1111, %dma_start3A_1117] : memref<2x8x64xi32, #tpu.memory_space<vmem>> -> memref<1x1x64xi32, #tpu.memory_space<vmem>>
      %dma_start3A_1119 = tpu.memref_squeeze %dma_start3A_1118 : memref<1x1x64xi32, #tpu.memory_space<vmem>> -> memref<64xi32, #tpu.memory_space<vmem>>
      %dma_start3A_1120 = arith.constant 0 : i32
      %dma_start3A_1121 = arith.constant 0 : i32
      %dma_start3A_1122 = tpu.memref_slice %arg4[%dma_start3A_1120, %dma_start3A_1121] : memref<10000x128xf32, #tpu.memory_space<hbm>> -> memref<10000x128xf32, #tpu.memory_space<hbm>>
      tpu.enqueue_indirect_dma source(%dma_start3A_1122 : memref<10000x128xf32, #tpu.memory_space<hbm>>) target(%dma_start3A_1116 : memref<64x128xf32, #tpu.memory_space<vmem>>) offsets(%dma_start3A_1119 : memref<64xi32, #tpu.memory_space<vmem>>) semaphore(%arg13 : memref<!tpu.dma_semaphore, #tpu.memory_space<semaphore_mem>>)
      %dma_wait3A_1123 = arith.constant 0 : i32
      %dma_wait3A_1124 = arith.constant 0 : i32
      %dma_wait3A_1125 = arith.constant 0 : i32
      %dma_wait3A_1126 = arith.constant 0 : i32
      %dma_wait3A_1127 = arith.constant 0 : i32
      %dma_wait3A_1128 = tpu.memref_slice %arg9[%dma_wait3A_1125, %dma_wait3A_1126, %dma_wait3A_1127] : memref<4x64x128xf32, #tpu.memory_space<vmem>> -> memref<1x64x128xf32, #tpu.memory_space<vmem>>
      %dma_wait3A_1129 = tpu.memref_squeeze %dma_wait3A_1128 : memref<1x64x128xf32, #tpu.memory_space<vmem>> -> memref<64x128xf32, #tpu.memory_space<vmem>>
      %dma_wait3A_1130 = arith.constant 0 : i32
      %dma_wait3A_1131 = tpu.memref_slice %arg7[%dma_wait3A_1123, %dma_wait3A_1124, %dma_wait3A_1130] : memref<2x8x64xi32, #tpu.memory_space<vmem>> -> memref<1x1x64xi32, #tpu.memory_space<vmem>>
      %dma_wait3A_1132 = tpu.memref_squeeze %dma_wait3A_1131 : memref<1x1x64xi32, #tpu.memory_space<vmem>> -> memref<64xi32, #tpu.memory_space<vmem>>
      %dma_wait3A_1133 = arith.constant 0 : i32
      %dma_wait3A_1134 = arith.constant 0 : i32
      %dma_wait3A_1135 = tpu.memref_slice %arg4[%dma_wait3A_1133, %dma_wait3A_1134] : memref<10000x128xf32, #tpu.memory_space<hbm>> -> memref<10000x128xf32, #tpu.memory_space<hbm>>
      tpu.wait_indirect_dma semaphore(%arg11 : memref<!tpu.dma_semaphore, #tpu.memory_space<semaphore_mem>>) src(%dma_wait3A_1135 : memref<10000x128xf32, #tpu.memory_space<hbm>>) dst(%dma_wait3A_1129 : memref<64x128xf32, #tpu.memory_space<vmem>>)
      %dma_start3A_1136 = arith.constant 0 : i32
      %dma_start3A_1137 = arith.constant 1 : i32
      %dma_start3A_1138 = arith.constant 4 : i32
      %dma_start3A_1139 = arith.constant 0 : i32
      %dma_start3A_1140 = arith.constant 0 : i32
      %dma_start3A_1141 = tpu.memref_slice %arg9[%dma_start3A_1136, %dma_start3A_1139, %dma_start3A_1140] : memref<4x64x128xf32, #tpu.memory_space<vmem>> -> memref<1x64x128xf32, #tpu.memory_space<vmem>>
      %dma_start3A_1142 = tpu.memref_squeeze %dma_start3A_1141 : memref<1x64x128xf32, #tpu.memory_space<vmem>> -> memref<64x128xf32, #tpu.memory_space<vmem>>
      %dma_start3A_1143 = arith.constant 0 : i32
      %dma_start3A_1144 = tpu.memref_slice %arg8[%dma_start3A_1137, %dma_start3A_1138, %dma_start3A_1143] : memref<2x8x64xi32, #tpu.memory_space<vmem>> -> memref<1x1x64xi32, #tpu.memory_space<vmem>>
      %dma_start3A_1145 = tpu.memref_squeeze %dma_start3A_1144 : memref<1x1x64xi32, #tpu.memory_space<vmem>> -> memref<64xi32, #tpu.memory_space<vmem>>
      %dma_start3A_1146 = arith.constant 0 : i32
      %dma_start3A_1147 = arith.constant 0 : i32
      %dma_start3A_1148 = tpu.memref_slice %arg10[%dma_start3A_1146, %dma_start3A_1147] : memref<10240x128xf32, #tpu.memory_space<vmem_shared>> -> memref<10240x128xf32, #tpu.memory_space<vmem_shared>>
      tpu.enqueue_indirect_dma source(%dma_start3A_1142 : memref<64x128xf32, #tpu.memory_space<vmem>>) target(%dma_start3A_1148 : memref<10240x128xf32, #tpu.memory_space<vmem_shared>>) offsets(%dma_start3A_1145 : memref<64xi32, #tpu.memory_space<vmem>>) semaphore(%arg15 : memref<!tpu.dma_semaphore, #tpu.memory_space<semaphore_mem>>) {add = true}
      %dma_start3A_1149 = arith.constant 1 : i32
      %dma_start3A_1150 = arith.constant 4 : i32
      %dma_start3A_1151 = arith.constant 0 : i32
      %dma_start3A_1152 = tpu.memref_slice %arg8[%dma_start3A_1149, %dma_start3A_1150, %dma_start3A_1151] : memref<2x8x64xi32, #tpu.memory_space<vmem>> -> memref<1x1x64xi32, #tpu.memory_space<vmem>>
      %dma_start3A_1153 = tpu.memref_squeeze %dma_start3A_1152 : memref<1x1x64xi32, #tpu.memory_space<vmem>> -> memref<64xi32, #tpu.memory_space<vmem>>
      %dma_start3A_1154 = arith.constant 0 : i32
      %dma_start3A_1155 = arith.constant 0 : i32
      %dma_start3A_1156 = tpu.memref_slice %arg21[%dma_start3A_1154, %dma_start3A_1155] : memref<10240x16xf32, #tpu.memory_space<vmem_shared>> -> memref<10240x16xf32, #tpu.memory_space<vmem_shared>>
      tpu.enqueue_indirect_dma source(%arg20 : memref<64x16xf32, #tpu.memory_space<vmem>>) target(%dma_start3A_1156 : memref<10240x16xf32, #tpu.memory_space<vmem_shared>>) offsets(%dma_start3A_1153 : memref<64xi32, #tpu.memory_space<vmem>>) semaphore(%arg22 : memref<!tpu.dma_semaphore, #tpu.memory_space<semaphore_mem>>) {add = true}
      %dma_wait3A_1157 = arith.constant 3 : i32
      %dma_wait3A_1158 = arith.constant 0 : i32
      %dma_wait3A_1159 = arith.constant 0 : i32
      %dma_wait3A_1160 = arith.constant 0 : i32
      %dma_wait3A_1161 = arith.constant 0 : i32
      %dma_wait3A_1162 = tpu.memref_slice %arg9[%dma_wait3A_1157, %dma_wait3A_1160, %dma_wait3A_1161] : memref<4x64x128xf32, #tpu.memory_space<vmem>> -> memref<1x64x128xf32, #tpu.memory_space<vmem>>
      %dma_wait3A_1163 = tpu.memref_squeeze %dma_wait3A_1162 : memref<1x64x128xf32, #tpu.memory_space<vmem>> -> memref<64x128xf32, #tpu.memory_space<vmem>>
      %dma_wait3A_1164 = arith.constant 0 : i32
      %dma_wait3A_1165 = tpu.memref_slice %arg8[%dma_wait3A_1158, %dma_wait3A_1159, %dma_wait3A_1164] : memref<2x8x64xi32, #tpu.memory_space<vmem>> -> memref<1x1x64xi32, #tpu.memory_space<vmem>>
      %dma_wait3A_1166 = tpu.memref_squeeze %dma_wait3A_1165 : memref<1x1x64xi32, #tpu.memory_space<vmem>> -> memref<64xi32, #tpu.memory_space<vmem>>
      %dma_wait3A_1167 = arith.constant 0 : i32
      %dma_wait3A_1168 = arith.constant 0 : i32
      %dma_wait3A_1169 = tpu.memref_slice %arg10[%dma_wait3A_1167, %dma_wait3A_1168] : memref<10240x128xf32, #tpu.memory_space<vmem_shared>> -> memref<10240x128xf32, #tpu.memory_space<vmem_shared>>
      tpu.wait_indirect_dma semaphore(%arg18 : memref<!tpu.dma_semaphore, #tpu.memory_space<semaphore_mem>>) src(%dma_wait3A_1163 : memref<64x128xf32, #tpu.memory_space<vmem>>) dst(%dma_wait3A_1169 : memref<10240x128xf32, #tpu.memory_space<vmem_shared>>)
      %dma_start3A_1170 = arith.constant 1 : i32
      %dma_start3A_1171 = arith.constant 7 : i32
      %dma_start3A_1172 = arith.constant 3 : i32
      %dma_start3A_1173 = arith.constant 0 : i32
      %dma_start3A_1174 = arith.constant 0 : i32
      %dma_start3A_1175 = tpu.memref_slice %arg9[%dma_start3A_1172, %dma_start3A_1173, %dma_start3A_1174] : memref<4x64x128xf32, #tpu.memory_space<vmem>> -> memref<1x64x128xf32, #tpu.memory_space<vmem>>
      %dma_start3A_1176 = tpu.memref_squeeze %dma_start3A_1175 : memref<1x64x128xf32, #tpu.memory_space<vmem>> -> memref<64x128xf32, #tpu.memory_space<vmem>>
      %dma_start3A_1177 = arith.constant 0 : i32
      %dma_start3A_1178 = tpu.memref_slice %arg7[%dma_start3A_1170, %dma_start3A_1171, %dma_start3A_1177] : memref<2x8x64xi32, #tpu.memory_space<vmem>> -> memref<1x1x64xi32, #tpu.memory_space<vmem>>
      %dma_start3A_1179 = tpu.memref_squeeze %dma_start3A_1178 : memref<1x1x64xi32, #tpu.memory_space<vmem>> -> memref<64xi32, #tpu.memory_space<vmem>>
      %dma_start3A_1180 = arith.constant 0 : i32
      %dma_start3A_1181 = arith.constant 0 : i32
      %dma_start3A_1182 = tpu.memref_slice %arg4[%dma_start3A_1180, %dma_start3A_1181] : memref<10000x128xf32, #tpu.memory_space<hbm>> -> memref<10000x128xf32, #tpu.memory_space<hbm>>
      tpu.enqueue_indirect_dma source(%dma_start3A_1182 : memref<10000x128xf32, #tpu.memory_space<hbm>>) target(%dma_start3A_1176 : memref<64x128xf32, #tpu.memory_space<vmem>>) offsets(%dma_start3A_1179 : memref<64xi32, #tpu.memory_space<vmem>>) semaphore(%arg14 : memref<!tpu.dma_semaphore, #tpu.memory_space<semaphore_mem>>)
      %dma_wait3A_1183 = arith.constant 0 : i32
      %dma_wait3A_1184 = arith.constant 0 : i32
      %dma_wait3A_1185 = arith.constant 1 : i32
      %dma_wait3A_1186 = arith.constant 0 : i32
      %dma_wait3A_1187 = arith.constant 0 : i32
      %dma_wait3A_1188 = tpu.memref_slice %arg9[%dma_wait3A_1185, %dma_wait3A_1186, %dma_wait3A_1187] : memref<4x64x128xf32, #tpu.memory_space<vmem>> -> memref<1x64x128xf32, #tpu.memory_space<vmem>>
      %dma_wait3A_1189 = tpu.memref_squeeze %dma_wait3A_1188 : memref<1x64x128xf32, #tpu.memory_space<vmem>> -> memref<64x128xf32, #tpu.memory_space<vmem>>
      %dma_wait3A_1190 = arith.constant 0 : i32
      %dma_wait3A_1191 = tpu.memref_slice %arg7[%dma_wait3A_1183, %dma_wait3A_1184, %dma_wait3A_1190] : memref<2x8x64xi32, #tpu.memory_space<vmem>> -> memref<1x1x64xi32, #tpu.memory_space<vmem>>
      %dma_wait3A_1192 = tpu.memref_squeeze %dma_wait3A_1191 : memref<1x1x64xi32, #tpu.memory_space<vmem>> -> memref<64xi32, #tpu.memory_space<vmem>>
      %dma_wait3A_1193 = arith.constant 0 : i32
      %dma_wait3A_1194 = arith.constant 0 : i32
      %dma_wait3A_1195 = tpu.memref_slice %arg4[%dma_wait3A_1193, %dma_wait3A_1194] : memref<10000x128xf32, #tpu.memory_space<hbm>> -> memref<10000x128xf32, #tpu.memory_space<hbm>>
      tpu.wait_indirect_dma semaphore(%arg12 : memref<!tpu.dma_semaphore, #tpu.memory_space<semaphore_mem>>) src(%dma_wait3A_1195 : memref<10000x128xf32, #tpu.memory_space<hbm>>) dst(%dma_wait3A_1189 : memref<64x128xf32, #tpu.memory_space<vmem>>)
      %dma_start3A_1196 = arith.constant 1 : i32
      %dma_start3A_1197 = arith.constant 1 : i32
      %dma_start3A_1198 = arith.constant 5 : i32
      %dma_start3A_1199 = arith.constant 0 : i32
      %dma_start3A_1200 = arith.constant 0 : i32
      %dma_start3A_1201 = tpu.memref_slice %arg9[%dma_start3A_1196, %dma_start3A_1199, %dma_start3A_1200] : memref<4x64x128xf32, #tpu.memory_space<vmem>> -> memref<1x64x128xf32, #tpu.memory_space<vmem>>
      %dma_start3A_1202 = tpu.memref_squeeze %dma_start3A_1201 : memref<1x64x128xf32, #tpu.memory_space<vmem>> -> memref<64x128xf32, #tpu.memory_space<vmem>>
      %dma_start3A_1203 = arith.constant 0 : i32
      %dma_start3A_1204 = tpu.memref_slice %arg8[%dma_start3A_1197, %dma_start3A_1198, %dma_start3A_1203] : memref<2x8x64xi32, #tpu.memory_space<vmem>> -> memref<1x1x64xi32, #tpu.memory_space<vmem>>
      %dma_start3A_1205 = tpu.memref_squeeze %dma_start3A_1204 : memref<1x1x64xi32, #tpu.memory_space<vmem>> -> memref<64xi32, #tpu.memory_space<vmem>>
      %dma_start3A_1206 = arith.constant 0 : i32
      %dma_start3A_1207 = arith.constant 0 : i32
      %dma_start3A_1208 = tpu.memref_slice %arg10[%dma_start3A_1206, %dma_start3A_1207] : memref<10240x128xf32, #tpu.memory_space<vmem_shared>> -> memref<10240x128xf32, #tpu.memory_space<vmem_shared>>
      tpu.enqueue_indirect_dma source(%dma_start3A_1202 : memref<64x128xf32, #tpu.memory_space<vmem>>) target(%dma_start3A_1208 : memref<10240x128xf32, #tpu.memory_space<vmem_shared>>) offsets(%dma_start3A_1205 : memref<64xi32, #tpu.memory_space<vmem>>) semaphore(%arg16 : memref<!tpu.dma_semaphore, #tpu.memory_space<semaphore_mem>>) {add = true}
      %dma_start3A_1209 = arith.constant 1 : i32
      %dma_start3A_1210 = arith.constant 5 : i32
      %dma_start3A_1211 = arith.constant 0 : i32
      %dma_start3A_1212 = tpu.memref_slice %arg8[%dma_start3A_1209, %dma_start3A_1210, %dma_start3A_1211] : memref<2x8x64xi32, #tpu.memory_space<vmem>> -> memref<1x1x64xi32, #tpu.memory_space<vmem>>
      %dma_start3A_1213 = tpu.memref_squeeze %dma_start3A_1212 : memref<1x1x64xi32, #tpu.memory_space<vmem>> -> memref<64xi32, #tpu.memory_space<vmem>>
      %dma_start3A_1214 = arith.constant 0 : i32
      %dma_start3A_1215 = arith.constant 0 : i32
      %dma_start3A_1216 = tpu.memref_slice %arg21[%dma_start3A_1214, %dma_start3A_1215] : memref<10240x16xf32, #tpu.memory_space<vmem_shared>> -> memref<10240x16xf32, #tpu.memory_space<vmem_shared>>
      tpu.enqueue_indirect_dma source(%arg20 : memref<64x16xf32, #tpu.memory_space<vmem>>) target(%dma_start3A_1216 : memref<10240x16xf32, #tpu.memory_space<vmem_shared>>) offsets(%dma_start3A_1213 : memref<64xi32, #tpu.memory_space<vmem>>) semaphore(%arg22 : memref<!tpu.dma_semaphore, #tpu.memory_space<semaphore_mem>>) {add = true}
      %dma_wait3A_1217 = arith.constant 0 : i32
      %dma_wait3A_1218 = arith.constant 0 : i32
      %dma_wait3A_1219 = arith.constant 0 : i32
      %dma_wait3A_1220 = arith.constant 0 : i32
      %dma_wait3A_1221 = arith.constant 0 : i32
      %dma_wait3A_1222 = tpu.memref_slice %arg9[%dma_wait3A_1217, %dma_wait3A_1220, %dma_wait3A_1221] : memref<4x64x128xf32, #tpu.memory_space<vmem>> -> memref<1x64x128xf32, #tpu.memory_space<vmem>>
      %dma_wait3A_1223 = tpu.memref_squeeze %dma_wait3A_1222 : memref<1x64x128xf32, #tpu.memory_space<vmem>> -> memref<64x128xf32, #tpu.memory_space<vmem>>
      %dma_wait3A_1224 = arith.constant 0 : i32
      %dma_wait3A_1225 = tpu.memref_slice %arg8[%dma_wait3A_1218, %dma_wait3A_1219, %dma_wait3A_1224] : memref<2x8x64xi32, #tpu.memory_space<vmem>> -> memref<1x1x64xi32, #tpu.memory_space<vmem>>
      %dma_wait3A_1226 = tpu.memref_squeeze %dma_wait3A_1225 : memref<1x1x64xi32, #tpu.memory_space<vmem>> -> memref<64xi32, #tpu.memory_space<vmem>>
      %dma_wait3A_1227 = arith.constant 0 : i32
      %dma_wait3A_1228 = arith.constant 0 : i32
      %dma_wait3A_1229 = tpu.memref_slice %arg10[%dma_wait3A_1227, %dma_wait3A_1228] : memref<10240x128xf32, #tpu.memory_space<vmem_shared>> -> memref<10240x128xf32, #tpu.memory_space<vmem_shared>>
      tpu.wait_indirect_dma semaphore(%arg15 : memref<!tpu.dma_semaphore, #tpu.memory_space<semaphore_mem>>) src(%dma_wait3A_1223 : memref<64x128xf32, #tpu.memory_space<vmem>>) dst(%dma_wait3A_1229 : memref<10240x128xf32, #tpu.memory_space<vmem_shared>>)
      %lt3A_1230 = arith.constant 9 : i32
      %lt3A_1231 = arith.cmpi slt, %scan3A_253, %lt3A_1230 : i32
      %convert_element_type3A_1232 = arith.extui %lt3A_1231 : i1 to i32
      %cond3A_1233 = arith.constant 0 : i32
      %cond3A_1234 = arith.cmpi ne, %convert_element_type3A_1232, %cond3A_1233 : i32
      scf.if %cond3A_1234 {
        %add3A_1344 = arith.constant 1 : i32
        %add3A_1345 = arith.addi %add3A_814, %add3A_1344 : i32
        %mul3A_1346 = arith.constant 160 : i32
        %mul3A_1347 = arith.muli %add3A, %mul3A_1346 : i32
        %mul3A_1348 = arith.constant 8 : i32
        %mul3A_1349 = arith.muli %add3A_1345, %mul3A_1348 : i32
        %add3A_1350 = arith.addi %mul3A_1347, %mul3A_1349 : i32
        %multiple_of3A_1351 = tpu.assume_multiple %add3A_1350, 4 : i32
        %dma_wait3A_1352 = arith.constant 0 : i32
        %dma_wait3A_1353 = arith.constant 0 : i32
        %dma_wait3A_1354 = arith.constant 0 : i32
        %dma_wait3A_1355 = tpu.memref_slice %arg7[%dma_wait3A_1352, %dma_wait3A_1353, %dma_wait3A_1354] : memref<2x8x64xi32, #tpu.memory_space<vmem>> -> memref<1x8x64xi32, #tpu.memory_space<vmem>>
        %dma_wait3A_1356 = tpu.memref_squeeze %dma_wait3A_1355 : memref<1x8x64xi32, #tpu.memory_space<vmem>> -> memref<8x64xi32, #tpu.memory_space<vmem>>
        %dma_wait3A_1357 = arith.constant 0 : i32
        %dma_wait3A_1358 = tpu.memref_slice %arg2[%multiple_of3A_1351, %dma_wait3A_1357] : memref<5120x64xi32, #tpu.memory_space<hbm>> -> memref<8x64xi32, #tpu.memory_space<hbm>>
        %dma_wait3A_1359 = arith.constant 0 : i32
        %dma_wait3A_1360 = arith.constant 0 : i32
        %dma_wait3A_1361 = tpu.memref_slice %arg7[%dma_wait3A_1352, %dma_wait3A_1359, %dma_wait3A_1360] : memref<2x8x64xi32, #tpu.memory_space<vmem>> -> memref<1x8x64xi32, #tpu.memory_space<vmem>>
        %dma_wait3A_1362 = tpu.memref_squeeze %dma_wait3A_1361 : memref<1x8x64xi32, #tpu.memory_space<vmem>> -> memref<8x64xi32, #tpu.memory_space<vmem>>
        %dma_wait3A_1363 = arith.constant 0 : i32
        %dma_wait3A_1364 = tpu.memref_slice %arg2[%multiple_of3A_1351, %dma_wait3A_1363] : memref<5120x64xi32, #tpu.memory_space<hbm>> -> memref<8x64xi32, #tpu.memory_space<hbm>>
        tpu.wait_dma2 semaphore(%arg19 : memref<!tpu.dma_semaphore, #tpu.memory_space<semaphore_mem>>) src(%dma_wait3A_1364 : memref<8x64xi32, #tpu.memory_space<hbm>>) dst(%dma_wait3A_1362 : memref<8x64xi32, #tpu.memory_space<vmem>>)
        %add3A_1365 = arith.constant 1 : i32
        %add3A_1366 = arith.addi %add3A_814, %add3A_1365 : i32
        %mul3A_1367 = arith.constant 160 : i32
        %mul3A_1368 = arith.muli %add3A, %mul3A_1367 : i32
        %mul3A_1369 = arith.constant 8 : i32
        %mul3A_1370 = arith.muli %add3A_1366, %mul3A_1369 : i32
        %add3A_1371 = arith.addi %mul3A_1368, %mul3A_1370 : i32
        %multiple_of3A_1372 = tpu.assume_multiple %add3A_1371, 4 : i32
        %dma_wait3A_1373 = arith.constant 0 : i32
        %dma_wait3A_1374 = arith.constant 0 : i32
        %dma_wait3A_1375 = arith.constant 0 : i32
        %dma_wait3A_1376 = tpu.memref_slice %arg8[%dma_wait3A_1373, %dma_wait3A_1374, %dma_wait3A_1375] : memref<2x8x64xi32, #tpu.memory_space<vmem>> -> memref<1x8x64xi32, #tpu.memory_space<vmem>>
        %dma_wait3A_1377 = tpu.memref_squeeze %dma_wait3A_1376 : memref<1x8x64xi32, #tpu.memory_space<vmem>> -> memref<8x64xi32, #tpu.memory_space<vmem>>
        %dma_wait3A_1378 = arith.constant 0 : i32
        %dma_wait3A_1379 = tpu.memref_slice %arg3[%multiple_of3A_1372, %dma_wait3A_1378] : memref<5120x64xi32, #tpu.memory_space<hbm>> -> memref<8x64xi32, #tpu.memory_space<hbm>>
        %dma_wait3A_1380 = arith.constant 0 : i32
        %dma_wait3A_1381 = arith.constant 0 : i32
        %dma_wait3A_1382 = tpu.memref_slice %arg8[%dma_wait3A_1373, %dma_wait3A_1380, %dma_wait3A_1381] : memref<2x8x64xi32, #tpu.memory_space<vmem>> -> memref<1x8x64xi32, #tpu.memory_space<vmem>>
        %dma_wait3A_1383 = tpu.memref_squeeze %dma_wait3A_1382 : memref<1x8x64xi32, #tpu.memory_space<vmem>> -> memref<8x64xi32, #tpu.memory_space<vmem>>
        %dma_wait3A_1384 = arith.constant 0 : i32
        %dma_wait3A_1385 = tpu.memref_slice %arg3[%multiple_of3A_1372, %dma_wait3A_1384] : memref<5120x64xi32, #tpu.memory_space<hbm>> -> memref<8x64xi32, #tpu.memory_space<hbm>>
        tpu.wait_dma2 semaphore(%arg19 : memref<!tpu.dma_semaphore, #tpu.memory_space<semaphore_mem>>) src(%dma_wait3A_1385 : memref<8x64xi32, #tpu.memory_space<hbm>>) dst(%dma_wait3A_1383 : memref<8x64xi32, #tpu.memory_space<vmem>>)
      } else {
      }
      %lt3A_1235 = arith.constant 9 : i32
      %lt3A_1236 = arith.cmpi slt, %scan3A_253, %lt3A_1235 : i32
      %convert_element_type3A_1237 = arith.extui %lt3A_1236 : i1 to i32
      %cond3A_1238 = arith.constant 0 : i32
      %cond3A_1239 = arith.cmpi ne, %convert_element_type3A_1237, %cond3A_1238 : i32
      scf.if %cond3A_1239 {
        %dma_start3A_1344 = arith.constant 0 : i32
        %dma_start3A_1345 = arith.constant 0 : i32
        %dma_start3A_1346 = arith.constant 0 : i32
        %dma_start3A_1347 = arith.constant 0 : i32
        %dma_start3A_1348 = arith.constant 0 : i32
        %dma_start3A_1349 = tpu.memref_slice %arg9[%dma_start3A_1346, %dma_start3A_1347, %dma_start3A_1348] : memref<4x64x128xf32, #tpu.memory_space<vmem>> -> memref<1x64x128xf32, #tpu.memory_space<vmem>>
        %dma_start3A_1350 = tpu.memref_squeeze %dma_start3A_1349 : memref<1x64x128xf32, #tpu.memory_space<vmem>> -> memref<64x128xf32, #tpu.memory_space<vmem>>
        %dma_start3A_1351 = arith.constant 0 : i32
        %dma_start3A_1352 = tpu.memref_slice %arg7[%dma_start3A_1344, %dma_start3A_1345, %dma_start3A_1351] : memref<2x8x64xi32, #tpu.memory_space<vmem>> -> memref<1x1x64xi32, #tpu.memory_space<vmem>>
        %dma_start3A_1353 = tpu.memref_squeeze %dma_start3A_1352 : memref<1x1x64xi32, #tpu.memory_space<vmem>> -> memref<64xi32, #tpu.memory_space<vmem>>
        %dma_start3A_1354 = arith.constant 0 : i32
        %dma_start3A_1355 = arith.constant 0 : i32
        %dma_start3A_1356 = tpu.memref_slice %arg4[%dma_start3A_1354, %dma_start3A_1355] : memref<10000x128xf32, #tpu.memory_space<hbm>> -> memref<10000x128xf32, #tpu.memory_space<hbm>>
        tpu.enqueue_indirect_dma source(%dma_start3A_1356 : memref<10000x128xf32, #tpu.memory_space<hbm>>) target(%dma_start3A_1350 : memref<64x128xf32, #tpu.memory_space<vmem>>) offsets(%dma_start3A_1353 : memref<64xi32, #tpu.memory_space<vmem>>) semaphore(%arg11 : memref<!tpu.dma_semaphore, #tpu.memory_space<semaphore_mem>>)
      } else {
      }
      %dma_wait3A_1240 = arith.constant 0 : i32
      %dma_wait3A_1241 = arith.constant 0 : i32
      %dma_wait3A_1242 = arith.constant 2 : i32
      %dma_wait3A_1243 = arith.constant 0 : i32
      %dma_wait3A_1244 = arith.constant 0 : i32
      %dma_wait3A_1245 = tpu.memref_slice %arg9[%dma_wait3A_1242, %dma_wait3A_1243, %dma_wait3A_1244] : memref<4x64x128xf32, #tpu.memory_space<vmem>> -> memref<1x64x128xf32, #tpu.memory_space<vmem>>
      %dma_wait3A_1246 = tpu.memref_squeeze %dma_wait3A_1245 : memref<1x64x128xf32, #tpu.memory_space<vmem>> -> memref<64x128xf32, #tpu.memory_space<vmem>>
      %dma_wait3A_1247 = arith.constant 0 : i32
      %dma_wait3A_1248 = tpu.memref_slice %arg7[%dma_wait3A_1240, %dma_wait3A_1241, %dma_wait3A_1247] : memref<2x8x64xi32, #tpu.memory_space<vmem>> -> memref<1x1x64xi32, #tpu.memory_space<vmem>>
      %dma_wait3A_1249 = tpu.memref_squeeze %dma_wait3A_1248 : memref<1x1x64xi32, #tpu.memory_space<vmem>> -> memref<64xi32, #tpu.memory_space<vmem>>
      %dma_wait3A_1250 = arith.constant 0 : i32
      %dma_wait3A_1251 = arith.constant 0 : i32
      %dma_wait3A_1252 = tpu.memref_slice %arg4[%dma_wait3A_1250, %dma_wait3A_1251] : memref<10000x128xf32, #tpu.memory_space<hbm>> -> memref<10000x128xf32, #tpu.memory_space<hbm>>
      tpu.wait_indirect_dma semaphore(%arg13 : memref<!tpu.dma_semaphore, #tpu.memory_space<semaphore_mem>>) src(%dma_wait3A_1252 : memref<10000x128xf32, #tpu.memory_space<hbm>>) dst(%dma_wait3A_1246 : memref<64x128xf32, #tpu.memory_space<vmem>>)
      %dma_start3A_1253 = arith.constant 2 : i32
      %dma_start3A_1254 = arith.constant 1 : i32
      %dma_start3A_1255 = arith.constant 6 : i32
      %dma_start3A_1256 = arith.constant 0 : i32
      %dma_start3A_1257 = arith.constant 0 : i32
      %dma_start3A_1258 = tpu.memref_slice %arg9[%dma_start3A_1253, %dma_start3A_1256, %dma_start3A_1257] : memref<4x64x128xf32, #tpu.memory_space<vmem>> -> memref<1x64x128xf32, #tpu.memory_space<vmem>>
      %dma_start3A_1259 = tpu.memref_squeeze %dma_start3A_1258 : memref<1x64x128xf32, #tpu.memory_space<vmem>> -> memref<64x128xf32, #tpu.memory_space<vmem>>
      %dma_start3A_1260 = arith.constant 0 : i32
      %dma_start3A_1261 = tpu.memref_slice %arg8[%dma_start3A_1254, %dma_start3A_1255, %dma_start3A_1260] : memref<2x8x64xi32, #tpu.memory_space<vmem>> -> memref<1x1x64xi32, #tpu.memory_space<vmem>>
      %dma_start3A_1262 = tpu.memref_squeeze %dma_start3A_1261 : memref<1x1x64xi32, #tpu.memory_space<vmem>> -> memref<64xi32, #tpu.memory_space<vmem>>
      %dma_start3A_1263 = arith.constant 0 : i32
      %dma_start3A_1264 = arith.constant 0 : i32
      %dma_start3A_1265 = tpu.memref_slice %arg10[%dma_start3A_1263, %dma_start3A_1264] : memref<10240x128xf32, #tpu.memory_space<vmem_shared>> -> memref<10240x128xf32, #tpu.memory_space<vmem_shared>>
      tpu.enqueue_indirect_dma source(%dma_start3A_1259 : memref<64x128xf32, #tpu.memory_space<vmem>>) target(%dma_start3A_1265 : memref<10240x128xf32, #tpu.memory_space<vmem_shared>>) offsets(%dma_start3A_1262 : memref<64xi32, #tpu.memory_space<vmem>>) semaphore(%arg17 : memref<!tpu.dma_semaphore, #tpu.memory_space<semaphore_mem>>) {add = true}
      %dma_start3A_1266 = arith.constant 1 : i32
      %dma_start3A_1267 = arith.constant 6 : i32
      %dma_start3A_1268 = arith.constant 0 : i32
      %dma_start3A_1269 = tpu.memref_slice %arg8[%dma_start3A_1266, %dma_start3A_1267, %dma_start3A_1268] : memref<2x8x64xi32, #tpu.memory_space<vmem>> -> memref<1x1x64xi32, #tpu.memory_space<vmem>>
      %dma_start3A_1270 = tpu.memref_squeeze %dma_start3A_1269 : memref<1x1x64xi32, #tpu.memory_space<vmem>> -> memref<64xi32, #tpu.memory_space<vmem>>
      %dma_start3A_1271 = arith.constant 0 : i32
      %dma_start3A_1272 = arith.constant 0 : i32
      %dma_start3A_1273 = tpu.memref_slice %arg21[%dma_start3A_1271, %dma_start3A_1272] : memref<10240x16xf32, #tpu.memory_space<vmem_shared>> -> memref<10240x16xf32, #tpu.memory_space<vmem_shared>>
      tpu.enqueue_indirect_dma source(%arg20 : memref<64x16xf32, #tpu.memory_space<vmem>>) target(%dma_start3A_1273 : memref<10240x16xf32, #tpu.memory_space<vmem_shared>>) offsets(%dma_start3A_1270 : memref<64xi32, #tpu.memory_space<vmem>>) semaphore(%arg22 : memref<!tpu.dma_semaphore, #tpu.memory_space<semaphore_mem>>) {add = true}
      %dma_wait3A_1274 = arith.constant 1 : i32
      %dma_wait3A_1275 = arith.constant 0 : i32
      %dma_wait3A_1276 = arith.constant 0 : i32
      %dma_wait3A_1277 = arith.constant 0 : i32
      %dma_wait3A_1278 = arith.constant 0 : i32
      %dma_wait3A_1279 = tpu.memref_slice %arg9[%dma_wait3A_1274, %dma_wait3A_1277, %dma_wait3A_1278] : memref<4x64x128xf32, #tpu.memory_space<vmem>> -> memref<1x64x128xf32, #tpu.memory_space<vmem>>
      %dma_wait3A_1280 = tpu.memref_squeeze %dma_wait3A_1279 : memref<1x64x128xf32, #tpu.memory_space<vmem>> -> memref<64x128xf32, #tpu.memory_space<vmem>>
      %dma_wait3A_1281 = arith.constant 0 : i32
      %dma_wait3A_1282 = tpu.memref_slice %arg8[%dma_wait3A_1275, %dma_wait3A_1276, %dma_wait3A_1281] : memref<2x8x64xi32, #tpu.memory_space<vmem>> -> memref<1x1x64xi32, #tpu.memory_space<vmem>>
      %dma_wait3A_1283 = tpu.memref_squeeze %dma_wait3A_1282 : memref<1x1x64xi32, #tpu.memory_space<vmem>> -> memref<64xi32, #tpu.memory_space<vmem>>
      %dma_wait3A_1284 = arith.constant 0 : i32
      %dma_wait3A_1285 = arith.constant 0 : i32
      %dma_wait3A_1286 = tpu.memref_slice %arg10[%dma_wait3A_1284, %dma_wait3A_1285] : memref<10240x128xf32, #tpu.memory_space<vmem_shared>> -> memref<10240x128xf32, #tpu.memory_space<vmem_shared>>
      tpu.wait_indirect_dma semaphore(%arg16 : memref<!tpu.dma_semaphore, #tpu.memory_space<semaphore_mem>>) src(%dma_wait3A_1280 : memref<64x128xf32, #tpu.memory_space<vmem>>) dst(%dma_wait3A_1286 : memref<10240x128xf32, #tpu.memory_space<vmem_shared>>)
      %lt3A_1287 = arith.constant 9 : i32
      %lt3A_1288 = arith.cmpi slt, %scan3A_253, %lt3A_1287 : i32
      %convert_element_type3A_1289 = arith.extui %lt3A_1288 : i1 to i32
      %cond3A_1290 = arith.constant 0 : i32
      %cond3A_1291 = arith.cmpi ne, %convert_element_type3A_1289, %cond3A_1290 : i32
      scf.if %cond3A_1291 {
        %dma_start3A_1344 = arith.constant 0 : i32
        %dma_start3A_1345 = arith.constant 1 : i32
        %dma_start3A_1346 = arith.constant 1 : i32
        %dma_start3A_1347 = arith.constant 0 : i32
        %dma_start3A_1348 = arith.constant 0 : i32
        %dma_start3A_1349 = tpu.memref_slice %arg9[%dma_start3A_1346, %dma_start3A_1347, %dma_start3A_1348] : memref<4x64x128xf32, #tpu.memory_space<vmem>> -> memref<1x64x128xf32, #tpu.memory_space<vmem>>
        %dma_start3A_1350 = tpu.memref_squeeze %dma_start3A_1349 : memref<1x64x128xf32, #tpu.memory_space<vmem>> -> memref<64x128xf32, #tpu.memory_space<vmem>>
        %dma_start3A_1351 = arith.constant 0 : i32
        %dma_start3A_1352 = tpu.memref_slice %arg7[%dma_start3A_1344, %dma_start3A_1345, %dma_start3A_1351] : memref<2x8x64xi32, #tpu.memory_space<vmem>> -> memref<1x1x64xi32, #tpu.memory_space<vmem>>
        %dma_start3A_1353 = tpu.memref_squeeze %dma_start3A_1352 : memref<1x1x64xi32, #tpu.memory_space<vmem>> -> memref<64xi32, #tpu.memory_space<vmem>>
        %dma_start3A_1354 = arith.constant 0 : i32
        %dma_start3A_1355 = arith.constant 0 : i32
        %dma_start3A_1356 = tpu.memref_slice %arg4[%dma_start3A_1354, %dma_start3A_1355] : memref<10000x128xf32, #tpu.memory_space<hbm>> -> memref<10000x128xf32, #tpu.memory_space<hbm>>
        tpu.enqueue_indirect_dma source(%dma_start3A_1356 : memref<10000x128xf32, #tpu.memory_space<hbm>>) target(%dma_start3A_1350 : memref<64x128xf32, #tpu.memory_space<vmem>>) offsets(%dma_start3A_1353 : memref<64xi32, #tpu.memory_space<vmem>>) semaphore(%arg12 : memref<!tpu.dma_semaphore, #tpu.memory_space<semaphore_mem>>)
      } else {
      }
      %dma_wait3A_1292 = arith.constant 0 : i32
      %dma_wait3A_1293 = arith.constant 0 : i32
      %dma_wait3A_1294 = arith.constant 3 : i32
      %dma_wait3A_1295 = arith.constant 0 : i32
      %dma_wait3A_1296 = arith.constant 0 : i32
      %dma_wait3A_1297 = tpu.memref_slice %arg9[%dma_wait3A_1294, %dma_wait3A_1295, %dma_wait3A_1296] : memref<4x64x128xf32, #tpu.memory_space<vmem>> -> memref<1x64x128xf32, #tpu.memory_space<vmem>>
      %dma_wait3A_1298 = tpu.memref_squeeze %dma_wait3A_1297 : memref<1x64x128xf32, #tpu.memory_space<vmem>> -> memref<64x128xf32, #tpu.memory_space<vmem>>
      %dma_wait3A_1299 = arith.constant 0 : i32
      %dma_wait3A_1300 = tpu.memref_slice %arg7[%dma_wait3A_1292, %dma_wait3A_1293, %dma_wait3A_1299] : memref<2x8x64xi32, #tpu.memory_space<vmem>> -> memref<1x1x64xi32, #tpu.memory_space<vmem>>
      %dma_wait3A_1301 = tpu.memref_squeeze %dma_wait3A_1300 : memref<1x1x64xi32, #tpu.memory_space<vmem>> -> memref<64xi32, #tpu.memory_space<vmem>>
      %dma_wait3A_1302 = arith.constant 0 : i32
      %dma_wait3A_1303 = arith.constant 0 : i32
      %dma_wait3A_1304 = tpu.memref_slice %arg4[%dma_wait3A_1302, %dma_wait3A_1303] : memref<10000x128xf32, #tpu.memory_space<hbm>> -> memref<10000x128xf32, #tpu.memory_space<hbm>>
      tpu.wait_indirect_dma semaphore(%arg14 : memref<!tpu.dma_semaphore, #tpu.memory_space<semaphore_mem>>) src(%dma_wait3A_1304 : memref<10000x128xf32, #tpu.memory_space<hbm>>) dst(%dma_wait3A_1298 : memref<64x128xf32, #tpu.memory_space<vmem>>)
      %dma_start3A_1305 = arith.constant 3 : i32
      %dma_start3A_1306 = arith.constant 1 : i32
      %dma_start3A_1307 = arith.constant 7 : i32
      %dma_start3A_1308 = arith.constant 0 : i32
      %dma_start3A_1309 = arith.constant 0 : i32
      %dma_start3A_1310 = tpu.memref_slice %arg9[%dma_start3A_1305, %dma_start3A_1308, %dma_start3A_1309] : memref<4x64x128xf32, #tpu.memory_space<vmem>> -> memref<1x64x128xf32, #tpu.memory_space<vmem>>
      %dma_start3A_1311 = tpu.memref_squeeze %dma_start3A_1310 : memref<1x64x128xf32, #tpu.memory_space<vmem>> -> memref<64x128xf32, #tpu.memory_space<vmem>>
      %dma_start3A_1312 = arith.constant 0 : i32
      %dma_start3A_1313 = tpu.memref_slice %arg8[%dma_start3A_1306, %dma_start3A_1307, %dma_start3A_1312] : memref<2x8x64xi32, #tpu.memory_space<vmem>> -> memref<1x1x64xi32, #tpu.memory_space<vmem>>
      %dma_start3A_1314 = tpu.memref_squeeze %dma_start3A_1313 : memref<1x1x64xi32, #tpu.memory_space<vmem>> -> memref<64xi32, #tpu.memory_space<vmem>>
      %dma_start3A_1315 = arith.constant 0 : i32
      %dma_start3A_1316 = arith.constant 0 : i32
      %dma_start3A_1317 = tpu.memref_slice %arg10[%dma_start3A_1315, %dma_start3A_1316] : memref<10240x128xf32, #tpu.memory_space<vmem_shared>> -> memref<10240x128xf32, #tpu.memory_space<vmem_shared>>
      tpu.enqueue_indirect_dma source(%dma_start3A_1311 : memref<64x128xf32, #tpu.memory_space<vmem>>) target(%dma_start3A_1317 : memref<10240x128xf32, #tpu.memory_space<vmem_shared>>) offsets(%dma_start3A_1314 : memref<64xi32, #tpu.memory_space<vmem>>) semaphore(%arg18 : memref<!tpu.dma_semaphore, #tpu.memory_space<semaphore_mem>>) {add = true}
      %dma_start3A_1318 = arith.constant 1 : i32
      %dma_start3A_1319 = arith.constant 7 : i32
      %dma_start3A_1320 = arith.constant 0 : i32
      %dma_start3A_1321 = tpu.memref_slice %arg8[%dma_start3A_1318, %dma_start3A_1319, %dma_start3A_1320] : memref<2x8x64xi32, #tpu.memory_space<vmem>> -> memref<1x1x64xi32, #tpu.memory_space<vmem>>
      %dma_start3A_1322 = tpu.memref_squeeze %dma_start3A_1321 : memref<1x1x64xi32, #tpu.memory_space<vmem>> -> memref<64xi32, #tpu.memory_space<vmem>>
      %dma_start3A_1323 = arith.constant 0 : i32
      %dma_start3A_1324 = arith.constant 0 : i32
      %dma_start3A_1325 = tpu.memref_slice %arg21[%dma_start3A_1323, %dma_start3A_1324] : memref<10240x16xf32, #tpu.memory_space<vmem_shared>> -> memref<10240x16xf32, #tpu.memory_space<vmem_shared>>
      tpu.enqueue_indirect_dma source(%arg20 : memref<64x16xf32, #tpu.memory_space<vmem>>) target(%dma_start3A_1325 : memref<10240x16xf32, #tpu.memory_space<vmem_shared>>) offsets(%dma_start3A_1322 : memref<64xi32, #tpu.memory_space<vmem>>) semaphore(%arg22 : memref<!tpu.dma_semaphore, #tpu.memory_space<semaphore_mem>>) {add = true}
      %dma_wait3A_1326 = arith.constant 2 : i32
      %dma_wait3A_1327 = arith.constant 0 : i32
      %dma_wait3A_1328 = arith.constant 0 : i32
      %dma_wait3A_1329 = arith.constant 0 : i32
      %dma_wait3A_1330 = arith.constant 0 : i32
      %dma_wait3A_1331 = tpu.memref_slice %arg9[%dma_wait3A_1326, %dma_wait3A_1329, %dma_wait3A_1330] : memref<4x64x128xf32, #tpu.memory_space<vmem>> -> memref<1x64x128xf32, #tpu.memory_space<vmem>>
      %dma_wait3A_1332 = tpu.memref_squeeze %dma_wait3A_1331 : memref<1x64x128xf32, #tpu.memory_space<vmem>> -> memref<64x128xf32, #tpu.memory_space<vmem>>
      %dma_wait3A_1333 = arith.constant 0 : i32
      %dma_wait3A_1334 = tpu.memref_slice %arg8[%dma_wait3A_1327, %dma_wait3A_1328, %dma_wait3A_1333] : memref<2x8x64xi32, #tpu.memory_space<vmem>> -> memref<1x1x64xi32, #tpu.memory_space<vmem>>
      %dma_wait3A_1335 = tpu.memref_squeeze %dma_wait3A_1334 : memref<1x1x64xi32, #tpu.memory_space<vmem>> -> memref<64xi32, #tpu.memory_space<vmem>>
      %dma_wait3A_1336 = arith.constant 0 : i32
      %dma_wait3A_1337 = arith.constant 0 : i32
      %dma_wait3A_1338 = tpu.memref_slice %arg10[%dma_wait3A_1336, %dma_wait3A_1337] : memref<10240x128xf32, #tpu.memory_space<vmem_shared>> -> memref<10240x128xf32, #tpu.memory_space<vmem_shared>>
      tpu.wait_indirect_dma semaphore(%arg17 : memref<!tpu.dma_semaphore, #tpu.memory_space<semaphore_mem>>) src(%dma_wait3A_1332 : memref<64x128xf32, #tpu.memory_space<vmem>>) dst(%dma_wait3A_1338 : memref<10240x128xf32, #tpu.memory_space<vmem_shared>>)
      %lt3A_1339 = arith.constant 9 : i32
      %lt3A_1340 = arith.cmpi slt, %scan3A_253, %lt3A_1339 : i32
      %convert_element_type3A_1341 = arith.extui %lt3A_1340 : i1 to i32
      %cond3A_1342 = arith.constant 0 : i32
      %cond3A_1343 = arith.cmpi ne, %convert_element_type3A_1341, %cond3A_1342 : i32
      scf.if %cond3A_1343 {
        %dma_start3A_1344 = arith.constant 0 : i32
        %dma_start3A_1345 = arith.constant 2 : i32
        %dma_start3A_1346 = arith.constant 2 : i32
        %dma_start3A_1347 = arith.constant 0 : i32
        %dma_start3A_1348 = arith.constant 0 : i32
        %dma_start3A_1349 = tpu.memref_slice %arg9[%dma_start3A_1346, %dma_start3A_1347, %dma_start3A_1348] : memref<4x64x128xf32, #tpu.memory_space<vmem>> -> memref<1x64x128xf32, #tpu.memory_space<vmem>>
        %dma_start3A_1350 = tpu.memref_squeeze %dma_start3A_1349 : memref<1x64x128xf32, #tpu.memory_space<vmem>> -> memref<64x128xf32, #tpu.memory_space<vmem>>
        %dma_start3A_1351 = arith.constant 0 : i32
        %dma_start3A_1352 = tpu.memref_slice %arg7[%dma_start3A_1344, %dma_start3A_1345, %dma_start3A_1351] : memref<2x8x64xi32, #tpu.memory_space<vmem>> -> memref<1x1x64xi32, #tpu.memory_space<vmem>>
        %dma_start3A_1353 = tpu.memref_squeeze %dma_start3A_1352 : memref<1x1x64xi32, #tpu.memory_space<vmem>> -> memref<64xi32, #tpu.memory_space<vmem>>
        %dma_start3A_1354 = arith.constant 0 : i32
        %dma_start3A_1355 = arith.constant 0 : i32
        %dma_start3A_1356 = tpu.memref_slice %arg4[%dma_start3A_1354, %dma_start3A_1355] : memref<10000x128xf32, #tpu.memory_space<hbm>> -> memref<10000x128xf32, #tpu.memory_space<hbm>>
        tpu.enqueue_indirect_dma source(%dma_start3A_1356 : memref<10000x128xf32, #tpu.memory_space<hbm>>) target(%dma_start3A_1350 : memref<64x128xf32, #tpu.memory_space<vmem>>) offsets(%dma_start3A_1353 : memref<64xi32, #tpu.memory_space<vmem>>) semaphore(%arg13 : memref<!tpu.dma_semaphore, #tpu.memory_space<semaphore_mem>>)
      } else {
      }
    }
    %scan3A_167 = arith.constant 10 : i32
    %dma_wait3A = arith.constant 3 : i32
    %dma_wait3A_168 = arith.constant 0 : i32
    %dma_wait3A_169 = arith.constant 0 : i32
    %dma_wait3A_170 = arith.constant 0 : i32
    %dma_wait3A_171 = arith.constant 0 : i32
    %dma_wait3A_172 = tpu.memref_slice %arg9[%dma_wait3A, %dma_wait3A_170, %dma_wait3A_171] : memref<4x64x128xf32, #tpu.memory_space<vmem>> -> memref<1x64x128xf32, #tpu.memory_space<vmem>>
    %dma_wait3A_173 = tpu.memref_squeeze %dma_wait3A_172 : memref<1x64x128xf32, #tpu.memory_space<vmem>> -> memref<64x128xf32, #tpu.memory_space<vmem>>
    %dma_wait3A_174 = arith.constant 0 : i32
    %dma_wait3A_175 = tpu.memref_slice %arg8[%dma_wait3A_168, %dma_wait3A_169, %dma_wait3A_174] : memref<2x8x64xi32, #tpu.memory_space<vmem>> -> memref<1x1x64xi32, #tpu.memory_space<vmem>>
    %dma_wait3A_176 = tpu.memref_squeeze %dma_wait3A_175 : memref<1x1x64xi32, #tpu.memory_space<vmem>> -> memref<64xi32, #tpu.memory_space<vmem>>
    %dma_wait3A_177 = arith.constant 0 : i32
    %dma_wait3A_178 = arith.constant 0 : i32
    %dma_wait3A_179 = tpu.memref_slice %arg10[%dma_wait3A_177, %dma_wait3A_178] : memref<10240x128xf32, #tpu.memory_space<vmem_shared>> -> memref<10240x128xf32, #tpu.memory_space<vmem_shared>>
    tpu.wait_indirect_dma semaphore(%arg18 : memref<!tpu.dma_semaphore, #tpu.memory_space<semaphore_mem>>) src(%dma_wait3A_173 : memref<64x128xf32, #tpu.memory_space<vmem>>) dst(%dma_wait3A_179 : memref<10240x128xf32, #tpu.memory_space<vmem_shared>>)
    %dma_wait3A_180 = arith.constant 0 : i32
    %dma_wait3A_181 = arith.constant 0 : i32
    %dma_wait3A_182 = arith.constant 0 : i32
    %dma_wait3A_183 = tpu.memref_slice %arg8[%dma_wait3A_180, %dma_wait3A_181, %dma_wait3A_182] : memref<2x8x64xi32, #tpu.memory_space<vmem>> -> memref<1x1x64xi32, #tpu.memory_space<vmem>>
    %dma_wait3A_184 = tpu.memref_squeeze %dma_wait3A_183 : memref<1x1x64xi32, #tpu.memory_space<vmem>> -> memref<64xi32, #tpu.memory_space<vmem>>
    %dma_wait3A_185 = arith.constant 0 : i32
    %dma_wait3A_186 = arith.constant 0 : i32
    %dma_wait3A_187 = tpu.memref_slice %arg21[%dma_wait3A_185, %dma_wait3A_186] : memref<10240x16xf32, #tpu.memory_space<vmem_shared>> -> memref<10240x16xf32, #tpu.memory_space<vmem_shared>>
    tpu.wait_indirect_dma semaphore(%arg22 : memref<!tpu.dma_semaphore, #tpu.memory_space<semaphore_mem>>) src(%arg20 : memref<64x16xf32, #tpu.memory_space<vmem>>) dst(%dma_wait3A_187 : memref<10240x16xf32, #tpu.memory_space<vmem_shared>>)
    %dma_wait3A_188 = arith.constant 0 : i32
    %dma_wait3A_189 = arith.constant 0 : i32
    %dma_wait3A_190 = arith.constant 0 : i32
    %dma_wait3A_191 = tpu.memref_slice %arg8[%dma_wait3A_188, %dma_wait3A_189, %dma_wait3A_190] : memref<2x8x64xi32, #tpu.memory_space<vmem>> -> memref<1x1x64xi32, #tpu.memory_space<vmem>>
    %dma_wait3A_192 = tpu.memref_squeeze %dma_wait3A_191 : memref<1x1x64xi32, #tpu.memory_space<vmem>> -> memref<64xi32, #tpu.memory_space<vmem>>
    %dma_wait3A_193 = arith.constant 0 : i32
    %dma_wait3A_194 = arith.constant 0 : i32
    %dma_wait3A_195 = tpu.memref_slice %arg21[%dma_wait3A_193, %dma_wait3A_194] : memref<10240x16xf32, #tpu.memory_space<vmem_shared>> -> memref<10240x16xf32, #tpu.memory_space<vmem_shared>>
    tpu.wait_indirect_dma semaphore(%arg22 : memref<!tpu.dma_semaphore, #tpu.memory_space<semaphore_mem>>) src(%arg20 : memref<64x16xf32, #tpu.memory_space<vmem>>) dst(%dma_wait3A_195 : memref<10240x16xf32, #tpu.memory_space<vmem_shared>>)
    %dma_wait3A_196 = arith.constant 0 : i32
    %dma_wait3A_197 = arith.constant 0 : i32
    %dma_wait3A_198 = arith.constant 0 : i32
    %dma_wait3A_199 = tpu.memref_slice %arg8[%dma_wait3A_196, %dma_wait3A_197, %dma_wait3A_198] : memref<2x8x64xi32, #tpu.memory_space<vmem>> -> memref<1x1x64xi32, #tpu.memory_space<vmem>>
    %dma_wait3A_200 = tpu.memref_squeeze %dma_wait3A_199 : memref<1x1x64xi32, #tpu.memory_space<vmem>> -> memref<64xi32, #tpu.memory_space<vmem>>
    %dma_wait3A_201 = arith.constant 0 : i32
    %dma_wait3A_202 = arith.constant 0 : i32
    %dma_wait3A_203 = tpu.memref_slice %arg21[%dma_wait3A_201, %dma_wait3A_202] : memref<10240x16xf32, #tpu.memory_space<vmem_shared>> -> memref<10240x16xf32, #tpu.memory_space<vmem_shared>>
    tpu.wait_indirect_dma semaphore(%arg22 : memref<!tpu.dma_semaphore, #tpu.memory_space<semaphore_mem>>) src(%arg20 : memref<64x16xf32, #tpu.memory_space<vmem>>) dst(%dma_wait3A_203 : memref<10240x16xf32, #tpu.memory_space<vmem_shared>>)
    %dma_wait3A_204 = arith.constant 0 : i32
    %dma_wait3A_205 = arith.constant 0 : i32
    %dma_wait3A_206 = arith.constant 0 : i32
    %dma_wait3A_207 = tpu.memref_slice %arg8[%dma_wait3A_204, %dma_wait3A_205, %dma_wait3A_206] : memref<2x8x64xi32, #tpu.memory_space<vmem>> -> memref<1x1x64xi32, #tpu.memory_space<vmem>>
    %dma_wait3A_208 = tpu.memref_squeeze %dma_wait3A_207 : memref<1x1x64xi32, #tpu.memory_space<vmem>> -> memref<64xi32, #tpu.memory_space<vmem>>
    %dma_wait3A_209 = arith.constant 0 : i32
    %dma_wait3A_210 = arith.constant 0 : i32
    %dma_wait3A_211 = tpu.memref_slice %arg21[%dma_wait3A_209, %dma_wait3A_210] : memref<10240x16xf32, #tpu.memory_space<vmem_shared>> -> memref<10240x16xf32, #tpu.memory_space<vmem_shared>>
    tpu.wait_indirect_dma semaphore(%arg22 : memref<!tpu.dma_semaphore, #tpu.memory_space<semaphore_mem>>) src(%arg20 : memref<64x16xf32, #tpu.memory_space<vmem>>) dst(%dma_wait3A_211 : memref<10240x16xf32, #tpu.memory_space<vmem_shared>>)
    %dma_wait3A_212 = arith.constant 0 : i32
    %dma_wait3A_213 = arith.constant 0 : i32
    %dma_wait3A_214 = arith.constant 0 : i32
    %dma_wait3A_215 = tpu.memref_slice %arg8[%dma_wait3A_212, %dma_wait3A_213, %dma_wait3A_214] : memref<2x8x64xi32, #tpu.memory_space<vmem>> -> memref<1x1x64xi32, #tpu.memory_space<vmem>>
    %dma_wait3A_216 = tpu.memref_squeeze %dma_wait3A_215 : memref<1x1x64xi32, #tpu.memory_space<vmem>> -> memref<64xi32, #tpu.memory_space<vmem>>
    %dma_wait3A_217 = arith.constant 0 : i32
    %dma_wait3A_218 = arith.constant 0 : i32
    %dma_wait3A_219 = tpu.memref_slice %arg21[%dma_wait3A_217, %dma_wait3A_218] : memref<10240x16xf32, #tpu.memory_space<vmem_shared>> -> memref<10240x16xf32, #tpu.memory_space<vmem_shared>>
    tpu.wait_indirect_dma semaphore(%arg22 : memref<!tpu.dma_semaphore, #tpu.memory_space<semaphore_mem>>) src(%arg20 : memref<64x16xf32, #tpu.memory_space<vmem>>) dst(%dma_wait3A_219 : memref<10240x16xf32, #tpu.memory_space<vmem_shared>>)
    %dma_wait3A_220 = arith.constant 0 : i32
    %dma_wait3A_221 = arith.constant 0 : i32
    %dma_wait3A_222 = arith.constant 0 : i32
    %dma_wait3A_223 = tpu.memref_slice %arg8[%dma_wait3A_220, %dma_wait3A_221, %dma_wait3A_222] : memref<2x8x64xi32, #tpu.memory_space<vmem>> -> memref<1x1x64xi32, #tpu.memory_space<vmem>>
    %dma_wait3A_224 = tpu.memref_squeeze %dma_wait3A_223 : memref<1x1x64xi32, #tpu.memory_space<vmem>> -> memref<64xi32, #tpu.memory_space<vmem>>
    %dma_wait3A_225 = arith.constant 0 : i32
    %dma_wait3A_226 = arith.constant 0 : i32
    %dma_wait3A_227 = tpu.memref_slice %arg21[%dma_wait3A_225, %dma_wait3A_226] : memref<10240x16xf32, #tpu.memory_space<vmem_shared>> -> memref<10240x16xf32, #tpu.memory_space<vmem_shared>>
    tpu.wait_indirect_dma semaphore(%arg22 : memref<!tpu.dma_semaphore, #tpu.memory_space<semaphore_mem>>) src(%arg20 : memref<64x16xf32, #tpu.memory_space<vmem>>) dst(%dma_wait3A_227 : memref<10240x16xf32, #tpu.memory_space<vmem_shared>>)
    %dma_wait3A_228 = arith.constant 0 : i32
    %dma_wait3A_229 = arith.constant 0 : i32
    %dma_wait3A_230 = arith.constant 0 : i32
    %dma_wait3A_231 = tpu.memref_slice %arg8[%dma_wait3A_228, %dma_wait3A_229, %dma_wait3A_230] : memref<2x8x64xi32, #tpu.memory_space<vmem>> -> memref<1x1x64xi32, #tpu.memory_space<vmem>>
    %dma_wait3A_232 = tpu.memref_squeeze %dma_wait3A_231 : memref<1x1x64xi32, #tpu.memory_space<vmem>> -> memref<64xi32, #tpu.memory_space<vmem>>
    %dma_wait3A_233 = arith.constant 0 : i32
    %dma_wait3A_234 = arith.constant 0 : i32
    %dma_wait3A_235 = tpu.memref_slice %arg21[%dma_wait3A_233, %dma_wait3A_234] : memref<10240x16xf32, #tpu.memory_space<vmem_shared>> -> memref<10240x16xf32, #tpu.memory_space<vmem_shared>>
    tpu.wait_indirect_dma semaphore(%arg22 : memref<!tpu.dma_semaphore, #tpu.memory_space<semaphore_mem>>) src(%arg20 : memref<64x16xf32, #tpu.memory_space<vmem>>) dst(%dma_wait3A_235 : memref<10240x16xf32, #tpu.memory_space<vmem_shared>>)
    %dma_wait3A_236 = arith.constant 0 : i32
    %dma_wait3A_237 = arith.constant 0 : i32
    %dma_wait3A_238 = arith.constant 0 : i32
    %dma_wait3A_239 = tpu.memref_slice %arg8[%dma_wait3A_236, %dma_wait3A_237, %dma_wait3A_238] : memref<2x8x64xi32, #tpu.memory_space<vmem>> -> memref<1x1x64xi32, #tpu.memory_space<vmem>>
    %dma_wait3A_240 = tpu.memref_squeeze %dma_wait3A_239 : memref<1x1x64xi32, #tpu.memory_space<vmem>> -> memref<64xi32, #tpu.memory_space<vmem>>
    %dma_wait3A_241 = arith.constant 0 : i32
    %dma_wait3A_242 = arith.constant 0 : i32
    %dma_wait3A_243 = tpu.memref_slice %arg21[%dma_wait3A_241, %dma_wait3A_242] : memref<10240x16xf32, #tpu.memory_space<vmem_shared>> -> memref<10240x16xf32, #tpu.memory_space<vmem_shared>>
    tpu.wait_indirect_dma semaphore(%arg22 : memref<!tpu.dma_semaphore, #tpu.memory_space<semaphore_mem>>) src(%arg20 : memref<64x16xf32, #tpu.memory_space<vmem>>) dst(%dma_wait3A_243 : memref<10240x16xf32, #tpu.memory_space<vmem_shared>>)
    %barrier3A_244 = arith.constant 0 : index
    tpu.barrier barrier_id(%barrier3A_244)
    %mul3A_245 = arith.constant 640 : i32
    %mul3A_246 = arith.muli %arg1, %mul3A_245 : i32
    %mul3A_247 = arith.constant 640 : i32
    %mul3A_248 = arith.muli %arg1, %mul3A_247 : i32
    "tpu.region"() ({
      %run_scoped3A_253 = tpu.sem_alloc : memref<!tpu.dma_semaphore, #tpu.memory_space<semaphore_mem>>
      %dma_start3A_254 = arith.constant 0 : i32
      %dma_start3A_255 = tpu.memref_slice %arg5[%arg0, %mul3A_248, %dma_start3A_254] : memref<2x10240x128xf32, #tpu.memory_space<hbm>> -> memref<1x640x128xf32, #tpu.memory_space<hbm>>
      %dma_start3A_256 = tpu.memref_squeeze %dma_start3A_255 : memref<1x640x128xf32, #tpu.memory_space<hbm>> -> memref<640x128xf32, #tpu.memory_space<hbm>>
      %dma_start3A_257 = arith.constant 0 : i32
      %dma_start3A_258 = tpu.memref_slice %arg10[%mul3A_246, %dma_start3A_257] : memref<10240x128xf32, #tpu.memory_space<vmem_shared>> -> memref<640x128xf32, #tpu.memory_space<vmem_shared>>
      tpu.enqueue_dma source(%dma_start3A_258 : memref<640x128xf32, #tpu.memory_space<vmem_shared>>) target(%dma_start3A_256 : memref<640x128xf32, #tpu.memory_space<hbm>>) target_semaphore(%run_scoped3A_253 : memref<!tpu.dma_semaphore, #tpu.memory_space<semaphore_mem>>)
      %dma_wait3A_259 = arith.constant 0 : i32
      %dma_wait3A_260 = tpu.memref_slice %arg5[%arg0, %mul3A_248, %dma_wait3A_259] : memref<2x10240x128xf32, #tpu.memory_space<hbm>> -> memref<1x640x128xf32, #tpu.memory_space<hbm>>
      %dma_wait3A_261 = tpu.memref_squeeze %dma_wait3A_260 : memref<1x640x128xf32, #tpu.memory_space<hbm>> -> memref<640x128xf32, #tpu.memory_space<hbm>>
      %dma_wait3A_262 = arith.constant 0 : i32
      %dma_wait3A_263 = tpu.memref_slice %arg10[%mul3A_246, %dma_wait3A_262] : memref<10240x128xf32, #tpu.memory_space<vmem_shared>> -> memref<640x128xf32, #tpu.memory_space<vmem_shared>>
      tpu.wait_dma2 semaphore(%run_scoped3A_253 : memref<!tpu.dma_semaphore, #tpu.memory_space<semaphore_mem>>) src(%dma_wait3A_263 : memref<640x128xf32, #tpu.memory_space<vmem_shared>>) dst(%dma_wait3A_261 : memref<640x128xf32, #tpu.memory_space<hbm>>)
      tpu.yield
    }) : () -> ()
    %mul3A_249 = arith.constant 640 : i32
    %mul3A_250 = arith.muli %arg1, %mul3A_249 : i32
    %mul3A_251 = arith.constant 640 : i32
    %mul3A_252 = arith.muli %arg1, %mul3A_251 : i32
    "tpu.region"() ({
      %run_scoped3A_253 = tpu.sem_alloc : memref<!tpu.dma_semaphore, #tpu.memory_space<semaphore_mem>>
      %dma_start3A_254 = arith.constant 0 : i32
      %dma_start3A_255 = tpu.memref_slice %arg6[%arg0, %mul3A_252, %dma_start3A_254] : memref<2x10240x16xf32, #tpu.memory_space<hbm>> -> memref<1x640x16xf32, #tpu.memory_space<hbm>>
      %dma_start3A_256 = tpu.memref_squeeze %dma_start3A_255 : memref<1x640x16xf32, #tpu.memory_space<hbm>> -> memref<640x16xf32, #tpu.memory_space<hbm>>
      %dma_start3A_257 = arith.constant 0 : i32
      %dma_start3A_258 = tpu.memref_slice %arg21[%mul3A_250, %dma_start3A_257] : memref<10240x16xf32, #tpu.memory_space<vmem_shared>> -> memref<640x16xf32, #tpu.memory_space<vmem_shared>>
      tpu.enqueue_dma source(%dma_start3A_258 : memref<640x16xf32, #tpu.memory_space<vmem_shared>>) target(%dma_start3A_256 : memref<640x16xf32, #tpu.memory_space<hbm>>) target_semaphore(%run_scoped3A_253 : memref<!tpu.dma_semaphore, #tpu.memory_space<semaphore_mem>>)
      %dma_wait3A_259 = arith.constant 0 : i32
      %dma_wait3A_260 = tpu.memref_slice %arg6[%arg0, %mul3A_252, %dma_wait3A_259] : memref<2x10240x16xf32, #tpu.memory_space<hbm>> -> memref<1x640x16xf32, #tpu.memory_space<hbm>>
      %dma_wait3A_261 = tpu.memref_squeeze %dma_wait3A_260 : memref<1x640x16xf32, #tpu.memory_space<hbm>> -> memref<640x16xf32, #tpu.memory_space<hbm>>
      %dma_wait3A_262 = arith.constant 0 : i32
      %dma_wait3A_263 = tpu.memref_slice %arg21[%mul3A_250, %dma_wait3A_262] : memref<10240x16xf32, #tpu.memory_space<vmem_shared>> -> memref<640x16xf32, #tpu.memory_space<vmem_shared>>
      tpu.wait_dma2 semaphore(%run_scoped3A_253 : memref<!tpu.dma_semaphore, #tpu.memory_space<semaphore_mem>>) src(%dma_wait3A_263 : memref<640x16xf32, #tpu.memory_space<vmem_shared>>) dst(%dma_wait3A_261 : memref<640x16xf32, #tpu.memory_space<hbm>>)
      tpu.yield
    }) : () -> ()
    return
  }
}

#map = affine_map<(d0, d1) -> (0, 0)>
#map1 = affine_map<(d0, d1) -> (0, 0, 0)>
module attributes {stable_mosaic.version = 14 : i64} {
  func.func @body(%arg0: i32, %arg1: i32, %arg2: memref<2560x128xi32, #tpu.memory_space<hbm>>, %arg3: memref<2560x128xi32, #tpu.memory_space<hbm>>, %arg4: memref<10000x64xf32, #tpu.memory_space<hbm>>, %arg5: memref<2x10240x64xf32, #tpu.memory_space<hbm>>, %arg6: memref<2x8x128xi32, #tpu.memory_space<vmem>>, %arg7: memref<2x8x128xi32, #tpu.memory_space<vmem>>, %arg8: memref<4x128x64xf32, #tpu.memory_space<vmem>>, %arg9: memref<10240x64xf32, #tpu.memory_space<vmem_shared>>, %arg10: memref<!tpu.dma_semaphore, #tpu.memory_space<semaphore_mem>>, %arg11: memref<!tpu.dma_semaphore, #tpu.memory_space<semaphore_mem>>, %arg12: memref<!tpu.dma_semaphore, #tpu.memory_space<semaphore_mem>>, %arg13: memref<!tpu.dma_semaphore, #tpu.memory_space<semaphore_mem>>, %arg14: memref<!tpu.dma_semaphore, #tpu.memory_space<semaphore_mem>>, %arg15: memref<!tpu.dma_semaphore, #tpu.memory_space<semaphore_mem>>, %arg16: memref<!tpu.dma_semaphore, #tpu.memory_space<semaphore_mem>>, %arg17: memref<!tpu.dma_semaphore, #tpu.memory_space<semaphore_mem>>, %arg18: memref<!tpu.dma_semaphore, #tpu.memory_space<semaphore_mem>>) attributes {dimension_semantics = [#tpu.dimension_semantics<core_parallel>, #tpu.dimension_semantics<subcore_parallel>], iteration_bounds = array<i64: 2, 16>, scalar_prefetch = 0 : i64, scratch_operands = 13 : i64, tpu.core_type = #tpu.core_type<sc_vector_subcore>, window_params = [{transform_indices = #map}, {transform_indices = #map}, {transform_indices = #map}, {transform_indices = #map1}]} {
    %mul3A = arith.constant 16 : i32
    %mul3A_0 = arith.muli %arg0, %mul3A : i32
    %add3A = arith.addi %mul3A_0, %arg1 : i32
    %broadcast_in_dim3A = arith.constant 0.000000e+00 : f32
    %broadcast_in_dim3A_1 = vector.broadcast %broadcast_in_dim3A : f32 to vector<16xf32>
    %scan3A = arith.constant 0 : i32
    %scan3A_2 = arith.constant 0 : i32
    %scan3A_3 = arith.constant 0 : i32
    %scan3A_4 = arith.constant 512 : i32
    %scan3A_5 = arith.addi %scan3A_3, %scan3A_4 : i32
    %scan3A_6 = arith.constant 1 : i32
    scf.for %scan3A_104 = %scan3A_3 to %scan3A_5 step %scan3A_6  : i32 {
      %jit3A = arith.constant 4 : i32
      %div3A = arith.divsi %scan3A_104, %jit3A : i32
      %sign3A = arith.constant 0 : i32
      %sign3A_105 = arith.cmpi sgt, %scan3A_104, %sign3A : i32
      %sign3A_106 = arith.extui %sign3A_105 : i1 to i32
      %sign3A_107 = arith.constant 0 : i32
      %sign3A_108 = arith.cmpi slt, %scan3A_104, %sign3A_107 : i32
      %sign3A_109 = arith.extui %sign3A_108 : i1 to i32
      %sign3A_110 = arith.subi %sign3A_106, %sign3A_109 : i32
      %sign3A_111 = arith.constant 0 : i32
      %sign3A_112 = arith.cmpi sgt, %jit3A, %sign3A_111 : i32
      %sign3A_113 = arith.extui %sign3A_112 : i1 to i32
      %sign3A_114 = arith.constant 0 : i32
      %sign3A_115 = arith.cmpi slt, %jit3A, %sign3A_114 : i32
      %sign3A_116 = arith.extui %sign3A_115 : i1 to i32
      %sign3A_117 = arith.subi %sign3A_113, %sign3A_116 : i32
      %ne3A = arith.cmpi ne, %sign3A_110, %sign3A_117 : i32
      %rem3A = arith.remsi %scan3A_104, %jit3A : i32
      %ne3A_118 = arith.constant 0 : i32
      %ne3A_119 = arith.cmpi ne, %rem3A, %ne3A_118 : i32
      %and3A = arith.andi %ne3A, %ne3A_119 : i1
      %sub3A = arith.constant 1 : i32
      %sub3A_120 = arith.subi %div3A, %sub3A : i32
      %select_n3A = arith.select %and3A, %sub3A_120, %div3A : i32
      %jit3A_121 = arith.constant 4 : i32
      %eq3A = arith.constant 0 : i32
      %eq3A_122 = arith.cmpi eq, %jit3A_121, %eq3A : i32
      %jit3A_123 = arith.constant 1 : i32
      %select_n3A_124 = arith.select %eq3A_122, %jit3A_123, %jit3A_121 : i32
      %rem3A_125 = arith.remsi %scan3A_104, %select_n3A_124 : i32
      %ne3A_126 = arith.constant 0 : i32
      %ne3A_127 = arith.cmpi ne, %rem3A_125, %ne3A_126 : i32
      %lt3A = arith.constant 0 : i32
      %lt3A_128 = arith.cmpi slt, %rem3A_125, %lt3A : i32
      %lt3A_129 = arith.constant 0 : i32
      %lt3A_130 = arith.cmpi slt, %select_n3A_124, %lt3A_129 : i32
      %ne3A_131 = arith.xori %lt3A_128, %lt3A_130 : i1
      %and3A_132 = arith.andi %ne3A_131, %ne3A_127 : i1
      %add3A_133 = arith.addi %rem3A_125, %select_n3A_124 : i32
      %select_n3A_134 = arith.select %and3A_132, %add3A_133, %rem3A_125 : i32
      %mul3A_135 = arith.constant 16 : i32
      %mul3A_136 = arith.muli %select_n3A_134, %mul3A_135 : i32
      %swap3A = arith.constant 0 : i32
      %swap3A_137 = arith.constant 0 : i32
      %swap3A_138 = tpu.memref_slice %arg8[%scan3A_2, %swap3A, %swap3A_137] : memref<4x128x64xf32, #tpu.memory_space<vmem>> -> memref<1x128x64xf32, #tpu.memory_space<vmem>>
      %swap3A_139 = tpu.memref_squeeze %swap3A_138 : memref<1x128x64xf32, #tpu.memory_space<vmem>> -> memref<128x64xf32, #tpu.memory_space<vmem>>
      %swap3A_140 = arith.index_cast %select_n3A : i32 to index
      %swap3A_141 = arith.index_cast %mul3A_136 : i32 to index
      %swap3A_142 = tpu.vector_load %swap3A_139[%swap3A_140, %swap3A_141] {strides = array<i32>} : memref<128x64xf32, #tpu.memory_space<vmem>>, vector<1x16xf32>,
      %swap3A_143 = vector.shape_cast %swap3A_142 : vector<1x16xf32> to vector<16xf32>
      %swap3A_144 = vector.shape_cast %broadcast_in_dim3A_1 : vector<16xf32> to vector<1x16xf32>
      tpu.vector_store %swap3A_139[%swap3A_140, %swap3A_141], %swap3A_144 {strides = array<i32>} : memref<128x64xf32, #tpu.memory_space<vmem>>, vector<1x16xf32>,
    }
    %scan3A_7 = arith.constant 512 : i32
    %mul3A_8 = arith.constant 640 : i32
    %mul3A_9 = arith.muli %arg1, %mul3A_8 : i32
    %add3A_10 = arith.constant 0 : i32
    %add3A_11 = arith.addi %mul3A_9, %add3A_10 : i32
    %run_scoped3A = arith.constant 0 : i32
    "tpu.region"() ({
      %run_scoped3A_104 = tpu.sem_alloc : memref<!tpu.dma_semaphore, #tpu.memory_space<semaphore_mem>>
      %dma_start3A_105 = arith.constant 0 : i32
      %dma_start3A_106 = arith.constant 0 : i32
      %dma_start3A_107 = tpu.memref_slice %arg8[%run_scoped3A, %dma_start3A_105, %dma_start3A_106] : memref<4x128x64xf32, #tpu.memory_space<vmem>> -> memref<1x128x64xf32, #tpu.memory_space<vmem>>
      %dma_start3A_108 = tpu.memref_squeeze %dma_start3A_107 : memref<1x128x64xf32, #tpu.memory_space<vmem>> -> memref<128x64xf32, #tpu.memory_space<vmem>>
      %dma_start3A_109 = arith.constant 0 : i32
      %dma_start3A_110 = tpu.memref_slice %arg9[%add3A_11, %dma_start3A_109] : memref<10240x64xf32, #tpu.memory_space<vmem_shared>> -> memref<128x64xf32, #tpu.memory_space<vmem_shared>>
      %dma_start3A_111 = arith.constant 0 : i32
      %dma_start3A_112 = tpu.memref_slice %arg9[%add3A_11, %dma_start3A_111] : memref<10240x64xf32, #tpu.memory_space<vmem_shared>> -> memref<128x64xf32, #tpu.memory_space<vmem_shared>>
      %dma_start3A_113 = arith.constant 0 : i32
      %dma_start3A_114 = arith.constant 0 : i32
      %dma_start3A_115 = tpu.memref_slice %arg8[%run_scoped3A, %dma_start3A_113, %dma_start3A_114] : memref<4x128x64xf32, #tpu.memory_space<vmem>> -> memref<1x128x64xf32, #tpu.memory_space<vmem>>
      %dma_start3A_116 = tpu.memref_squeeze %dma_start3A_115 : memref<1x128x64xf32, #tpu.memory_space<vmem>> -> memref<128x64xf32, #tpu.memory_space<vmem>>
      tpu.enqueue_dma source(%dma_start3A_116 : memref<128x64xf32, #tpu.memory_space<vmem>>) target(%dma_start3A_112 : memref<128x64xf32, #tpu.memory_space<vmem_shared>>) target_semaphore(%run_scoped3A_104 : memref<!tpu.dma_semaphore, #tpu.memory_space<semaphore_mem>>)
      %dma_wait3A_117 = arith.constant 0 : i32
      %dma_wait3A_118 = arith.constant 0 : i32
      %dma_wait3A_119 = tpu.memref_slice %arg8[%run_scoped3A, %dma_wait3A_117, %dma_wait3A_118] : memref<4x128x64xf32, #tpu.memory_space<vmem>> -> memref<1x128x64xf32, #tpu.memory_space<vmem>>
      %dma_wait3A_120 = tpu.memref_squeeze %dma_wait3A_119 : memref<1x128x64xf32, #tpu.memory_space<vmem>> -> memref<128x64xf32, #tpu.memory_space<vmem>>
      %dma_wait3A_121 = arith.constant 0 : i32
      %dma_wait3A_122 = tpu.memref_slice %arg9[%add3A_11, %dma_wait3A_121] : memref<10240x64xf32, #tpu.memory_space<vmem_shared>> -> memref<128x64xf32, #tpu.memory_space<vmem_shared>>
      %dma_wait3A_123 = arith.constant 0 : i32
      %dma_wait3A_124 = tpu.memref_slice %arg9[%add3A_11, %dma_wait3A_123] : memref<10240x64xf32, #tpu.memory_space<vmem_shared>> -> memref<128x64xf32, #tpu.memory_space<vmem_shared>>
      %dma_wait3A_125 = arith.constant 0 : i32
      %dma_wait3A_126 = arith.constant 0 : i32
      %dma_wait3A_127 = tpu.memref_slice %arg8[%run_scoped3A, %dma_wait3A_125, %dma_wait3A_126] : memref<4x128x64xf32, #tpu.memory_space<vmem>> -> memref<1x128x64xf32, #tpu.memory_space<vmem>>
      %dma_wait3A_128 = tpu.memref_squeeze %dma_wait3A_127 : memref<1x128x64xf32, #tpu.memory_space<vmem>> -> memref<128x64xf32, #tpu.memory_space<vmem>>
      tpu.wait_dma2 semaphore(%run_scoped3A_104 : memref<!tpu.dma_semaphore, #tpu.memory_space<semaphore_mem>>) src(%dma_wait3A_128 : memref<128x64xf32, #tpu.memory_space<vmem>>) dst(%dma_wait3A_124 : memref<128x64xf32, #tpu.memory_space<vmem_shared>>)
      tpu.yield
    }) : () -> ()
    %mul3A_12 = arith.constant 640 : i32
    %mul3A_13 = arith.muli %arg1, %mul3A_12 : i32
    %add3A_14 = arith.constant 128 : i32
    %add3A_15 = arith.addi %mul3A_13, %add3A_14 : i32
    %run_scoped3A_16 = arith.constant 0 : i32
    "tpu.region"() ({
      %run_scoped3A_104 = tpu.sem_alloc : memref<!tpu.dma_semaphore, #tpu.memory_space<semaphore_mem>>
      %dma_start3A_105 = arith.constant 0 : i32
      %dma_start3A_106 = arith.constant 0 : i32
      %dma_start3A_107 = tpu.memref_slice %arg8[%run_scoped3A_16, %dma_start3A_105, %dma_start3A_106] : memref<4x128x64xf32, #tpu.memory_space<vmem>> -> memref<1x128x64xf32, #tpu.memory_space<vmem>>
      %dma_start3A_108 = tpu.memref_squeeze %dma_start3A_107 : memref<1x128x64xf32, #tpu.memory_space<vmem>> -> memref<128x64xf32, #tpu.memory_space<vmem>>
      %dma_start3A_109 = arith.constant 0 : i32
      %dma_start3A_110 = tpu.memref_slice %arg9[%add3A_15, %dma_start3A_109] : memref<10240x64xf32, #tpu.memory_space<vmem_shared>> -> memref<128x64xf32, #tpu.memory_space<vmem_shared>>
      %dma_start3A_111 = arith.constant 0 : i32
      %dma_start3A_112 = tpu.memref_slice %arg9[%add3A_15, %dma_start3A_111] : memref<10240x64xf32, #tpu.memory_space<vmem_shared>> -> memref<128x64xf32, #tpu.memory_space<vmem_shared>>
      %dma_start3A_113 = arith.constant 0 : i32
      %dma_start3A_114 = arith.constant 0 : i32
      %dma_start3A_115 = tpu.memref_slice %arg8[%run_scoped3A_16, %dma_start3A_113, %dma_start3A_114] : memref<4x128x64xf32, #tpu.memory_space<vmem>> -> memref<1x128x64xf32, #tpu.memory_space<vmem>>
      %dma_start3A_116 = tpu.memref_squeeze %dma_start3A_115 : memref<1x128x64xf32, #tpu.memory_space<vmem>> -> memref<128x64xf32, #tpu.memory_space<vmem>>
      tpu.enqueue_dma source(%dma_start3A_116 : memref<128x64xf32, #tpu.memory_space<vmem>>) target(%dma_start3A_112 : memref<128x64xf32, #tpu.memory_space<vmem_shared>>) target_semaphore(%run_scoped3A_104 : memref<!tpu.dma_semaphore, #tpu.memory_space<semaphore_mem>>)
      %dma_wait3A_117 = arith.constant 0 : i32
      %dma_wait3A_118 = arith.constant 0 : i32
      %dma_wait3A_119 = tpu.memref_slice %arg8[%run_scoped3A_16, %dma_wait3A_117, %dma_wait3A_118] : memref<4x128x64xf32, #tpu.memory_space<vmem>> -> memref<1x128x64xf32, #tpu.memory_space<vmem>>
      %dma_wait3A_120 = tpu.memref_squeeze %dma_wait3A_119 : memref<1x128x64xf32, #tpu.memory_space<vmem>> -> memref<128x64xf32, #tpu.memory_space<vmem>>
      %dma_wait3A_121 = arith.constant 0 : i32
      %dma_wait3A_122 = tpu.memref_slice %arg9[%add3A_15, %dma_wait3A_121] : memref<10240x64xf32, #tpu.memory_space<vmem_shared>> -> memref<128x64xf32, #tpu.memory_space<vmem_shared>>
      %dma_wait3A_123 = arith.constant 0 : i32
      %dma_wait3A_124 = tpu.memref_slice %arg9[%add3A_15, %dma_wait3A_123] : memref<10240x64xf32, #tpu.memory_space<vmem_shared>> -> memref<128x64xf32, #tpu.memory_space<vmem_shared>>
      %dma_wait3A_125 = arith.constant 0 : i32
      %dma_wait3A_126 = arith.constant 0 : i32
      %dma_wait3A_127 = tpu.memref_slice %arg8[%run_scoped3A_16, %dma_wait3A_125, %dma_wait3A_126] : memref<4x128x64xf32, #tpu.memory_space<vmem>> -> memref<1x128x64xf32, #tpu.memory_space<vmem>>
      %dma_wait3A_128 = tpu.memref_squeeze %dma_wait3A_127 : memref<1x128x64xf32, #tpu.memory_space<vmem>> -> memref<128x64xf32, #tpu.memory_space<vmem>>
      tpu.wait_dma2 semaphore(%run_scoped3A_104 : memref<!tpu.dma_semaphore, #tpu.memory_space<semaphore_mem>>) src(%dma_wait3A_128 : memref<128x64xf32, #tpu.memory_space<vmem>>) dst(%dma_wait3A_124 : memref<128x64xf32, #tpu.memory_space<vmem_shared>>)
      tpu.yield
    }) : () -> ()
    %mul3A_17 = arith.constant 640 : i32
    %mul3A_18 = arith.muli %arg1, %mul3A_17 : i32
    %add3A_19 = arith.constant 256 : i32
    %add3A_20 = arith.addi %mul3A_18, %add3A_19 : i32
    %run_scoped3A_21 = arith.constant 0 : i32
    "tpu.region"() ({
      %run_scoped3A_104 = tpu.sem_alloc : memref<!tpu.dma_semaphore, #tpu.memory_space<semaphore_mem>>
      %dma_start3A_105 = arith.constant 0 : i32
      %dma_start3A_106 = arith.constant 0 : i32
      %dma_start3A_107 = tpu.memref_slice %arg8[%run_scoped3A_21, %dma_start3A_105, %dma_start3A_106] : memref<4x128x64xf32, #tpu.memory_space<vmem>> -> memref<1x128x64xf32, #tpu.memory_space<vmem>>
      %dma_start3A_108 = tpu.memref_squeeze %dma_start3A_107 : memref<1x128x64xf32, #tpu.memory_space<vmem>> -> memref<128x64xf32, #tpu.memory_space<vmem>>
      %dma_start3A_109 = arith.constant 0 : i32
      %dma_start3A_110 = tpu.memref_slice %arg9[%add3A_20, %dma_start3A_109] : memref<10240x64xf32, #tpu.memory_space<vmem_shared>> -> memref<128x64xf32, #tpu.memory_space<vmem_shared>>
      %dma_start3A_111 = arith.constant 0 : i32
      %dma_start3A_112 = tpu.memref_slice %arg9[%add3A_20, %dma_start3A_111] : memref<10240x64xf32, #tpu.memory_space<vmem_shared>> -> memref<128x64xf32, #tpu.memory_space<vmem_shared>>
      %dma_start3A_113 = arith.constant 0 : i32
      %dma_start3A_114 = arith.constant 0 : i32
      %dma_start3A_115 = tpu.memref_slice %arg8[%run_scoped3A_21, %dma_start3A_113, %dma_start3A_114] : memref<4x128x64xf32, #tpu.memory_space<vmem>> -> memref<1x128x64xf32, #tpu.memory_space<vmem>>
      %dma_start3A_116 = tpu.memref_squeeze %dma_start3A_115 : memref<1x128x64xf32, #tpu.memory_space<vmem>> -> memref<128x64xf32, #tpu.memory_space<vmem>>
      tpu.enqueue_dma source(%dma_start3A_116 : memref<128x64xf32, #tpu.memory_space<vmem>>) target(%dma_start3A_112 : memref<128x64xf32, #tpu.memory_space<vmem_shared>>) target_semaphore(%run_scoped3A_104 : memref<!tpu.dma_semaphore, #tpu.memory_space<semaphore_mem>>)
      %dma_wait3A_117 = arith.constant 0 : i32
      %dma_wait3A_118 = arith.constant 0 : i32
      %dma_wait3A_119 = tpu.memref_slice %arg8[%run_scoped3A_21, %dma_wait3A_117, %dma_wait3A_118] : memref<4x128x64xf32, #tpu.memory_space<vmem>> -> memref<1x128x64xf32, #tpu.memory_space<vmem>>
      %dma_wait3A_120 = tpu.memref_squeeze %dma_wait3A_119 : memref<1x128x64xf32, #tpu.memory_space<vmem>> -> memref<128x64xf32, #tpu.memory_space<vmem>>
      %dma_wait3A_121 = arith.constant 0 : i32
      %dma_wait3A_122 = tpu.memref_slice %arg9[%add3A_20, %dma_wait3A_121] : memref<10240x64xf32, #tpu.memory_space<vmem_shared>> -> memref<128x64xf32, #tpu.memory_space<vmem_shared>>
      %dma_wait3A_123 = arith.constant 0 : i32
      %dma_wait3A_124 = tpu.memref_slice %arg9[%add3A_20, %dma_wait3A_123] : memref<10240x64xf32, #tpu.memory_space<vmem_shared>> -> memref<128x64xf32, #tpu.memory_space<vmem_shared>>
      %dma_wait3A_125 = arith.constant 0 : i32
      %dma_wait3A_126 = arith.constant 0 : i32
      %dma_wait3A_127 = tpu.memref_slice %arg8[%run_scoped3A_21, %dma_wait3A_125, %dma_wait3A_126] : memref<4x128x64xf32, #tpu.memory_space<vmem>> -> memref<1x128x64xf32, #tpu.memory_space<vmem>>
      %dma_wait3A_128 = tpu.memref_squeeze %dma_wait3A_127 : memref<1x128x64xf32, #tpu.memory_space<vmem>> -> memref<128x64xf32, #tpu.memory_space<vmem>>
      tpu.wait_dma2 semaphore(%run_scoped3A_104 : memref<!tpu.dma_semaphore, #tpu.memory_space<semaphore_mem>>) src(%dma_wait3A_128 : memref<128x64xf32, #tpu.memory_space<vmem>>) dst(%dma_wait3A_124 : memref<128x64xf32, #tpu.memory_space<vmem_shared>>)
      tpu.yield
    }) : () -> ()
    %mul3A_22 = arith.constant 640 : i32
    %mul3A_23 = arith.muli %arg1, %mul3A_22 : i32
    %add3A_24 = arith.constant 384 : i32
    %add3A_25 = arith.addi %mul3A_23, %add3A_24 : i32
    %run_scoped3A_26 = arith.constant 0 : i32
    "tpu.region"() ({
      %run_scoped3A_104 = tpu.sem_alloc : memref<!tpu.dma_semaphore, #tpu.memory_space<semaphore_mem>>
      %dma_start3A_105 = arith.constant 0 : i32
      %dma_start3A_106 = arith.constant 0 : i32
      %dma_start3A_107 = tpu.memref_slice %arg8[%run_scoped3A_26, %dma_start3A_105, %dma_start3A_106] : memref<4x128x64xf32, #tpu.memory_space<vmem>> -> memref<1x128x64xf32, #tpu.memory_space<vmem>>
      %dma_start3A_108 = tpu.memref_squeeze %dma_start3A_107 : memref<1x128x64xf32, #tpu.memory_space<vmem>> -> memref<128x64xf32, #tpu.memory_space<vmem>>
      %dma_start3A_109 = arith.constant 0 : i32
      %dma_start3A_110 = tpu.memref_slice %arg9[%add3A_25, %dma_start3A_109] : memref<10240x64xf32, #tpu.memory_space<vmem_shared>> -> memref<128x64xf32, #tpu.memory_space<vmem_shared>>
      %dma_start3A_111 = arith.constant 0 : i32
      %dma_start3A_112 = tpu.memref_slice %arg9[%add3A_25, %dma_start3A_111] : memref<10240x64xf32, #tpu.memory_space<vmem_shared>> -> memref<128x64xf32, #tpu.memory_space<vmem_shared>>
      %dma_start3A_113 = arith.constant 0 : i32
      %dma_start3A_114 = arith.constant 0 : i32
      %dma_start3A_115 = tpu.memref_slice %arg8[%run_scoped3A_26, %dma_start3A_113, %dma_start3A_114] : memref<4x128x64xf32, #tpu.memory_space<vmem>> -> memref<1x128x64xf32, #tpu.memory_space<vmem>>
      %dma_start3A_116 = tpu.memref_squeeze %dma_start3A_115 : memref<1x128x64xf32, #tpu.memory_space<vmem>> -> memref<128x64xf32, #tpu.memory_space<vmem>>
      tpu.enqueue_dma source(%dma_start3A_116 : memref<128x64xf32, #tpu.memory_space<vmem>>) target(%dma_start3A_112 : memref<128x64xf32, #tpu.memory_space<vmem_shared>>) target_semaphore(%run_scoped3A_104 : memref<!tpu.dma_semaphore, #tpu.memory_space<semaphore_mem>>)
      %dma_wait3A_117 = arith.constant 0 : i32
      %dma_wait3A_118 = arith.constant 0 : i32
      %dma_wait3A_119 = tpu.memref_slice %arg8[%run_scoped3A_26, %dma_wait3A_117, %dma_wait3A_118] : memref<4x128x64xf32, #tpu.memory_space<vmem>> -> memref<1x128x64xf32, #tpu.memory_space<vmem>>
      %dma_wait3A_120 = tpu.memref_squeeze %dma_wait3A_119 : memref<1x128x64xf32, #tpu.memory_space<vmem>> -> memref<128x64xf32, #tpu.memory_space<vmem>>
      %dma_wait3A_121 = arith.constant 0 : i32
      %dma_wait3A_122 = tpu.memref_slice %arg9[%add3A_25, %dma_wait3A_121] : memref<10240x64xf32, #tpu.memory_space<vmem_shared>> -> memref<128x64xf32, #tpu.memory_space<vmem_shared>>
      %dma_wait3A_123 = arith.constant 0 : i32
      %dma_wait3A_124 = tpu.memref_slice %arg9[%add3A_25, %dma_wait3A_123] : memref<10240x64xf32, #tpu.memory_space<vmem_shared>> -> memref<128x64xf32, #tpu.memory_space<vmem_shared>>
      %dma_wait3A_125 = arith.constant 0 : i32
      %dma_wait3A_126 = arith.constant 0 : i32
      %dma_wait3A_127 = tpu.memref_slice %arg8[%run_scoped3A_26, %dma_wait3A_125, %dma_wait3A_126] : memref<4x128x64xf32, #tpu.memory_space<vmem>> -> memref<1x128x64xf32, #tpu.memory_space<vmem>>
      %dma_wait3A_128 = tpu.memref_squeeze %dma_wait3A_127 : memref<1x128x64xf32, #tpu.memory_space<vmem>> -> memref<128x64xf32, #tpu.memory_space<vmem>>
      tpu.wait_dma2 semaphore(%run_scoped3A_104 : memref<!tpu.dma_semaphore, #tpu.memory_space<semaphore_mem>>) src(%dma_wait3A_128 : memref<128x64xf32, #tpu.memory_space<vmem>>) dst(%dma_wait3A_124 : memref<128x64xf32, #tpu.memory_space<vmem_shared>>)
      tpu.yield
    }) : () -> ()
    %mul3A_27 = arith.constant 640 : i32
    %mul3A_28 = arith.muli %arg1, %mul3A_27 : i32
    %add3A_29 = arith.constant 512 : i32
    %add3A_30 = arith.addi %mul3A_28, %add3A_29 : i32
    %run_scoped3A_31 = arith.constant 0 : i32
    "tpu.region"() ({
      %run_scoped3A_104 = tpu.sem_alloc : memref<!tpu.dma_semaphore, #tpu.memory_space<semaphore_mem>>
      %dma_start3A_105 = arith.constant 0 : i32
      %dma_start3A_106 = arith.constant 0 : i32
      %dma_start3A_107 = tpu.memref_slice %arg8[%run_scoped3A_31, %dma_start3A_105, %dma_start3A_106] : memref<4x128x64xf32, #tpu.memory_space<vmem>> -> memref<1x128x64xf32, #tpu.memory_space<vmem>>
      %dma_start3A_108 = tpu.memref_squeeze %dma_start3A_107 : memref<1x128x64xf32, #tpu.memory_space<vmem>> -> memref<128x64xf32, #tpu.memory_space<vmem>>
      %dma_start3A_109 = arith.constant 0 : i32
      %dma_start3A_110 = tpu.memref_slice %arg9[%add3A_30, %dma_start3A_109] : memref<10240x64xf32, #tpu.memory_space<vmem_shared>> -> memref<128x64xf32, #tpu.memory_space<vmem_shared>>
      %dma_start3A_111 = arith.constant 0 : i32
      %dma_start3A_112 = tpu.memref_slice %arg9[%add3A_30, %dma_start3A_111] : memref<10240x64xf32, #tpu.memory_space<vmem_shared>> -> memref<128x64xf32, #tpu.memory_space<vmem_shared>>
      %dma_start3A_113 = arith.constant 0 : i32
      %dma_start3A_114 = arith.constant 0 : i32
      %dma_start3A_115 = tpu.memref_slice %arg8[%run_scoped3A_31, %dma_start3A_113, %dma_start3A_114] : memref<4x128x64xf32, #tpu.memory_space<vmem>> -> memref<1x128x64xf32, #tpu.memory_space<vmem>>
      %dma_start3A_116 = tpu.memref_squeeze %dma_start3A_115 : memref<1x128x64xf32, #tpu.memory_space<vmem>> -> memref<128x64xf32, #tpu.memory_space<vmem>>
      tpu.enqueue_dma source(%dma_start3A_116 : memref<128x64xf32, #tpu.memory_space<vmem>>) target(%dma_start3A_112 : memref<128x64xf32, #tpu.memory_space<vmem_shared>>) target_semaphore(%run_scoped3A_104 : memref<!tpu.dma_semaphore, #tpu.memory_space<semaphore_mem>>)
      %dma_wait3A_117 = arith.constant 0 : i32
      %dma_wait3A_118 = arith.constant 0 : i32
      %dma_wait3A_119 = tpu.memref_slice %arg8[%run_scoped3A_31, %dma_wait3A_117, %dma_wait3A_118] : memref<4x128x64xf32, #tpu.memory_space<vmem>> -> memref<1x128x64xf32, #tpu.memory_space<vmem>>
      %dma_wait3A_120 = tpu.memref_squeeze %dma_wait3A_119 : memref<1x128x64xf32, #tpu.memory_space<vmem>> -> memref<128x64xf32, #tpu.memory_space<vmem>>
      %dma_wait3A_121 = arith.constant 0 : i32
      %dma_wait3A_122 = tpu.memref_slice %arg9[%add3A_30, %dma_wait3A_121] : memref<10240x64xf32, #tpu.memory_space<vmem_shared>> -> memref<128x64xf32, #tpu.memory_space<vmem_shared>>
      %dma_wait3A_123 = arith.constant 0 : i32
      %dma_wait3A_124 = tpu.memref_slice %arg9[%add3A_30, %dma_wait3A_123] : memref<10240x64xf32, #tpu.memory_space<vmem_shared>> -> memref<128x64xf32, #tpu.memory_space<vmem_shared>>
      %dma_wait3A_125 = arith.constant 0 : i32
      %dma_wait3A_126 = arith.constant 0 : i32
      %dma_wait3A_127 = tpu.memref_slice %arg8[%run_scoped3A_31, %dma_wait3A_125, %dma_wait3A_126] : memref<4x128x64xf32, #tpu.memory_space<vmem>> -> memref<1x128x64xf32, #tpu.memory_space<vmem>>
      %dma_wait3A_128 = tpu.memref_squeeze %dma_wait3A_127 : memref<1x128x64xf32, #tpu.memory_space<vmem>> -> memref<128x64xf32, #tpu.memory_space<vmem>>
      tpu.wait_dma2 semaphore(%run_scoped3A_104 : memref<!tpu.dma_semaphore, #tpu.memory_space<semaphore_mem>>) src(%dma_wait3A_128 : memref<128x64xf32, #tpu.memory_space<vmem>>) dst(%dma_wait3A_124 : memref<128x64xf32, #tpu.memory_space<vmem_shared>>)
      tpu.yield
    }) : () -> ()
    %barrier3A = arith.constant 0 : index
    tpu.barrier barrier_id(%barrier3A)
    %mul3A_32 = arith.constant 80 : i32
    %mul3A_33 = arith.muli %add3A, %mul3A_32 : i32
    %add3A_34 = arith.constant 0 : i32
    %add3A_35 = arith.addi %mul3A_33, %add3A_34 : i32
    %multiple_of3A = tpu.assume_multiple %add3A_35, 4 : i32
    %run_scoped3A_36 = arith.constant 0 : i32
    "tpu.region"() ({
      %run_scoped3A_104 = tpu.sem_alloc : memref<!tpu.dma_semaphore, #tpu.memory_space<semaphore_mem>>
      %dma_start3A_105 = arith.constant 0 : i32
      %dma_start3A_106 = arith.constant 0 : i32
      %dma_start3A_107 = tpu.memref_slice %arg6[%run_scoped3A_36, %dma_start3A_105, %dma_start3A_106] : memref<2x8x128xi32, #tpu.memory_space<vmem>> -> memref<1x8x128xi32, #tpu.memory_space<vmem>>
      %dma_start3A_108 = tpu.memref_squeeze %dma_start3A_107 : memref<1x8x128xi32, #tpu.memory_space<vmem>> -> memref<8x128xi32, #tpu.memory_space<vmem>>
      %dma_start3A_109 = arith.constant 0 : i32
      %dma_start3A_110 = tpu.memref_slice %arg2[%multiple_of3A, %dma_start3A_109] : memref<2560x128xi32, #tpu.memory_space<hbm>> -> memref<8x128xi32, #tpu.memory_space<hbm>>
      %dma_start3A_111 = arith.constant 0 : i32
      %dma_start3A_112 = arith.constant 0 : i32
      %dma_start3A_113 = tpu.memref_slice %arg6[%run_scoped3A_36, %dma_start3A_111, %dma_start3A_112] : memref<2x8x128xi32, #tpu.memory_space<vmem>> -> memref<1x8x128xi32, #tpu.memory_space<vmem>>
      %dma_start3A_114 = tpu.memref_squeeze %dma_start3A_113 : memref<1x8x128xi32, #tpu.memory_space<vmem>> -> memref<8x128xi32, #tpu.memory_space<vmem>>
      %dma_start3A_115 = arith.constant 0 : i32
      %dma_start3A_116 = tpu.memref_slice %arg2[%multiple_of3A, %dma_start3A_115] : memref<2560x128xi32, #tpu.memory_space<hbm>> -> memref<8x128xi32, #tpu.memory_space<hbm>>
      tpu.enqueue_dma source(%dma_start3A_116 : memref<8x128xi32, #tpu.memory_space<hbm>>) target(%dma_start3A_114 : memref<8x128xi32, #tpu.memory_space<vmem>>) target_semaphore(%run_scoped3A_104 : memref<!tpu.dma_semaphore, #tpu.memory_space<semaphore_mem>>)
      %dma_wait3A_117 = arith.constant 0 : i32
      %dma_wait3A_118 = arith.constant 0 : i32
      %dma_wait3A_119 = tpu.memref_slice %arg6[%run_scoped3A_36, %dma_wait3A_117, %dma_wait3A_118] : memref<2x8x128xi32, #tpu.memory_space<vmem>> -> memref<1x8x128xi32, #tpu.memory_space<vmem>>
      %dma_wait3A_120 = tpu.memref_squeeze %dma_wait3A_119 : memref<1x8x128xi32, #tpu.memory_space<vmem>> -> memref<8x128xi32, #tpu.memory_space<vmem>>
      %dma_wait3A_121 = arith.constant 0 : i32
      %dma_wait3A_122 = tpu.memref_slice %arg2[%multiple_of3A, %dma_wait3A_121] : memref<2560x128xi32, #tpu.memory_space<hbm>> -> memref<8x128xi32, #tpu.memory_space<hbm>>
      %dma_wait3A_123 = arith.constant 0 : i32
      %dma_wait3A_124 = arith.constant 0 : i32
      %dma_wait3A_125 = tpu.memref_slice %arg6[%run_scoped3A_36, %dma_wait3A_123, %dma_wait3A_124] : memref<2x8x128xi32, #tpu.memory_space<vmem>> -> memref<1x8x128xi32, #tpu.memory_space<vmem>>
      %dma_wait3A_126 = tpu.memref_squeeze %dma_wait3A_125 : memref<1x8x128xi32, #tpu.memory_space<vmem>> -> memref<8x128xi32, #tpu.memory_space<vmem>>
      %dma_wait3A_127 = arith.constant 0 : i32
      %dma_wait3A_128 = tpu.memref_slice %arg2[%multiple_of3A, %dma_wait3A_127] : memref<2560x128xi32, #tpu.memory_space<hbm>> -> memref<8x128xi32, #tpu.memory_space<hbm>>
      tpu.wait_dma2 semaphore(%run_scoped3A_104 : memref<!tpu.dma_semaphore, #tpu.memory_space<semaphore_mem>>) src(%dma_wait3A_128 : memref<8x128xi32, #tpu.memory_space<hbm>>) dst(%dma_wait3A_126 : memref<8x128xi32, #tpu.memory_space<vmem>>)
      tpu.yield
    }) : () -> ()
    %mul3A_37 = arith.constant 80 : i32
    %mul3A_38 = arith.muli %add3A, %mul3A_37 : i32
    %add3A_39 = arith.constant 0 : i32
    %add3A_40 = arith.addi %mul3A_38, %add3A_39 : i32
    %multiple_of3A_41 = tpu.assume_multiple %add3A_40, 4 : i32
    %run_scoped3A_42 = arith.constant 0 : i32
    "tpu.region"() ({
      %run_scoped3A_104 = tpu.sem_alloc : memref<!tpu.dma_semaphore, #tpu.memory_space<semaphore_mem>>
      %dma_start3A_105 = arith.constant 0 : i32
      %dma_start3A_106 = arith.constant 0 : i32
      %dma_start3A_107 = tpu.memref_slice %arg7[%run_scoped3A_42, %dma_start3A_105, %dma_start3A_106] : memref<2x8x128xi32, #tpu.memory_space<vmem>> -> memref<1x8x128xi32, #tpu.memory_space<vmem>>
      %dma_start3A_108 = tpu.memref_squeeze %dma_start3A_107 : memref<1x8x128xi32, #tpu.memory_space<vmem>> -> memref<8x128xi32, #tpu.memory_space<vmem>>
      %dma_start3A_109 = arith.constant 0 : i32
      %dma_start3A_110 = tpu.memref_slice %arg3[%multiple_of3A_41, %dma_start3A_109] : memref<2560x128xi32, #tpu.memory_space<hbm>> -> memref<8x128xi32, #tpu.memory_space<hbm>>
      %dma_start3A_111 = arith.constant 0 : i32
      %dma_start3A_112 = arith.constant 0 : i32
      %dma_start3A_113 = tpu.memref_slice %arg7[%run_scoped3A_42, %dma_start3A_111, %dma_start3A_112] : memref<2x8x128xi32, #tpu.memory_space<vmem>> -> memref<1x8x128xi32, #tpu.memory_space<vmem>>
      %dma_start3A_114 = tpu.memref_squeeze %dma_start3A_113 : memref<1x8x128xi32, #tpu.memory_space<vmem>> -> memref<8x128xi32, #tpu.memory_space<vmem>>
      %dma_start3A_115 = arith.constant 0 : i32
      %dma_start3A_116 = tpu.memref_slice %arg3[%multiple_of3A_41, %dma_start3A_115] : memref<2560x128xi32, #tpu.memory_space<hbm>> -> memref<8x128xi32, #tpu.memory_space<hbm>>
      tpu.enqueue_dma source(%dma_start3A_116 : memref<8x128xi32, #tpu.memory_space<hbm>>) target(%dma_start3A_114 : memref<8x128xi32, #tpu.memory_space<vmem>>) target_semaphore(%run_scoped3A_104 : memref<!tpu.dma_semaphore, #tpu.memory_space<semaphore_mem>>)
      %dma_wait3A_117 = arith.constant 0 : i32
      %dma_wait3A_118 = arith.constant 0 : i32
      %dma_wait3A_119 = tpu.memref_slice %arg7[%run_scoped3A_42, %dma_wait3A_117, %dma_wait3A_118] : memref<2x8x128xi32, #tpu.memory_space<vmem>> -> memref<1x8x128xi32, #tpu.memory_space<vmem>>
      %dma_wait3A_120 = tpu.memref_squeeze %dma_wait3A_119 : memref<1x8x128xi32, #tpu.memory_space<vmem>> -> memref<8x128xi32, #tpu.memory_space<vmem>>
      %dma_wait3A_121 = arith.constant 0 : i32
      %dma_wait3A_122 = tpu.memref_slice %arg3[%multiple_of3A_41, %dma_wait3A_121] : memref<2560x128xi32, #tpu.memory_space<hbm>> -> memref<8x128xi32, #tpu.memory_space<hbm>>
      %dma_wait3A_123 = arith.constant 0 : i32
      %dma_wait3A_124 = arith.constant 0 : i32
      %dma_wait3A_125 = tpu.memref_slice %arg7[%run_scoped3A_42, %dma_wait3A_123, %dma_wait3A_124] : memref<2x8x128xi32, #tpu.memory_space<vmem>> -> memref<1x8x128xi32, #tpu.memory_space<vmem>>
      %dma_wait3A_126 = tpu.memref_squeeze %dma_wait3A_125 : memref<1x8x128xi32, #tpu.memory_space<vmem>> -> memref<8x128xi32, #tpu.memory_space<vmem>>
      %dma_wait3A_127 = arith.constant 0 : i32
      %dma_wait3A_128 = tpu.memref_slice %arg3[%multiple_of3A_41, %dma_wait3A_127] : memref<2560x128xi32, #tpu.memory_space<hbm>> -> memref<8x128xi32, #tpu.memory_space<hbm>>
      tpu.wait_dma2 semaphore(%run_scoped3A_104 : memref<!tpu.dma_semaphore, #tpu.memory_space<semaphore_mem>>) src(%dma_wait3A_128 : memref<8x128xi32, #tpu.memory_space<hbm>>) dst(%dma_wait3A_126 : memref<8x128xi32, #tpu.memory_space<vmem>>)
      tpu.yield
    }) : () -> ()
    %dma_start3A = arith.constant 0 : i32
    %dma_start3A_43 = arith.constant 0 : i32
    %dma_start3A_44 = arith.constant 0 : i32
    %dma_start3A_45 = arith.constant 0 : i32
    %dma_start3A_46 = arith.constant 0 : i32
    %dma_start3A_47 = tpu.memref_slice %arg8[%dma_start3A_44, %dma_start3A_45, %dma_start3A_46] : memref<4x128x64xf32, #tpu.memory_space<vmem>> -> memref<1x128x64xf32, #tpu.memory_space<vmem>>
    %dma_start3A_48 = tpu.memref_squeeze %dma_start3A_47 : memref<1x128x64xf32, #tpu.memory_space<vmem>> -> memref<128x64xf32, #tpu.memory_space<vmem>>
    %dma_start3A_49 = arith.constant 0 : i32
    %dma_start3A_50 = tpu.memref_slice %arg6[%dma_start3A, %dma_start3A_43, %dma_start3A_49] : memref<2x8x128xi32, #tpu.memory_space<vmem>> -> memref<1x1x128xi32, #tpu.memory_space<vmem>>
    %dma_start3A_51 = tpu.memref_squeeze %dma_start3A_50 : memref<1x1x128xi32, #tpu.memory_space<vmem>> -> memref<128xi32, #tpu.memory_space<vmem>>
    %dma_start3A_52 = arith.constant 0 : i32
    %dma_start3A_53 = arith.constant 0 : i32
    %dma_start3A_54 = tpu.memref_slice %arg4[%dma_start3A_52, %dma_start3A_53] : memref<10000x64xf32, #tpu.memory_space<hbm>> -> memref<10000x64xf32, #tpu.memory_space<hbm>>
    tpu.enqueue_indirect_dma source(%dma_start3A_54 : memref<10000x64xf32, #tpu.memory_space<hbm>>) target(%dma_start3A_48 : memref<128x64xf32, #tpu.memory_space<vmem>>) offsets(%dma_start3A_51 : memref<128xi32, #tpu.memory_space<vmem>>) semaphore(%arg10 : memref<!tpu.dma_semaphore, #tpu.memory_space<semaphore_mem>>)
    %dma_start3A_55 = arith.constant 0 : i32
    %dma_start3A_56 = arith.constant 1 : i32
    %dma_start3A_57 = arith.constant 1 : i32
    %dma_start3A_58 = arith.constant 0 : i32
    %dma_start3A_59 = arith.constant 0 : i32
    %dma_start3A_60 = tpu.memref_slice %arg8[%dma_start3A_57, %dma_start3A_58, %dma_start3A_59] : memref<4x128x64xf32, #tpu.memory_space<vmem>> -> memref<1x128x64xf32, #tpu.memory_space<vmem>>
    %dma_start3A_61 = tpu.memref_squeeze %dma_start3A_60 : memref<1x128x64xf32, #tpu.memory_space<vmem>> -> memref<128x64xf32, #tpu.memory_space<vmem>>
    %dma_start3A_62 = arith.constant 0 : i32
    %dma_start3A_63 = tpu.memref_slice %arg6[%dma_start3A_55, %dma_start3A_56, %dma_start3A_62] : memref<2x8x128xi32, #tpu.memory_space<vmem>> -> memref<1x1x128xi32, #tpu.memory_space<vmem>>
    %dma_start3A_64 = tpu.memref_squeeze %dma_start3A_63 : memref<1x1x128xi32, #tpu.memory_space<vmem>> -> memref<128xi32, #tpu.memory_space<vmem>>
    %dma_start3A_65 = arith.constant 0 : i32
    %dma_start3A_66 = arith.constant 0 : i32
    %dma_start3A_67 = tpu.memref_slice %arg4[%dma_start3A_65, %dma_start3A_66] : memref<10000x64xf32, #tpu.memory_space<hbm>> -> memref<10000x64xf32, #tpu.memory_space<hbm>>
    tpu.enqueue_indirect_dma source(%dma_start3A_67 : memref<10000x64xf32, #tpu.memory_space<hbm>>) target(%dma_start3A_61 : memref<128x64xf32, #tpu.memory_space<vmem>>) offsets(%dma_start3A_64 : memref<128xi32, #tpu.memory_space<vmem>>) semaphore(%arg11 : memref<!tpu.dma_semaphore, #tpu.memory_space<semaphore_mem>>)
    %dma_start3A_68 = arith.constant 0 : i32
    %dma_start3A_69 = arith.constant 2 : i32
    %dma_start3A_70 = arith.constant 2 : i32
    %dma_start3A_71 = arith.constant 0 : i32
    %dma_start3A_72 = arith.constant 0 : i32
    %dma_start3A_73 = tpu.memref_slice %arg8[%dma_start3A_70, %dma_start3A_71, %dma_start3A_72] : memref<4x128x64xf32, #tpu.memory_space<vmem>> -> memref<1x128x64xf32, #tpu.memory_space<vmem>>
    %dma_start3A_74 = tpu.memref_squeeze %dma_start3A_73 : memref<1x128x64xf32, #tpu.memory_space<vmem>> -> memref<128x64xf32, #tpu.memory_space<vmem>>
    %dma_start3A_75 = arith.constant 0 : i32
    %dma_start3A_76 = tpu.memref_slice %arg6[%dma_start3A_68, %dma_start3A_69, %dma_start3A_75] : memref<2x8x128xi32, #tpu.memory_space<vmem>> -> memref<1x1x128xi32, #tpu.memory_space<vmem>>
    %dma_start3A_77 = tpu.memref_squeeze %dma_start3A_76 : memref<1x1x128xi32, #tpu.memory_space<vmem>> -> memref<128xi32, #tpu.memory_space<vmem>>
    %dma_start3A_78 = arith.constant 0 : i32
    %dma_start3A_79 = arith.constant 0 : i32
    %dma_start3A_80 = tpu.memref_slice %arg4[%dma_start3A_78, %dma_start3A_79] : memref<10000x64xf32, #tpu.memory_space<hbm>> -> memref<10000x64xf32, #tpu.memory_space<hbm>>
    tpu.enqueue_indirect_dma source(%dma_start3A_80 : memref<10000x64xf32, #tpu.memory_space<hbm>>) target(%dma_start3A_74 : memref<128x64xf32, #tpu.memory_space<vmem>>) offsets(%dma_start3A_77 : memref<128xi32, #tpu.memory_space<vmem>>) semaphore(%arg12 : memref<!tpu.dma_semaphore, #tpu.memory_space<semaphore_mem>>)
    %scan3A_81 = arith.constant 0 : i32
    %scan3A_82 = arith.constant 0 : i32
    %scan3A_83 = arith.constant 5 : i32
    %scan3A_84 = arith.addi %scan3A_82, %scan3A_83 : i32
    %scan3A_85 = arith.constant 1 : i32
    scf.for %scan3A_104 = %scan3A_82 to %scan3A_84 step %scan3A_85  : i32 {
      %mul3A_105 = arith.constant 2 : i32
      %mul3A_106 = arith.muli %mul3A_105, %scan3A_104 : i32
      %add3A_107 = arith.constant 0 : i32
      %add3A_108 = arith.addi %mul3A_106, %add3A_107 : i32
      %gt3A = arith.constant 0 : i32
      %gt3A_109 = arith.cmpi sgt, %scan3A_104, %gt3A : i32
      %convert_element_type3A = arith.extui %gt3A_109 : i1 to i32
      %cond3A = arith.constant 0 : i32
      %cond3A_110 = arith.cmpi ne, %convert_element_type3A, %cond3A : i32
      scf.if %cond3A_110 {
        %dma_wait3A_1003 = arith.constant 3 : i32
        %dma_wait3A_1004 = arith.constant 0 : i32
        %dma_wait3A_1005 = arith.constant 0 : i32
        %dma_wait3A_1006 = arith.constant 0 : i32
        %dma_wait3A_1007 = arith.constant 0 : i32
        %dma_wait3A_1008 = tpu.memref_slice %arg8[%dma_wait3A_1003, %dma_wait3A_1006, %dma_wait3A_1007] : memref<4x128x64xf32, #tpu.memory_space<vmem>> -> memref<1x128x64xf32, #tpu.memory_space<vmem>>
        %dma_wait3A_1009 = tpu.memref_squeeze %dma_wait3A_1008 : memref<1x128x64xf32, #tpu.memory_space<vmem>> -> memref<128x64xf32, #tpu.memory_space<vmem>>
        %dma_wait3A_1010 = arith.constant 0 : i32
        %dma_wait3A_1011 = tpu.memref_slice %arg7[%dma_wait3A_1004, %dma_wait3A_1005, %dma_wait3A_1010] : memref<2x8x128xi32, #tpu.memory_space<vmem>> -> memref<1x1x128xi32, #tpu.memory_space<vmem>>
        %dma_wait3A_1012 = tpu.memref_squeeze %dma_wait3A_1011 : memref<1x1x128xi32, #tpu.memory_space<vmem>> -> memref<128xi32, #tpu.memory_space<vmem>>
        %dma_wait3A_1013 = arith.constant 0 : i32
        %dma_wait3A_1014 = arith.constant 0 : i32
        %dma_wait3A_1015 = tpu.memref_slice %arg9[%dma_wait3A_1013, %dma_wait3A_1014] : memref<10240x64xf32, #tpu.memory_space<vmem_shared>> -> memref<10240x64xf32, #tpu.memory_space<vmem_shared>>
        tpu.wait_indirect_dma semaphore(%arg17 : memref<!tpu.dma_semaphore, #tpu.memory_space<semaphore_mem>>) src(%dma_wait3A_1009 : memref<128x64xf32, #tpu.memory_space<vmem>>) dst(%dma_wait3A_1015 : memref<10240x64xf32, #tpu.memory_space<vmem_shared>>)
      } else {
      }
      %add3A_111 = arith.constant 1 : i32
      %add3A_112 = arith.addi %add3A_108, %add3A_111 : i32
      %mul3A_113 = arith.constant 80 : i32
      %mul3A_114 = arith.muli %add3A, %mul3A_113 : i32
      %mul3A_115 = arith.constant 8 : i32
      %mul3A_116 = arith.muli %add3A_112, %mul3A_115 : i32
      %add3A_117 = arith.addi %mul3A_114, %mul3A_116 : i32
      %multiple_of3A_118 = tpu.assume_multiple %add3A_117, 4 : i32
      %dma_start3A_119 = arith.constant 1 : i32
      %dma_start3A_120 = arith.constant 0 : i32
      %dma_start3A_121 = arith.constant 0 : i32
      %dma_start3A_122 = tpu.memref_slice %arg6[%dma_start3A_119, %dma_start3A_120, %dma_start3A_121] : memref<2x8x128xi32, #tpu.memory_space<vmem>> -> memref<1x8x128xi32, #tpu.memory_space<vmem>>
      %dma_start3A_123 = tpu.memref_squeeze %dma_start3A_122 : memref<1x8x128xi32, #tpu.memory_space<vmem>> -> memref<8x128xi32, #tpu.memory_space<vmem>>
      %dma_start3A_124 = arith.constant 0 : i32
      %dma_start3A_125 = tpu.memref_slice %arg2[%multiple_of3A_118, %dma_start3A_124] : memref<2560x128xi32, #tpu.memory_space<hbm>> -> memref<8x128xi32, #tpu.memory_space<hbm>>
      %dma_start3A_126 = arith.constant 0 : i32
      %dma_start3A_127 = arith.constant 0 : i32
      %dma_start3A_128 = tpu.memref_slice %arg6[%dma_start3A_119, %dma_start3A_126, %dma_start3A_127] : memref<2x8x128xi32, #tpu.memory_space<vmem>> -> memref<1x8x128xi32, #tpu.memory_space<vmem>>
      %dma_start3A_129 = tpu.memref_squeeze %dma_start3A_128 : memref<1x8x128xi32, #tpu.memory_space<vmem>> -> memref<8x128xi32, #tpu.memory_space<vmem>>
      %dma_start3A_130 = arith.constant 0 : i32
      %dma_start3A_131 = tpu.memref_slice %arg2[%multiple_of3A_118, %dma_start3A_130] : memref<2560x128xi32, #tpu.memory_space<hbm>> -> memref<8x128xi32, #tpu.memory_space<hbm>>
      tpu.enqueue_dma source(%dma_start3A_131 : memref<8x128xi32, #tpu.memory_space<hbm>>) target(%dma_start3A_129 : memref<8x128xi32, #tpu.memory_space<vmem>>) target_semaphore(%arg18 : memref<!tpu.dma_semaphore, #tpu.memory_space<semaphore_mem>>)
      %add3A_132 = arith.constant 1 : i32
      %add3A_133 = arith.addi %add3A_108, %add3A_132 : i32
      %mul3A_134 = arith.constant 80 : i32
      %mul3A_135 = arith.muli %add3A, %mul3A_134 : i32
      %mul3A_136 = arith.constant 8 : i32
      %mul3A_137 = arith.muli %add3A_133, %mul3A_136 : i32
      %add3A_138 = arith.addi %mul3A_135, %mul3A_137 : i32
      %multiple_of3A_139 = tpu.assume_multiple %add3A_138, 4 : i32
      %dma_start3A_140 = arith.constant 1 : i32
      %dma_start3A_141 = arith.constant 0 : i32
      %dma_start3A_142 = arith.constant 0 : i32
      %dma_start3A_143 = tpu.memref_slice %arg7[%dma_start3A_140, %dma_start3A_141, %dma_start3A_142] : memref<2x8x128xi32, #tpu.memory_space<vmem>> -> memref<1x8x128xi32, #tpu.memory_space<vmem>>
      %dma_start3A_144 = tpu.memref_squeeze %dma_start3A_143 : memref<1x8x128xi32, #tpu.memory_space<vmem>> -> memref<8x128xi32, #tpu.memory_space<vmem>>
      %dma_start3A_145 = arith.constant 0 : i32
      %dma_start3A_146 = tpu.memref_slice %arg3[%multiple_of3A_139, %dma_start3A_145] : memref<2560x128xi32, #tpu.memory_space<hbm>> -> memref<8x128xi32, #tpu.memory_space<hbm>>
      %dma_start3A_147 = arith.constant 0 : i32
      %dma_start3A_148 = arith.constant 0 : i32
      %dma_start3A_149 = tpu.memref_slice %arg7[%dma_start3A_140, %dma_start3A_147, %dma_start3A_148] : memref<2x8x128xi32, #tpu.memory_space<vmem>> -> memref<1x8x128xi32, #tpu.memory_space<vmem>>
      %dma_start3A_150 = tpu.memref_squeeze %dma_start3A_149 : memref<1x8x128xi32, #tpu.memory_space<vmem>> -> memref<8x128xi32, #tpu.memory_space<vmem>>
      %dma_start3A_151 = arith.constant 0 : i32
      %dma_start3A_152 = tpu.memref_slice %arg3[%multiple_of3A_139, %dma_start3A_151] : memref<2560x128xi32, #tpu.memory_space<hbm>> -> memref<8x128xi32, #tpu.memory_space<hbm>>
      tpu.enqueue_dma source(%dma_start3A_152 : memref<8x128xi32, #tpu.memory_space<hbm>>) target(%dma_start3A_150 : memref<8x128xi32, #tpu.memory_space<vmem>>) target_semaphore(%arg18 : memref<!tpu.dma_semaphore, #tpu.memory_space<semaphore_mem>>)
      %dma_wait3A_153 = arith.constant 0 : i32
      %dma_wait3A_154 = arith.constant 0 : i32
      %dma_wait3A_155 = arith.constant 0 : i32
      %dma_wait3A_156 = arith.constant 0 : i32
      %dma_wait3A_157 = arith.constant 0 : i32
      %dma_wait3A_158 = tpu.memref_slice %arg8[%dma_wait3A_155, %dma_wait3A_156, %dma_wait3A_157] : memref<4x128x64xf32, #tpu.memory_space<vmem>> -> memref<1x128x64xf32, #tpu.memory_space<vmem>>
      %dma_wait3A_159 = tpu.memref_squeeze %dma_wait3A_158 : memref<1x128x64xf32, #tpu.memory_space<vmem>> -> memref<128x64xf32, #tpu.memory_space<vmem>>
      %dma_wait3A_160 = arith.constant 0 : i32
      %dma_wait3A_161 = tpu.memref_slice %arg6[%dma_wait3A_153, %dma_wait3A_154, %dma_wait3A_160] : memref<2x8x128xi32, #tpu.memory_space<vmem>> -> memref<1x1x128xi32, #tpu.memory_space<vmem>>
      %dma_wait3A_162 = tpu.memref_squeeze %dma_wait3A_161 : memref<1x1x128xi32, #tpu.memory_space<vmem>> -> memref<128xi32, #tpu.memory_space<vmem>>
      %dma_wait3A_163 = arith.constant 0 : i32
      %dma_wait3A_164 = arith.constant 0 : i32
      %dma_wait3A_165 = tpu.memref_slice %arg4[%dma_wait3A_163, %dma_wait3A_164] : memref<10000x64xf32, #tpu.memory_space<hbm>> -> memref<10000x64xf32, #tpu.memory_space<hbm>>
      tpu.wait_indirect_dma semaphore(%arg10 : memref<!tpu.dma_semaphore, #tpu.memory_space<semaphore_mem>>) src(%dma_wait3A_165 : memref<10000x64xf32, #tpu.memory_space<hbm>>) dst(%dma_wait3A_159 : memref<128x64xf32, #tpu.memory_space<vmem>>)
      %dma_start3A_166 = arith.constant 0 : i32
      %dma_start3A_167 = arith.constant 0 : i32
      %dma_start3A_168 = arith.constant 0 : i32
      %dma_start3A_169 = arith.constant 0 : i32
      %dma_start3A_170 = arith.constant 0 : i32
      %dma_start3A_171 = tpu.memref_slice %arg8[%dma_start3A_166, %dma_start3A_169, %dma_start3A_170] : memref<4x128x64xf32, #tpu.memory_space<vmem>> -> memref<1x128x64xf32, #tpu.memory_space<vmem>>
      %dma_start3A_172 = tpu.memref_squeeze %dma_start3A_171 : memref<1x128x64xf32, #tpu.memory_space<vmem>> -> memref<128x64xf32, #tpu.memory_space<vmem>>
      %dma_start3A_173 = arith.constant 0 : i32
      %dma_start3A_174 = tpu.memref_slice %arg7[%dma_start3A_167, %dma_start3A_168, %dma_start3A_173] : memref<2x8x128xi32, #tpu.memory_space<vmem>> -> memref<1x1x128xi32, #tpu.memory_space<vmem>>
      %dma_start3A_175 = tpu.memref_squeeze %dma_start3A_174 : memref<1x1x128xi32, #tpu.memory_space<vmem>> -> memref<128xi32, #tpu.memory_space<vmem>>
      %dma_start3A_176 = arith.constant 0 : i32
      %dma_start3A_177 = arith.constant 0 : i32
      %dma_start3A_178 = tpu.memref_slice %arg9[%dma_start3A_176, %dma_start3A_177] : memref<10240x64xf32, #tpu.memory_space<vmem_shared>> -> memref<10240x64xf32, #tpu.memory_space<vmem_shared>>
      tpu.enqueue_indirect_dma source(%dma_start3A_172 : memref<128x64xf32, #tpu.memory_space<vmem>>) target(%dma_start3A_178 : memref<10240x64xf32, #tpu.memory_space<vmem_shared>>) offsets(%dma_start3A_175 : memref<128xi32, #tpu.memory_space<vmem>>) semaphore(%arg14 : memref<!tpu.dma_semaphore, #tpu.memory_space<semaphore_mem>>) {add = true}
      %dma_start3A_179 = arith.constant 0 : i32
      %dma_start3A_180 = arith.constant 3 : i32
      %dma_start3A_181 = arith.constant 3 : i32
      %dma_start3A_182 = arith.constant 0 : i32
      %dma_start3A_183 = arith.constant 0 : i32
      %dma_start3A_184 = tpu.memref_slice %arg8[%dma_start3A_181, %dma_start3A_182, %dma_start3A_183] : memref<4x128x64xf32, #tpu.memory_space<vmem>> -> memref<1x128x64xf32, #tpu.memory_space<vmem>>
      %dma_start3A_185 = tpu.memref_squeeze %dma_start3A_184 : memref<1x128x64xf32, #tpu.memory_space<vmem>> -> memref<128x64xf32, #tpu.memory_space<vmem>>
      %dma_start3A_186 = arith.constant 0 : i32
      %dma_start3A_187 = tpu.memref_slice %arg6[%dma_start3A_179, %dma_start3A_180, %dma_start3A_186] : memref<2x8x128xi32, #tpu.memory_space<vmem>> -> memref<1x1x128xi32, #tpu.memory_space<vmem>>
      %dma_start3A_188 = tpu.memref_squeeze %dma_start3A_187 : memref<1x1x128xi32, #tpu.memory_space<vmem>> -> memref<128xi32, #tpu.memory_space<vmem>>
      %dma_start3A_189 = arith.constant 0 : i32
      %dma_start3A_190 = arith.constant 0 : i32
      %dma_start3A_191 = tpu.memref_slice %arg4[%dma_start3A_189, %dma_start3A_190] : memref<10000x64xf32, #tpu.memory_space<hbm>> -> memref<10000x64xf32, #tpu.memory_space<hbm>>
      tpu.enqueue_indirect_dma source(%dma_start3A_191 : memref<10000x64xf32, #tpu.memory_space<hbm>>) target(%dma_start3A_185 : memref<128x64xf32, #tpu.memory_space<vmem>>) offsets(%dma_start3A_188 : memref<128xi32, #tpu.memory_space<vmem>>) semaphore(%arg13 : memref<!tpu.dma_semaphore, #tpu.memory_space<semaphore_mem>>)
      %dma_wait3A_192 = arith.constant 0 : i32
      %dma_wait3A_193 = arith.constant 0 : i32
      %dma_wait3A_194 = arith.constant 1 : i32
      %dma_wait3A_195 = arith.constant 0 : i32
      %dma_wait3A_196 = arith.constant 0 : i32
      %dma_wait3A_197 = tpu.memref_slice %arg8[%dma_wait3A_194, %dma_wait3A_195, %dma_wait3A_196] : memref<4x128x64xf32, #tpu.memory_space<vmem>> -> memref<1x128x64xf32, #tpu.memory_space<vmem>>
      %dma_wait3A_198 = tpu.memref_squeeze %dma_wait3A_197 : memref<1x128x64xf32, #tpu.memory_space<vmem>> -> memref<128x64xf32, #tpu.memory_space<vmem>>
      %dma_wait3A_199 = arith.constant 0 : i32
      %dma_wait3A_200 = tpu.memref_slice %arg6[%dma_wait3A_192, %dma_wait3A_193, %dma_wait3A_199] : memref<2x8x128xi32, #tpu.memory_space<vmem>> -> memref<1x1x128xi32, #tpu.memory_space<vmem>>
      %dma_wait3A_201 = tpu.memref_squeeze %dma_wait3A_200 : memref<1x1x128xi32, #tpu.memory_space<vmem>> -> memref<128xi32, #tpu.memory_space<vmem>>
      %dma_wait3A_202 = arith.constant 0 : i32
      %dma_wait3A_203 = arith.constant 0 : i32
      %dma_wait3A_204 = tpu.memref_slice %arg4[%dma_wait3A_202, %dma_wait3A_203] : memref<10000x64xf32, #tpu.memory_space<hbm>> -> memref<10000x64xf32, #tpu.memory_space<hbm>>
      tpu.wait_indirect_dma semaphore(%arg11 : memref<!tpu.dma_semaphore, #tpu.memory_space<semaphore_mem>>) src(%dma_wait3A_204 : memref<10000x64xf32, #tpu.memory_space<hbm>>) dst(%dma_wait3A_198 : memref<128x64xf32, #tpu.memory_space<vmem>>)
      %dma_start3A_205 = arith.constant 1 : i32
      %dma_start3A_206 = arith.constant 0 : i32
      %dma_start3A_207 = arith.constant 1 : i32
      %dma_start3A_208 = arith.constant 0 : i32
      %dma_start3A_209 = arith.constant 0 : i32
      %dma_start3A_210 = tpu.memref_slice %arg8[%dma_start3A_205, %dma_start3A_208, %dma_start3A_209] : memref<4x128x64xf32, #tpu.memory_space<vmem>> -> memref<1x128x64xf32, #tpu.memory_space<vmem>>
      %dma_start3A_211 = tpu.memref_squeeze %dma_start3A_210 : memref<1x128x64xf32, #tpu.memory_space<vmem>> -> memref<128x64xf32, #tpu.memory_space<vmem>>
      %dma_start3A_212 = arith.constant 0 : i32
      %dma_start3A_213 = tpu.memref_slice %arg7[%dma_start3A_206, %dma_start3A_207, %dma_start3A_212] : memref<2x8x128xi32, #tpu.memory_space<vmem>> -> memref<1x1x128xi32, #tpu.memory_space<vmem>>
      %dma_start3A_214 = tpu.memref_squeeze %dma_start3A_213 : memref<1x1x128xi32, #tpu.memory_space<vmem>> -> memref<128xi32, #tpu.memory_space<vmem>>
      %dma_start3A_215 = arith.constant 0 : i32
      %dma_start3A_216 = arith.constant 0 : i32
      %dma_start3A_217 = tpu.memref_slice %arg9[%dma_start3A_215, %dma_start3A_216] : memref<10240x64xf32, #tpu.memory_space<vmem_shared>> -> memref<10240x64xf32, #tpu.memory_space<vmem_shared>>
      tpu.enqueue_indirect_dma source(%dma_start3A_211 : memref<128x64xf32, #tpu.memory_space<vmem>>) target(%dma_start3A_217 : memref<10240x64xf32, #tpu.memory_space<vmem_shared>>) offsets(%dma_start3A_214 : memref<128xi32, #tpu.memory_space<vmem>>) semaphore(%arg15 : memref<!tpu.dma_semaphore, #tpu.memory_space<semaphore_mem>>) {add = true}
      %dma_wait3A_218 = arith.constant 0 : i32
      %dma_wait3A_219 = arith.constant 0 : i32
      %dma_wait3A_220 = arith.constant 0 : i32
      %dma_wait3A_221 = arith.constant 0 : i32
      %dma_wait3A_222 = arith.constant 0 : i32
      %dma_wait3A_223 = tpu.memref_slice %arg8[%dma_wait3A_218, %dma_wait3A_221, %dma_wait3A_222] : memref<4x128x64xf32, #tpu.memory_space<vmem>> -> memref<1x128x64xf32, #tpu.memory_space<vmem>>
      %dma_wait3A_224 = tpu.memref_squeeze %dma_wait3A_223 : memref<1x128x64xf32, #tpu.memory_space<vmem>> -> memref<128x64xf32, #tpu.memory_space<vmem>>
      %dma_wait3A_225 = arith.constant 0 : i32
      %dma_wait3A_226 = tpu.memref_slice %arg7[%dma_wait3A_219, %dma_wait3A_220, %dma_wait3A_225] : memref<2x8x128xi32, #tpu.memory_space<vmem>> -> memref<1x1x128xi32, #tpu.memory_space<vmem>>
      %dma_wait3A_227 = tpu.memref_squeeze %dma_wait3A_226 : memref<1x1x128xi32, #tpu.memory_space<vmem>> -> memref<128xi32, #tpu.memory_space<vmem>>
      %dma_wait3A_228 = arith.constant 0 : i32
      %dma_wait3A_229 = arith.constant 0 : i32
      %dma_wait3A_230 = tpu.memref_slice %arg9[%dma_wait3A_228, %dma_wait3A_229] : memref<10240x64xf32, #tpu.memory_space<vmem_shared>> -> memref<10240x64xf32, #tpu.memory_space<vmem_shared>>
      tpu.wait_indirect_dma semaphore(%arg14 : memref<!tpu.dma_semaphore, #tpu.memory_space<semaphore_mem>>) src(%dma_wait3A_224 : memref<128x64xf32, #tpu.memory_space<vmem>>) dst(%dma_wait3A_230 : memref<10240x64xf32, #tpu.memory_space<vmem_shared>>)
      %dma_start3A_231 = arith.constant 0 : i32
      %dma_start3A_232 = arith.constant 4 : i32
      %dma_start3A_233 = arith.constant 0 : i32
      %dma_start3A_234 = arith.constant 0 : i32
      %dma_start3A_235 = arith.constant 0 : i32
      %dma_start3A_236 = tpu.memref_slice %arg8[%dma_start3A_233, %dma_start3A_234, %dma_start3A_235] : memref<4x128x64xf32, #tpu.memory_space<vmem>> -> memref<1x128x64xf32, #tpu.memory_space<vmem>>
      %dma_start3A_237 = tpu.memref_squeeze %dma_start3A_236 : memref<1x128x64xf32, #tpu.memory_space<vmem>> -> memref<128x64xf32, #tpu.memory_space<vmem>>
      %dma_start3A_238 = arith.constant 0 : i32
      %dma_start3A_239 = tpu.memref_slice %arg6[%dma_start3A_231, %dma_start3A_232, %dma_start3A_238] : memref<2x8x128xi32, #tpu.memory_space<vmem>> -> memref<1x1x128xi32, #tpu.memory_space<vmem>>
      %dma_start3A_240 = tpu.memref_squeeze %dma_start3A_239 : memref<1x1x128xi32, #tpu.memory_space<vmem>> -> memref<128xi32, #tpu.memory_space<vmem>>
      %dma_start3A_241 = arith.constant 0 : i32
      %dma_start3A_242 = arith.constant 0 : i32
      %dma_start3A_243 = tpu.memref_slice %arg4[%dma_start3A_241, %dma_start3A_242] : memref<10000x64xf32, #tpu.memory_space<hbm>> -> memref<10000x64xf32, #tpu.memory_space<hbm>>
      tpu.enqueue_indirect_dma source(%dma_start3A_243 : memref<10000x64xf32, #tpu.memory_space<hbm>>) target(%dma_start3A_237 : memref<128x64xf32, #tpu.memory_space<vmem>>) offsets(%dma_start3A_240 : memref<128xi32, #tpu.memory_space<vmem>>) semaphore(%arg10 : memref<!tpu.dma_semaphore, #tpu.memory_space<semaphore_mem>>)
      %dma_wait3A_244 = arith.constant 0 : i32
      %dma_wait3A_245 = arith.constant 0 : i32
      %dma_wait3A_246 = arith.constant 2 : i32
      %dma_wait3A_247 = arith.constant 0 : i32
      %dma_wait3A_248 = arith.constant 0 : i32
      %dma_wait3A_249 = tpu.memref_slice %arg8[%dma_wait3A_246, %dma_wait3A_247, %dma_wait3A_248] : memref<4x128x64xf32, #tpu.memory_space<vmem>> -> memref<1x128x64xf32, #tpu.memory_space<vmem>>
      %dma_wait3A_250 = tpu.memref_squeeze %dma_wait3A_249 : memref<1x128x64xf32, #tpu.memory_space<vmem>> -> memref<128x64xf32, #tpu.memory_space<vmem>>
      %dma_wait3A_251 = arith.constant 0 : i32
      %dma_wait3A_252 = tpu.memref_slice %arg6[%dma_wait3A_244, %dma_wait3A_245, %dma_wait3A_251] : memref<2x8x128xi32, #tpu.memory_space<vmem>> -> memref<1x1x128xi32, #tpu.memory_space<vmem>>
      %dma_wait3A_253 = tpu.memref_squeeze %dma_wait3A_252 : memref<1x1x128xi32, #tpu.memory_space<vmem>> -> memref<128xi32, #tpu.memory_space<vmem>>
      %dma_wait3A_254 = arith.constant 0 : i32
      %dma_wait3A_255 = arith.constant 0 : i32
      %dma_wait3A_256 = tpu.memref_slice %arg4[%dma_wait3A_254, %dma_wait3A_255] : memref<10000x64xf32, #tpu.memory_space<hbm>> -> memref<10000x64xf32, #tpu.memory_space<hbm>>
      tpu.wait_indirect_dma semaphore(%arg12 : memref<!tpu.dma_semaphore, #tpu.memory_space<semaphore_mem>>) src(%dma_wait3A_256 : memref<10000x64xf32, #tpu.memory_space<hbm>>) dst(%dma_wait3A_250 : memref<128x64xf32, #tpu.memory_space<vmem>>)
      %dma_start3A_257 = arith.constant 2 : i32
      %dma_start3A_258 = arith.constant 0 : i32
      %dma_start3A_259 = arith.constant 2 : i32
      %dma_start3A_260 = arith.constant 0 : i32
      %dma_start3A_261 = arith.constant 0 : i32
      %dma_start3A_262 = tpu.memref_slice %arg8[%dma_start3A_257, %dma_start3A_260, %dma_start3A_261] : memref<4x128x64xf32, #tpu.memory_space<vmem>> -> memref<1x128x64xf32, #tpu.memory_space<vmem>>
      %dma_start3A_263 = tpu.memref_squeeze %dma_start3A_262 : memref<1x128x64xf32, #tpu.memory_space<vmem>> -> memref<128x64xf32, #tpu.memory_space<vmem>>
      %dma_start3A_264 = arith.constant 0 : i32
      %dma_start3A_265 = tpu.memref_slice %arg7[%dma_start3A_258, %dma_start3A_259, %dma_start3A_264] : memref<2x8x128xi32, #tpu.memory_space<vmem>> -> memref<1x1x128xi32, #tpu.memory_space<vmem>>
      %dma_start3A_266 = tpu.memref_squeeze %dma_start3A_265 : memref<1x1x128xi32, #tpu.memory_space<vmem>> -> memref<128xi32, #tpu.memory_space<vmem>>
      %dma_start3A_267 = arith.constant 0 : i32
      %dma_start3A_268 = arith.constant 0 : i32
      %dma_start3A_269 = tpu.memref_slice %arg9[%dma_start3A_267, %dma_start3A_268] : memref<10240x64xf32, #tpu.memory_space<vmem_shared>> -> memref<10240x64xf32, #tpu.memory_space<vmem_shared>>
      tpu.enqueue_indirect_dma source(%dma_start3A_263 : memref<128x64xf32, #tpu.memory_space<vmem>>) target(%dma_start3A_269 : memref<10240x64xf32, #tpu.memory_space<vmem_shared>>) offsets(%dma_start3A_266 : memref<128xi32, #tpu.memory_space<vmem>>) semaphore(%arg16 : memref<!tpu.dma_semaphore, #tpu.memory_space<semaphore_mem>>) {add = true}
      %dma_wait3A_270 = arith.constant 1 : i32
      %dma_wait3A_271 = arith.constant 0 : i32
      %dma_wait3A_272 = arith.constant 0 : i32
      %dma_wait3A_273 = arith.constant 0 : i32
      %dma_wait3A_274 = arith.constant 0 : i32
      %dma_wait3A_275 = tpu.memref_slice %arg8[%dma_wait3A_270, %dma_wait3A_273, %dma_wait3A_274] : memref<4x128x64xf32, #tpu.memory_space<vmem>> -> memref<1x128x64xf32, #tpu.memory_space<vmem>>
      %dma_wait3A_276 = tpu.memref_squeeze %dma_wait3A_275 : memref<1x128x64xf32, #tpu.memory_space<vmem>> -> memref<128x64xf32, #tpu.memory_space<vmem>>
      %dma_wait3A_277 = arith.constant 0 : i32
      %dma_wait3A_278 = tpu.memref_slice %arg7[%dma_wait3A_271, %dma_wait3A_272, %dma_wait3A_277] : memref<2x8x128xi32, #tpu.memory_space<vmem>> -> memref<1x1x128xi32, #tpu.memory_space<vmem>>
      %dma_wait3A_279 = tpu.memref_squeeze %dma_wait3A_278 : memref<1x1x128xi32, #tpu.memory_space<vmem>> -> memref<128xi32, #tpu.memory_space<vmem>>
      %dma_wait3A_280 = arith.constant 0 : i32
      %dma_wait3A_281 = arith.constant 0 : i32
      %dma_wait3A_282 = tpu.memref_slice %arg9[%dma_wait3A_280, %dma_wait3A_281] : memref<10240x64xf32, #tpu.memory_space<vmem_shared>> -> memref<10240x64xf32, #tpu.memory_space<vmem_shared>>
      tpu.wait_indirect_dma semaphore(%arg15 : memref<!tpu.dma_semaphore, #tpu.memory_space<semaphore_mem>>) src(%dma_wait3A_276 : memref<128x64xf32, #tpu.memory_space<vmem>>) dst(%dma_wait3A_282 : memref<10240x64xf32, #tpu.memory_space<vmem_shared>>)
      %dma_start3A_283 = arith.constant 0 : i32
      %dma_start3A_284 = arith.constant 5 : i32
      %dma_start3A_285 = arith.constant 1 : i32
      %dma_start3A_286 = arith.constant 0 : i32
      %dma_start3A_287 = arith.constant 0 : i32
      %dma_start3A_288 = tpu.memref_slice %arg8[%dma_start3A_285, %dma_start3A_286, %dma_start3A_287] : memref<4x128x64xf32, #tpu.memory_space<vmem>> -> memref<1x128x64xf32, #tpu.memory_space<vmem>>
      %dma_start3A_289 = tpu.memref_squeeze %dma_start3A_288 : memref<1x128x64xf32, #tpu.memory_space<vmem>> -> memref<128x64xf32, #tpu.memory_space<vmem>>
      %dma_start3A_290 = arith.constant 0 : i32
      %dma_start3A_291 = tpu.memref_slice %arg6[%dma_start3A_283, %dma_start3A_284, %dma_start3A_290] : memref<2x8x128xi32, #tpu.memory_space<vmem>> -> memref<1x1x128xi32, #tpu.memory_space<vmem>>
      %dma_start3A_292 = tpu.memref_squeeze %dma_start3A_291 : memref<1x1x128xi32, #tpu.memory_space<vmem>> -> memref<128xi32, #tpu.memory_space<vmem>>
      %dma_start3A_293 = arith.constant 0 : i32
      %dma_start3A_294 = arith.constant 0 : i32
      %dma_start3A_295 = tpu.memref_slice %arg4[%dma_start3A_293, %dma_start3A_294] : memref<10000x64xf32, #tpu.memory_space<hbm>> -> memref<10000x64xf32, #tpu.memory_space<hbm>>
      tpu.enqueue_indirect_dma source(%dma_start3A_295 : memref<10000x64xf32, #tpu.memory_space<hbm>>) target(%dma_start3A_289 : memref<128x64xf32, #tpu.memory_space<vmem>>) offsets(%dma_start3A_292 : memref<128xi32, #tpu.memory_space<vmem>>) semaphore(%arg11 : memref<!tpu.dma_semaphore, #tpu.memory_space<semaphore_mem>>)
      %dma_wait3A_296 = arith.constant 0 : i32
      %dma_wait3A_297 = arith.constant 0 : i32
      %dma_wait3A_298 = arith.constant 3 : i32
      %dma_wait3A_299 = arith.constant 0 : i32
      %dma_wait3A_300 = arith.constant 0 : i32
      %dma_wait3A_301 = tpu.memref_slice %arg8[%dma_wait3A_298, %dma_wait3A_299, %dma_wait3A_300] : memref<4x128x64xf32, #tpu.memory_space<vmem>> -> memref<1x128x64xf32, #tpu.memory_space<vmem>>
      %dma_wait3A_302 = tpu.memref_squeeze %dma_wait3A_301 : memref<1x128x64xf32, #tpu.memory_space<vmem>> -> memref<128x64xf32, #tpu.memory_space<vmem>>
      %dma_wait3A_303 = arith.constant 0 : i32
      %dma_wait3A_304 = tpu.memref_slice %arg6[%dma_wait3A_296, %dma_wait3A_297, %dma_wait3A_303] : memref<2x8x128xi32, #tpu.memory_space<vmem>> -> memref<1x1x128xi32, #tpu.memory_space<vmem>>
      %dma_wait3A_305 = tpu.memref_squeeze %dma_wait3A_304 : memref<1x1x128xi32, #tpu.memory_space<vmem>> -> memref<128xi32, #tpu.memory_space<vmem>>
      %dma_wait3A_306 = arith.constant 0 : i32
      %dma_wait3A_307 = arith.constant 0 : i32
      %dma_wait3A_308 = tpu.memref_slice %arg4[%dma_wait3A_306, %dma_wait3A_307] : memref<10000x64xf32, #tpu.memory_space<hbm>> -> memref<10000x64xf32, #tpu.memory_space<hbm>>
      tpu.wait_indirect_dma semaphore(%arg13 : memref<!tpu.dma_semaphore, #tpu.memory_space<semaphore_mem>>) src(%dma_wait3A_308 : memref<10000x64xf32, #tpu.memory_space<hbm>>) dst(%dma_wait3A_302 : memref<128x64xf32, #tpu.memory_space<vmem>>)
      %dma_start3A_309 = arith.constant 3 : i32
      %dma_start3A_310 = arith.constant 0 : i32
      %dma_start3A_311 = arith.constant 3 : i32
      %dma_start3A_312 = arith.constant 0 : i32
      %dma_start3A_313 = arith.constant 0 : i32
      %dma_start3A_314 = tpu.memref_slice %arg8[%dma_start3A_309, %dma_start3A_312, %dma_start3A_313] : memref<4x128x64xf32, #tpu.memory_space<vmem>> -> memref<1x128x64xf32, #tpu.memory_space<vmem>>
      %dma_start3A_315 = tpu.memref_squeeze %dma_start3A_314 : memref<1x128x64xf32, #tpu.memory_space<vmem>> -> memref<128x64xf32, #tpu.memory_space<vmem>>
      %dma_start3A_316 = arith.constant 0 : i32
      %dma_start3A_317 = tpu.memref_slice %arg7[%dma_start3A_310, %dma_start3A_311, %dma_start3A_316] : memref<2x8x128xi32, #tpu.memory_space<vmem>> -> memref<1x1x128xi32, #tpu.memory_space<vmem>>
      %dma_start3A_318 = tpu.memref_squeeze %dma_start3A_317 : memref<1x1x128xi32, #tpu.memory_space<vmem>> -> memref<128xi32, #tpu.memory_space<vmem>>
      %dma_start3A_319 = arith.constant 0 : i32
      %dma_start3A_320 = arith.constant 0 : i32
      %dma_start3A_321 = tpu.memref_slice %arg9[%dma_start3A_319, %dma_start3A_320] : memref<10240x64xf32, #tpu.memory_space<vmem_shared>> -> memref<10240x64xf32, #tpu.memory_space<vmem_shared>>
      tpu.enqueue_indirect_dma source(%dma_start3A_315 : memref<128x64xf32, #tpu.memory_space<vmem>>) target(%dma_start3A_321 : memref<10240x64xf32, #tpu.memory_space<vmem_shared>>) offsets(%dma_start3A_318 : memref<128xi32, #tpu.memory_space<vmem>>) semaphore(%arg17 : memref<!tpu.dma_semaphore, #tpu.memory_space<semaphore_mem>>) {add = true}
      %dma_wait3A_322 = arith.constant 2 : i32
      %dma_wait3A_323 = arith.constant 0 : i32
      %dma_wait3A_324 = arith.constant 0 : i32
      %dma_wait3A_325 = arith.constant 0 : i32
      %dma_wait3A_326 = arith.constant 0 : i32
      %dma_wait3A_327 = tpu.memref_slice %arg8[%dma_wait3A_322, %dma_wait3A_325, %dma_wait3A_326] : memref<4x128x64xf32, #tpu.memory_space<vmem>> -> memref<1x128x64xf32, #tpu.memory_space<vmem>>
      %dma_wait3A_328 = tpu.memref_squeeze %dma_wait3A_327 : memref<1x128x64xf32, #tpu.memory_space<vmem>> -> memref<128x64xf32, #tpu.memory_space<vmem>>
      %dma_wait3A_329 = arith.constant 0 : i32
      %dma_wait3A_330 = tpu.memref_slice %arg7[%dma_wait3A_323, %dma_wait3A_324, %dma_wait3A_329] : memref<2x8x128xi32, #tpu.memory_space<vmem>> -> memref<1x1x128xi32, #tpu.memory_space<vmem>>
      %dma_wait3A_331 = tpu.memref_squeeze %dma_wait3A_330 : memref<1x1x128xi32, #tpu.memory_space<vmem>> -> memref<128xi32, #tpu.memory_space<vmem>>
      %dma_wait3A_332 = arith.constant 0 : i32
      %dma_wait3A_333 = arith.constant 0 : i32
      %dma_wait3A_334 = tpu.memref_slice %arg9[%dma_wait3A_332, %dma_wait3A_333] : memref<10240x64xf32, #tpu.memory_space<vmem_shared>> -> memref<10240x64xf32, #tpu.memory_space<vmem_shared>>
      tpu.wait_indirect_dma semaphore(%arg16 : memref<!tpu.dma_semaphore, #tpu.memory_space<semaphore_mem>>) src(%dma_wait3A_328 : memref<128x64xf32, #tpu.memory_space<vmem>>) dst(%dma_wait3A_334 : memref<10240x64xf32, #tpu.memory_space<vmem_shared>>)
      %dma_start3A_335 = arith.constant 0 : i32
      %dma_start3A_336 = arith.constant 6 : i32
      %dma_start3A_337 = arith.constant 2 : i32
      %dma_start3A_338 = arith.constant 0 : i32
      %dma_start3A_339 = arith.constant 0 : i32
      %dma_start3A_340 = tpu.memref_slice %arg8[%dma_start3A_337, %dma_start3A_338, %dma_start3A_339] : memref<4x128x64xf32, #tpu.memory_space<vmem>> -> memref<1x128x64xf32, #tpu.memory_space<vmem>>
      %dma_start3A_341 = tpu.memref_squeeze %dma_start3A_340 : memref<1x128x64xf32, #tpu.memory_space<vmem>> -> memref<128x64xf32, #tpu.memory_space<vmem>>
      %dma_start3A_342 = arith.constant 0 : i32
      %dma_start3A_343 = tpu.memref_slice %arg6[%dma_start3A_335, %dma_start3A_336, %dma_start3A_342] : memref<2x8x128xi32, #tpu.memory_space<vmem>> -> memref<1x1x128xi32, #tpu.memory_space<vmem>>
      %dma_start3A_344 = tpu.memref_squeeze %dma_start3A_343 : memref<1x1x128xi32, #tpu.memory_space<vmem>> -> memref<128xi32, #tpu.memory_space<vmem>>
      %dma_start3A_345 = arith.constant 0 : i32
      %dma_start3A_346 = arith.constant 0 : i32
      %dma_start3A_347 = tpu.memref_slice %arg4[%dma_start3A_345, %dma_start3A_346] : memref<10000x64xf32, #tpu.memory_space<hbm>> -> memref<10000x64xf32, #tpu.memory_space<hbm>>
      tpu.enqueue_indirect_dma source(%dma_start3A_347 : memref<10000x64xf32, #tpu.memory_space<hbm>>) target(%dma_start3A_341 : memref<128x64xf32, #tpu.memory_space<vmem>>) offsets(%dma_start3A_344 : memref<128xi32, #tpu.memory_space<vmem>>) semaphore(%arg12 : memref<!tpu.dma_semaphore, #tpu.memory_space<semaphore_mem>>)
      %dma_wait3A_348 = arith.constant 0 : i32
      %dma_wait3A_349 = arith.constant 0 : i32
      %dma_wait3A_350 = arith.constant 0 : i32
      %dma_wait3A_351 = arith.constant 0 : i32
      %dma_wait3A_352 = arith.constant 0 : i32
      %dma_wait3A_353 = tpu.memref_slice %arg8[%dma_wait3A_350, %dma_wait3A_351, %dma_wait3A_352] : memref<4x128x64xf32, #tpu.memory_space<vmem>> -> memref<1x128x64xf32, #tpu.memory_space<vmem>>
      %dma_wait3A_354 = tpu.memref_squeeze %dma_wait3A_353 : memref<1x128x64xf32, #tpu.memory_space<vmem>> -> memref<128x64xf32, #tpu.memory_space<vmem>>
      %dma_wait3A_355 = arith.constant 0 : i32
      %dma_wait3A_356 = tpu.memref_slice %arg6[%dma_wait3A_348, %dma_wait3A_349, %dma_wait3A_355] : memref<2x8x128xi32, #tpu.memory_space<vmem>> -> memref<1x1x128xi32, #tpu.memory_space<vmem>>
      %dma_wait3A_357 = tpu.memref_squeeze %dma_wait3A_356 : memref<1x1x128xi32, #tpu.memory_space<vmem>> -> memref<128xi32, #tpu.memory_space<vmem>>
      %dma_wait3A_358 = arith.constant 0 : i32
      %dma_wait3A_359 = arith.constant 0 : i32
      %dma_wait3A_360 = tpu.memref_slice %arg4[%dma_wait3A_358, %dma_wait3A_359] : memref<10000x64xf32, #tpu.memory_space<hbm>> -> memref<10000x64xf32, #tpu.memory_space<hbm>>
      tpu.wait_indirect_dma semaphore(%arg10 : memref<!tpu.dma_semaphore, #tpu.memory_space<semaphore_mem>>) src(%dma_wait3A_360 : memref<10000x64xf32, #tpu.memory_space<hbm>>) dst(%dma_wait3A_354 : memref<128x64xf32, #tpu.memory_space<vmem>>)
      %dma_start3A_361 = arith.constant 0 : i32
      %dma_start3A_362 = arith.constant 0 : i32
      %dma_start3A_363 = arith.constant 4 : i32
      %dma_start3A_364 = arith.constant 0 : i32
      %dma_start3A_365 = arith.constant 0 : i32
      %dma_start3A_366 = tpu.memref_slice %arg8[%dma_start3A_361, %dma_start3A_364, %dma_start3A_365] : memref<4x128x64xf32, #tpu.memory_space<vmem>> -> memref<1x128x64xf32, #tpu.memory_space<vmem>>
      %dma_start3A_367 = tpu.memref_squeeze %dma_start3A_366 : memref<1x128x64xf32, #tpu.memory_space<vmem>> -> memref<128x64xf32, #tpu.memory_space<vmem>>
      %dma_start3A_368 = arith.constant 0 : i32
      %dma_start3A_369 = tpu.memref_slice %arg7[%dma_start3A_362, %dma_start3A_363, %dma_start3A_368] : memref<2x8x128xi32, #tpu.memory_space<vmem>> -> memref<1x1x128xi32, #tpu.memory_space<vmem>>
      %dma_start3A_370 = tpu.memref_squeeze %dma_start3A_369 : memref<1x1x128xi32, #tpu.memory_space<vmem>> -> memref<128xi32, #tpu.memory_space<vmem>>
      %dma_start3A_371 = arith.constant 0 : i32
      %dma_start3A_372 = arith.constant 0 : i32
      %dma_start3A_373 = tpu.memref_slice %arg9[%dma_start3A_371, %dma_start3A_372] : memref<10240x64xf32, #tpu.memory_space<vmem_shared>> -> memref<10240x64xf32, #tpu.memory_space<vmem_shared>>
      tpu.enqueue_indirect_dma source(%dma_start3A_367 : memref<128x64xf32, #tpu.memory_space<vmem>>) target(%dma_start3A_373 : memref<10240x64xf32, #tpu.memory_space<vmem_shared>>) offsets(%dma_start3A_370 : memref<128xi32, #tpu.memory_space<vmem>>) semaphore(%arg14 : memref<!tpu.dma_semaphore, #tpu.memory_space<semaphore_mem>>) {add = true}
      %dma_wait3A_374 = arith.constant 3 : i32
      %dma_wait3A_375 = arith.constant 0 : i32
      %dma_wait3A_376 = arith.constant 0 : i32
      %dma_wait3A_377 = arith.constant 0 : i32
      %dma_wait3A_378 = arith.constant 0 : i32
      %dma_wait3A_379 = tpu.memref_slice %arg8[%dma_wait3A_374, %dma_wait3A_377, %dma_wait3A_378] : memref<4x128x64xf32, #tpu.memory_space<vmem>> -> memref<1x128x64xf32, #tpu.memory_space<vmem>>
      %dma_wait3A_380 = tpu.memref_squeeze %dma_wait3A_379 : memref<1x128x64xf32, #tpu.memory_space<vmem>> -> memref<128x64xf32, #tpu.memory_space<vmem>>
      %dma_wait3A_381 = arith.constant 0 : i32
      %dma_wait3A_382 = tpu.memref_slice %arg7[%dma_wait3A_375, %dma_wait3A_376, %dma_wait3A_381] : memref<2x8x128xi32, #tpu.memory_space<vmem>> -> memref<1x1x128xi32, #tpu.memory_space<vmem>>
      %dma_wait3A_383 = tpu.memref_squeeze %dma_wait3A_382 : memref<1x1x128xi32, #tpu.memory_space<vmem>> -> memref<128xi32, #tpu.memory_space<vmem>>
      %dma_wait3A_384 = arith.constant 0 : i32
      %dma_wait3A_385 = arith.constant 0 : i32
      %dma_wait3A_386 = tpu.memref_slice %arg9[%dma_wait3A_384, %dma_wait3A_385] : memref<10240x64xf32, #tpu.memory_space<vmem_shared>> -> memref<10240x64xf32, #tpu.memory_space<vmem_shared>>
      tpu.wait_indirect_dma semaphore(%arg17 : memref<!tpu.dma_semaphore, #tpu.memory_space<semaphore_mem>>) src(%dma_wait3A_380 : memref<128x64xf32, #tpu.memory_space<vmem>>) dst(%dma_wait3A_386 : memref<10240x64xf32, #tpu.memory_space<vmem_shared>>)
      %dma_start3A_387 = arith.constant 0 : i32
      %dma_start3A_388 = arith.constant 7 : i32
      %dma_start3A_389 = arith.constant 3 : i32
      %dma_start3A_390 = arith.constant 0 : i32
      %dma_start3A_391 = arith.constant 0 : i32
      %dma_start3A_392 = tpu.memref_slice %arg8[%dma_start3A_389, %dma_start3A_390, %dma_start3A_391] : memref<4x128x64xf32, #tpu.memory_space<vmem>> -> memref<1x128x64xf32, #tpu.memory_space<vmem>>
      %dma_start3A_393 = tpu.memref_squeeze %dma_start3A_392 : memref<1x128x64xf32, #tpu.memory_space<vmem>> -> memref<128x64xf32, #tpu.memory_space<vmem>>
      %dma_start3A_394 = arith.constant 0 : i32
      %dma_start3A_395 = tpu.memref_slice %arg6[%dma_start3A_387, %dma_start3A_388, %dma_start3A_394] : memref<2x8x128xi32, #tpu.memory_space<vmem>> -> memref<1x1x128xi32, #tpu.memory_space<vmem>>
      %dma_start3A_396 = tpu.memref_squeeze %dma_start3A_395 : memref<1x1x128xi32, #tpu.memory_space<vmem>> -> memref<128xi32, #tpu.memory_space<vmem>>
      %dma_start3A_397 = arith.constant 0 : i32
      %dma_start3A_398 = arith.constant 0 : i32
      %dma_start3A_399 = tpu.memref_slice %arg4[%dma_start3A_397, %dma_start3A_398] : memref<10000x64xf32, #tpu.memory_space<hbm>> -> memref<10000x64xf32, #tpu.memory_space<hbm>>
      tpu.enqueue_indirect_dma source(%dma_start3A_399 : memref<10000x64xf32, #tpu.memory_space<hbm>>) target(%dma_start3A_393 : memref<128x64xf32, #tpu.memory_space<vmem>>) offsets(%dma_start3A_396 : memref<128xi32, #tpu.memory_space<vmem>>) semaphore(%arg13 : memref<!tpu.dma_semaphore, #tpu.memory_space<semaphore_mem>>)
      %dma_wait3A_400 = arith.constant 0 : i32
      %dma_wait3A_401 = arith.constant 0 : i32
      %dma_wait3A_402 = arith.constant 1 : i32
      %dma_wait3A_403 = arith.constant 0 : i32
      %dma_wait3A_404 = arith.constant 0 : i32
      %dma_wait3A_405 = tpu.memref_slice %arg8[%dma_wait3A_402, %dma_wait3A_403, %dma_wait3A_404] : memref<4x128x64xf32, #tpu.memory_space<vmem>> -> memref<1x128x64xf32, #tpu.memory_space<vmem>>
      %dma_wait3A_406 = tpu.memref_squeeze %dma_wait3A_405 : memref<1x128x64xf32, #tpu.memory_space<vmem>> -> memref<128x64xf32, #tpu.memory_space<vmem>>
      %dma_wait3A_407 = arith.constant 0 : i32
      %dma_wait3A_408 = tpu.memref_slice %arg6[%dma_wait3A_400, %dma_wait3A_401, %dma_wait3A_407] : memref<2x8x128xi32, #tpu.memory_space<vmem>> -> memref<1x1x128xi32, #tpu.memory_space<vmem>>
      %dma_wait3A_409 = tpu.memref_squeeze %dma_wait3A_408 : memref<1x1x128xi32, #tpu.memory_space<vmem>> -> memref<128xi32, #tpu.memory_space<vmem>>
      %dma_wait3A_410 = arith.constant 0 : i32
      %dma_wait3A_411 = arith.constant 0 : i32
      %dma_wait3A_412 = tpu.memref_slice %arg4[%dma_wait3A_410, %dma_wait3A_411] : memref<10000x64xf32, #tpu.memory_space<hbm>> -> memref<10000x64xf32, #tpu.memory_space<hbm>>
      tpu.wait_indirect_dma semaphore(%arg11 : memref<!tpu.dma_semaphore, #tpu.memory_space<semaphore_mem>>) src(%dma_wait3A_412 : memref<10000x64xf32, #tpu.memory_space<hbm>>) dst(%dma_wait3A_406 : memref<128x64xf32, #tpu.memory_space<vmem>>)
      %dma_start3A_413 = arith.constant 1 : i32
      %dma_start3A_414 = arith.constant 0 : i32
      %dma_start3A_415 = arith.constant 5 : i32
      %dma_start3A_416 = arith.constant 0 : i32
      %dma_start3A_417 = arith.constant 0 : i32
      %dma_start3A_418 = tpu.memref_slice %arg8[%dma_start3A_413, %dma_start3A_416, %dma_start3A_417] : memref<4x128x64xf32, #tpu.memory_space<vmem>> -> memref<1x128x64xf32, #tpu.memory_space<vmem>>
      %dma_start3A_419 = tpu.memref_squeeze %dma_start3A_418 : memref<1x128x64xf32, #tpu.memory_space<vmem>> -> memref<128x64xf32, #tpu.memory_space<vmem>>
      %dma_start3A_420 = arith.constant 0 : i32
      %dma_start3A_421 = tpu.memref_slice %arg7[%dma_start3A_414, %dma_start3A_415, %dma_start3A_420] : memref<2x8x128xi32, #tpu.memory_space<vmem>> -> memref<1x1x128xi32, #tpu.memory_space<vmem>>
      %dma_start3A_422 = tpu.memref_squeeze %dma_start3A_421 : memref<1x1x128xi32, #tpu.memory_space<vmem>> -> memref<128xi32, #tpu.memory_space<vmem>>
      %dma_start3A_423 = arith.constant 0 : i32
      %dma_start3A_424 = arith.constant 0 : i32
      %dma_start3A_425 = tpu.memref_slice %arg9[%dma_start3A_423, %dma_start3A_424] : memref<10240x64xf32, #tpu.memory_space<vmem_shared>> -> memref<10240x64xf32, #tpu.memory_space<vmem_shared>>
      tpu.enqueue_indirect_dma source(%dma_start3A_419 : memref<128x64xf32, #tpu.memory_space<vmem>>) target(%dma_start3A_425 : memref<10240x64xf32, #tpu.memory_space<vmem_shared>>) offsets(%dma_start3A_422 : memref<128xi32, #tpu.memory_space<vmem>>) semaphore(%arg15 : memref<!tpu.dma_semaphore, #tpu.memory_space<semaphore_mem>>) {add = true}
      %dma_wait3A_426 = arith.constant 0 : i32
      %dma_wait3A_427 = arith.constant 0 : i32
      %dma_wait3A_428 = arith.constant 0 : i32
      %dma_wait3A_429 = arith.constant 0 : i32
      %dma_wait3A_430 = arith.constant 0 : i32
      %dma_wait3A_431 = tpu.memref_slice %arg8[%dma_wait3A_426, %dma_wait3A_429, %dma_wait3A_430] : memref<4x128x64xf32, #tpu.memory_space<vmem>> -> memref<1x128x64xf32, #tpu.memory_space<vmem>>
      %dma_wait3A_432 = tpu.memref_squeeze %dma_wait3A_431 : memref<1x128x64xf32, #tpu.memory_space<vmem>> -> memref<128x64xf32, #tpu.memory_space<vmem>>
      %dma_wait3A_433 = arith.constant 0 : i32
      %dma_wait3A_434 = tpu.memref_slice %arg7[%dma_wait3A_427, %dma_wait3A_428, %dma_wait3A_433] : memref<2x8x128xi32, #tpu.memory_space<vmem>> -> memref<1x1x128xi32, #tpu.memory_space<vmem>>
      %dma_wait3A_435 = tpu.memref_squeeze %dma_wait3A_434 : memref<1x1x128xi32, #tpu.memory_space<vmem>> -> memref<128xi32, #tpu.memory_space<vmem>>
      %dma_wait3A_436 = arith.constant 0 : i32
      %dma_wait3A_437 = arith.constant 0 : i32
      %dma_wait3A_438 = tpu.memref_slice %arg9[%dma_wait3A_436, %dma_wait3A_437] : memref<10240x64xf32, #tpu.memory_space<vmem_shared>> -> memref<10240x64xf32, #tpu.memory_space<vmem_shared>>
      tpu.wait_indirect_dma semaphore(%arg14 : memref<!tpu.dma_semaphore, #tpu.memory_space<semaphore_mem>>) src(%dma_wait3A_432 : memref<128x64xf32, #tpu.memory_space<vmem>>) dst(%dma_wait3A_438 : memref<10240x64xf32, #tpu.memory_space<vmem_shared>>)
      %add3A_439 = arith.constant 1 : i32
      %add3A_440 = arith.addi %add3A_108, %add3A_439 : i32
      %mul3A_441 = arith.constant 80 : i32
      %mul3A_442 = arith.muli %add3A, %mul3A_441 : i32
      %mul3A_443 = arith.constant 8 : i32
      %mul3A_444 = arith.muli %add3A_440, %mul3A_443 : i32
      %add3A_445 = arith.addi %mul3A_442, %mul3A_444 : i32
      %multiple_of3A_446 = tpu.assume_multiple %add3A_445, 4 : i32
      %dma_wait3A_447 = arith.constant 1 : i32
      %dma_wait3A_448 = arith.constant 0 : i32
      %dma_wait3A_449 = arith.constant 0 : i32
      %dma_wait3A_450 = tpu.memref_slice %arg6[%dma_wait3A_447, %dma_wait3A_448, %dma_wait3A_449] : memref<2x8x128xi32, #tpu.memory_space<vmem>> -> memref<1x8x128xi32, #tpu.memory_space<vmem>>
      %dma_wait3A_451 = tpu.memref_squeeze %dma_wait3A_450 : memref<1x8x128xi32, #tpu.memory_space<vmem>> -> memref<8x128xi32, #tpu.memory_space<vmem>>
      %dma_wait3A_452 = arith.constant 0 : i32
      %dma_wait3A_453 = tpu.memref_slice %arg2[%multiple_of3A_446, %dma_wait3A_452] : memref<2560x128xi32, #tpu.memory_space<hbm>> -> memref<8x128xi32, #tpu.memory_space<hbm>>
      %dma_wait3A_454 = arith.constant 0 : i32
      %dma_wait3A_455 = arith.constant 0 : i32
      %dma_wait3A_456 = tpu.memref_slice %arg6[%dma_wait3A_447, %dma_wait3A_454, %dma_wait3A_455] : memref<2x8x128xi32, #tpu.memory_space<vmem>> -> memref<1x8x128xi32, #tpu.memory_space<vmem>>
      %dma_wait3A_457 = tpu.memref_squeeze %dma_wait3A_456 : memref<1x8x128xi32, #tpu.memory_space<vmem>> -> memref<8x128xi32, #tpu.memory_space<vmem>>
      %dma_wait3A_458 = arith.constant 0 : i32
      %dma_wait3A_459 = tpu.memref_slice %arg2[%multiple_of3A_446, %dma_wait3A_458] : memref<2560x128xi32, #tpu.memory_space<hbm>> -> memref<8x128xi32, #tpu.memory_space<hbm>>
      tpu.wait_dma2 semaphore(%arg18 : memref<!tpu.dma_semaphore, #tpu.memory_space<semaphore_mem>>) src(%dma_wait3A_459 : memref<8x128xi32, #tpu.memory_space<hbm>>) dst(%dma_wait3A_457 : memref<8x128xi32, #tpu.memory_space<vmem>>)
      %add3A_460 = arith.constant 1 : i32
      %add3A_461 = arith.addi %add3A_108, %add3A_460 : i32
      %mul3A_462 = arith.constant 80 : i32
      %mul3A_463 = arith.muli %add3A, %mul3A_462 : i32
      %mul3A_464 = arith.constant 8 : i32
      %mul3A_465 = arith.muli %add3A_461, %mul3A_464 : i32
      %add3A_466 = arith.addi %mul3A_463, %mul3A_465 : i32
      %multiple_of3A_467 = tpu.assume_multiple %add3A_466, 4 : i32
      %dma_wait3A_468 = arith.constant 1 : i32
      %dma_wait3A_469 = arith.constant 0 : i32
      %dma_wait3A_470 = arith.constant 0 : i32
      %dma_wait3A_471 = tpu.memref_slice %arg7[%dma_wait3A_468, %dma_wait3A_469, %dma_wait3A_470] : memref<2x8x128xi32, #tpu.memory_space<vmem>> -> memref<1x8x128xi32, #tpu.memory_space<vmem>>
      %dma_wait3A_472 = tpu.memref_squeeze %dma_wait3A_471 : memref<1x8x128xi32, #tpu.memory_space<vmem>> -> memref<8x128xi32, #tpu.memory_space<vmem>>
      %dma_wait3A_473 = arith.constant 0 : i32
      %dma_wait3A_474 = tpu.memref_slice %arg3[%multiple_of3A_467, %dma_wait3A_473] : memref<2560x128xi32, #tpu.memory_space<hbm>> -> memref<8x128xi32, #tpu.memory_space<hbm>>
      %dma_wait3A_475 = arith.constant 0 : i32
      %dma_wait3A_476 = arith.constant 0 : i32
      %dma_wait3A_477 = tpu.memref_slice %arg7[%dma_wait3A_468, %dma_wait3A_475, %dma_wait3A_476] : memref<2x8x128xi32, #tpu.memory_space<vmem>> -> memref<1x8x128xi32, #tpu.memory_space<vmem>>
      %dma_wait3A_478 = tpu.memref_squeeze %dma_wait3A_477 : memref<1x8x128xi32, #tpu.memory_space<vmem>> -> memref<8x128xi32, #tpu.memory_space<vmem>>
      %dma_wait3A_479 = arith.constant 0 : i32
      %dma_wait3A_480 = tpu.memref_slice %arg3[%multiple_of3A_467, %dma_wait3A_479] : memref<2560x128xi32, #tpu.memory_space<hbm>> -> memref<8x128xi32, #tpu.memory_space<hbm>>
      tpu.wait_dma2 semaphore(%arg18 : memref<!tpu.dma_semaphore, #tpu.memory_space<semaphore_mem>>) src(%dma_wait3A_480 : memref<8x128xi32, #tpu.memory_space<hbm>>) dst(%dma_wait3A_478 : memref<8x128xi32, #tpu.memory_space<vmem>>)
      %dma_start3A_481 = arith.constant 1 : i32
      %dma_start3A_482 = arith.constant 0 : i32
      %dma_start3A_483 = arith.constant 0 : i32
      %dma_start3A_484 = arith.constant 0 : i32
      %dma_start3A_485 = arith.constant 0 : i32
      %dma_start3A_486 = tpu.memref_slice %arg8[%dma_start3A_483, %dma_start3A_484, %dma_start3A_485] : memref<4x128x64xf32, #tpu.memory_space<vmem>> -> memref<1x128x64xf32, #tpu.memory_space<vmem>>
      %dma_start3A_487 = tpu.memref_squeeze %dma_start3A_486 : memref<1x128x64xf32, #tpu.memory_space<vmem>> -> memref<128x64xf32, #tpu.memory_space<vmem>>
      %dma_start3A_488 = arith.constant 0 : i32
      %dma_start3A_489 = tpu.memref_slice %arg6[%dma_start3A_481, %dma_start3A_482, %dma_start3A_488] : memref<2x8x128xi32, #tpu.memory_space<vmem>> -> memref<1x1x128xi32, #tpu.memory_space<vmem>>
      %dma_start3A_490 = tpu.memref_squeeze %dma_start3A_489 : memref<1x1x128xi32, #tpu.memory_space<vmem>> -> memref<128xi32, #tpu.memory_space<vmem>>
      %dma_start3A_491 = arith.constant 0 : i32
      %dma_start3A_492 = arith.constant 0 : i32
      %dma_start3A_493 = tpu.memref_slice %arg4[%dma_start3A_491, %dma_start3A_492] : memref<10000x64xf32, #tpu.memory_space<hbm>> -> memref<10000x64xf32, #tpu.memory_space<hbm>>
      tpu.enqueue_indirect_dma source(%dma_start3A_493 : memref<10000x64xf32, #tpu.memory_space<hbm>>) target(%dma_start3A_487 : memref<128x64xf32, #tpu.memory_space<vmem>>) offsets(%dma_start3A_490 : memref<128xi32, #tpu.memory_space<vmem>>) semaphore(%arg10 : memref<!tpu.dma_semaphore, #tpu.memory_space<semaphore_mem>>)
      %dma_wait3A_494 = arith.constant 0 : i32
      %dma_wait3A_495 = arith.constant 0 : i32
      %dma_wait3A_496 = arith.constant 2 : i32
      %dma_wait3A_497 = arith.constant 0 : i32
      %dma_wait3A_498 = arith.constant 0 : i32
      %dma_wait3A_499 = tpu.memref_slice %arg8[%dma_wait3A_496, %dma_wait3A_497, %dma_wait3A_498] : memref<4x128x64xf32, #tpu.memory_space<vmem>> -> memref<1x128x64xf32, #tpu.memory_space<vmem>>
      %dma_wait3A_500 = tpu.memref_squeeze %dma_wait3A_499 : memref<1x128x64xf32, #tpu.memory_space<vmem>> -> memref<128x64xf32, #tpu.memory_space<vmem>>
      %dma_wait3A_501 = arith.constant 0 : i32
      %dma_wait3A_502 = tpu.memref_slice %arg6[%dma_wait3A_494, %dma_wait3A_495, %dma_wait3A_501] : memref<2x8x128xi32, #tpu.memory_space<vmem>> -> memref<1x1x128xi32, #tpu.memory_space<vmem>>
      %dma_wait3A_503 = tpu.memref_squeeze %dma_wait3A_502 : memref<1x1x128xi32, #tpu.memory_space<vmem>> -> memref<128xi32, #tpu.memory_space<vmem>>
      %dma_wait3A_504 = arith.constant 0 : i32
      %dma_wait3A_505 = arith.constant 0 : i32
      %dma_wait3A_506 = tpu.memref_slice %arg4[%dma_wait3A_504, %dma_wait3A_505] : memref<10000x64xf32, #tpu.memory_space<hbm>> -> memref<10000x64xf32, #tpu.memory_space<hbm>>
      tpu.wait_indirect_dma semaphore(%arg12 : memref<!tpu.dma_semaphore, #tpu.memory_space<semaphore_mem>>) src(%dma_wait3A_506 : memref<10000x64xf32, #tpu.memory_space<hbm>>) dst(%dma_wait3A_500 : memref<128x64xf32, #tpu.memory_space<vmem>>)
      %dma_start3A_507 = arith.constant 2 : i32
      %dma_start3A_508 = arith.constant 0 : i32
      %dma_start3A_509 = arith.constant 6 : i32
      %dma_start3A_510 = arith.constant 0 : i32
      %dma_start3A_511 = arith.constant 0 : i32
      %dma_start3A_512 = tpu.memref_slice %arg8[%dma_start3A_507, %dma_start3A_510, %dma_start3A_511] : memref<4x128x64xf32, #tpu.memory_space<vmem>> -> memref<1x128x64xf32, #tpu.memory_space<vmem>>
      %dma_start3A_513 = tpu.memref_squeeze %dma_start3A_512 : memref<1x128x64xf32, #tpu.memory_space<vmem>> -> memref<128x64xf32, #tpu.memory_space<vmem>>
      %dma_start3A_514 = arith.constant 0 : i32
      %dma_start3A_515 = tpu.memref_slice %arg7[%dma_start3A_508, %dma_start3A_509, %dma_start3A_514] : memref<2x8x128xi32, #tpu.memory_space<vmem>> -> memref<1x1x128xi32, #tpu.memory_space<vmem>>
      %dma_start3A_516 = tpu.memref_squeeze %dma_start3A_515 : memref<1x1x128xi32, #tpu.memory_space<vmem>> -> memref<128xi32, #tpu.memory_space<vmem>>
      %dma_start3A_517 = arith.constant 0 : i32
      %dma_start3A_518 = arith.constant 0 : i32
      %dma_start3A_519 = tpu.memref_slice %arg9[%dma_start3A_517, %dma_start3A_518] : memref<10240x64xf32, #tpu.memory_space<vmem_shared>> -> memref<10240x64xf32, #tpu.memory_space<vmem_shared>>
      tpu.enqueue_indirect_dma source(%dma_start3A_513 : memref<128x64xf32, #tpu.memory_space<vmem>>) target(%dma_start3A_519 : memref<10240x64xf32, #tpu.memory_space<vmem_shared>>) offsets(%dma_start3A_516 : memref<128xi32, #tpu.memory_space<vmem>>) semaphore(%arg16 : memref<!tpu.dma_semaphore, #tpu.memory_space<semaphore_mem>>) {add = true}
      %dma_wait3A_520 = arith.constant 1 : i32
      %dma_wait3A_521 = arith.constant 0 : i32
      %dma_wait3A_522 = arith.constant 0 : i32
      %dma_wait3A_523 = arith.constant 0 : i32
      %dma_wait3A_524 = arith.constant 0 : i32
      %dma_wait3A_525 = tpu.memref_slice %arg8[%dma_wait3A_520, %dma_wait3A_523, %dma_wait3A_524] : memref<4x128x64xf32, #tpu.memory_space<vmem>> -> memref<1x128x64xf32, #tpu.memory_space<vmem>>
      %dma_wait3A_526 = tpu.memref_squeeze %dma_wait3A_525 : memref<1x128x64xf32, #tpu.memory_space<vmem>> -> memref<128x64xf32, #tpu.memory_space<vmem>>
      %dma_wait3A_527 = arith.constant 0 : i32
      %dma_wait3A_528 = tpu.memref_slice %arg7[%dma_wait3A_521, %dma_wait3A_522, %dma_wait3A_527] : memref<2x8x128xi32, #tpu.memory_space<vmem>> -> memref<1x1x128xi32, #tpu.memory_space<vmem>>
      %dma_wait3A_529 = tpu.memref_squeeze %dma_wait3A_528 : memref<1x1x128xi32, #tpu.memory_space<vmem>> -> memref<128xi32, #tpu.memory_space<vmem>>
      %dma_wait3A_530 = arith.constant 0 : i32
      %dma_wait3A_531 = arith.constant 0 : i32
      %dma_wait3A_532 = tpu.memref_slice %arg9[%dma_wait3A_530, %dma_wait3A_531] : memref<10240x64xf32, #tpu.memory_space<vmem_shared>> -> memref<10240x64xf32, #tpu.memory_space<vmem_shared>>
      tpu.wait_indirect_dma semaphore(%arg15 : memref<!tpu.dma_semaphore, #tpu.memory_space<semaphore_mem>>) src(%dma_wait3A_526 : memref<128x64xf32, #tpu.memory_space<vmem>>) dst(%dma_wait3A_532 : memref<10240x64xf32, #tpu.memory_space<vmem_shared>>)
      %dma_start3A_533 = arith.constant 1 : i32
      %dma_start3A_534 = arith.constant 1 : i32
      %dma_start3A_535 = arith.constant 1 : i32
      %dma_start3A_536 = arith.constant 0 : i32
      %dma_start3A_537 = arith.constant 0 : i32
      %dma_start3A_538 = tpu.memref_slice %arg8[%dma_start3A_535, %dma_start3A_536, %dma_start3A_537] : memref<4x128x64xf32, #tpu.memory_space<vmem>> -> memref<1x128x64xf32, #tpu.memory_space<vmem>>
      %dma_start3A_539 = tpu.memref_squeeze %dma_start3A_538 : memref<1x128x64xf32, #tpu.memory_space<vmem>> -> memref<128x64xf32, #tpu.memory_space<vmem>>
      %dma_start3A_540 = arith.constant 0 : i32
      %dma_start3A_541 = tpu.memref_slice %arg6[%dma_start3A_533, %dma_start3A_534, %dma_start3A_540] : memref<2x8x128xi32, #tpu.memory_space<vmem>> -> memref<1x1x128xi32, #tpu.memory_space<vmem>>
      %dma_start3A_542 = tpu.memref_squeeze %dma_start3A_541 : memref<1x1x128xi32, #tpu.memory_space<vmem>> -> memref<128xi32, #tpu.memory_space<vmem>>
      %dma_start3A_543 = arith.constant 0 : i32
      %dma_start3A_544 = arith.constant 0 : i32
      %dma_start3A_545 = tpu.memref_slice %arg4[%dma_start3A_543, %dma_start3A_544] : memref<10000x64xf32, #tpu.memory_space<hbm>> -> memref<10000x64xf32, #tpu.memory_space<hbm>>
      tpu.enqueue_indirect_dma source(%dma_start3A_545 : memref<10000x64xf32, #tpu.memory_space<hbm>>) target(%dma_start3A_539 : memref<128x64xf32, #tpu.memory_space<vmem>>) offsets(%dma_start3A_542 : memref<128xi32, #tpu.memory_space<vmem>>) semaphore(%arg11 : memref<!tpu.dma_semaphore, #tpu.memory_space<semaphore_mem>>)
      %dma_wait3A_546 = arith.constant 0 : i32
      %dma_wait3A_547 = arith.constant 0 : i32
      %dma_wait3A_548 = arith.constant 3 : i32
      %dma_wait3A_549 = arith.constant 0 : i32
      %dma_wait3A_550 = arith.constant 0 : i32
      %dma_wait3A_551 = tpu.memref_slice %arg8[%dma_wait3A_548, %dma_wait3A_549, %dma_wait3A_550] : memref<4x128x64xf32, #tpu.memory_space<vmem>> -> memref<1x128x64xf32, #tpu.memory_space<vmem>>
      %dma_wait3A_552 = tpu.memref_squeeze %dma_wait3A_551 : memref<1x128x64xf32, #tpu.memory_space<vmem>> -> memref<128x64xf32, #tpu.memory_space<vmem>>
      %dma_wait3A_553 = arith.constant 0 : i32
      %dma_wait3A_554 = tpu.memref_slice %arg6[%dma_wait3A_546, %dma_wait3A_547, %dma_wait3A_553] : memref<2x8x128xi32, #tpu.memory_space<vmem>> -> memref<1x1x128xi32, #tpu.memory_space<vmem>>
      %dma_wait3A_555 = tpu.memref_squeeze %dma_wait3A_554 : memref<1x1x128xi32, #tpu.memory_space<vmem>> -> memref<128xi32, #tpu.memory_space<vmem>>
      %dma_wait3A_556 = arith.constant 0 : i32
      %dma_wait3A_557 = arith.constant 0 : i32
      %dma_wait3A_558 = tpu.memref_slice %arg4[%dma_wait3A_556, %dma_wait3A_557] : memref<10000x64xf32, #tpu.memory_space<hbm>> -> memref<10000x64xf32, #tpu.memory_space<hbm>>
      tpu.wait_indirect_dma semaphore(%arg13 : memref<!tpu.dma_semaphore, #tpu.memory_space<semaphore_mem>>) src(%dma_wait3A_558 : memref<10000x64xf32, #tpu.memory_space<hbm>>) dst(%dma_wait3A_552 : memref<128x64xf32, #tpu.memory_space<vmem>>)
      %dma_start3A_559 = arith.constant 3 : i32
      %dma_start3A_560 = arith.constant 0 : i32
      %dma_start3A_561 = arith.constant 7 : i32
      %dma_start3A_562 = arith.constant 0 : i32
      %dma_start3A_563 = arith.constant 0 : i32
      %dma_start3A_564 = tpu.memref_slice %arg8[%dma_start3A_559, %dma_start3A_562, %dma_start3A_563] : memref<4x128x64xf32, #tpu.memory_space<vmem>> -> memref<1x128x64xf32, #tpu.memory_space<vmem>>
      %dma_start3A_565 = tpu.memref_squeeze %dma_start3A_564 : memref<1x128x64xf32, #tpu.memory_space<vmem>> -> memref<128x64xf32, #tpu.memory_space<vmem>>
      %dma_start3A_566 = arith.constant 0 : i32
      %dma_start3A_567 = tpu.memref_slice %arg7[%dma_start3A_560, %dma_start3A_561, %dma_start3A_566] : memref<2x8x128xi32, #tpu.memory_space<vmem>> -> memref<1x1x128xi32, #tpu.memory_space<vmem>>
      %dma_start3A_568 = tpu.memref_squeeze %dma_start3A_567 : memref<1x1x128xi32, #tpu.memory_space<vmem>> -> memref<128xi32, #tpu.memory_space<vmem>>
      %dma_start3A_569 = arith.constant 0 : i32
      %dma_start3A_570 = arith.constant 0 : i32
      %dma_start3A_571 = tpu.memref_slice %arg9[%dma_start3A_569, %dma_start3A_570] : memref<10240x64xf32, #tpu.memory_space<vmem_shared>> -> memref<10240x64xf32, #tpu.memory_space<vmem_shared>>
      tpu.enqueue_indirect_dma source(%dma_start3A_565 : memref<128x64xf32, #tpu.memory_space<vmem>>) target(%dma_start3A_571 : memref<10240x64xf32, #tpu.memory_space<vmem_shared>>) offsets(%dma_start3A_568 : memref<128xi32, #tpu.memory_space<vmem>>) semaphore(%arg17 : memref<!tpu.dma_semaphore, #tpu.memory_space<semaphore_mem>>) {add = true}
      %dma_wait3A_572 = arith.constant 2 : i32
      %dma_wait3A_573 = arith.constant 0 : i32
      %dma_wait3A_574 = arith.constant 0 : i32
      %dma_wait3A_575 = arith.constant 0 : i32
      %dma_wait3A_576 = arith.constant 0 : i32
      %dma_wait3A_577 = tpu.memref_slice %arg8[%dma_wait3A_572, %dma_wait3A_575, %dma_wait3A_576] : memref<4x128x64xf32, #tpu.memory_space<vmem>> -> memref<1x128x64xf32, #tpu.memory_space<vmem>>
      %dma_wait3A_578 = tpu.memref_squeeze %dma_wait3A_577 : memref<1x128x64xf32, #tpu.memory_space<vmem>> -> memref<128x64xf32, #tpu.memory_space<vmem>>
      %dma_wait3A_579 = arith.constant 0 : i32
      %dma_wait3A_580 = tpu.memref_slice %arg7[%dma_wait3A_573, %dma_wait3A_574, %dma_wait3A_579] : memref<2x8x128xi32, #tpu.memory_space<vmem>> -> memref<1x1x128xi32, #tpu.memory_space<vmem>>
      %dma_wait3A_581 = tpu.memref_squeeze %dma_wait3A_580 : memref<1x1x128xi32, #tpu.memory_space<vmem>> -> memref<128xi32, #tpu.memory_space<vmem>>
      %dma_wait3A_582 = arith.constant 0 : i32
      %dma_wait3A_583 = arith.constant 0 : i32
      %dma_wait3A_584 = tpu.memref_slice %arg9[%dma_wait3A_582, %dma_wait3A_583] : memref<10240x64xf32, #tpu.memory_space<vmem_shared>> -> memref<10240x64xf32, #tpu.memory_space<vmem_shared>>
      tpu.wait_indirect_dma semaphore(%arg16 : memref<!tpu.dma_semaphore, #tpu.memory_space<semaphore_mem>>) src(%dma_wait3A_578 : memref<128x64xf32, #tpu.memory_space<vmem>>) dst(%dma_wait3A_584 : memref<10240x64xf32, #tpu.memory_space<vmem_shared>>)
      %dma_start3A_585 = arith.constant 1 : i32
      %dma_start3A_586 = arith.constant 2 : i32
      %dma_start3A_587 = arith.constant 2 : i32
      %dma_start3A_588 = arith.constant 0 : i32
      %dma_start3A_589 = arith.constant 0 : i32
      %dma_start3A_590 = tpu.memref_slice %arg8[%dma_start3A_587, %dma_start3A_588, %dma_start3A_589] : memref<4x128x64xf32, #tpu.memory_space<vmem>> -> memref<1x128x64xf32, #tpu.memory_space<vmem>>
      %dma_start3A_591 = tpu.memref_squeeze %dma_start3A_590 : memref<1x128x64xf32, #tpu.memory_space<vmem>> -> memref<128x64xf32, #tpu.memory_space<vmem>>
      %dma_start3A_592 = arith.constant 0 : i32
      %dma_start3A_593 = tpu.memref_slice %arg6[%dma_start3A_585, %dma_start3A_586, %dma_start3A_592] : memref<2x8x128xi32, #tpu.memory_space<vmem>> -> memref<1x1x128xi32, #tpu.memory_space<vmem>>
      %dma_start3A_594 = tpu.memref_squeeze %dma_start3A_593 : memref<1x1x128xi32, #tpu.memory_space<vmem>> -> memref<128xi32, #tpu.memory_space<vmem>>
      %dma_start3A_595 = arith.constant 0 : i32
      %dma_start3A_596 = arith.constant 0 : i32
      %dma_start3A_597 = tpu.memref_slice %arg4[%dma_start3A_595, %dma_start3A_596] : memref<10000x64xf32, #tpu.memory_space<hbm>> -> memref<10000x64xf32, #tpu.memory_space<hbm>>
      tpu.enqueue_indirect_dma source(%dma_start3A_597 : memref<10000x64xf32, #tpu.memory_space<hbm>>) target(%dma_start3A_591 : memref<128x64xf32, #tpu.memory_space<vmem>>) offsets(%dma_start3A_594 : memref<128xi32, #tpu.memory_space<vmem>>) semaphore(%arg12 : memref<!tpu.dma_semaphore, #tpu.memory_space<semaphore_mem>>)
      %mul3A_598 = arith.constant 2 : i32
      %mul3A_599 = arith.muli %mul3A_598, %scan3A_104 : i32
      %add3A_600 = arith.constant 1 : i32
      %add3A_601 = arith.addi %mul3A_599, %add3A_600 : i32
      %dma_wait3A_602 = arith.constant 3 : i32
      %dma_wait3A_603 = arith.constant 0 : i32
      %dma_wait3A_604 = arith.constant 0 : i32
      %dma_wait3A_605 = arith.constant 0 : i32
      %dma_wait3A_606 = arith.constant 0 : i32
      %dma_wait3A_607 = tpu.memref_slice %arg8[%dma_wait3A_602, %dma_wait3A_605, %dma_wait3A_606] : memref<4x128x64xf32, #tpu.memory_space<vmem>> -> memref<1x128x64xf32, #tpu.memory_space<vmem>>
      %dma_wait3A_608 = tpu.memref_squeeze %dma_wait3A_607 : memref<1x128x64xf32, #tpu.memory_space<vmem>> -> memref<128x64xf32, #tpu.memory_space<vmem>>
      %dma_wait3A_609 = arith.constant 0 : i32
      %dma_wait3A_610 = tpu.memref_slice %arg7[%dma_wait3A_603, %dma_wait3A_604, %dma_wait3A_609] : memref<2x8x128xi32, #tpu.memory_space<vmem>> -> memref<1x1x128xi32, #tpu.memory_space<vmem>>
      %dma_wait3A_611 = tpu.memref_squeeze %dma_wait3A_610 : memref<1x1x128xi32, #tpu.memory_space<vmem>> -> memref<128xi32, #tpu.memory_space<vmem>>
      %dma_wait3A_612 = arith.constant 0 : i32
      %dma_wait3A_613 = arith.constant 0 : i32
      %dma_wait3A_614 = tpu.memref_slice %arg9[%dma_wait3A_612, %dma_wait3A_613] : memref<10240x64xf32, #tpu.memory_space<vmem_shared>> -> memref<10240x64xf32, #tpu.memory_space<vmem_shared>>
      tpu.wait_indirect_dma semaphore(%arg17 : memref<!tpu.dma_semaphore, #tpu.memory_space<semaphore_mem>>) src(%dma_wait3A_608 : memref<128x64xf32, #tpu.memory_space<vmem>>) dst(%dma_wait3A_614 : memref<10240x64xf32, #tpu.memory_space<vmem_shared>>)
      %lt3A = arith.constant 4 : i32
      %lt3A_615 = arith.cmpi slt, %scan3A_104, %lt3A : i32
      %convert_element_type3A_616 = arith.extui %lt3A_615 : i1 to i32
      %cond3A_617 = arith.constant 0 : i32
      %cond3A_618 = arith.cmpi ne, %convert_element_type3A_616, %cond3A_617 : i32
      scf.if %cond3A_618 {
        %add3A_1003 = arith.constant 1 : i32
        %add3A_1004 = arith.addi %add3A_601, %add3A_1003 : i32
        %mul3A_1005 = arith.constant 80 : i32
        %mul3A_1006 = arith.muli %add3A, %mul3A_1005 : i32
        %mul3A_1007 = arith.constant 8 : i32
        %mul3A_1008 = arith.muli %add3A_1004, %mul3A_1007 : i32
        %add3A_1009 = arith.addi %mul3A_1006, %mul3A_1008 : i32
        %multiple_of3A_1010 = tpu.assume_multiple %add3A_1009, 4 : i32
        %dma_start3A_1011 = arith.constant 0 : i32
        %dma_start3A_1012 = arith.constant 0 : i32
        %dma_start3A_1013 = arith.constant 0 : i32
        %dma_start3A_1014 = tpu.memref_slice %arg6[%dma_start3A_1011, %dma_start3A_1012, %dma_start3A_1013] : memref<2x8x128xi32, #tpu.memory_space<vmem>> -> memref<1x8x128xi32, #tpu.memory_space<vmem>>
        %dma_start3A_1015 = tpu.memref_squeeze %dma_start3A_1014 : memref<1x8x128xi32, #tpu.memory_space<vmem>> -> memref<8x128xi32, #tpu.memory_space<vmem>>
        %dma_start3A_1016 = arith.constant 0 : i32
        %dma_start3A_1017 = tpu.memref_slice %arg2[%multiple_of3A_1010, %dma_start3A_1016] : memref<2560x128xi32, #tpu.memory_space<hbm>> -> memref<8x128xi32, #tpu.memory_space<hbm>>
        %dma_start3A_1018 = arith.constant 0 : i32
        %dma_start3A_1019 = arith.constant 0 : i32
        %dma_start3A_1020 = tpu.memref_slice %arg6[%dma_start3A_1011, %dma_start3A_1018, %dma_start3A_1019] : memref<2x8x128xi32, #tpu.memory_space<vmem>> -> memref<1x8x128xi32, #tpu.memory_space<vmem>>
        %dma_start3A_1021 = tpu.memref_squeeze %dma_start3A_1020 : memref<1x8x128xi32, #tpu.memory_space<vmem>> -> memref<8x128xi32, #tpu.memory_space<vmem>>
        %dma_start3A_1022 = arith.constant 0 : i32
        %dma_start3A_1023 = tpu.memref_slice %arg2[%multiple_of3A_1010, %dma_start3A_1022] : memref<2560x128xi32, #tpu.memory_space<hbm>> -> memref<8x128xi32, #tpu.memory_space<hbm>>
        tpu.enqueue_dma source(%dma_start3A_1023 : memref<8x128xi32, #tpu.memory_space<hbm>>) target(%dma_start3A_1021 : memref<8x128xi32, #tpu.memory_space<vmem>>) target_semaphore(%arg18 : memref<!tpu.dma_semaphore, #tpu.memory_space<semaphore_mem>>)
        %add3A_1024 = arith.constant 1 : i32
        %add3A_1025 = arith.addi %add3A_601, %add3A_1024 : i32
        %mul3A_1026 = arith.constant 80 : i32
        %mul3A_1027 = arith.muli %add3A, %mul3A_1026 : i32
        %mul3A_1028 = arith.constant 8 : i32
        %mul3A_1029 = arith.muli %add3A_1025, %mul3A_1028 : i32
        %add3A_1030 = arith.addi %mul3A_1027, %mul3A_1029 : i32
        %multiple_of3A_1031 = tpu.assume_multiple %add3A_1030, 4 : i32
        %dma_start3A_1032 = arith.constant 0 : i32
        %dma_start3A_1033 = arith.constant 0 : i32
        %dma_start3A_1034 = arith.constant 0 : i32
        %dma_start3A_1035 = tpu.memref_slice %arg7[%dma_start3A_1032, %dma_start3A_1033, %dma_start3A_1034] : memref<2x8x128xi32, #tpu.memory_space<vmem>> -> memref<1x8x128xi32, #tpu.memory_space<vmem>>
        %dma_start3A_1036 = tpu.memref_squeeze %dma_start3A_1035 : memref<1x8x128xi32, #tpu.memory_space<vmem>> -> memref<8x128xi32, #tpu.memory_space<vmem>>
        %dma_start3A_1037 = arith.constant 0 : i32
        %dma_start3A_1038 = tpu.memref_slice %arg3[%multiple_of3A_1031, %dma_start3A_1037] : memref<2560x128xi32, #tpu.memory_space<hbm>> -> memref<8x128xi32, #tpu.memory_space<hbm>>
        %dma_start3A_1039 = arith.constant 0 : i32
        %dma_start3A_1040 = arith.constant 0 : i32
        %dma_start3A_1041 = tpu.memref_slice %arg7[%dma_start3A_1032, %dma_start3A_1039, %dma_start3A_1040] : memref<2x8x128xi32, #tpu.memory_space<vmem>> -> memref<1x8x128xi32, #tpu.memory_space<vmem>>
        %dma_start3A_1042 = tpu.memref_squeeze %dma_start3A_1041 : memref<1x8x128xi32, #tpu.memory_space<vmem>> -> memref<8x128xi32, #tpu.memory_space<vmem>>
        %dma_start3A_1043 = arith.constant 0 : i32
        %dma_start3A_1044 = tpu.memref_slice %arg3[%multiple_of3A_1031, %dma_start3A_1043] : memref<2560x128xi32, #tpu.memory_space<hbm>> -> memref<8x128xi32, #tpu.memory_space<hbm>>
        tpu.enqueue_dma source(%dma_start3A_1044 : memref<8x128xi32, #tpu.memory_space<hbm>>) target(%dma_start3A_1042 : memref<8x128xi32, #tpu.memory_space<vmem>>) target_semaphore(%arg18 : memref<!tpu.dma_semaphore, #tpu.memory_space<semaphore_mem>>)
      } else {
      }
      %dma_wait3A_619 = arith.constant 0 : i32
      %dma_wait3A_620 = arith.constant 0 : i32
      %dma_wait3A_621 = arith.constant 0 : i32
      %dma_wait3A_622 = arith.constant 0 : i32
      %dma_wait3A_623 = arith.constant 0 : i32
      %dma_wait3A_624 = tpu.memref_slice %arg8[%dma_wait3A_621, %dma_wait3A_622, %dma_wait3A_623] : memref<4x128x64xf32, #tpu.memory_space<vmem>> -> memref<1x128x64xf32, #tpu.memory_space<vmem>>
      %dma_wait3A_625 = tpu.memref_squeeze %dma_wait3A_624 : memref<1x128x64xf32, #tpu.memory_space<vmem>> -> memref<128x64xf32, #tpu.memory_space<vmem>>
      %dma_wait3A_626 = arith.constant 0 : i32
      %dma_wait3A_627 = tpu.memref_slice %arg6[%dma_wait3A_619, %dma_wait3A_620, %dma_wait3A_626] : memref<2x8x128xi32, #tpu.memory_space<vmem>> -> memref<1x1x128xi32, #tpu.memory_space<vmem>>
      %dma_wait3A_628 = tpu.memref_squeeze %dma_wait3A_627 : memref<1x1x128xi32, #tpu.memory_space<vmem>> -> memref<128xi32, #tpu.memory_space<vmem>>
      %dma_wait3A_629 = arith.constant 0 : i32
      %dma_wait3A_630 = arith.constant 0 : i32
      %dma_wait3A_631 = tpu.memref_slice %arg4[%dma_wait3A_629, %dma_wait3A_630] : memref<10000x64xf32, #tpu.memory_space<hbm>> -> memref<10000x64xf32, #tpu.memory_space<hbm>>
      tpu.wait_indirect_dma semaphore(%arg10 : memref<!tpu.dma_semaphore, #tpu.memory_space<semaphore_mem>>) src(%dma_wait3A_631 : memref<10000x64xf32, #tpu.memory_space<hbm>>) dst(%dma_wait3A_625 : memref<128x64xf32, #tpu.memory_space<vmem>>)
      %dma_start3A_632 = arith.constant 0 : i32
      %dma_start3A_633 = arith.constant 1 : i32
      %dma_start3A_634 = arith.constant 0 : i32
      %dma_start3A_635 = arith.constant 0 : i32
      %dma_start3A_636 = arith.constant 0 : i32
      %dma_start3A_637 = tpu.memref_slice %arg8[%dma_start3A_632, %dma_start3A_635, %dma_start3A_636] : memref<4x128x64xf32, #tpu.memory_space<vmem>> -> memref<1x128x64xf32, #tpu.memory_space<vmem>>
      %dma_start3A_638 = tpu.memref_squeeze %dma_start3A_637 : memref<1x128x64xf32, #tpu.memory_space<vmem>> -> memref<128x64xf32, #tpu.memory_space<vmem>>
      %dma_start3A_639 = arith.constant 0 : i32
      %dma_start3A_640 = tpu.memref_slice %arg7[%dma_start3A_633, %dma_start3A_634, %dma_start3A_639] : memref<2x8x128xi32, #tpu.memory_space<vmem>> -> memref<1x1x128xi32, #tpu.memory_space<vmem>>
      %dma_start3A_641 = tpu.memref_squeeze %dma_start3A_640 : memref<1x1x128xi32, #tpu.memory_space<vmem>> -> memref<128xi32, #tpu.memory_space<vmem>>
      %dma_start3A_642 = arith.constant 0 : i32
      %dma_start3A_643 = arith.constant 0 : i32
      %dma_start3A_644 = tpu.memref_slice %arg9[%dma_start3A_642, %dma_start3A_643] : memref<10240x64xf32, #tpu.memory_space<vmem_shared>> -> memref<10240x64xf32, #tpu.memory_space<vmem_shared>>
      tpu.enqueue_indirect_dma source(%dma_start3A_638 : memref<128x64xf32, #tpu.memory_space<vmem>>) target(%dma_start3A_644 : memref<10240x64xf32, #tpu.memory_space<vmem_shared>>) offsets(%dma_start3A_641 : memref<128xi32, #tpu.memory_space<vmem>>) semaphore(%arg14 : memref<!tpu.dma_semaphore, #tpu.memory_space<semaphore_mem>>) {add = true}
      %dma_start3A_645 = arith.constant 1 : i32
      %dma_start3A_646 = arith.constant 3 : i32
      %dma_start3A_647 = arith.constant 3 : i32
      %dma_start3A_648 = arith.constant 0 : i32
      %dma_start3A_649 = arith.constant 0 : i32
      %dma_start3A_650 = tpu.memref_slice %arg8[%dma_start3A_647, %dma_start3A_648, %dma_start3A_649] : memref<4x128x64xf32, #tpu.memory_space<vmem>> -> memref<1x128x64xf32, #tpu.memory_space<vmem>>
      %dma_start3A_651 = tpu.memref_squeeze %dma_start3A_650 : memref<1x128x64xf32, #tpu.memory_space<vmem>> -> memref<128x64xf32, #tpu.memory_space<vmem>>
      %dma_start3A_652 = arith.constant 0 : i32
      %dma_start3A_653 = tpu.memref_slice %arg6[%dma_start3A_645, %dma_start3A_646, %dma_start3A_652] : memref<2x8x128xi32, #tpu.memory_space<vmem>> -> memref<1x1x128xi32, #tpu.memory_space<vmem>>
      %dma_start3A_654 = tpu.memref_squeeze %dma_start3A_653 : memref<1x1x128xi32, #tpu.memory_space<vmem>> -> memref<128xi32, #tpu.memory_space<vmem>>
      %dma_start3A_655 = arith.constant 0 : i32
      %dma_start3A_656 = arith.constant 0 : i32
      %dma_start3A_657 = tpu.memref_slice %arg4[%dma_start3A_655, %dma_start3A_656] : memref<10000x64xf32, #tpu.memory_space<hbm>> -> memref<10000x64xf32, #tpu.memory_space<hbm>>
      tpu.enqueue_indirect_dma source(%dma_start3A_657 : memref<10000x64xf32, #tpu.memory_space<hbm>>) target(%dma_start3A_651 : memref<128x64xf32, #tpu.memory_space<vmem>>) offsets(%dma_start3A_654 : memref<128xi32, #tpu.memory_space<vmem>>) semaphore(%arg13 : memref<!tpu.dma_semaphore, #tpu.memory_space<semaphore_mem>>)
      %dma_wait3A_658 = arith.constant 0 : i32
      %dma_wait3A_659 = arith.constant 0 : i32
      %dma_wait3A_660 = arith.constant 1 : i32
      %dma_wait3A_661 = arith.constant 0 : i32
      %dma_wait3A_662 = arith.constant 0 : i32
      %dma_wait3A_663 = tpu.memref_slice %arg8[%dma_wait3A_660, %dma_wait3A_661, %dma_wait3A_662] : memref<4x128x64xf32, #tpu.memory_space<vmem>> -> memref<1x128x64xf32, #tpu.memory_space<vmem>>
      %dma_wait3A_664 = tpu.memref_squeeze %dma_wait3A_663 : memref<1x128x64xf32, #tpu.memory_space<vmem>> -> memref<128x64xf32, #tpu.memory_space<vmem>>
      %dma_wait3A_665 = arith.constant 0 : i32
      %dma_wait3A_666 = tpu.memref_slice %arg6[%dma_wait3A_658, %dma_wait3A_659, %dma_wait3A_665] : memref<2x8x128xi32, #tpu.memory_space<vmem>> -> memref<1x1x128xi32, #tpu.memory_space<vmem>>
      %dma_wait3A_667 = tpu.memref_squeeze %dma_wait3A_666 : memref<1x1x128xi32, #tpu.memory_space<vmem>> -> memref<128xi32, #tpu.memory_space<vmem>>
      %dma_wait3A_668 = arith.constant 0 : i32
      %dma_wait3A_669 = arith.constant 0 : i32
      %dma_wait3A_670 = tpu.memref_slice %arg4[%dma_wait3A_668, %dma_wait3A_669] : memref<10000x64xf32, #tpu.memory_space<hbm>> -> memref<10000x64xf32, #tpu.memory_space<hbm>>
      tpu.wait_indirect_dma semaphore(%arg11 : memref<!tpu.dma_semaphore, #tpu.memory_space<semaphore_mem>>) src(%dma_wait3A_670 : memref<10000x64xf32, #tpu.memory_space<hbm>>) dst(%dma_wait3A_664 : memref<128x64xf32, #tpu.memory_space<vmem>>)
      %dma_start3A_671 = arith.constant 1 : i32
      %dma_start3A_672 = arith.constant 1 : i32
      %dma_start3A_673 = arith.constant 1 : i32
      %dma_start3A_674 = arith.constant 0 : i32
      %dma_start3A_675 = arith.constant 0 : i32
      %dma_start3A_676 = tpu.memref_slice %arg8[%dma_start3A_671, %dma_start3A_674, %dma_start3A_675] : memref<4x128x64xf32, #tpu.memory_space<vmem>> -> memref<1x128x64xf32, #tpu.memory_space<vmem>>
      %dma_start3A_677 = tpu.memref_squeeze %dma_start3A_676 : memref<1x128x64xf32, #tpu.memory_space<vmem>> -> memref<128x64xf32, #tpu.memory_space<vmem>>
      %dma_start3A_678 = arith.constant 0 : i32
      %dma_start3A_679 = tpu.memref_slice %arg7[%dma_start3A_672, %dma_start3A_673, %dma_start3A_678] : memref<2x8x128xi32, #tpu.memory_space<vmem>> -> memref<1x1x128xi32, #tpu.memory_space<vmem>>
      %dma_start3A_680 = tpu.memref_squeeze %dma_start3A_679 : memref<1x1x128xi32, #tpu.memory_space<vmem>> -> memref<128xi32, #tpu.memory_space<vmem>>
      %dma_start3A_681 = arith.constant 0 : i32
      %dma_start3A_682 = arith.constant 0 : i32
      %dma_start3A_683 = tpu.memref_slice %arg9[%dma_start3A_681, %dma_start3A_682] : memref<10240x64xf32, #tpu.memory_space<vmem_shared>> -> memref<10240x64xf32, #tpu.memory_space<vmem_shared>>
      tpu.enqueue_indirect_dma source(%dma_start3A_677 : memref<128x64xf32, #tpu.memory_space<vmem>>) target(%dma_start3A_683 : memref<10240x64xf32, #tpu.memory_space<vmem_shared>>) offsets(%dma_start3A_680 : memref<128xi32, #tpu.memory_space<vmem>>) semaphore(%arg15 : memref<!tpu.dma_semaphore, #tpu.memory_space<semaphore_mem>>) {add = true}
      %dma_wait3A_684 = arith.constant 0 : i32
      %dma_wait3A_685 = arith.constant 0 : i32
      %dma_wait3A_686 = arith.constant 0 : i32
      %dma_wait3A_687 = arith.constant 0 : i32
      %dma_wait3A_688 = arith.constant 0 : i32
      %dma_wait3A_689 = tpu.memref_slice %arg8[%dma_wait3A_684, %dma_wait3A_687, %dma_wait3A_688] : memref<4x128x64xf32, #tpu.memory_space<vmem>> -> memref<1x128x64xf32, #tpu.memory_space<vmem>>
      %dma_wait3A_690 = tpu.memref_squeeze %dma_wait3A_689 : memref<1x128x64xf32, #tpu.memory_space<vmem>> -> memref<128x64xf32, #tpu.memory_space<vmem>>
      %dma_wait3A_691 = arith.constant 0 : i32
      %dma_wait3A_692 = tpu.memref_slice %arg7[%dma_wait3A_685, %dma_wait3A_686, %dma_wait3A_691] : memref<2x8x128xi32, #tpu.memory_space<vmem>> -> memref<1x1x128xi32, #tpu.memory_space<vmem>>
      %dma_wait3A_693 = tpu.memref_squeeze %dma_wait3A_692 : memref<1x1x128xi32, #tpu.memory_space<vmem>> -> memref<128xi32, #tpu.memory_space<vmem>>
      %dma_wait3A_694 = arith.constant 0 : i32
      %dma_wait3A_695 = arith.constant 0 : i32
      %dma_wait3A_696 = tpu.memref_slice %arg9[%dma_wait3A_694, %dma_wait3A_695] : memref<10240x64xf32, #tpu.memory_space<vmem_shared>> -> memref<10240x64xf32, #tpu.memory_space<vmem_shared>>
      tpu.wait_indirect_dma semaphore(%arg14 : memref<!tpu.dma_semaphore, #tpu.memory_space<semaphore_mem>>) src(%dma_wait3A_690 : memref<128x64xf32, #tpu.memory_space<vmem>>) dst(%dma_wait3A_696 : memref<10240x64xf32, #tpu.memory_space<vmem_shared>>)
      %dma_start3A_697 = arith.constant 1 : i32
      %dma_start3A_698 = arith.constant 4 : i32
      %dma_start3A_699 = arith.constant 0 : i32
      %dma_start3A_700 = arith.constant 0 : i32
      %dma_start3A_701 = arith.constant 0 : i32
      %dma_start3A_702 = tpu.memref_slice %arg8[%dma_start3A_699, %dma_start3A_700, %dma_start3A_701] : memref<4x128x64xf32, #tpu.memory_space<vmem>> -> memref<1x128x64xf32, #tpu.memory_space<vmem>>
      %dma_start3A_703 = tpu.memref_squeeze %dma_start3A_702 : memref<1x128x64xf32, #tpu.memory_space<vmem>> -> memref<128x64xf32, #tpu.memory_space<vmem>>
      %dma_start3A_704 = arith.constant 0 : i32
      %dma_start3A_705 = tpu.memref_slice %arg6[%dma_start3A_697, %dma_start3A_698, %dma_start3A_704] : memref<2x8x128xi32, #tpu.memory_space<vmem>> -> memref<1x1x128xi32, #tpu.memory_space<vmem>>
      %dma_start3A_706 = tpu.memref_squeeze %dma_start3A_705 : memref<1x1x128xi32, #tpu.memory_space<vmem>> -> memref<128xi32, #tpu.memory_space<vmem>>
      %dma_start3A_707 = arith.constant 0 : i32
      %dma_start3A_708 = arith.constant 0 : i32
      %dma_start3A_709 = tpu.memref_slice %arg4[%dma_start3A_707, %dma_start3A_708] : memref<10000x64xf32, #tpu.memory_space<hbm>> -> memref<10000x64xf32, #tpu.memory_space<hbm>>
      tpu.enqueue_indirect_dma source(%dma_start3A_709 : memref<10000x64xf32, #tpu.memory_space<hbm>>) target(%dma_start3A_703 : memref<128x64xf32, #tpu.memory_space<vmem>>) offsets(%dma_start3A_706 : memref<128xi32, #tpu.memory_space<vmem>>) semaphore(%arg10 : memref<!tpu.dma_semaphore, #tpu.memory_space<semaphore_mem>>)
      %dma_wait3A_710 = arith.constant 0 : i32
      %dma_wait3A_711 = arith.constant 0 : i32
      %dma_wait3A_712 = arith.constant 2 : i32
      %dma_wait3A_713 = arith.constant 0 : i32
      %dma_wait3A_714 = arith.constant 0 : i32
      %dma_wait3A_715 = tpu.memref_slice %arg8[%dma_wait3A_712, %dma_wait3A_713, %dma_wait3A_714] : memref<4x128x64xf32, #tpu.memory_space<vmem>> -> memref<1x128x64xf32, #tpu.memory_space<vmem>>
      %dma_wait3A_716 = tpu.memref_squeeze %dma_wait3A_715 : memref<1x128x64xf32, #tpu.memory_space<vmem>> -> memref<128x64xf32, #tpu.memory_space<vmem>>
      %dma_wait3A_717 = arith.constant 0 : i32
      %dma_wait3A_718 = tpu.memref_slice %arg6[%dma_wait3A_710, %dma_wait3A_711, %dma_wait3A_717] : memref<2x8x128xi32, #tpu.memory_space<vmem>> -> memref<1x1x128xi32, #tpu.memory_space<vmem>>
      %dma_wait3A_719 = tpu.memref_squeeze %dma_wait3A_718 : memref<1x1x128xi32, #tpu.memory_space<vmem>> -> memref<128xi32, #tpu.memory_space<vmem>>
      %dma_wait3A_720 = arith.constant 0 : i32
      %dma_wait3A_721 = arith.constant 0 : i32
      %dma_wait3A_722 = tpu.memref_slice %arg4[%dma_wait3A_720, %dma_wait3A_721] : memref<10000x64xf32, #tpu.memory_space<hbm>> -> memref<10000x64xf32, #tpu.memory_space<hbm>>
      tpu.wait_indirect_dma semaphore(%arg12 : memref<!tpu.dma_semaphore, #tpu.memory_space<semaphore_mem>>) src(%dma_wait3A_722 : memref<10000x64xf32, #tpu.memory_space<hbm>>) dst(%dma_wait3A_716 : memref<128x64xf32, #tpu.memory_space<vmem>>)
      %dma_start3A_723 = arith.constant 2 : i32
      %dma_start3A_724 = arith.constant 1 : i32
      %dma_start3A_725 = arith.constant 2 : i32
      %dma_start3A_726 = arith.constant 0 : i32
      %dma_start3A_727 = arith.constant 0 : i32
      %dma_start3A_728 = tpu.memref_slice %arg8[%dma_start3A_723, %dma_start3A_726, %dma_start3A_727] : memref<4x128x64xf32, #tpu.memory_space<vmem>> -> memref<1x128x64xf32, #tpu.memory_space<vmem>>
      %dma_start3A_729 = tpu.memref_squeeze %dma_start3A_728 : memref<1x128x64xf32, #tpu.memory_space<vmem>> -> memref<128x64xf32, #tpu.memory_space<vmem>>
      %dma_start3A_730 = arith.constant 0 : i32
      %dma_start3A_731 = tpu.memref_slice %arg7[%dma_start3A_724, %dma_start3A_725, %dma_start3A_730] : memref<2x8x128xi32, #tpu.memory_space<vmem>> -> memref<1x1x128xi32, #tpu.memory_space<vmem>>
      %dma_start3A_732 = tpu.memref_squeeze %dma_start3A_731 : memref<1x1x128xi32, #tpu.memory_space<vmem>> -> memref<128xi32, #tpu.memory_space<vmem>>
      %dma_start3A_733 = arith.constant 0 : i32
      %dma_start3A_734 = arith.constant 0 : i32
      %dma_start3A_735 = tpu.memref_slice %arg9[%dma_start3A_733, %dma_start3A_734] : memref<10240x64xf32, #tpu.memory_space<vmem_shared>> -> memref<10240x64xf32, #tpu.memory_space<vmem_shared>>
      tpu.enqueue_indirect_dma source(%dma_start3A_729 : memref<128x64xf32, #tpu.memory_space<vmem>>) target(%dma_start3A_735 : memref<10240x64xf32, #tpu.memory_space<vmem_shared>>) offsets(%dma_start3A_732 : memref<128xi32, #tpu.memory_space<vmem>>) semaphore(%arg16 : memref<!tpu.dma_semaphore, #tpu.memory_space<semaphore_mem>>) {add = true}
      %dma_wait3A_736 = arith.constant 1 : i32
      %dma_wait3A_737 = arith.constant 0 : i32
      %dma_wait3A_738 = arith.constant 0 : i32
      %dma_wait3A_739 = arith.constant 0 : i32
      %dma_wait3A_740 = arith.constant 0 : i32
      %dma_wait3A_741 = tpu.memref_slice %arg8[%dma_wait3A_736, %dma_wait3A_739, %dma_wait3A_740] : memref<4x128x64xf32, #tpu.memory_space<vmem>> -> memref<1x128x64xf32, #tpu.memory_space<vmem>>
      %dma_wait3A_742 = tpu.memref_squeeze %dma_wait3A_741 : memref<1x128x64xf32, #tpu.memory_space<vmem>> -> memref<128x64xf32, #tpu.memory_space<vmem>>
      %dma_wait3A_743 = arith.constant 0 : i32
      %dma_wait3A_744 = tpu.memref_slice %arg7[%dma_wait3A_737, %dma_wait3A_738, %dma_wait3A_743] : memref<2x8x128xi32, #tpu.memory_space<vmem>> -> memref<1x1x128xi32, #tpu.memory_space<vmem>>
      %dma_wait3A_745 = tpu.memref_squeeze %dma_wait3A_744 : memref<1x1x128xi32, #tpu.memory_space<vmem>> -> memref<128xi32, #tpu.memory_space<vmem>>
      %dma_wait3A_746 = arith.constant 0 : i32
      %dma_wait3A_747 = arith.constant 0 : i32
      %dma_wait3A_748 = tpu.memref_slice %arg9[%dma_wait3A_746, %dma_wait3A_747] : memref<10240x64xf32, #tpu.memory_space<vmem_shared>> -> memref<10240x64xf32, #tpu.memory_space<vmem_shared>>
      tpu.wait_indirect_dma semaphore(%arg15 : memref<!tpu.dma_semaphore, #tpu.memory_space<semaphore_mem>>) src(%dma_wait3A_742 : memref<128x64xf32, #tpu.memory_space<vmem>>) dst(%dma_wait3A_748 : memref<10240x64xf32, #tpu.memory_space<vmem_shared>>)
      %dma_start3A_749 = arith.constant 1 : i32
      %dma_start3A_750 = arith.constant 5 : i32
      %dma_start3A_751 = arith.constant 1 : i32
      %dma_start3A_752 = arith.constant 0 : i32
      %dma_start3A_753 = arith.constant 0 : i32
      %dma_start3A_754 = tpu.memref_slice %arg8[%dma_start3A_751, %dma_start3A_752, %dma_start3A_753] : memref<4x128x64xf32, #tpu.memory_space<vmem>> -> memref<1x128x64xf32, #tpu.memory_space<vmem>>
      %dma_start3A_755 = tpu.memref_squeeze %dma_start3A_754 : memref<1x128x64xf32, #tpu.memory_space<vmem>> -> memref<128x64xf32, #tpu.memory_space<vmem>>
      %dma_start3A_756 = arith.constant 0 : i32
      %dma_start3A_757 = tpu.memref_slice %arg6[%dma_start3A_749, %dma_start3A_750, %dma_start3A_756] : memref<2x8x128xi32, #tpu.memory_space<vmem>> -> memref<1x1x128xi32, #tpu.memory_space<vmem>>
      %dma_start3A_758 = tpu.memref_squeeze %dma_start3A_757 : memref<1x1x128xi32, #tpu.memory_space<vmem>> -> memref<128xi32, #tpu.memory_space<vmem>>
      %dma_start3A_759 = arith.constant 0 : i32
      %dma_start3A_760 = arith.constant 0 : i32
      %dma_start3A_761 = tpu.memref_slice %arg4[%dma_start3A_759, %dma_start3A_760] : memref<10000x64xf32, #tpu.memory_space<hbm>> -> memref<10000x64xf32, #tpu.memory_space<hbm>>
      tpu.enqueue_indirect_dma source(%dma_start3A_761 : memref<10000x64xf32, #tpu.memory_space<hbm>>) target(%dma_start3A_755 : memref<128x64xf32, #tpu.memory_space<vmem>>) offsets(%dma_start3A_758 : memref<128xi32, #tpu.memory_space<vmem>>) semaphore(%arg11 : memref<!tpu.dma_semaphore, #tpu.memory_space<semaphore_mem>>)
      %dma_wait3A_762 = arith.constant 0 : i32
      %dma_wait3A_763 = arith.constant 0 : i32
      %dma_wait3A_764 = arith.constant 3 : i32
      %dma_wait3A_765 = arith.constant 0 : i32
      %dma_wait3A_766 = arith.constant 0 : i32
      %dma_wait3A_767 = tpu.memref_slice %arg8[%dma_wait3A_764, %dma_wait3A_765, %dma_wait3A_766] : memref<4x128x64xf32, #tpu.memory_space<vmem>> -> memref<1x128x64xf32, #tpu.memory_space<vmem>>
      %dma_wait3A_768 = tpu.memref_squeeze %dma_wait3A_767 : memref<1x128x64xf32, #tpu.memory_space<vmem>> -> memref<128x64xf32, #tpu.memory_space<vmem>>
      %dma_wait3A_769 = arith.constant 0 : i32
      %dma_wait3A_770 = tpu.memref_slice %arg6[%dma_wait3A_762, %dma_wait3A_763, %dma_wait3A_769] : memref<2x8x128xi32, #tpu.memory_space<vmem>> -> memref<1x1x128xi32, #tpu.memory_space<vmem>>
      %dma_wait3A_771 = tpu.memref_squeeze %dma_wait3A_770 : memref<1x1x128xi32, #tpu.memory_space<vmem>> -> memref<128xi32, #tpu.memory_space<vmem>>
      %dma_wait3A_772 = arith.constant 0 : i32
      %dma_wait3A_773 = arith.constant 0 : i32
      %dma_wait3A_774 = tpu.memref_slice %arg4[%dma_wait3A_772, %dma_wait3A_773] : memref<10000x64xf32, #tpu.memory_space<hbm>> -> memref<10000x64xf32, #tpu.memory_space<hbm>>
      tpu.wait_indirect_dma semaphore(%arg13 : memref<!tpu.dma_semaphore, #tpu.memory_space<semaphore_mem>>) src(%dma_wait3A_774 : memref<10000x64xf32, #tpu.memory_space<hbm>>) dst(%dma_wait3A_768 : memref<128x64xf32, #tpu.memory_space<vmem>>)
      %dma_start3A_775 = arith.constant 3 : i32
      %dma_start3A_776 = arith.constant 1 : i32
      %dma_start3A_777 = arith.constant 3 : i32
      %dma_start3A_778 = arith.constant 0 : i32
      %dma_start3A_779 = arith.constant 0 : i32
      %dma_start3A_780 = tpu.memref_slice %arg8[%dma_start3A_775, %dma_start3A_778, %dma_start3A_779] : memref<4x128x64xf32, #tpu.memory_space<vmem>> -> memref<1x128x64xf32, #tpu.memory_space<vmem>>
      %dma_start3A_781 = tpu.memref_squeeze %dma_start3A_780 : memref<1x128x64xf32, #tpu.memory_space<vmem>> -> memref<128x64xf32, #tpu.memory_space<vmem>>
      %dma_start3A_782 = arith.constant 0 : i32
      %dma_start3A_783 = tpu.memref_slice %arg7[%dma_start3A_776, %dma_start3A_777, %dma_start3A_782] : memref<2x8x128xi32, #tpu.memory_space<vmem>> -> memref<1x1x128xi32, #tpu.memory_space<vmem>>
      %dma_start3A_784 = tpu.memref_squeeze %dma_start3A_783 : memref<1x1x128xi32, #tpu.memory_space<vmem>> -> memref<128xi32, #tpu.memory_space<vmem>>
      %dma_start3A_785 = arith.constant 0 : i32
      %dma_start3A_786 = arith.constant 0 : i32
      %dma_start3A_787 = tpu.memref_slice %arg9[%dma_start3A_785, %dma_start3A_786] : memref<10240x64xf32, #tpu.memory_space<vmem_shared>> -> memref<10240x64xf32, #tpu.memory_space<vmem_shared>>
      tpu.enqueue_indirect_dma source(%dma_start3A_781 : memref<128x64xf32, #tpu.memory_space<vmem>>) target(%dma_start3A_787 : memref<10240x64xf32, #tpu.memory_space<vmem_shared>>) offsets(%dma_start3A_784 : memref<128xi32, #tpu.memory_space<vmem>>) semaphore(%arg17 : memref<!tpu.dma_semaphore, #tpu.memory_space<semaphore_mem>>) {add = true}
      %dma_wait3A_788 = arith.constant 2 : i32
      %dma_wait3A_789 = arith.constant 0 : i32
      %dma_wait3A_790 = arith.constant 0 : i32
      %dma_wait3A_791 = arith.constant 0 : i32
      %dma_wait3A_792 = arith.constant 0 : i32
      %dma_wait3A_793 = tpu.memref_slice %arg8[%dma_wait3A_788, %dma_wait3A_791, %dma_wait3A_792] : memref<4x128x64xf32, #tpu.memory_space<vmem>> -> memref<1x128x64xf32, #tpu.memory_space<vmem>>
      %dma_wait3A_794 = tpu.memref_squeeze %dma_wait3A_793 : memref<1x128x64xf32, #tpu.memory_space<vmem>> -> memref<128x64xf32, #tpu.memory_space<vmem>>
      %dma_wait3A_795 = arith.constant 0 : i32
      %dma_wait3A_796 = tpu.memref_slice %arg7[%dma_wait3A_789, %dma_wait3A_790, %dma_wait3A_795] : memref<2x8x128xi32, #tpu.memory_space<vmem>> -> memref<1x1x128xi32, #tpu.memory_space<vmem>>
      %dma_wait3A_797 = tpu.memref_squeeze %dma_wait3A_796 : memref<1x1x128xi32, #tpu.memory_space<vmem>> -> memref<128xi32, #tpu.memory_space<vmem>>
      %dma_wait3A_798 = arith.constant 0 : i32
      %dma_wait3A_799 = arith.constant 0 : i32
      %dma_wait3A_800 = tpu.memref_slice %arg9[%dma_wait3A_798, %dma_wait3A_799] : memref<10240x64xf32, #tpu.memory_space<vmem_shared>> -> memref<10240x64xf32, #tpu.memory_space<vmem_shared>>
      tpu.wait_indirect_dma semaphore(%arg16 : memref<!tpu.dma_semaphore, #tpu.memory_space<semaphore_mem>>) src(%dma_wait3A_794 : memref<128x64xf32, #tpu.memory_space<vmem>>) dst(%dma_wait3A_800 : memref<10240x64xf32, #tpu.memory_space<vmem_shared>>)
      %dma_start3A_801 = arith.constant 1 : i32
      %dma_start3A_802 = arith.constant 6 : i32
      %dma_start3A_803 = arith.constant 2 : i32
      %dma_start3A_804 = arith.constant 0 : i32
      %dma_start3A_805 = arith.constant 0 : i32
      %dma_start3A_806 = tpu.memref_slice %arg8[%dma_start3A_803, %dma_start3A_804, %dma_start3A_805] : memref<4x128x64xf32, #tpu.memory_space<vmem>> -> memref<1x128x64xf32, #tpu.memory_space<vmem>>
      %dma_start3A_807 = tpu.memref_squeeze %dma_start3A_806 : memref<1x128x64xf32, #tpu.memory_space<vmem>> -> memref<128x64xf32, #tpu.memory_space<vmem>>
      %dma_start3A_808 = arith.constant 0 : i32
      %dma_start3A_809 = tpu.memref_slice %arg6[%dma_start3A_801, %dma_start3A_802, %dma_start3A_808] : memref<2x8x128xi32, #tpu.memory_space<vmem>> -> memref<1x1x128xi32, #tpu.memory_space<vmem>>
      %dma_start3A_810 = tpu.memref_squeeze %dma_start3A_809 : memref<1x1x128xi32, #tpu.memory_space<vmem>> -> memref<128xi32, #tpu.memory_space<vmem>>
      %dma_start3A_811 = arith.constant 0 : i32
      %dma_start3A_812 = arith.constant 0 : i32
      %dma_start3A_813 = tpu.memref_slice %arg4[%dma_start3A_811, %dma_start3A_812] : memref<10000x64xf32, #tpu.memory_space<hbm>> -> memref<10000x64xf32, #tpu.memory_space<hbm>>
      tpu.enqueue_indirect_dma source(%dma_start3A_813 : memref<10000x64xf32, #tpu.memory_space<hbm>>) target(%dma_start3A_807 : memref<128x64xf32, #tpu.memory_space<vmem>>) offsets(%dma_start3A_810 : memref<128xi32, #tpu.memory_space<vmem>>) semaphore(%arg12 : memref<!tpu.dma_semaphore, #tpu.memory_space<semaphore_mem>>)
      %dma_wait3A_814 = arith.constant 0 : i32
      %dma_wait3A_815 = arith.constant 0 : i32
      %dma_wait3A_816 = arith.constant 0 : i32
      %dma_wait3A_817 = arith.constant 0 : i32
      %dma_wait3A_818 = arith.constant 0 : i32
      %dma_wait3A_819 = tpu.memref_slice %arg8[%dma_wait3A_816, %dma_wait3A_817, %dma_wait3A_818] : memref<4x128x64xf32, #tpu.memory_space<vmem>> -> memref<1x128x64xf32, #tpu.memory_space<vmem>>
      %dma_wait3A_820 = tpu.memref_squeeze %dma_wait3A_819 : memref<1x128x64xf32, #tpu.memory_space<vmem>> -> memref<128x64xf32, #tpu.memory_space<vmem>>
      %dma_wait3A_821 = arith.constant 0 : i32
      %dma_wait3A_822 = tpu.memref_slice %arg6[%dma_wait3A_814, %dma_wait3A_815, %dma_wait3A_821] : memref<2x8x128xi32, #tpu.memory_space<vmem>> -> memref<1x1x128xi32, #tpu.memory_space<vmem>>
      %dma_wait3A_823 = tpu.memref_squeeze %dma_wait3A_822 : memref<1x1x128xi32, #tpu.memory_space<vmem>> -> memref<128xi32, #tpu.memory_space<vmem>>
      %dma_wait3A_824 = arith.constant 0 : i32
      %dma_wait3A_825 = arith.constant 0 : i32
      %dma_wait3A_826 = tpu.memref_slice %arg4[%dma_wait3A_824, %dma_wait3A_825] : memref<10000x64xf32, #tpu.memory_space<hbm>> -> memref<10000x64xf32, #tpu.memory_space<hbm>>
      tpu.wait_indirect_dma semaphore(%arg10 : memref<!tpu.dma_semaphore, #tpu.memory_space<semaphore_mem>>) src(%dma_wait3A_826 : memref<10000x64xf32, #tpu.memory_space<hbm>>) dst(%dma_wait3A_820 : memref<128x64xf32, #tpu.memory_space<vmem>>)
      %dma_start3A_827 = arith.constant 0 : i32
      %dma_start3A_828 = arith.constant 1 : i32
      %dma_start3A_829 = arith.constant 4 : i32
      %dma_start3A_830 = arith.constant 0 : i32
      %dma_start3A_831 = arith.constant 0 : i32
      %dma_start3A_832 = tpu.memref_slice %arg8[%dma_start3A_827, %dma_start3A_830, %dma_start3A_831] : memref<4x128x64xf32, #tpu.memory_space<vmem>> -> memref<1x128x64xf32, #tpu.memory_space<vmem>>
      %dma_start3A_833 = tpu.memref_squeeze %dma_start3A_832 : memref<1x128x64xf32, #tpu.memory_space<vmem>> -> memref<128x64xf32, #tpu.memory_space<vmem>>
      %dma_start3A_834 = arith.constant 0 : i32
      %dma_start3A_835 = tpu.memref_slice %arg7[%dma_start3A_828, %dma_start3A_829, %dma_start3A_834] : memref<2x8x128xi32, #tpu.memory_space<vmem>> -> memref<1x1x128xi32, #tpu.memory_space<vmem>>
      %dma_start3A_836 = tpu.memref_squeeze %dma_start3A_835 : memref<1x1x128xi32, #tpu.memory_space<vmem>> -> memref<128xi32, #tpu.memory_space<vmem>>
      %dma_start3A_837 = arith.constant 0 : i32
      %dma_start3A_838 = arith.constant 0 : i32
      %dma_start3A_839 = tpu.memref_slice %arg9[%dma_start3A_837, %dma_start3A_838] : memref<10240x64xf32, #tpu.memory_space<vmem_shared>> -> memref<10240x64xf32, #tpu.memory_space<vmem_shared>>
      tpu.enqueue_indirect_dma source(%dma_start3A_833 : memref<128x64xf32, #tpu.memory_space<vmem>>) target(%dma_start3A_839 : memref<10240x64xf32, #tpu.memory_space<vmem_shared>>) offsets(%dma_start3A_836 : memref<128xi32, #tpu.memory_space<vmem>>) semaphore(%arg14 : memref<!tpu.dma_semaphore, #tpu.memory_space<semaphore_mem>>) {add = true}
      %dma_wait3A_840 = arith.constant 3 : i32
      %dma_wait3A_841 = arith.constant 0 : i32
      %dma_wait3A_842 = arith.constant 0 : i32
      %dma_wait3A_843 = arith.constant 0 : i32
      %dma_wait3A_844 = arith.constant 0 : i32
      %dma_wait3A_845 = tpu.memref_slice %arg8[%dma_wait3A_840, %dma_wait3A_843, %dma_wait3A_844] : memref<4x128x64xf32, #tpu.memory_space<vmem>> -> memref<1x128x64xf32, #tpu.memory_space<vmem>>
      %dma_wait3A_846 = tpu.memref_squeeze %dma_wait3A_845 : memref<1x128x64xf32, #tpu.memory_space<vmem>> -> memref<128x64xf32, #tpu.memory_space<vmem>>
      %dma_wait3A_847 = arith.constant 0 : i32
      %dma_wait3A_848 = tpu.memref_slice %arg7[%dma_wait3A_841, %dma_wait3A_842, %dma_wait3A_847] : memref<2x8x128xi32, #tpu.memory_space<vmem>> -> memref<1x1x128xi32, #tpu.memory_space<vmem>>
      %dma_wait3A_849 = tpu.memref_squeeze %dma_wait3A_848 : memref<1x1x128xi32, #tpu.memory_space<vmem>> -> memref<128xi32, #tpu.memory_space<vmem>>
      %dma_wait3A_850 = arith.constant 0 : i32
      %dma_wait3A_851 = arith.constant 0 : i32
      %dma_wait3A_852 = tpu.memref_slice %arg9[%dma_wait3A_850, %dma_wait3A_851] : memref<10240x64xf32, #tpu.memory_space<vmem_shared>> -> memref<10240x64xf32, #tpu.memory_space<vmem_shared>>
      tpu.wait_indirect_dma semaphore(%arg17 : memref<!tpu.dma_semaphore, #tpu.memory_space<semaphore_mem>>) src(%dma_wait3A_846 : memref<128x64xf32, #tpu.memory_space<vmem>>) dst(%dma_wait3A_852 : memref<10240x64xf32, #tpu.memory_space<vmem_shared>>)
      %dma_start3A_853 = arith.constant 1 : i32
      %dma_start3A_854 = arith.constant 7 : i32
      %dma_start3A_855 = arith.constant 3 : i32
      %dma_start3A_856 = arith.constant 0 : i32
      %dma_start3A_857 = arith.constant 0 : i32
      %dma_start3A_858 = tpu.memref_slice %arg8[%dma_start3A_855, %dma_start3A_856, %dma_start3A_857] : memref<4x128x64xf32, #tpu.memory_space<vmem>> -> memref<1x128x64xf32, #tpu.memory_space<vmem>>
      %dma_start3A_859 = tpu.memref_squeeze %dma_start3A_858 : memref<1x128x64xf32, #tpu.memory_space<vmem>> -> memref<128x64xf32, #tpu.memory_space<vmem>>
      %dma_start3A_860 = arith.constant 0 : i32
      %dma_start3A_861 = tpu.memref_slice %arg6[%dma_start3A_853, %dma_start3A_854, %dma_start3A_860] : memref<2x8x128xi32, #tpu.memory_space<vmem>> -> memref<1x1x128xi32, #tpu.memory_space<vmem>>
      %dma_start3A_862 = tpu.memref_squeeze %dma_start3A_861 : memref<1x1x128xi32, #tpu.memory_space<vmem>> -> memref<128xi32, #tpu.memory_space<vmem>>
      %dma_start3A_863 = arith.constant 0 : i32
      %dma_start3A_864 = arith.constant 0 : i32
      %dma_start3A_865 = tpu.memref_slice %arg4[%dma_start3A_863, %dma_start3A_864] : memref<10000x64xf32, #tpu.memory_space<hbm>> -> memref<10000x64xf32, #tpu.memory_space<hbm>>
      tpu.enqueue_indirect_dma source(%dma_start3A_865 : memref<10000x64xf32, #tpu.memory_space<hbm>>) target(%dma_start3A_859 : memref<128x64xf32, #tpu.memory_space<vmem>>) offsets(%dma_start3A_862 : memref<128xi32, #tpu.memory_space<vmem>>) semaphore(%arg13 : memref<!tpu.dma_semaphore, #tpu.memory_space<semaphore_mem>>)
      %dma_wait3A_866 = arith.constant 0 : i32
      %dma_wait3A_867 = arith.constant 0 : i32
      %dma_wait3A_868 = arith.constant 1 : i32
      %dma_wait3A_869 = arith.constant 0 : i32
      %dma_wait3A_870 = arith.constant 0 : i32
      %dma_wait3A_871 = tpu.memref_slice %arg8[%dma_wait3A_868, %dma_wait3A_869, %dma_wait3A_870] : memref<4x128x64xf32, #tpu.memory_space<vmem>> -> memref<1x128x64xf32, #tpu.memory_space<vmem>>
      %dma_wait3A_872 = tpu.memref_squeeze %dma_wait3A_871 : memref<1x128x64xf32, #tpu.memory_space<vmem>> -> memref<128x64xf32, #tpu.memory_space<vmem>>
      %dma_wait3A_873 = arith.constant 0 : i32
      %dma_wait3A_874 = tpu.memref_slice %arg6[%dma_wait3A_866, %dma_wait3A_867, %dma_wait3A_873] : memref<2x8x128xi32, #tpu.memory_space<vmem>> -> memref<1x1x128xi32, #tpu.memory_space<vmem>>
      %dma_wait3A_875 = tpu.memref_squeeze %dma_wait3A_874 : memref<1x1x128xi32, #tpu.memory_space<vmem>> -> memref<128xi32, #tpu.memory_space<vmem>>
      %dma_wait3A_876 = arith.constant 0 : i32
      %dma_wait3A_877 = arith.constant 0 : i32
      %dma_wait3A_878 = tpu.memref_slice %arg4[%dma_wait3A_876, %dma_wait3A_877] : memref<10000x64xf32, #tpu.memory_space<hbm>> -> memref<10000x64xf32, #tpu.memory_space<hbm>>
      tpu.wait_indirect_dma semaphore(%arg11 : memref<!tpu.dma_semaphore, #tpu.memory_space<semaphore_mem>>) src(%dma_wait3A_878 : memref<10000x64xf32, #tpu.memory_space<hbm>>) dst(%dma_wait3A_872 : memref<128x64xf32, #tpu.memory_space<vmem>>)
      %dma_start3A_879 = arith.constant 1 : i32
      %dma_start3A_880 = arith.constant 1 : i32
      %dma_start3A_881 = arith.constant 5 : i32
      %dma_start3A_882 = arith.constant 0 : i32
      %dma_start3A_883 = arith.constant 0 : i32
      %dma_start3A_884 = tpu.memref_slice %arg8[%dma_start3A_879, %dma_start3A_882, %dma_start3A_883] : memref<4x128x64xf32, #tpu.memory_space<vmem>> -> memref<1x128x64xf32, #tpu.memory_space<vmem>>
      %dma_start3A_885 = tpu.memref_squeeze %dma_start3A_884 : memref<1x128x64xf32, #tpu.memory_space<vmem>> -> memref<128x64xf32, #tpu.memory_space<vmem>>
      %dma_start3A_886 = arith.constant 0 : i32
      %dma_start3A_887 = tpu.memref_slice %arg7[%dma_start3A_880, %dma_start3A_881, %dma_start3A_886] : memref<2x8x128xi32, #tpu.memory_space<vmem>> -> memref<1x1x128xi32, #tpu.memory_space<vmem>>
      %dma_start3A_888 = tpu.memref_squeeze %dma_start3A_887 : memref<1x1x128xi32, #tpu.memory_space<vmem>> -> memref<128xi32, #tpu.memory_space<vmem>>
      %dma_start3A_889 = arith.constant 0 : i32
      %dma_start3A_890 = arith.constant 0 : i32
      %dma_start3A_891 = tpu.memref_slice %arg9[%dma_start3A_889, %dma_start3A_890] : memref<10240x64xf32, #tpu.memory_space<vmem_shared>> -> memref<10240x64xf32, #tpu.memory_space<vmem_shared>>
      tpu.enqueue_indirect_dma source(%dma_start3A_885 : memref<128x64xf32, #tpu.memory_space<vmem>>) target(%dma_start3A_891 : memref<10240x64xf32, #tpu.memory_space<vmem_shared>>) offsets(%dma_start3A_888 : memref<128xi32, #tpu.memory_space<vmem>>) semaphore(%arg15 : memref<!tpu.dma_semaphore, #tpu.memory_space<semaphore_mem>>) {add = true}
      %dma_wait3A_892 = arith.constant 0 : i32
      %dma_wait3A_893 = arith.constant 0 : i32
      %dma_wait3A_894 = arith.constant 0 : i32
      %dma_wait3A_895 = arith.constant 0 : i32
      %dma_wait3A_896 = arith.constant 0 : i32
      %dma_wait3A_897 = tpu.memref_slice %arg8[%dma_wait3A_892, %dma_wait3A_895, %dma_wait3A_896] : memref<4x128x64xf32, #tpu.memory_space<vmem>> -> memref<1x128x64xf32, #tpu.memory_space<vmem>>
      %dma_wait3A_898 = tpu.memref_squeeze %dma_wait3A_897 : memref<1x128x64xf32, #tpu.memory_space<vmem>> -> memref<128x64xf32, #tpu.memory_space<vmem>>
      %dma_wait3A_899 = arith.constant 0 : i32
      %dma_wait3A_900 = tpu.memref_slice %arg7[%dma_wait3A_893, %dma_wait3A_894, %dma_wait3A_899] : memref<2x8x128xi32, #tpu.memory_space<vmem>> -> memref<1x1x128xi32, #tpu.memory_space<vmem>>
      %dma_wait3A_901 = tpu.memref_squeeze %dma_wait3A_900 : memref<1x1x128xi32, #tpu.memory_space<vmem>> -> memref<128xi32, #tpu.memory_space<vmem>>
      %dma_wait3A_902 = arith.constant 0 : i32
      %dma_wait3A_903 = arith.constant 0 : i32
      %dma_wait3A_904 = tpu.memref_slice %arg9[%dma_wait3A_902, %dma_wait3A_903] : memref<10240x64xf32, #tpu.memory_space<vmem_shared>> -> memref<10240x64xf32, #tpu.memory_space<vmem_shared>>
      tpu.wait_indirect_dma semaphore(%arg14 : memref<!tpu.dma_semaphore, #tpu.memory_space<semaphore_mem>>) src(%dma_wait3A_898 : memref<128x64xf32, #tpu.memory_space<vmem>>) dst(%dma_wait3A_904 : memref<10240x64xf32, #tpu.memory_space<vmem_shared>>)
      %lt3A_905 = arith.constant 4 : i32
      %lt3A_906 = arith.cmpi slt, %scan3A_104, %lt3A_905 : i32
      %convert_element_type3A_907 = arith.extui %lt3A_906 : i1 to i32
      %cond3A_908 = arith.constant 0 : i32
      %cond3A_909 = arith.cmpi ne, %convert_element_type3A_907, %cond3A_908 : i32
      scf.if %cond3A_909 {
        %add3A_1003 = arith.constant 1 : i32
        %add3A_1004 = arith.addi %add3A_601, %add3A_1003 : i32
        %mul3A_1005 = arith.constant 80 : i32
        %mul3A_1006 = arith.muli %add3A, %mul3A_1005 : i32
        %mul3A_1007 = arith.constant 8 : i32
        %mul3A_1008 = arith.muli %add3A_1004, %mul3A_1007 : i32
        %add3A_1009 = arith.addi %mul3A_1006, %mul3A_1008 : i32
        %multiple_of3A_1010 = tpu.assume_multiple %add3A_1009, 4 : i32
        %dma_wait3A_1011 = arith.constant 0 : i32
        %dma_wait3A_1012 = arith.constant 0 : i32
        %dma_wait3A_1013 = arith.constant 0 : i32
        %dma_wait3A_1014 = tpu.memref_slice %arg6[%dma_wait3A_1011, %dma_wait3A_1012, %dma_wait3A_1013] : memref<2x8x128xi32, #tpu.memory_space<vmem>> -> memref<1x8x128xi32, #tpu.memory_space<vmem>>
        %dma_wait3A_1015 = tpu.memref_squeeze %dma_wait3A_1014 : memref<1x8x128xi32, #tpu.memory_space<vmem>> -> memref<8x128xi32, #tpu.memory_space<vmem>>
        %dma_wait3A_1016 = arith.constant 0 : i32
        %dma_wait3A_1017 = tpu.memref_slice %arg2[%multiple_of3A_1010, %dma_wait3A_1016] : memref<2560x128xi32, #tpu.memory_space<hbm>> -> memref<8x128xi32, #tpu.memory_space<hbm>>
        %dma_wait3A_1018 = arith.constant 0 : i32
        %dma_wait3A_1019 = arith.constant 0 : i32
        %dma_wait3A_1020 = tpu.memref_slice %arg6[%dma_wait3A_1011, %dma_wait3A_1018, %dma_wait3A_1019] : memref<2x8x128xi32, #tpu.memory_space<vmem>> -> memref<1x8x128xi32, #tpu.memory_space<vmem>>
        %dma_wait3A_1021 = tpu.memref_squeeze %dma_wait3A_1020 : memref<1x8x128xi32, #tpu.memory_space<vmem>> -> memref<8x128xi32, #tpu.memory_space<vmem>>
        %dma_wait3A_1022 = arith.constant 0 : i32
        %dma_wait3A_1023 = tpu.memref_slice %arg2[%multiple_of3A_1010, %dma_wait3A_1022] : memref<2560x128xi32, #tpu.memory_space<hbm>> -> memref<8x128xi32, #tpu.memory_space<hbm>>
        tpu.wait_dma2 semaphore(%arg18 : memref<!tpu.dma_semaphore, #tpu.memory_space<semaphore_mem>>) src(%dma_wait3A_1023 : memref<8x128xi32, #tpu.memory_space<hbm>>) dst(%dma_wait3A_1021 : memref<8x128xi32, #tpu.memory_space<vmem>>)
        %add3A_1024 = arith.constant 1 : i32
        %add3A_1025 = arith.addi %add3A_601, %add3A_1024 : i32
        %mul3A_1026 = arith.constant 80 : i32
        %mul3A_1027 = arith.muli %add3A, %mul3A_1026 : i32
        %mul3A_1028 = arith.constant 8 : i32
        %mul3A_1029 = arith.muli %add3A_1025, %mul3A_1028 : i32
        %add3A_1030 = arith.addi %mul3A_1027, %mul3A_1029 : i32
        %multiple_of3A_1031 = tpu.assume_multiple %add3A_1030, 4 : i32
        %dma_wait3A_1032 = arith.constant 0 : i32
        %dma_wait3A_1033 = arith.constant 0 : i32
        %dma_wait3A_1034 = arith.constant 0 : i32
        %dma_wait3A_1035 = tpu.memref_slice %arg7[%dma_wait3A_1032, %dma_wait3A_1033, %dma_wait3A_1034] : memref<2x8x128xi32, #tpu.memory_space<vmem>> -> memref<1x8x128xi32, #tpu.memory_space<vmem>>
        %dma_wait3A_1036 = tpu.memref_squeeze %dma_wait3A_1035 : memref<1x8x128xi32, #tpu.memory_space<vmem>> -> memref<8x128xi32, #tpu.memory_space<vmem>>
        %dma_wait3A_1037 = arith.constant 0 : i32
        %dma_wait3A_1038 = tpu.memref_slice %arg3[%multiple_of3A_1031, %dma_wait3A_1037] : memref<2560x128xi32, #tpu.memory_space<hbm>> -> memref<8x128xi32, #tpu.memory_space<hbm>>
        %dma_wait3A_1039 = arith.constant 0 : i32
        %dma_wait3A_1040 = arith.constant 0 : i32
        %dma_wait3A_1041 = tpu.memref_slice %arg7[%dma_wait3A_1032, %dma_wait3A_1039, %dma_wait3A_1040] : memref<2x8x128xi32, #tpu.memory_space<vmem>> -> memref<1x8x128xi32, #tpu.memory_space<vmem>>
        %dma_wait3A_1042 = tpu.memref_squeeze %dma_wait3A_1041 : memref<1x8x128xi32, #tpu.memory_space<vmem>> -> memref<8x128xi32, #tpu.memory_space<vmem>>
        %dma_wait3A_1043 = arith.constant 0 : i32
        %dma_wait3A_1044 = tpu.memref_slice %arg3[%multiple_of3A_1031, %dma_wait3A_1043] : memref<2560x128xi32, #tpu.memory_space<hbm>> -> memref<8x128xi32, #tpu.memory_space<hbm>>
        tpu.wait_dma2 semaphore(%arg18 : memref<!tpu.dma_semaphore, #tpu.memory_space<semaphore_mem>>) src(%dma_wait3A_1044 : memref<8x128xi32, #tpu.memory_space<hbm>>) dst(%dma_wait3A_1042 : memref<8x128xi32, #tpu.memory_space<vmem>>)
      } else {
      }
      %lt3A_910 = arith.constant 4 : i32
      %lt3A_911 = arith.cmpi slt, %scan3A_104, %lt3A_910 : i32
      %convert_element_type3A_912 = arith.extui %lt3A_911 : i1 to i32
      %cond3A_913 = arith.constant 0 : i32
      %cond3A_914 = arith.cmpi ne, %convert_element_type3A_912, %cond3A_913 : i32
      scf.if %cond3A_914 {
        %dma_start3A_1003 = arith.constant 0 : i32
        %dma_start3A_1004 = arith.constant 0 : i32
        %dma_start3A_1005 = arith.constant 0 : i32
        %dma_start3A_1006 = arith.constant 0 : i32
        %dma_start3A_1007 = arith.constant 0 : i32
        %dma_start3A_1008 = tpu.memref_slice %arg8[%dma_start3A_1005, %dma_start3A_1006, %dma_start3A_1007] : memref<4x128x64xf32, #tpu.memory_space<vmem>> -> memref<1x128x64xf32, #tpu.memory_space<vmem>>
        %dma_start3A_1009 = tpu.memref_squeeze %dma_start3A_1008 : memref<1x128x64xf32, #tpu.memory_space<vmem>> -> memref<128x64xf32, #tpu.memory_space<vmem>>
        %dma_start3A_1010 = arith.constant 0 : i32
        %dma_start3A_1011 = tpu.memref_slice %arg6[%dma_start3A_1003, %dma_start3A_1004, %dma_start3A_1010] : memref<2x8x128xi32, #tpu.memory_space<vmem>> -> memref<1x1x128xi32, #tpu.memory_space<vmem>>
        %dma_start3A_1012 = tpu.memref_squeeze %dma_start3A_1011 : memref<1x1x128xi32, #tpu.memory_space<vmem>> -> memref<128xi32, #tpu.memory_space<vmem>>
        %dma_start3A_1013 = arith.constant 0 : i32
        %dma_start3A_1014 = arith.constant 0 : i32
        %dma_start3A_1015 = tpu.memref_slice %arg4[%dma_start3A_1013, %dma_start3A_1014] : memref<10000x64xf32, #tpu.memory_space<hbm>> -> memref<10000x64xf32, #tpu.memory_space<hbm>>
        tpu.enqueue_indirect_dma source(%dma_start3A_1015 : memref<10000x64xf32, #tpu.memory_space<hbm>>) target(%dma_start3A_1009 : memref<128x64xf32, #tpu.memory_space<vmem>>) offsets(%dma_start3A_1012 : memref<128xi32, #tpu.memory_space<vmem>>) semaphore(%arg10 : memref<!tpu.dma_semaphore, #tpu.memory_space<semaphore_mem>>)
      } else {
      }
      %dma_wait3A_915 = arith.constant 0 : i32
      %dma_wait3A_916 = arith.constant 0 : i32
      %dma_wait3A_917 = arith.constant 2 : i32
      %dma_wait3A_918 = arith.constant 0 : i32
      %dma_wait3A_919 = arith.constant 0 : i32
      %dma_wait3A_920 = tpu.memref_slice %arg8[%dma_wait3A_917, %dma_wait3A_918, %dma_wait3A_919] : memref<4x128x64xf32, #tpu.memory_space<vmem>> -> memref<1x128x64xf32, #tpu.memory_space<vmem>>
      %dma_wait3A_921 = tpu.memref_squeeze %dma_wait3A_920 : memref<1x128x64xf32, #tpu.memory_space<vmem>> -> memref<128x64xf32, #tpu.memory_space<vmem>>
      %dma_wait3A_922 = arith.constant 0 : i32
      %dma_wait3A_923 = tpu.memref_slice %arg6[%dma_wait3A_915, %dma_wait3A_916, %dma_wait3A_922] : memref<2x8x128xi32, #tpu.memory_space<vmem>> -> memref<1x1x128xi32, #tpu.memory_space<vmem>>
      %dma_wait3A_924 = tpu.memref_squeeze %dma_wait3A_923 : memref<1x1x128xi32, #tpu.memory_space<vmem>> -> memref<128xi32, #tpu.memory_space<vmem>>
      %dma_wait3A_925 = arith.constant 0 : i32
      %dma_wait3A_926 = arith.constant 0 : i32
      %dma_wait3A_927 = tpu.memref_slice %arg4[%dma_wait3A_925, %dma_wait3A_926] : memref<10000x64xf32, #tpu.memory_space<hbm>> -> memref<10000x64xf32, #tpu.memory_space<hbm>>
      tpu.wait_indirect_dma semaphore(%arg12 : memref<!tpu.dma_semaphore, #tpu.memory_space<semaphore_mem>>) src(%dma_wait3A_927 : memref<10000x64xf32, #tpu.memory_space<hbm>>) dst(%dma_wait3A_921 : memref<128x64xf32, #tpu.memory_space<vmem>>)
      %dma_start3A_928 = arith.constant 2 : i32
      %dma_start3A_929 = arith.constant 1 : i32
      %dma_start3A_930 = arith.constant 6 : i32
      %dma_start3A_931 = arith.constant 0 : i32
      %dma_start3A_932 = arith.constant 0 : i32
      %dma_start3A_933 = tpu.memref_slice %arg8[%dma_start3A_928, %dma_start3A_931, %dma_start3A_932] : memref<4x128x64xf32, #tpu.memory_space<vmem>> -> memref<1x128x64xf32, #tpu.memory_space<vmem>>
      %dma_start3A_934 = tpu.memref_squeeze %dma_start3A_933 : memref<1x128x64xf32, #tpu.memory_space<vmem>> -> memref<128x64xf32, #tpu.memory_space<vmem>>
      %dma_start3A_935 = arith.constant 0 : i32
      %dma_start3A_936 = tpu.memref_slice %arg7[%dma_start3A_929, %dma_start3A_930, %dma_start3A_935] : memref<2x8x128xi32, #tpu.memory_space<vmem>> -> memref<1x1x128xi32, #tpu.memory_space<vmem>>
      %dma_start3A_937 = tpu.memref_squeeze %dma_start3A_936 : memref<1x1x128xi32, #tpu.memory_space<vmem>> -> memref<128xi32, #tpu.memory_space<vmem>>
      %dma_start3A_938 = arith.constant 0 : i32
      %dma_start3A_939 = arith.constant 0 : i32
      %dma_start3A_940 = tpu.memref_slice %arg9[%dma_start3A_938, %dma_start3A_939] : memref<10240x64xf32, #tpu.memory_space<vmem_shared>> -> memref<10240x64xf32, #tpu.memory_space<vmem_shared>>
      tpu.enqueue_indirect_dma source(%dma_start3A_934 : memref<128x64xf32, #tpu.memory_space<vmem>>) target(%dma_start3A_940 : memref<10240x64xf32, #tpu.memory_space<vmem_shared>>) offsets(%dma_start3A_937 : memref<128xi32, #tpu.memory_space<vmem>>) semaphore(%arg16 : memref<!tpu.dma_semaphore, #tpu.memory_space<semaphore_mem>>) {add = true}
      %dma_wait3A_941 = arith.constant 1 : i32
      %dma_wait3A_942 = arith.constant 0 : i32
      %dma_wait3A_943 = arith.constant 0 : i32
      %dma_wait3A_944 = arith.constant 0 : i32
      %dma_wait3A_945 = arith.constant 0 : i32
      %dma_wait3A_946 = tpu.memref_slice %arg8[%dma_wait3A_941, %dma_wait3A_944, %dma_wait3A_945] : memref<4x128x64xf32, #tpu.memory_space<vmem>> -> memref<1x128x64xf32, #tpu.memory_space<vmem>>
      %dma_wait3A_947 = tpu.memref_squeeze %dma_wait3A_946 : memref<1x128x64xf32, #tpu.memory_space<vmem>> -> memref<128x64xf32, #tpu.memory_space<vmem>>
      %dma_wait3A_948 = arith.constant 0 : i32
      %dma_wait3A_949 = tpu.memref_slice %arg7[%dma_wait3A_942, %dma_wait3A_943, %dma_wait3A_948] : memref<2x8x128xi32, #tpu.memory_space<vmem>> -> memref<1x1x128xi32, #tpu.memory_space<vmem>>
      %dma_wait3A_950 = tpu.memref_squeeze %dma_wait3A_949 : memref<1x1x128xi32, #tpu.memory_space<vmem>> -> memref<128xi32, #tpu.memory_space<vmem>>
      %dma_wait3A_951 = arith.constant 0 : i32
      %dma_wait3A_952 = arith.constant 0 : i32
      %dma_wait3A_953 = tpu.memref_slice %arg9[%dma_wait3A_951, %dma_wait3A_952] : memref<10240x64xf32, #tpu.memory_space<vmem_shared>> -> memref<10240x64xf32, #tpu.memory_space<vmem_shared>>
      tpu.wait_indirect_dma semaphore(%arg15 : memref<!tpu.dma_semaphore, #tpu.memory_space<semaphore_mem>>) src(%dma_wait3A_947 : memref<128x64xf32, #tpu.memory_space<vmem>>) dst(%dma_wait3A_953 : memref<10240x64xf32, #tpu.memory_space<vmem_shared>>)
      %lt3A_954 = arith.constant 4 : i32
      %lt3A_955 = arith.cmpi slt, %scan3A_104, %lt3A_954 : i32
      %convert_element_type3A_956 = arith.extui %lt3A_955 : i1 to i32
      %cond3A_957 = arith.constant 0 : i32
      %cond3A_958 = arith.cmpi ne, %convert_element_type3A_956, %cond3A_957 : i32
      scf.if %cond3A_958 {
        %dma_start3A_1003 = arith.constant 0 : i32
        %dma_start3A_1004 = arith.constant 1 : i32
        %dma_start3A_1005 = arith.constant 1 : i32
        %dma_start3A_1006 = arith.constant 0 : i32
        %dma_start3A_1007 = arith.constant 0 : i32
        %dma_start3A_1008 = tpu.memref_slice %arg8[%dma_start3A_1005, %dma_start3A_1006, %dma_start3A_1007] : memref<4x128x64xf32, #tpu.memory_space<vmem>> -> memref<1x128x64xf32, #tpu.memory_space<vmem>>
        %dma_start3A_1009 = tpu.memref_squeeze %dma_start3A_1008 : memref<1x128x64xf32, #tpu.memory_space<vmem>> -> memref<128x64xf32, #tpu.memory_space<vmem>>
        %dma_start3A_1010 = arith.constant 0 : i32
        %dma_start3A_1011 = tpu.memref_slice %arg6[%dma_start3A_1003, %dma_start3A_1004, %dma_start3A_1010] : memref<2x8x128xi32, #tpu.memory_space<vmem>> -> memref<1x1x128xi32, #tpu.memory_space<vmem>>
        %dma_start3A_1012 = tpu.memref_squeeze %dma_start3A_1011 : memref<1x1x128xi32, #tpu.memory_space<vmem>> -> memref<128xi32, #tpu.memory_space<vmem>>
        %dma_start3A_1013 = arith.constant 0 : i32
        %dma_start3A_1014 = arith.constant 0 : i32
        %dma_start3A_1015 = tpu.memref_slice %arg4[%dma_start3A_1013, %dma_start3A_1014] : memref<10000x64xf32, #tpu.memory_space<hbm>> -> memref<10000x64xf32, #tpu.memory_space<hbm>>
        tpu.enqueue_indirect_dma source(%dma_start3A_1015 : memref<10000x64xf32, #tpu.memory_space<hbm>>) target(%dma_start3A_1009 : memref<128x64xf32, #tpu.memory_space<vmem>>) offsets(%dma_start3A_1012 : memref<128xi32, #tpu.memory_space<vmem>>) semaphore(%arg11 : memref<!tpu.dma_semaphore, #tpu.memory_space<semaphore_mem>>)
      } else {
      }
      %dma_wait3A_959 = arith.constant 0 : i32
      %dma_wait3A_960 = arith.constant 0 : i32
      %dma_wait3A_961 = arith.constant 3 : i32
      %dma_wait3A_962 = arith.constant 0 : i32
      %dma_wait3A_963 = arith.constant 0 : i32
      %dma_wait3A_964 = tpu.memref_slice %arg8[%dma_wait3A_961, %dma_wait3A_962, %dma_wait3A_963] : memref<4x128x64xf32, #tpu.memory_space<vmem>> -> memref<1x128x64xf32, #tpu.memory_space<vmem>>
      %dma_wait3A_965 = tpu.memref_squeeze %dma_wait3A_964 : memref<1x128x64xf32, #tpu.memory_space<vmem>> -> memref<128x64xf32, #tpu.memory_space<vmem>>
      %dma_wait3A_966 = arith.constant 0 : i32
      %dma_wait3A_967 = tpu.memref_slice %arg6[%dma_wait3A_959, %dma_wait3A_960, %dma_wait3A_966] : memref<2x8x128xi32, #tpu.memory_space<vmem>> -> memref<1x1x128xi32, #tpu.memory_space<vmem>>
      %dma_wait3A_968 = tpu.memref_squeeze %dma_wait3A_967 : memref<1x1x128xi32, #tpu.memory_space<vmem>> -> memref<128xi32, #tpu.memory_space<vmem>>
      %dma_wait3A_969 = arith.constant 0 : i32
      %dma_wait3A_970 = arith.constant 0 : i32
      %dma_wait3A_971 = tpu.memref_slice %arg4[%dma_wait3A_969, %dma_wait3A_970] : memref<10000x64xf32, #tpu.memory_space<hbm>> -> memref<10000x64xf32, #tpu.memory_space<hbm>>
      tpu.wait_indirect_dma semaphore(%arg13 : memref<!tpu.dma_semaphore, #tpu.memory_space<semaphore_mem>>) src(%dma_wait3A_971 : memref<10000x64xf32, #tpu.memory_space<hbm>>) dst(%dma_wait3A_965 : memref<128x64xf32, #tpu.memory_space<vmem>>)
      %dma_start3A_972 = arith.constant 3 : i32
      %dma_start3A_973 = arith.constant 1 : i32
      %dma_start3A_974 = arith.constant 7 : i32
      %dma_start3A_975 = arith.constant 0 : i32
      %dma_start3A_976 = arith.constant 0 : i32
      %dma_start3A_977 = tpu.memref_slice %arg8[%dma_start3A_972, %dma_start3A_975, %dma_start3A_976] : memref<4x128x64xf32, #tpu.memory_space<vmem>> -> memref<1x128x64xf32, #tpu.memory_space<vmem>>
      %dma_start3A_978 = tpu.memref_squeeze %dma_start3A_977 : memref<1x128x64xf32, #tpu.memory_space<vmem>> -> memref<128x64xf32, #tpu.memory_space<vmem>>
      %dma_start3A_979 = arith.constant 0 : i32
      %dma_start3A_980 = tpu.memref_slice %arg7[%dma_start3A_973, %dma_start3A_974, %dma_start3A_979] : memref<2x8x128xi32, #tpu.memory_space<vmem>> -> memref<1x1x128xi32, #tpu.memory_space<vmem>>
      %dma_start3A_981 = tpu.memref_squeeze %dma_start3A_980 : memref<1x1x128xi32, #tpu.memory_space<vmem>> -> memref<128xi32, #tpu.memory_space<vmem>>
      %dma_start3A_982 = arith.constant 0 : i32
      %dma_start3A_983 = arith.constant 0 : i32
      %dma_start3A_984 = tpu.memref_slice %arg9[%dma_start3A_982, %dma_start3A_983] : memref<10240x64xf32, #tpu.memory_space<vmem_shared>> -> memref<10240x64xf32, #tpu.memory_space<vmem_shared>>
      tpu.enqueue_indirect_dma source(%dma_start3A_978 : memref<128x64xf32, #tpu.memory_space<vmem>>) target(%dma_start3A_984 : memref<10240x64xf32, #tpu.memory_space<vmem_shared>>) offsets(%dma_start3A_981 : memref<128xi32, #tpu.memory_space<vmem>>) semaphore(%arg17 : memref<!tpu.dma_semaphore, #tpu.memory_space<semaphore_mem>>) {add = true}
      %dma_wait3A_985 = arith.constant 2 : i32
      %dma_wait3A_986 = arith.constant 0 : i32
      %dma_wait3A_987 = arith.constant 0 : i32
      %dma_wait3A_988 = arith.constant 0 : i32
      %dma_wait3A_989 = arith.constant 0 : i32
      %dma_wait3A_990 = tpu.memref_slice %arg8[%dma_wait3A_985, %dma_wait3A_988, %dma_wait3A_989] : memref<4x128x64xf32, #tpu.memory_space<vmem>> -> memref<1x128x64xf32, #tpu.memory_space<vmem>>
      %dma_wait3A_991 = tpu.memref_squeeze %dma_wait3A_990 : memref<1x128x64xf32, #tpu.memory_space<vmem>> -> memref<128x64xf32, #tpu.memory_space<vmem>>
      %dma_wait3A_992 = arith.constant 0 : i32
      %dma_wait3A_993 = tpu.memref_slice %arg7[%dma_wait3A_986, %dma_wait3A_987, %dma_wait3A_992] : memref<2x8x128xi32, #tpu.memory_space<vmem>> -> memref<1x1x128xi32, #tpu.memory_space<vmem>>
      %dma_wait3A_994 = tpu.memref_squeeze %dma_wait3A_993 : memref<1x1x128xi32, #tpu.memory_space<vmem>> -> memref<128xi32, #tpu.memory_space<vmem>>
      %dma_wait3A_995 = arith.constant 0 : i32
      %dma_wait3A_996 = arith.constant 0 : i32
      %dma_wait3A_997 = tpu.memref_slice %arg9[%dma_wait3A_995, %dma_wait3A_996] : memref<10240x64xf32, #tpu.memory_space<vmem_shared>> -> memref<10240x64xf32, #tpu.memory_space<vmem_shared>>
      tpu.wait_indirect_dma semaphore(%arg16 : memref<!tpu.dma_semaphore, #tpu.memory_space<semaphore_mem>>) src(%dma_wait3A_991 : memref<128x64xf32, #tpu.memory_space<vmem>>) dst(%dma_wait3A_997 : memref<10240x64xf32, #tpu.memory_space<vmem_shared>>)
      %lt3A_998 = arith.constant 4 : i32
      %lt3A_999 = arith.cmpi slt, %scan3A_104, %lt3A_998 : i32
      %convert_element_type3A_1000 = arith.extui %lt3A_999 : i1 to i32
      %cond3A_1001 = arith.constant 0 : i32
      %cond3A_1002 = arith.cmpi ne, %convert_element_type3A_1000, %cond3A_1001 : i32
      scf.if %cond3A_1002 {
        %dma_start3A_1003 = arith.constant 0 : i32
        %dma_start3A_1004 = arith.constant 2 : i32
        %dma_start3A_1005 = arith.constant 2 : i32
        %dma_start3A_1006 = arith.constant 0 : i32
        %dma_start3A_1007 = arith.constant 0 : i32
        %dma_start3A_1008 = tpu.memref_slice %arg8[%dma_start3A_1005, %dma_start3A_1006, %dma_start3A_1007] : memref<4x128x64xf32, #tpu.memory_space<vmem>> -> memref<1x128x64xf32, #tpu.memory_space<vmem>>
        %dma_start3A_1009 = tpu.memref_squeeze %dma_start3A_1008 : memref<1x128x64xf32, #tpu.memory_space<vmem>> -> memref<128x64xf32, #tpu.memory_space<vmem>>
        %dma_start3A_1010 = arith.constant 0 : i32
        %dma_start3A_1011 = tpu.memref_slice %arg6[%dma_start3A_1003, %dma_start3A_1004, %dma_start3A_1010] : memref<2x8x128xi32, #tpu.memory_space<vmem>> -> memref<1x1x128xi32, #tpu.memory_space<vmem>>
        %dma_start3A_1012 = tpu.memref_squeeze %dma_start3A_1011 : memref<1x1x128xi32, #tpu.memory_space<vmem>> -> memref<128xi32, #tpu.memory_space<vmem>>
        %dma_start3A_1013 = arith.constant 0 : i32
        %dma_start3A_1014 = arith.constant 0 : i32
        %dma_start3A_1015 = tpu.memref_slice %arg4[%dma_start3A_1013, %dma_start3A_1014] : memref<10000x64xf32, #tpu.memory_space<hbm>> -> memref<10000x64xf32, #tpu.memory_space<hbm>>
        tpu.enqueue_indirect_dma source(%dma_start3A_1015 : memref<10000x64xf32, #tpu.memory_space<hbm>>) target(%dma_start3A_1009 : memref<128x64xf32, #tpu.memory_space<vmem>>) offsets(%dma_start3A_1012 : memref<128xi32, #tpu.memory_space<vmem>>) semaphore(%arg12 : memref<!tpu.dma_semaphore, #tpu.memory_space<semaphore_mem>>)
      } else {
      }
    }
    %scan3A_86 = arith.constant 5 : i32
    %dma_wait3A = arith.constant 3 : i32
    %dma_wait3A_87 = arith.constant 0 : i32
    %dma_wait3A_88 = arith.constant 0 : i32
    %dma_wait3A_89 = arith.constant 0 : i32
    %dma_wait3A_90 = arith.constant 0 : i32
    %dma_wait3A_91 = tpu.memref_slice %arg8[%dma_wait3A, %dma_wait3A_89, %dma_wait3A_90] : memref<4x128x64xf32, #tpu.memory_space<vmem>> -> memref<1x128x64xf32, #tpu.memory_space<vmem>>
    %dma_wait3A_92 = tpu.memref_squeeze %dma_wait3A_91 : memref<1x128x64xf32, #tpu.memory_space<vmem>> -> memref<128x64xf32, #tpu.memory_space<vmem>>
    %dma_wait3A_93 = arith.constant 0 : i32
    %dma_wait3A_94 = tpu.memref_slice %arg7[%dma_wait3A_87, %dma_wait3A_88, %dma_wait3A_93] : memref<2x8x128xi32, #tpu.memory_space<vmem>> -> memref<1x1x128xi32, #tpu.memory_space<vmem>>
    %dma_wait3A_95 = tpu.memref_squeeze %dma_wait3A_94 : memref<1x1x128xi32, #tpu.memory_space<vmem>> -> memref<128xi32, #tpu.memory_space<vmem>>
    %dma_wait3A_96 = arith.constant 0 : i32
    %dma_wait3A_97 = arith.constant 0 : i32
    %dma_wait3A_98 = tpu.memref_slice %arg9[%dma_wait3A_96, %dma_wait3A_97] : memref<10240x64xf32, #tpu.memory_space<vmem_shared>> -> memref<10240x64xf32, #tpu.memory_space<vmem_shared>>
    tpu.wait_indirect_dma semaphore(%arg17 : memref<!tpu.dma_semaphore, #tpu.memory_space<semaphore_mem>>) src(%dma_wait3A_92 : memref<128x64xf32, #tpu.memory_space<vmem>>) dst(%dma_wait3A_98 : memref<10240x64xf32, #tpu.memory_space<vmem_shared>>)
    %barrier3A_99 = arith.constant 0 : index
    tpu.barrier barrier_id(%barrier3A_99)
    %mul3A_100 = arith.constant 640 : i32
    %mul3A_101 = arith.muli %arg1, %mul3A_100 : i32
    %mul3A_102 = arith.constant 640 : i32
    %mul3A_103 = arith.muli %arg1, %mul3A_102 : i32
    "tpu.region"() ({
      %run_scoped3A_104 = tpu.sem_alloc : memref<!tpu.dma_semaphore, #tpu.memory_space<semaphore_mem>>
      %dma_start3A_105 = arith.constant 0 : i32
      %dma_start3A_106 = tpu.memref_slice %arg5[%arg0, %mul3A_103, %dma_start3A_105] : memref<2x10240x64xf32, #tpu.memory_space<hbm>> -> memref<1x640x64xf32, #tpu.memory_space<hbm>>
      %dma_start3A_107 = tpu.memref_squeeze %dma_start3A_106 : memref<1x640x64xf32, #tpu.memory_space<hbm>> -> memref<640x64xf32, #tpu.memory_space<hbm>>
      %dma_start3A_108 = arith.constant 0 : i32
      %dma_start3A_109 = tpu.memref_slice %arg9[%mul3A_101, %dma_start3A_108] : memref<10240x64xf32, #tpu.memory_space<vmem_shared>> -> memref<640x64xf32, #tpu.memory_space<vmem_shared>>
      tpu.enqueue_dma source(%dma_start3A_109 : memref<640x64xf32, #tpu.memory_space<vmem_shared>>) target(%dma_start3A_107 : memref<640x64xf32, #tpu.memory_space<hbm>>) target_semaphore(%run_scoped3A_104 : memref<!tpu.dma_semaphore, #tpu.memory_space<semaphore_mem>>)
      %dma_wait3A_110 = arith.constant 0 : i32
      %dma_wait3A_111 = tpu.memref_slice %arg5[%arg0, %mul3A_103, %dma_wait3A_110] : memref<2x10240x64xf32, #tpu.memory_space<hbm>> -> memref<1x640x64xf32, #tpu.memory_space<hbm>>
      %dma_wait3A_112 = tpu.memref_squeeze %dma_wait3A_111 : memref<1x640x64xf32, #tpu.memory_space<hbm>> -> memref<640x64xf32, #tpu.memory_space<hbm>>
      %dma_wait3A_113 = arith.constant 0 : i32
      %dma_wait3A_114 = tpu.memref_slice %arg9[%mul3A_101, %dma_wait3A_113] : memref<10240x64xf32, #tpu.memory_space<vmem_shared>> -> memref<640x64xf32, #tpu.memory_space<vmem_shared>>
      tpu.wait_dma2 semaphore(%run_scoped3A_104 : memref<!tpu.dma_semaphore, #tpu.memory_space<semaphore_mem>>) src(%dma_wait3A_114 : memref<640x64xf32, #tpu.memory_space<vmem_shared>>) dst(%dma_wait3A_112 : memref<640x64xf32, #tpu.memory_space<hbm>>)
      tpu.yield
    }) : () -> ()
    return
  }
}

module attributes {stable_mosaic.version = 14 : i64} {
  func.func @body(%arg0: i32, %arg1: memref<400x128xf32, #tpu.memory_space<vmem>>, %arg2: memref<2x400x128xf32, #tpu.memory_space<vmem>>, %arg3: memref<2x400x16xf32, #tpu.memory_space<vmem>>, %arg4: memref<128x128xf32, #tpu.memory_space<vmem>>, %arg5: memref<128x128xf32, #tpu.memory_space<vmem>>, %arg6: memref<1x128xf32, #tpu.memory_space<vmem>>, %arg7: memref<128x64xf32, #tpu.memory_space<vmem>>, %arg8: memref<128x64xf32, #tpu.memory_space<vmem>>, %arg9: memref<1x64xf32, #tpu.memory_space<vmem>>, %arg10: memref<400x64xf32, #tpu.memory_space<vmem>>, %arg11: memref<400x64xf32, #tpu.memory_space<vmem>>) attributes {dimension_semantics = [#tpu.dimension_semantics<arbitrary>], iteration_bounds = array<i64: 25>, scalar_prefetch = 0 : i64, scratch_operands = 0 : i64, tpu.core_type = #tpu.core_type<tc>, window_params = [{transform_indices = @transform_0, window_bounds = array<i64: 400, 128>}, {transform_indices = @transform_1, window_bounds = array<i64: 2, 400, 128>}, {transform_indices = @transform_2, window_bounds = array<i64: 2, 400, 16>}, {pipeline_mode = #tpu.pipeline_mode<synchronous>, transform_indices = @transform_3, window_bounds = array<i64: 128, 128>}, {pipeline_mode = #tpu.pipeline_mode<synchronous>, transform_indices = @transform_4, window_bounds = array<i64: 128, 128>}, {pipeline_mode = #tpu.pipeline_mode<synchronous>, transform_indices = @transform_5, window_bounds = array<i64: 1, 128>}, {pipeline_mode = #tpu.pipeline_mode<synchronous>, transform_indices = @transform_6, window_bounds = array<i64: 128, 64>}, {pipeline_mode = #tpu.pipeline_mode<synchronous>, transform_indices = @transform_7, window_bounds = array<i64: 128, 64>}, {pipeline_mode = #tpu.pipeline_mode<synchronous>, transform_indices = @transform_8, window_bounds = array<i64: 1, 64>}, {transform_indices = @transform_9, window_bounds = array<i64: 400, 64>}, {transform_indices = @transform_10, window_bounds = array<i64: 400, 64>}]} {
    %get3A = arith.constant 0 : index
    %get3A_0 = arith.constant 0 : index
    %get3A_1 = arith.constant 0 : index
    %get3A_2 = vector.load %arg3[%get3A, %get3A_0, %get3A_1] : memref<2x400x16xf32, #tpu.memory_space<vmem>>, vector<1x400x1xf32>
    %get3A_3 = vector.shape_cast %get3A_2 : vector<1x400x1xf32> to vector<400x1xf32>
    %get3A_4 = arith.constant 1 : index
    %get3A_5 = arith.constant 0 : index
    %get3A_6 = arith.constant 0 : index
    %get3A_7 = vector.load %arg3[%get3A_4, %get3A_5, %get3A_6] : memref<2x400x16xf32, #tpu.memory_space<vmem>>, vector<1x400x1xf32>
    %get3A_8 = vector.shape_cast %get3A_7 : vector<1x400x1xf32> to vector<400x1xf32>
    %add3A = arith.addf %get3A_3, %get3A_8 : vector<400x1xf32>
    %get3A_9 = arith.constant 0 : index
    %get3A_10 = arith.constant 0 : index
    %get3A_11 = arith.constant 0 : index
    %get3A_12 = vector.load %arg2[%get3A_9, %get3A_10, %get3A_11] : memref<2x400x128xf32, #tpu.memory_space<vmem>>, vector<1x400x128xf32>
    %get3A_13 = vector.shape_cast %get3A_12 : vector<1x400x128xf32> to vector<400x128xf32>
    %get3A_14 = arith.constant 1 : index
    %get3A_15 = arith.constant 0 : index
    %get3A_16 = arith.constant 0 : index
    %get3A_17 = vector.load %arg2[%get3A_14, %get3A_15, %get3A_16] : memref<2x400x128xf32, #tpu.memory_space<vmem>>, vector<1x400x128xf32>
    %get3A_18 = vector.shape_cast %get3A_17 : vector<1x400x128xf32> to vector<400x128xf32>
    %add3A_19 = arith.addf %get3A_13, %get3A_18 : vector<400x128xf32>
    %max3A = arith.constant 1.000000e+00 : f32
    %max3A_20 = vector.broadcast %max3A : f32 to vector<400x1xf32>
    %max3A_21 = arith.maximumf %add3A, %max3A_20 : vector<400x1xf32>
    %div3A = vector.broadcast %max3A_21 : vector<400x1xf32> to vector<400x128xf32>
    %div3A_22 = arith.divf %add3A_19, %div3A : vector<400x128xf32>
    %get3A_23 = arith.constant 0 : index
    %get3A_24 = arith.constant 0 : index
    %get3A_25 = vector.load %arg1[%get3A_23, %get3A_24] : memref<400x128xf32, #tpu.memory_space<vmem>>, vector<400x128xf32>
    %get3A_26 = arith.constant 0 : index
    %get3A_27 = arith.constant 0 : index
    %get3A_28 = vector.load %arg4[%get3A_26, %get3A_27] : memref<128x128xf32, #tpu.memory_space<vmem>>, vector<128x128xf32>
    %dot_general3A = arith.constant dense<0.000000e+00> : vector<400x128xf32>
    %dot_general3A_29 = tpu.matmul %get3A_25, %get3A_28, %dot_general3A {dimension_numbers = #tpu.dot_dimension_numbers<[1], [0], [0], [1], [0, 0, 1, 1], [], []>, transpose_lhs_hint = false} : vector<400x128xf32>, vector<128x128xf32>, vector<400x128xf32> -> vector<400x128xf32>
    %get3A_30 = arith.constant 0 : index
    %get3A_31 = arith.constant 0 : index
    %get3A_32 = vector.load %arg5[%get3A_30, %get3A_31] : memref<128x128xf32, #tpu.memory_space<vmem>>, vector<128x128xf32>
    %dot_general3A_33 = arith.constant dense<0.000000e+00> : vector<400x128xf32>
    %dot_general3A_34 = tpu.matmul %div3A_22, %get3A_32, %dot_general3A_33 {dimension_numbers = #tpu.dot_dimension_numbers<[1], [0], [0], [1], [0, 0, 1, 1], [], []>, transpose_lhs_hint = false} : vector<400x128xf32>, vector<128x128xf32>, vector<400x128xf32> -> vector<400x128xf32>
    %add3A_35 = arith.addf %dot_general3A_29, %dot_general3A_34 : vector<400x128xf32>
    %get3A_36 = arith.constant 0 : index
    %get3A_37 = arith.constant 0 : index
    %get3A_38 = vector.load %arg6[%get3A_36, %get3A_37] : memref<1x128xf32, #tpu.memory_space<vmem>>, vector<1x128xf32>
    %add3A_39 = vector.broadcast %get3A_38 : vector<1x128xf32> to vector<400x128xf32>
    %add3A_40 = arith.addf %add3A_35, %add3A_39 : vector<400x128xf32>
    %max3A_41 = arith.constant 0.000000e+00 : f32
    %max3A_42 = vector.broadcast %max3A_41 : f32 to vector<400x128xf32>
    %max3A_43 = arith.maximumf %add3A_40, %max3A_42 : vector<400x128xf32>
    %mul3A = arith.mulf %max3A_43, %max3A_43 : vector<400x128xf32>
    %reduce_sum3A = arith.constant dense<0.000000e+00> : vector<400xf32>
    %reduce_sum3A_44 = vector.multi_reduction <add>, %mul3A, %reduce_sum3A [1] : vector<400x128xf32> to vector<400xf32>
    %broadcast_in_dim3A = vector.shape_cast %reduce_sum3A_44 : vector<400xf32> to vector<400x1xf32>
    %sqrt3A = math.sqrt %broadcast_in_dim3A : vector<400x1xf32>
    %max3A_45 = arith.constant 9.99999996E-13 : f32
    %max3A_46 = vector.broadcast %max3A_45 : f32 to vector<400x1xf32>
    %max3A_47 = arith.maximumf %sqrt3A, %max3A_46 : vector<400x1xf32>
    %div3A_48 = vector.broadcast %max3A_47 : vector<400x1xf32> to vector<400x128xf32>
    %div3A_49 = arith.divf %max3A_43, %div3A_48 : vector<400x128xf32>
    %get3A_50 = arith.constant 0 : index
    %get3A_51 = arith.constant 0 : index
    %get3A_52 = vector.load %arg7[%get3A_50, %get3A_51] : memref<128x64xf32, #tpu.memory_space<vmem>>, vector<128x64xf32>
    %dot_general3A_53 = arith.constant dense<0.000000e+00> : vector<400x64xf32>
    %dot_general3A_54 = tpu.matmul %div3A_49, %get3A_52, %dot_general3A_53 {dimension_numbers = #tpu.dot_dimension_numbers<[1], [0], [0], [1], [0, 0, 1, 1], [], []>, transpose_lhs_hint = false} : vector<400x128xf32>, vector<128x64xf32>, vector<400x64xf32> -> vector<400x64xf32>
    %swap3A = arith.constant 0 : index
    %swap3A_55 = arith.constant 0 : index
    %swap3A_56 = vector.load %arg10[%swap3A, %swap3A_55] : memref<400x64xf32, #tpu.memory_space<vmem>>, vector<400x64xf32>
    tpu.vector_store %arg10[%swap3A, %swap3A_55], %dot_general3A_54 {strides = array<i32>} : memref<400x64xf32, #tpu.memory_space<vmem>>, vector<400x64xf32>,
    %get3A_57 = arith.constant 0 : index
    %get3A_58 = arith.constant 0 : index
    %get3A_59 = vector.load %arg8[%get3A_57, %get3A_58] : memref<128x64xf32, #tpu.memory_space<vmem>>, vector<128x64xf32>
    %dot_general3A_60 = arith.constant dense<0.000000e+00> : vector<400x64xf32>
    %dot_general3A_61 = tpu.matmul %div3A_49, %get3A_59, %dot_general3A_60 {dimension_numbers = #tpu.dot_dimension_numbers<[1], [0], [0], [1], [0, 0, 1, 1], [], []>, transpose_lhs_hint = false} : vector<400x128xf32>, vector<128x64xf32>, vector<400x64xf32> -> vector<400x64xf32>
    %get3A_62 = arith.constant 0 : index
    %get3A_63 = arith.constant 0 : index
    %get3A_64 = vector.load %arg9[%get3A_62, %get3A_63] : memref<1x64xf32, #tpu.memory_space<vmem>>, vector<1x64xf32>
    %add3A_65 = vector.broadcast %get3A_64 : vector<1x64xf32> to vector<400x64xf32>
    %add3A_66 = arith.addf %dot_general3A_61, %add3A_65 : vector<400x64xf32>
    %swap3A_67 = arith.constant 0 : index
    %swap3A_68 = arith.constant 0 : index
    %swap3A_69 = vector.load %arg11[%swap3A_67, %swap3A_68] : memref<400x64xf32, #tpu.memory_space<vmem>>, vector<400x64xf32>
    tpu.vector_store %arg11[%swap3A_67, %swap3A_68], %add3A_66 {strides = array<i32>} : memref<400x64xf32, #tpu.memory_space<vmem>>, vector<400x64xf32>,
    return
  }
  func.func @transform_0(%arg0: i32) -> (i32, i32) {
    %c0_i32 = arith.constant 0 : i32
    %c0_i32_0 = arith.constant 0 : i32
    return %arg0, %c0_i32 : i32, i32
  }
  func.func @transform_1(%arg0: i32) -> (i32, i32, i32) {
    %c0_i32 = arith.constant 0 : i32
    %c0_i32_0 = arith.constant 0 : i32
    %c0_i32_1 = arith.constant 0 : i32
    return %c0_i32, %arg0, %c0_i32_0 : i32, i32, i32
  }
  func.func @transform_2(%arg0: i32) -> (i32, i32, i32) {
    %c0_i32 = arith.constant 0 : i32
    %c0_i32_0 = arith.constant 0 : i32
    %c0_i32_1 = arith.constant 0 : i32
    return %c0_i32, %arg0, %c0_i32_0 : i32, i32, i32
  }
  func.func @transform_3(%arg0: i32) -> (i32, i32) {
    %c0_i32 = arith.constant 0 : i32
    %c0_i32_0 = arith.constant 0 : i32
    %c0_i32_1 = arith.constant 0 : i32
    return %c0_i32, %c0_i32_0 : i32, i32
  }
  func.func @transform_4(%arg0: i32) -> (i32, i32) {
    %c0_i32 = arith.constant 0 : i32
    %c0_i32_0 = arith.constant 0 : i32
    %c0_i32_1 = arith.constant 0 : i32
    return %c0_i32, %c0_i32_0 : i32, i32
  }
  func.func @transform_5(%arg0: i32) -> (i32, i32) {
    %c0_i32 = arith.constant 0 : i32
    %c0_i32_0 = arith.constant 0 : i32
    %c0_i32_1 = arith.constant 0 : i32
    return %c0_i32, %c0_i32_0 : i32, i32
  }
  func.func @transform_6(%arg0: i32) -> (i32, i32) {
    %c0_i32 = arith.constant 0 : i32
    %c0_i32_0 = arith.constant 0 : i32
    %c0_i32_1 = arith.constant 0 : i32
    return %c0_i32, %c0_i32_0 : i32, i32
  }
  func.func @transform_7(%arg0: i32) -> (i32, i32) {
    %c0_i32 = arith.constant 0 : i32
    %c0_i32_0 = arith.constant 0 : i32
    %c0_i32_1 = arith.constant 0 : i32
    return %c0_i32, %c0_i32_0 : i32, i32
  }
  func.func @transform_8(%arg0: i32) -> (i32, i32) {
    %c0_i32 = arith.constant 0 : i32
    %c0_i32_0 = arith.constant 0 : i32
    %c0_i32_1 = arith.constant 0 : i32
    return %c0_i32, %c0_i32_0 : i32, i32
  }
  func.func @transform_9(%arg0: i32) -> (i32, i32) {
    %c0_i32 = arith.constant 0 : i32
    %c0_i32_0 = arith.constant 0 : i32
    return %arg0, %c0_i32 : i32, i32
  }
  func.func @transform_10(%arg0: i32) -> (i32, i32) {
    %c0_i32 = arith.constant 0 : i32
    %c0_i32_0 = arith.constant 0 : i32
    return %arg0, %c0_i32 : i32, i32
  }
}

module attributes {stable_mosaic.version = 14 : i64} {
  func.func @body(%arg0: i32, %arg1: memref<400x64xf32, #tpu.memory_space<vmem>>, %arg2: memref<2x400x64xf32, #tpu.memory_space<vmem>>, %arg3: memref<2x400x16xf32, #tpu.memory_space<vmem>>, %arg4: memref<400x64xf32, #tpu.memory_space<vmem>>) attributes {dimension_semantics = [#tpu.dimension_semantics<arbitrary>], iteration_bounds = array<i64: 25>, scalar_prefetch = 0 : i64, scratch_operands = 0 : i64, tpu.core_type = #tpu.core_type<tc>, window_params = [{transform_indices = @transform_0, window_bounds = array<i64: 400, 64>}, {transform_indices = @transform_1, window_bounds = array<i64: 2, 400, 64>}, {transform_indices = @transform_2, window_bounds = array<i64: 2, 400, 16>}, {transform_indices = @transform_3, window_bounds = array<i64: 400, 64>}]} {
    %get3A = arith.constant 0 : index
    %get3A_0 = arith.constant 0 : index
    %get3A_1 = arith.constant 0 : index
    %get3A_2 = vector.load %arg3[%get3A, %get3A_0, %get3A_1] : memref<2x400x16xf32, #tpu.memory_space<vmem>>, vector<1x400x1xf32>
    %get3A_3 = vector.shape_cast %get3A_2 : vector<1x400x1xf32> to vector<400x1xf32>
    %get3A_4 = arith.constant 1 : index
    %get3A_5 = arith.constant 0 : index
    %get3A_6 = arith.constant 0 : index
    %get3A_7 = vector.load %arg3[%get3A_4, %get3A_5, %get3A_6] : memref<2x400x16xf32, #tpu.memory_space<vmem>>, vector<1x400x1xf32>
    %get3A_8 = vector.shape_cast %get3A_7 : vector<1x400x1xf32> to vector<400x1xf32>
    %add3A = arith.addf %get3A_3, %get3A_8 : vector<400x1xf32>
    %get3A_9 = arith.constant 0 : index
    %get3A_10 = arith.constant 0 : index
    %get3A_11 = vector.load %arg1[%get3A_9, %get3A_10] : memref<400x64xf32, #tpu.memory_space<vmem>>, vector<400x64xf32>
    %get3A_12 = arith.constant 0 : index
    %get3A_13 = arith.constant 0 : index
    %get3A_14 = arith.constant 0 : index
    %get3A_15 = vector.load %arg2[%get3A_12, %get3A_13, %get3A_14] : memref<2x400x64xf32, #tpu.memory_space<vmem>>, vector<1x400x64xf32>
    %get3A_16 = vector.shape_cast %get3A_15 : vector<1x400x64xf32> to vector<400x64xf32>
    %get3A_17 = arith.constant 1 : index
    %get3A_18 = arith.constant 0 : index
    %get3A_19 = arith.constant 0 : index
    %get3A_20 = vector.load %arg2[%get3A_17, %get3A_18, %get3A_19] : memref<2x400x64xf32, #tpu.memory_space<vmem>>, vector<1x400x64xf32>
    %get3A_21 = vector.shape_cast %get3A_20 : vector<1x400x64xf32> to vector<400x64xf32>
    %add3A_22 = arith.addf %get3A_16, %get3A_21 : vector<400x64xf32>
    %max3A = arith.constant 1.000000e+00 : f32
    %max3A_23 = vector.broadcast %max3A : f32 to vector<400x1xf32>
    %max3A_24 = arith.maximumf %add3A, %max3A_23 : vector<400x1xf32>
    %div3A = vector.broadcast %max3A_24 : vector<400x1xf32> to vector<400x64xf32>
    %div3A_25 = arith.divf %add3A_22, %div3A : vector<400x64xf32>
    %add3A_26 = arith.addf %get3A_11, %div3A_25 : vector<400x64xf32>
    %swap3A = arith.constant 0 : index
    %swap3A_27 = arith.constant 0 : index
    %swap3A_28 = vector.load %arg4[%swap3A, %swap3A_27] : memref<400x64xf32, #tpu.memory_space<vmem>>, vector<400x64xf32>
    tpu.vector_store %arg4[%swap3A, %swap3A_27], %add3A_26 {strides = array<i32>} : memref<400x64xf32, #tpu.memory_space<vmem>>, vector<400x64xf32>,
    return
  }
  func.func @transform_0(%arg0: i32) -> (i32, i32) {
    %c0_i32 = arith.constant 0 : i32
    %c0_i32_0 = arith.constant 0 : i32
    return %arg0, %c0_i32 : i32, i32
  }
  func.func @transform_1(%arg0: i32) -> (i32, i32, i32) {
    %c0_i32 = arith.constant 0 : i32
    %c0_i32_0 = arith.constant 0 : i32
    %c0_i32_1 = arith.constant 0 : i32
    return %c0_i32, %arg0, %c0_i32_0 : i32, i32, i32
  }
  func.func @transform_2(%arg0: i32) -> (i32, i32, i32) {
    %c0_i32 = arith.constant 0 : i32
    %c0_i32_0 = arith.constant 0 : i32
    %c0_i32_1 = arith.constant 0 : i32
    return %c0_i32, %arg0, %c0_i32_0 : i32, i32, i32
  }
  func.func @transform_3(%arg0: i32) -> (i32, i32) {
    %c0_i32 = arith.constant 0 : i32
    %c0_i32_0 = arith.constant 0 : i32
    return %arg0, %c0_i32 : i32, i32
  }
}

</mosaic_0001>

<sc_bundles>
// kernel: kernel.6.cloned.1.call-start
scs
__scs_entry_jumppad:
0x0: {  	(pc) =	sbr.rel $0x88, $3  }
0x1: {  	(tag) =	ssettag $0x0;
	lr =	simm.s32 $0x1  }
0x2: {  	[smem:$0x3F99] =	sst lr;
	_ =	strace $0xD0000000  }
0x3: {  	_ = 	snop  }
0x4: {  	_ = 	snop  }
0x5: {  	_ = 	snop  }
0x6: {  	_ = 	snop  }
0x7: {  	_ = 	snop  }
__scs_overlays_trampoline_lowered:
0x8: {  	[smem:$0x3FA8] =	sst s0  }
0x9: {  	[smem:$0x3FA9] =	sst s1  }
0xa: {  	[smem:$0x3FAA] =	sst s2  }
0xb: {  	[smem:$0x3FAB] =	sst s3  }
0xc: {  	[smem:$0x3FAC] =	sst s4  }
0xd: {  	[smem:$0x3FAD] =	sst s5  }
0xe: {  	[smem:$0x3FAE] =	sst s6  }
0xf: {  	[smem:$0x3FAF] =	sst s7  }
0x10: {  	[smem:$0x3FB0] =	sst s8  }
0x11: {  	[smem:$0x3FB1] =	sst s9;
	s0 =	simm.s32 @!p0 $0x0  }
0x12: {  	s1 =	sld [smem:$0x3F97];
	s0 =	simm.s32 @p0 $0x1  }
0x13: {  	[smem:$0x3FB2] =	sst s0;
	s0 =	simm.s32 @!p1 $0x0  }
0x14: {  	s2 =	sld [smem:$0x3F96];
	s0 =	simm.s32 @p1 $0x1  }
0x15: {  	[smem:$0x3FB3] =	sst s0;
	s0 =	simm.s32 @!p2 $0x0  }
0x16: {  	s3 =	sld [smem:$0x3FDB];
	s0 =	simm.s32 @p2 $0x1  }
0x17: {  	s4 =	simm.s32 $0x1BF5;
	[smem:$0x3FB5] =	sst s0  }
0x18: {  	s0 =	sld [smem:$0x3F98];
	_ =	swait.ge [sflag:s4], $0x0  }
0x19: {  	s7 =	sld [smem:$0x3F99]  }
0x1a: {  	s8 =	sadd.s32 $0xFFFFE003, lr  }
0x1b: {  	s9 =	sadd.s32 $0xFFFFFEF7, lr;
	s5 =	simm.s32 $0xFFFFFFFF;
	p2 =	slt.u32 s8, $0xFFFFF086  }
0x1c: {  	p1 =	slt.u32 s9, $0xF7A;
	s5 =	simm.s32 @!p2 $0x0  }
0x1d: {  	s5 =	simm.s32 @p1 $0x1;
	p0 =	seq.s32 s7, s2  }
0x1e: {  	s7 =	smul.u32 @!p0 $0xF7A, s2;
	p2 =	seq.s32 @!p0 s5, $0x0  }
0x1f: {  	s9 =	smul.u32 $0xF7A, s1;
	s8 =	simm.s32 @!p0 $0x1BF5;
	p2 =	por !p2, p0  }
0x20: {  	[sflag:s8] =	ssyncset.s32 @!p0 $0xFFFFF086;
	s6 =	sadd.s32 @!p0 s3, s7;
	s7 =	simm.s32 @!p0 $0x108  }
0x21: {  	s3 =	sadd.s32 s3, s9;
	s6 =	sadd.s32 @!p0 $0x88, s6;
	s7 =	simm.s32 @p2 $0x1082  }
0x22: {  	[simem:s7], [sflag:s8] =	dma.local @!p0 [hbm:s6], $0xF7A  }
0x23: {  	s9 =	sor.u32 $0xD0000000, s2;
	s6 =	simm.s32 $0x108;
	_ =	swait.ge @!p0 [sflag:s8], $0x0  }
0x24: {  	s3 =	sadd.s32 $0x88, s3;
	s6 =	simm.s32 @!p1 $0x1082;
	[sflag:s4] =	ssyncset.s32 $0xFFFFF086  }
0x25: {  	[simem:s6], [sflag:s4] =	dma.local [hbm:s3], $0xF7A  }
0x26: {  	[smem:$0x3F99] =	sst s1;
	(tag) =	ssettag s2;
	_ =	strace s9  }
0x27: {  	s1 =	sld [smem:$0x3FA9]  }
0x28: {  	s2 =	sld [smem:$0x3FAA]  }
0x29: {  	s4 =	sld [smem:$0x3FAC]  }
0x2a: {  	p0 =	seq.s32 s5, $0x0;
	s5 =	sld [smem:$0x3FAD]  }
0x2b: {  	s6 =	sld [smem:$0x3FAE]  }
0x2c: {  	s7 =	sld [smem:$0x3FAF]  }
0x2d: {  	s3 =	simm.s32 $0x108;
	s8 =	sld [smem:$0x3FB0]  }
0x2e: {  	s3 =	simm.s32 @!p0 $0x1082;
	s9 =	sld [smem:$0x3FB1]  }
0x2f: {  	lr =	sadd.s32 s0, s3;
	s0 =	sld [smem:$0x3FA8]  }
0x30: {  	s3 =	sld [smem:$0x3FAB]  }
0x31: {  	[smem:$0x3FB4] =	sst s10  }
0x32: {  	s10 =	sld [smem:$0x3FB2];
	_ =	sdelay $0x3  }
0x33: {  	p0 =	seq.s32 s10, $0x1;
	s10 =	sld [smem:$0x3FB4];
	_ =	sdelay $0x3  }
0x34: {  	[smem:$0x3FB4] =	sst s10  }
0x35: {  	s10 =	sld [smem:$0x3FB3];
	_ =	sdelay $0x3  }
0x36: {  	p1 =	seq.s32 s10, $0x1;
	s10 =	sld [smem:$0x3FB4];
	_ =	sdelay $0x3  }
0x37: {  	[smem:$0x3FB4] =	sst s10  }
0x38: {  	s10 =	sld [smem:$0x3FB5]  }
0x39: {  	_ = 	snop;
	(pc) =	sbr.ind lr, $3  }
0x3a: {  	_ = 	snop  }
0x3b: {  	_ = 	snop  }
0x3c: {  	p2 =	seq.s32 s10, $0x1;
	s10 =	sld [smem:$0x3FB4]  }
0x3d: {  	_ =	shalt  }
0x3e: {  	_ =	shalt  }
0x3f: {  	_ =	shalt  }
0x40: {  	_ =	shalt  }
0x41: {  	_ =	shalt  }
0x42: {  	_ =	shalt  }
0x43: {  	_ =	shalt  }
0x44: {  	_ =	shalt  }
0x45: {  	_ =	shalt  }
0x46: {  	_ =	shalt  }
0x47: {  	_ =	shalt  }
0x48: {  	_ =	shalt  }
0x49: {  	_ =	shalt  }
0x4a: {  	_ =	shalt  }
0x4b: {  	_ =	shalt  }
0x4c: {  	_ =	shalt  }
0x4d: {  	_ =	shalt  }
0x4e: {  	_ =	shalt  }
0x4f: {  	_ =	shalt  }
0x50: {  	_ =	shalt  }
0x51: {  	_ =	shalt  }
0x52: {  	_ =	shalt  }
0x53: {  	_ =	shalt  }
0x54: {  	_ =	shalt  }
0x55: {  	_ =	shalt  }
0x56: {  	_ =	shalt  }
0x57: {  	_ =	shalt  }
0x58: {  	_ =	shalt  }
0x59: {  	_ =	shalt  }
0x5a: {  	_ =	shalt  }
0x5b: {  	_ =	shalt  }
0x5c: {  	_ =	shalt  }
0x5d: {  	_ =	shalt  }
0x5e: {  	_ =	shalt  }
0x5f: {  	_ =	shalt  }
0x60: {  	_ =	shalt  }
0x61: {  	_ =	shalt  }
0x62: {  	_ =	shalt  }
0x63: {  	_ =	shalt  }
0x64: {  	_ =	shalt  }
0x65: {  	_ =	shalt  }
0x66: {  	_ =	shalt  }
0x67: {  	_ =	shalt  }
0x68: {  	_ =	shalt  }
0x69: {  	_ =	shalt  }
0x6a: {  	_ =	shalt  }
0x6b: {  	_ =	shalt  }
0x6c: {  	_ =	shalt  }
0x6d: {  	_ =	shalt  }
0x6e: {  	_ =	shalt  }
0x6f: {  	_ =	shalt  }
0x70: {  	_ =	shalt  }
0x71: {  	_ =	shalt  }
0x72: {  	_ =	shalt  }
0x73: {  	_ =	shalt  }
0x74: {  	_ =	shalt  }
0x75: {  	_ =	shalt  }
0x76: {  	_ =	shalt  }
0x77: {  	_ =	shalt  }
0x78: {  	_ =	shalt  }
0x79: {  	_ =	shalt  }
0x7a: {  	_ =	shalt  }
0x7b: {  	_ =	shalt  }
0x7c: {  	_ =	shalt  }
0x7d: {  	_ =	shalt  }
0x7e: {  	_ =	shalt  }
0x7f: {  	_ =	shalt  }
0x80: {  	_ =	shalt  }
0x81: {  	_ =	shalt  }
0x82: {  	_ =	shalt  }
0x83: {  	_ =	shalt  }
0x84: {  	_ =	shalt  }
0x85: {  	_ =	shalt  }
0x86: {  	_ =	shalt  }
0x87: {  	_ =	shalt  }
.Lfunc_end0:
.L_simem_size_0:
called_computation_lowered:
.L_overlay_start_0:
0x88: {  	s2 =	sld [smem:$0x3FD9]  }
0x89: {  	s3 =	sld [smem:$0x3FFE];
	_ =	sdelay $0x1  }
0x8a: {  	s1 =	srdreg.scid  }
0x8b: {  	s0 =	sand.u32 $0x1, s1  }
0x8c: {  	s17 =	sshll.u32 s0, $0xA;
	s2 =	sadd.s32 s3, s2  }
0x8d: {  	s2 =	sadd.s32 s2, s17  }
0x8e: {  	[smem:$0x3FC0] =	sst s2  }
0x8f: {  	_ = 	snop  }
0x90: {  	s2 =	sld [smem:$0x3FC9]  }
0x91: {  	s18 =	sld [smem:$0x3FD0];
	(tm) =	ssettm $0x1  }
0x92: {  	s4 =	sld [smem:$0x3FFB];
	_ =	sdelay $0x3  }
0x93: {  	_ =	strace s4  }
0x94: {  	s4 =	sld [smem:$0x3FFC];
	_ =	sdelay $0x3  }
0x95: {  	_ =	strace s4  }
0x96: {  	s4 =	sld [smem:$0x3FFD];
	_ =	sdelay $0x3  }
0x97: {  	_ =	strace s4  }
0x98: {  	_ =	strace $0x8FFFFFFF  }
0x99: {  	s19 =	sld [smem:$0x3FDB];
	_ =	sdelay $0x1  }
0x9a: {  	s5 =	simm.s32 $_scs_section_size  }
0x9b: {  	s6 =	simm.s32 $_size__tile_overlayer_lowered;
	s7 =	simm.s32 $_tile_overlayer_lowered  }
0x9c: {  	s22 =	simm.s32 $0x1BFF;
	s21 =	sshll.u32 s7, $0x1;
	s4 =	sadd.s32 s5, s19  }
0x9d: {  	s8 =	simm.s32 $0x0;
	s20 =	sshll.u32 s6, $0x1;
	s6 =	sadd.s32 s21, s4  }
0x9e: {  	[timem:s8], [sflag:s22] =	dma.local [hbm:s6], s20  }
0x9f: {  	_ =	swait.ge [sflag:s22], s20  }
0xa0: {  	s5 =	ssub.s32 $0x0, s20;
	[sflag:s22] =	ssyncset.done $0x0  }
0xa1: {  	[sflag:s22] =	ssyncadd.s32 s5;
	_ =	sdelay $0x1  }
0xa2: {  	s23 =	simm.s32 $0x1B8B  }
0xa3: {  	_ =	swait.ge [sflag:s23], $0x1  }
0xa4: {  	[sflag:s23] =	ssyncset.done $0x0  }
0xa5: {  	s25 =	simm.s32 $0x1B8E;
	s24 =	sld [smem:$0x3FFE];
	[sflag:s23] =	ssyncadd.s32 $0xFFFFFFFF  }
0xa6: {  	s26 =	simm.s32 $execute0_lowered;
	[smem:$0x3FD2] =	sst s25  }
0xa7: {  	s6 =	sshll.u32 s26, $0x1;
	_ =	strace $0x80000046;
	[dreg:$0x1] =	wrdreg $0xFFFFFFFF  }
0xa8: {  	s28 =	simm.s32 $_size_execute0_lowered;
	s4 =	sadd.s32 s4, s6;
	[dreg:$0x0] =	wrdreg $0x0  }
0xa9: {  	s6 =	sshll.u32 s28, $0x1;
	[dreg:$0x2] =	wrdreg s4  }
0xaa: {  	[dreg:$0x3] =	wrdreg s6  }
0xab: {  	[dreg:$0x4] =	wrdreg $0xC0  }
0xac: {  	_ =	task [dreg:s8], $0x5FFFF  }
0xad: {  	[dreg:$0x1] =	wrdreg $0xFFFFFFFF  }
0xae: {  	[dreg:$0x0] =	wrdreg $0x60  }
0xaf: {  	[dreg:$0x2] =	wrdreg s18  }
0xb0: {  	[dreg:$0x3] =	wrdreg s24  }
0xb1: {  	[dreg:$0x4] =	wrdreg s2  }
0xb2: {  	[dreg:$0x5] =	wrdreg $0x88000  }
0xb3: {  	[dreg:$0x6] =	wrdreg $0x1CC000  }
0xb4: {  	[dreg:$0x7] =	wrdreg $0x9  }
0xb5: {  	_ =	task.clear_ibuf [dreg:s8], $0x8FFFF;
	_ =	strace $0x90000046  }
0xb6: {  	s29 =	simm.s32 $0x9;
	_ =	strace $0x80000048  }
0xb7: {  	_ =	swait.ge [sflag:s29], $0x1  }
0xb8: {  	[sflag:s29] =	ssyncadd.s32 $0xFFFFFFFF  }
0xb9: {  	_ =	strace $0x90000048  }
0xba: {  	_ =	sfence  }
0xbb: {  	s30 =	sld [smem:$0x0];
	_ =	sdelay $0x2  }
0xbc: {  	s31 =	sshll.u32 s1, $0xD;
	s1 =	sshrl.u32 s1, $0x2  }
0xbd: {  	s3 =	sand.u32 $0x4000, s31;
	s1 =	sadd.s32 s1, s30  }
0xbe: {  	s0 =	sor.u32 s3, s0;
	s1 =	sshll.u32 s1, $0x11  }
0xbf: {  	s0 =	sor.u32 s1, s0  }
0xc0: {  	s0 =	sadd.s32 $0x8F2B, s0  }
0xc1: {  	[sflag:s0] =	ssyncadd.remote.s32 $0x1  }
0xc2: {  	_ =	sfence.sel $0xFFFF  }
0xc3: {  	[dreg:$0x0] =	wrdreg $0xFFFFFFFF;
	(pc) =	sbr.abs _section_cstart, $3  }
0xc4: {  	[dreg:$0x1] =	wrdreg $0xFFFFFFFF  }
0xc5: {  	_ =	task.clear_ibuf [dreg:s8], $0x2FFFF;
	_ =	strace $0x9FFFFFFF  }
0xc6: {  	(tm) =	ssettm $0x7FFFFFFF  }
0xc7: {  	_ =	shalt  }
tec
execute0_lowered:
.L_overlay_start_1:
0x0: {  	(tag) =	ssettag $0x1  }
0x1: {  	s6 =	rddreg [dreg:$0x0]  }
0x2: {  	s2 =	rddreg [dreg:$0x1]  }
0x3: {  	s1 =	rddreg [dreg:$0x2]  }
0x4: {  	s0 =	srdreg.scid;
	s15 =	stileid.u32  }
0x5: {  	s3 =	rddreg [dreg:$0x3];
	s8 =	smul.u32 $0x14000, s15  }
0x6: {  	s4 =	rddreg [dreg:$0x4];
	s5 =	simm.s32 $0x0;
	s9 =	smul.u32 $0x2800, s15  }
0x7: {  	s28 =	simm.s32 $0x2;
	s7 =	sand.u32 $0x1, s0;
	s11 =	smul.u32 $0x280, s15  }
0x8: {  	s30 =	simm.s32 $0x5;
	s29 =	simm.s32 $0x700;
	s0 =	smul.u32 $0x140000, s7  }
0x9: {  	[smem:$0x7FF] =	sst s5;
	s10 =	sadd.s32 $0x1600, s2;
	s19 =	smul.u32 $0x28000, s7  }
0xa: {  	_ =	strace $0x80000047;
	s20 =	ssub.s32 $0x2, s7;
	s13 =	sshll.u32 s7, $0x4  }
0xb: {  	s7 =	smul.u32 $0xA00, s7;
	s12 =	sshrl.u32 s20, $0x1;
	s14 =	sor.u32 $0x40, s11  }
0xc: {  	s21 =	sor.u32 s15, s13;
	s13 =	sadd.s32 $0xC0, s11;
	s15 =	smul.u32 $0xA0, s15  }
0xd: {  	s0 =	sadd.s32 s8, s0;
	s5 =	sadd.s32 s9, s19;
	s22 =	sshll.u32 s14, $0x7  }
0xe: {  	s8 =	sadd.s32 s8, s3;
	s17 =	sshll.u32 s13, $0x7;
	s9 =	sadd.s32 s9, s4  }
0xf: {  	s0 =	sshrl.u32 s0, $0x3;
	s5 =	sshrl.u32 s5, $0x3;
	[dreg:$0x6] =	wrdreg s8  }
0x10: {  	s23 =	sadd.s32 s22, s3;
	s8 =	sadd.s32 $0x80, s11;
	s24 =	sadd.s32 s17, s3  }
0x11: {  	s7 =	sadd.s32 s15, s7;
	s15 =	sadd.s32 $0x100, s11;
	[dreg:$0x16] =	wrdreg s9  }
0x12: {  	s0 =	sadd.s32 s0, s2;
	s2 =	sadd.s32 s5, s2;
	s5 =	ssub.s32 s20, s12  }
0x13: {  	[dreg:$0x7] =	wrdreg s23;
	s16 =	sshll.u32 s8, $0x7;
	s12 =	smul.u32 $0x500, s21  }
0x14: {  	[dreg:$0x9] =	wrdreg s24;
	s8 =	sshll.u32 s8, $0x4;
	s16 =	sadd.s32 s16, s3  }
0x15: {  	s7 =	sshll.u32 s7, $0x3;
	s8 =	sadd.s32 s8, s4;
	[dreg:$0x8] =	wrdreg s16  }
0x16: {  	s18 =	sshll.u32 s15, $0x7;
	s0 =	sadd.s32 $0x15600, s0;
	[dreg:$0x18] =	wrdreg s8  }
0x17: {  	s23 =	sadd.s32 $0x1C0, s11;
	s25 =	sadd.s32 s6, s12;
	[smem:$0x7FB] =	sst s0  }
0x18: {  	s26 =	sor.u32 $0x80, s7;
	s12 =	sadd.s32 s10, s12;
	[dreg:$0xa] =	wrdreg s25  }
0x19: {  	s7 =	sor.u32 $0x40, s7;
	s31 =	sadd.s32 s26, s6;
	[dreg:$0xb] =	wrdreg s12  }
0x1a: {  	s24 =	sadd.s32 $0x200, s11;
	s6 =	sadd.s32 s7, s6;
	[dreg:$0xc] =	wrdreg s31  }
0x1b: {  	s17 =	sadd.s32 s7, s10;
	s7 =	sadd.s32 $0x180, s11;
	[dreg:$0xe] =	wrdreg s6  }
0x1c: {  	s0 =	simm.s32 $0x740;
	s12 =	sadd.s32 s26, s10;
	[dreg:$0xf] =	wrdreg s17  }
0x1d: {  	s6 =	sadd.s32 $0x140, s11;
	s20 =	sshll.u32 s7, $0x7;
	s10 =	sadd.s32 s18, s3  }
0x1e: {  	s11 =	sadd.s32 $0x240, s11;
	s25 =	sshll.u32 s23, $0x7;
	[dreg:$0xd] =	wrdreg s12  }
0x1f: {  	s26 =	sshll.u32 s24, $0x7;
	s19 =	sshll.u32 s6, $0x7;
	[dreg:$0x10] =	wrdreg s10  }
0x20: {  	s22 =	sadd.s32 s20, s3;
	s18 =	sshll.u32 s11, $0x7;
	s16 =	sadd.s32 s25, s3  }
0x21: {  	s31 =	sadd.s32 s26, s3;
	s20 =	sshll.u32 s15, $0x4;
	s6 =	sshll.u32 s6, $0x4  }
0x22: {  	s25 =	sshll.u32 s11, $0x4;
	s26 =	sadd.s32 $0xB600, s2;
	[dreg:$0x12] =	wrdreg s22  }
0x23: {  	s10 =	simm.s32 $0xB;
	s11 =	simm.s32 $0x1C800;
	[dreg:$0x13] =	wrdreg s16  }
0x24: {  	s2 =	simm.s32 $0x3;
	s21 =	sadd.s32 s19, s3;
	[dreg:$0x14] =	wrdreg s31  }
0x25: {  	s17 =	sadd.s32 s18, s3;
	s18 =	sshll.u32 s14, $0x4;
	s19 =	sshll.u32 s13, $0x4  }
0x26: {  	s6 =	sadd.s32 s6, s4;
	s22 =	sshll.u32 s23, $0x4;
	s23 =	sshll.u32 s24, $0x4  }
0x27: {  	[smem:$0x7FC] =	sst s26;
	s31 =	smax.u32 s5, $0x1;
	s26 =	simm.s32 $0x6800  }
0x28: {  	s5 =	simm.s32 $0x9;
	s14 =	simm.s32 $0xA;
	[dreg:$0x11] =	wrdreg s21  }
0x29: {  	s16 =	simm.s32 $0x6C0;
	s13 =	simm.s32 $0x0;
	[dreg:$0x15] =	wrdreg s17  }
0x2a: {  	s9 =	sadd.s32 s18, s4;
	s8 =	sadd.s32 s19, s4;
	[dreg:$0x1b] =	wrdreg s6  }
0x2b: {  	s21 =	sshll.u32 s7, $0x4;
	s24 =	sadd.s32 s23, s4;
	[smem:$0x7FD] =	sst s31  }
0x2c: {  	s17 =	simm.s32 $0x40;
	s18 =	simm.s32 $0x2800;
	s23 =	simm.s32 $0x600  }
0x2d: {  	s7 =	simm.s32 $0x6;
	s19 =	simm.s32 $0x7;
	[dreg:$0x17] =	wrdreg s9  }
0x2e: {  	[dreg:$0x19] =	wrdreg s8;
	s8 =	sadd.s32 s20, s4;
	s6 =	sadd.s32 s21, s4  }
.Ltmp0:
0x2f: {  	[dreg:$0x1e] =	wrdreg s24;
	s9 =	simm.s32 $0x800;
	(pc) =	sbr.rel .LBB2_1-.Ltmp0, $4  }
0x30: {  	s21 =	simm.s32 $0x400;
	s20 =	simm.s32 $0x4800;
	[dreg:$0x1a] =	wrdreg s8  }
0x31: {  	s24 =	simm.s32 $0x1;
	[dreg:$0x1c] =	wrdreg s6;
	s6 =	sadd.s32 s22, s4  }
0x32: {  	s8 =	simm.s32 $0x8;
	[dreg:$0x1d] =	wrdreg s6;
	s6 =	sadd.s32 s25, s4  }
0x33: {  	v0 =	vimm.f32 $0.0e+00;
	v1 =	vimm.f32 $1.000000000e+00;
	s22 =	simm.s32 $0x7C0;
	[dreg:$0x1f] =	wrdreg s6;
	s6 =	simm.s32 $0x4  }
.LBB2_10:
0x34: {  	_ =	swait.ge [sflag:s8], $0x2000  }
0x35: {  	[sflag:s8] =	ssyncset.done $0x0  }
0x36: {  	[sflag:s8] =	ssyncadd.s32 $0xFFFFE000  }
0x37: {  	_ =	swait.ge [sflag:s14], $0x400  }
0x38: {  	[sflag:s14] =	ssyncset.done $0x0  }
0x39: {  	[sflag:s14] =	ssyncadd.s32 $0xFFFFFC00  }
0x3a: {  	_ =	swait.ge [sflag:s14], $0x400  }
0x3b: {  	[sflag:s14] =	ssyncset.done $0x0  }
0x3c: {  	[sflag:s14] =	ssyncadd.s32 $0xFFFFFC00  }
0x3d: {  	_ =	swait.ge [sflag:s14], $0x400  }
0x3e: {  	[sflag:s14] =	ssyncset.done $0x0  }
0x3f: {  	[sflag:s14] =	ssyncadd.s32 $0xFFFFFC00  }
0x40: {  	_ =	swait.ge [sflag:s14], $0x400  }
0x41: {  	[sflag:s14] =	ssyncset.done $0x0  }
0x42: {  	[sflag:s14] =	ssyncadd.s32 $0xFFFFFC00  }
0x43: {  	_ =	swait.ge [sflag:s14], $0x400  }
0x44: {  	[sflag:s14] =	ssyncset.done $0x0  }
0x45: {  	[sflag:s14] =	ssyncadd.s32 $0xFFFFFC00  }
0x46: {  	_ =	swait.ge [sflag:s14], $0x400  }
0x47: {  	[sflag:s14] =	ssyncset.done $0x0  }
0x48: {  	[sflag:s14] =	ssyncadd.s32 $0xFFFFFC00  }
0x49: {  	_ =	swait.ge [sflag:s14], $0x400  }
0x4a: {  	[sflag:s14] =	ssyncset.done $0x0  }
0x4b: {  	[sflag:s14] =	ssyncadd.s32 $0xFFFFFC00  }
0x4c: {  	_ =	swait.ge [sflag:s14], $0x400  }
0x4d: {  	[sflag:s14] =	ssyncset.done $0x0  }
0x4e: {  	[sflag:s14] =	ssyncadd.s32 $0xFFFFFC00  }
0x4f: {  	[bflag:$0x0] =	sbarrier.arrive $0xFFFF  }
0x50: {  	s12 =	stileid.u32;
	s15 =	sld [smem:$0x7FB]  }
0x51: {  	s12 =	sshll.u32 s12, $0x6;
	s13 =	rddreg [dreg:$0x6]  }
0x52: {  	s12 =	sor.u32 $0x1C0B, s12;
	s13 =	sshrl.u32 s13, $0x3  }
0x53: {  	[hbm:s15], [sflag:s12] =	dma.local [spmem:s13], $0x2800  }
0x54: {  	_ =	swait.ge [sflag:s10], $0x2800  }
0x55: {  	s31 =	sld [smem:$0x7FC]  }
0x56: {  	[sflag:s10] =	ssyncset.done $0x0;
	s25 =	rddreg [dreg:$0x16]  }
0x57: {  	[sflag:s10] =	ssyncadd.s32 $0xFFFFD800;
	s13 =	sshrl.u32 s25, $0x3  }
0x58: {  	[hbm:s31], [sflag:s12] =	dma.local [spmem:s13], $0x500  }
0x59: {  	_ =	swait.ge [sflag:s10], $0x500  }
0x5a: {  	s25 =	sld [smem:$0x7FA]  }
0x5b: {  	s31 =	sld [smem:$0x7FD];
	_ =	sdelay $0x1  }
0x5c: {  	s13 =	sadd.s32 $0x1, s25  }
0x5d: {  	p0 =	sne.s32 s13, s31  }
.Ltmp1:
0x5e: {  	_ = 	snop;
	(pc) =	sbr.rel @!p0 .LBB2_11-.Ltmp1, $3  }
0x5f: {  	_ =	sdelay $0x1  }
0x60: {  	[sflag:s10] =	ssyncset.done $0x0  }
0x61: {  	[sflag:s10] =	ssyncadd.s32 $0xFFFFFB00  }
.LBB2_1:
0x62: {  	s25 =	simm.s32 $0x0  }
0x63: {  	s12 =	sand.u32 $0x7E00, s25  }
0x64: {  	[smem:$0x7FA] =	sst s13;
	s31 =	sand.u32 $0x70, s25;
	s12 =	sshrl.u32 s12, $0x2  }
0x65: {  	s25 =	simm.s32 $0x40;
	s12 =	sor.u32 s31, s12;
	s31 =	simm.s32 $0x0  }
.LBB2_2:
0x66: {  	p0 =	sne.s32 s25, $0x7FC0  }
0x67: {  	[tilespmem:s12+$0x800] =	vst v0;
	s31 =	sadd.s32 $0x10, s31;
	s12 =	smov.u32 s25;
	s25 =	sadd.s32 $0x40, s25  }
.Ltmp2:
0x68: {  	(pc) =	sbr.rel @p0 .LBB2_2-.Ltmp2, $4  }
0x69: {  	_ = 	snop  }
0x6a: {  	s12 =	sand.u32 $0x7E00, s12  }
0x6b: {  	s13 =	sand.u32 $0x70, s31;
	s12 =	sshrl.u32 s12, $0x2  }
0x6c: {  	s12 =	sor.u32 s13, s12  }
0x6d: {  	[tilespmem:s12+$0x800] =	vst v0;
	s25 =	rddreg [dreg:$0x6]  }
0x6e: {  	[spmem:s25] =	stream.linear.scatter [tilespmem:s9], [sflag:$0xB], $0x2000, $0x38;
	[tilespmem:$0x1F400] =	vst v63  }
0x6f: {  	_ =	swait.ge [sflag:s10], $0x2000  }
0x70: {  	[sflag:s10] =	ssyncset.done $0x0  }
0x71: {  	s31 =	rddreg [dreg:$0x7];
	[sflag:s10] =	ssyncadd.s32 $0xFFFFE000  }
0x72: {  	[spmem:s31] =	stream.linear.scatter [tilespmem:s9], [sflag:$0xB], $0x2000, $0x38;
	[tilespmem:$0x1F400] =	vst v63  }
0x73: {  	_ =	swait.ge [sflag:s10], $0x2000  }
0x74: {  	[sflag:s10] =	ssyncset.done $0x0  }
0x75: {  	s13 =	rddreg [dreg:$0x8];
	[sflag:s10] =	ssyncadd.s32 $0xFFFFE000  }
0x76: {  	[spmem:s13] =	stream.linear.scatter [tilespmem:s9], [sflag:$0xB], $0x2000, $0x38;
	[tilespmem:$0x1F400] =	vst v63  }
0x77: {  	_ =	swait.ge [sflag:s10], $0x2000  }
0x78: {  	[sflag:s10] =	ssyncset.done $0x0  }
0x79: {  	s15 =	rddreg [dreg:$0x9];
	[sflag:s10] =	ssyncadd.s32 $0xFFFFE000  }
0x7a: {  	[spmem:s15] =	stream.linear.scatter [tilespmem:s9], [sflag:$0xB], $0x2000, $0x38;
	[tilespmem:$0x1F400] =	vst v63  }
0x7b: {  	_ =	swait.ge [sflag:s10], $0x2000  }
0x7c: {  	[sflag:s10] =	ssyncset.done $0x0  }
0x7d: {  	s25 =	rddreg [dreg:$0x10];
	[sflag:s10] =	ssyncadd.s32 $0xFFFFE000  }
0x7e: {  	[spmem:s25] =	stream.linear.scatter [tilespmem:s9], [sflag:$0xB], $0x2000, $0x38;
	[tilespmem:$0x1F400] =	vst v63  }
0x7f: {  	_ =	swait.ge [sflag:s10], $0x2000  }
0x80: {  	[sflag:s10] =	ssyncset.done $0x0  }
0x81: {  	s31 =	rddreg [dreg:$0x11];
	[sflag:s10] =	ssyncadd.s32 $0xFFFFE000  }
0x82: {  	[spmem:s31] =	stream.linear.scatter [tilespmem:s9], [sflag:$0xB], $0x2000, $0x38;
	[tilespmem:$0x1F400] =	vst v63  }
0x83: {  	_ =	swait.ge [sflag:s10], $0x2000  }
0x84: {  	[sflag:s10] =	ssyncset.done $0x0  }
0x85: {  	s13 =	rddreg [dreg:$0x12];
	[sflag:s10] =	ssyncadd.s32 $0xFFFFE000  }
0x86: {  	[spmem:s13] =	stream.linear.scatter [tilespmem:s9], [sflag:$0xB], $0x2000, $0x38;
	[tilespmem:$0x1F400] =	vst v63  }
0x87: {  	_ =	swait.ge [sflag:s10], $0x2000  }
0x88: {  	[sflag:s10] =	ssyncset.done $0x0  }
0x89: {  	s15 =	rddreg [dreg:$0x13];
	[sflag:s10] =	ssyncadd.s32 $0xFFFFE000  }
0x8a: {  	[spmem:s15] =	stream.linear.scatter [tilespmem:s9], [sflag:$0xB], $0x2000, $0x38;
	[tilespmem:$0x1F400] =	vst v63  }
0x8b: {  	_ =	swait.ge [sflag:s10], $0x2000  }
0x8c: {  	[sflag:s10] =	ssyncset.done $0x0  }
0x8d: {  	s25 =	rddreg [dreg:$0x14];
	[sflag:s10] =	ssyncadd.s32 $0xFFFFE000  }
0x8e: {  	[spmem:s25] =	stream.linear.scatter [tilespmem:s9], [sflag:$0xB], $0x2000, $0x38;
	[tilespmem:$0x1F400] =	vst v63  }
0x8f: {  	_ =	swait.ge [sflag:s10], $0x2000  }
0x90: {  	[sflag:s10] =	ssyncset.done $0x0  }
0x91: {  	s31 =	rddreg [dreg:$0x15];
	[sflag:s10] =	ssyncadd.s32 $0xFFFFE000  }
0x92: {  	[spmem:s31] =	stream.linear.scatter [tilespmem:s9], [sflag:$0xB], $0x2000, $0x38;
	[tilespmem:$0x1F400] =	vst v63  }
0x93: {  	_ =	swait.ge [sflag:s10], $0x2000  }
0x94: {  	[sflag:s10] =	ssyncset.done $0x0  }
0x95: {  	s12 =	simm.s32 $0x0;
	s25 =	simm.s32 $0x40;
	[sflag:s10] =	ssyncadd.s32 $0xFFFFE000  }
.LBB2_4:
0x96: {  	p0 =	sne.s32 s25, $0xFC0;
	[tilespmem:s12+$0x1C800] =	vst v0;
	s12 =	smov.u32 s25;
	s25 =	sadd.s32 $0x40, s25  }
.Ltmp3:
0x97: {  	(pc) =	sbr.rel @p0 .LBB2_4-.Ltmp3, $2  }
0x98: {  	_ =	sdelay $0x2  }
0x99: {  	s12 =	sshra.s32 s12, $0x2  }
0x9a: {  	[tilespmem:s12+$0x1C800] =	vst v0;
	s25 =	rddreg [dreg:$0x16]  }
0x9b: {  	[spmem:s25] =	stream.linear.scatter [tilespmem:s11], [sflag:$0xB], $0x400, $0x38;
	[tilespmem:$0x1F400] =	vst v63  }
0x9c: {  	_ =	swait.ge [sflag:s10], $0x400  }
0x9d: {  	[sflag:s10] =	ssyncset.done $0x0  }
0x9e: {  	s31 =	rddreg [dreg:$0x17];
	[sflag:s10] =	ssyncadd.s32 $0xFFFFFC00  }
0x9f: {  	[spmem:s31] =	stream.linear.scatter [tilespmem:s11], [sflag:$0xB], $0x400, $0x38;
	[tilespmem:$0x1F400] =	vst v63  }
0xa0: {  	_ =	swait.ge [sflag:s10], $0x400  }
0xa1: {  	[sflag:s10] =	ssyncset.done $0x0  }
0xa2: {  	s13 =	rddreg [dreg:$0x18];
	[sflag:s10] =	ssyncadd.s32 $0xFFFFFC00  }
0xa3: {  	[spmem:s13] =	stream.linear.scatter [tilespmem:s11], [sflag:$0xB], $0x400, $0x38;
	[tilespmem:$0x1F400] =	vst v63  }
0xa4: {  	_ =	swait.ge [sflag:s10], $0x400  }
0xa5: {  	[sflag:s10] =	ssyncset.done $0x0  }
0xa6: {  	s15 =	rddreg [dreg:$0x19];
	[sflag:s10] =	ssyncadd.s32 $0xFFFFFC00  }
0xa7: {  	[spmem:s15] =	stream.linear.scatter [tilespmem:s11], [sflag:$0xB], $0x400, $0x38;
	[tilespmem:$0x1F400] =	vst v63  }
0xa8: {  	_ =	swait.ge [sflag:s10], $0x400  }
0xa9: {  	[sflag:s10] =	ssyncset.done $0x0  }
0xaa: {  	s25 =	rddreg [dreg:$0x1a];
	[sflag:s10] =	ssyncadd.s32 $0xFFFFFC00  }
0xab: {  	[spmem:s25] =	stream.linear.scatter [tilespmem:s11], [sflag:$0xB], $0x400, $0x38;
	[tilespmem:$0x1F400] =	vst v63  }
0xac: {  	_ =	swait.ge [sflag:s10], $0x400  }
0xad: {  	[sflag:s10] =	ssyncset.done $0x0  }
0xae: {  	s31 =	rddreg [dreg:$0x1b];
	[sflag:s10] =	ssyncadd.s32 $0xFFFFFC00  }
0xaf: {  	[spmem:s31] =	stream.linear.scatter [tilespmem:s11], [sflag:$0xB], $0x400, $0x38;
	[tilespmem:$0x1F400] =	vst v63  }
0xb0: {  	_ =	swait.ge [sflag:s10], $0x400  }
0xb1: {  	[sflag:s10] =	ssyncset.done $0x0  }
0xb2: {  	s13 =	rddreg [dreg:$0x1c];
	[sflag:s10] =	ssyncadd.s32 $0xFFFFFC00  }
0xb3: {  	[spmem:s13] =	stream.linear.scatter [tilespmem:s11], [sflag:$0xB], $0x400, $0x38;
	[tilespmem:$0x1F400] =	vst v63  }
0xb4: {  	_ =	swait.ge [sflag:s10], $0x400  }
0xb5: {  	[sflag:s10] =	ssyncset.done $0x0  }
0xb6: {  	s15 =	rddreg [dreg:$0x1d];
	[sflag:s10] =	ssyncadd.s32 $0xFFFFFC00  }
0xb7: {  	[spmem:s15] =	stream.linear.scatter [tilespmem:s11], [sflag:$0xB], $0x400, $0x38;
	[tilespmem:$0x1F400] =	vst v63  }
0xb8: {  	_ =	swait.ge [sflag:s10], $0x400  }
0xb9: {  	[sflag:s10] =	ssyncset.done $0x0  }
0xba: {  	s25 =	rddreg [dreg:$0x1e];
	[sflag:s10] =	ssyncadd.s32 $0xFFFFFC00  }
0xbb: {  	[spmem:s25] =	stream.linear.scatter [tilespmem:s11], [sflag:$0xB], $0x400, $0x38;
	[tilespmem:$0x1F400] =	vst v63  }
0xbc: {  	_ =	swait.ge [sflag:s10], $0x400  }
0xbd: {  	[sflag:s10] =	ssyncset.done $0x0  }
0xbe: {  	s31 =	rddreg [dreg:$0x1f];
	[sflag:s10] =	ssyncadd.s32 $0xFFFFFC00  }
0xbf: {  	[spmem:s31] =	stream.linear.scatter [tilespmem:s11], [sflag:$0xB], $0x400, $0x38;
	[tilespmem:$0x1F400] =	vst v63  }
0xc0: {  	_ =	swait.ge [sflag:s10], $0x400  }
0xc1: {  	[sflag:s10] =	ssyncset.done $0x0  }
0xc2: {  	s12 =	simm.s32 $0x0;
	s25 =	simm.s32 $0x40;
	[sflag:s10] =	ssyncadd.s32 $0xFFFFFC00  }
.LBB2_6:
0xc3: {  	p0 =	sne.s32 s25, $0xFC0;
	[tilespmem:s12+$0x1C800] =	vst v1;
	s12 =	smov.u32 s25;
	s25 =	sadd.s32 $0x40, s25  }
.Ltmp4:
0xc4: {  	(pc) =	sbr.rel @p0 .LBB2_6-.Ltmp4, $2  }
0xc5: {  	_ =	sdelay $0x2  }
0xc6: {  	s12 =	sshra.s32 s12, $0x2  }
0xc7: {  	[tilespmem:s12+$0x1C800] =	vst v1  }
0xc8: {  	[bflag:$0x0] =	sbarrier.arrive $0xFFFF  }
0xc9: {  	s31 =	simm.s32 $0x0;
	s13 =	rddreg [dreg:$0xa]  }
0xca: {  	[tilespmem:s31], [sflag:$0xB] =	stream.linear.gather [hbm4b:s13+s31], $0x200, $0x38;
	[tilespmem:$0x1F400] =	vst v63  }
0xcb: {  	_ =	swait.ge [sflag:s10], $0x200  }
0xcc: {  	[sflag:s10] =	ssyncset.done $0x0  }
0xcd: {  	s15 =	rddreg [dreg:$0xb];
	[sflag:s10] =	ssyncadd.s32 $0xFFFFFE00  }
0xce: {  	[tilespmem:s21], [sflag:$0xB] =	stream.linear.gather [hbm4b:s15+s31], $0x200, $0x38;
	[tilespmem:$0x1F400] =	vst v63  }
0xcf: {  	_ =	swait.ge [sflag:s10], $0x200  }
0xd0: {  	[sflag:s10] =	ssyncset.done $0x0  }
0xd1: {  	[sflag:s10] =	ssyncadd.s32 $0xFFFFFE00  }
0xd2: {  	[tilespmem:s9], [sflag:$0x1] =	stream.indirect.gather [hbm4b:s1+s17], $0x80, s31, s17, $0xb8;
	[tilespmem:$0x1F400] =	vst v63  }
0xd3: {  	_ = 	snop  }
0xd4: {  	[tilespmem:s18], [sflag:$0x2] =	stream.indirect.gather [hbm4b:s1+s17], $0x80, s17, s17, $0xb8;
	[tilespmem:$0x1F400] =	vst v63  }
0xd5: {  	s25 =	simm.s32 $0x80  }
0xd6: {  	[tilespmem:s20], [sflag:$0x3] =	stream.indirect.gather [hbm4b:s1+s17], $0x80, s25, s17, $0xb8;
	[tilespmem:$0x1F400] =	vst v63  }
.LBB2_8:
0xd7: {  	p0 =	seq.s32 s31, $0x0  }
0xd8: {  	s12 =	simm.s32 @!p0 $0x8  }
0xd9: {  	_ =	swait.ge @!p0 [sflag:s12], $0x2000  }
0xda: {  	[sflag:s12] =	ssyncset.done @!p0 $0x0  }
0xdb: {  	[sflag:s12] =	ssyncadd.s32 @!p0 $0xFFFFE000;
	s12 =	simm.s32 @!p0 $0xA  }
0xdc: {  	_ =	swait.ge @!p0 [sflag:s12], $0x400  }
0xdd: {  	[sflag:s12] =	ssyncset.done @!p0 $0x0  }
0xde: {  	[sflag:s12] =	ssyncadd.s32 @!p0 $0xFFFFFC00  }
0xdf: {  	_ =	swait.ge @!p0 [sflag:s12], $0x400  }
0xe0: {  	[sflag:s12] =	ssyncset.done @!p0 $0x0  }
0xe1: {  	[sflag:s12] =	ssyncadd.s32 @!p0 $0xFFFFFC00  }
0xe2: {  	_ =	swait.ge @!p0 [sflag:s12], $0x400  }
0xe3: {  	[sflag:s12] =	ssyncset.done @!p0 $0x0  }
0xe4: {  	[sflag:s12] =	ssyncadd.s32 @!p0 $0xFFFFFC00  }
0xe5: {  	_ =	swait.ge @!p0 [sflag:s12], $0x400  }
0xe6: {  	[sflag:s12] =	ssyncset.done @!p0 $0x0  }
0xe7: {  	[sflag:s12] =	ssyncadd.s32 @!p0 $0xFFFFFC00  }
0xe8: {  	_ =	swait.ge @!p0 [sflag:s12], $0x400  }
0xe9: {  	[sflag:s12] =	ssyncset.done @!p0 $0x0  }
0xea: {  	[sflag:s12] =	ssyncadd.s32 @!p0 $0xFFFFFC00  }
0xeb: {  	_ =	swait.ge @!p0 [sflag:s12], $0x400  }
0xec: {  	[sflag:s12] =	ssyncset.done @!p0 $0x0  }
0xed: {  	[sflag:s12] =	ssyncadd.s32 @!p0 $0xFFFFFC00  }
0xee: {  	_ =	swait.ge @!p0 [sflag:s12], $0x400  }
0xef: {  	[sflag:s12] =	ssyncset.done @!p0 $0x0  }
0xf0: {  	[sflag:s12] =	ssyncadd.s32 @!p0 $0xFFFFFC00  }
0xf1: {  	_ =	swait.ge @!p0 [sflag:s12], $0x400  }
0xf2: {  	s15 =	rddreg [dreg:$0xe]  }
0xf3: {  	s13 =	simm.s32 $0x0;
	[sflag:s12] =	ssyncset.done @!p0 $0x0;
	s21 =	rddreg [dreg:$0xf]  }
0xf4: {  	[sflag:s12] =	ssyncadd.s32 @!p0 $0xFFFFFC00;
	s12 =	sadd.s32 s31, s15;
	s15 =	simm.s32 $0x200  }
0xf5: {  	[tilespmem:s15], [sflag:$0x9] =	stream.linear.gather [hbm4b:s12+s13], $0x200, $0x38;
	[tilespmem:$0x1F400] =	vst v63  }
0xf6: {  	s12 =	sadd.s32 s31, s21  }
0xf7: {  	[tilespmem:s23], [sflag:$0x9] =	stream.linear.gather [hbm4b:s12+s13], $0x200, $0x38;
	[tilespmem:$0x1F400] =	vst v63  }
0xf8: {  	_ =	swait.ge [sflag:s24], $0x2000  }
0xf9: {  	[sflag:s24] =	ssyncset.done $0x0  }
0xfa: {  	s25 =	simm.s32 $0x400;
	[sflag:s24] =	ssyncadd.s32 $0xFFFFE000  }
0xfb: {  	[spmem:s3] =	stream.indirect.scatter.add.f32 [tilespmem:s9], [sflag:$0x5], $0x80, s25, s17, $0xb8;
	[tilespmem:$0x1F400] =	vst v63  }
0xfc: {  	_ = 	snop  }
0xfd: {  	[spmem:s4] =	stream.indirect.scatter.add.f32 [tilespmem:s11], [sflag:$0xA], $0x10, s25, s17, $0xb8;
	[tilespmem:$0x1F400] =	vst v63  }
0xfe: {  	s13 =	simm.s32 $0xC0  }
0xff: {  	[tilespmem:s26], [sflag:$0x4] =	stream.indirect.gather [hbm4b:s1+s17], $0x80, s13, s17, $0xb8;
	[tilespmem:$0x1F400] =	vst v63  }
0x100: {  	_ =	swait.ge [sflag:s28], $0x2000  }
0x101: {  	[sflag:s28] =	ssyncset.done $0x0  }
0x102: {  	s25 =	simm.s32 $0x440;
	[sflag:s28] =	ssyncadd.s32 $0xFFFFE000  }
0x103: {  	[spmem:s3] =	stream.indirect.scatter.add.f32 [tilespmem:s18], [sflag:$0x6], $0x80, s25, s17, $0xb8;
	[tilespmem:$0x1F400] =	vst v63  }
0x104: {  	_ = 	snop  }
0x105: {  	[spmem:s4] =	stream.indirect.scatter.add.f32 [tilespmem:s11], [sflag:$0xA], $0x10, s25, s17, $0xb8;
	[tilespmem:$0x1F400] =	vst v63  }
0x106: {  	_ =	swait.ge [sflag:s30], $0x2000  }
0x107: {  	[sflag:s30] =	ssyncset.done $0x0  }
0x108: {  	s13 =	simm.s32 $0x100;
	[sflag:s30] =	ssyncadd.s32 $0xFFFFE000  }
0x109: {  	[tilespmem:s9], [sflag:$0x1] =	stream.indirect.gather [hbm4b:s1+s17], $0x80, s13, s17, $0xb8;
	[tilespmem:$0x1F400] =	vst v63  }
0x10a: {  	_ =	swait.ge [sflag:s2], $0x2000  }
0x10b: {  	[sflag:s2] =	ssyncset.done $0x0  }
0x10c: {  	s25 =	simm.s32 $0x480;
	[sflag:s2] =	ssyncadd.s32 $0xFFFFE000  }
0x10d: {  	[spmem:s3] =	stream.indirect.scatter.add.f32 [tilespmem:s20], [sflag:$0x7], $0x80, s25, s17, $0xb8;
	[tilespmem:$0x1F400] =	vst v63  }
0x10e: {  	_ = 	snop  }
0x10f: {  	[spmem:s4] =	stream.indirect.scatter.add.f32 [tilespmem:s11], [sflag:$0xA], $0x10, s25, s17, $0xb8;
	[tilespmem:$0x1F400] =	vst v63  }
0x110: {  	_ =	swait.ge [sflag:s7], $0x2000  }
0x111: {  	[sflag:s7] =	ssyncset.done $0x0  }
0x112: {  	s13 =	simm.s32 $0x140;
	[sflag:s7] =	ssyncadd.s32 $0xFFFFE000  }
0x113: {  	[tilespmem:s18], [sflag:$0x2] =	stream.indirect.gather [hbm4b:s1+s17], $0x80, s13, s17, $0xb8;
	[tilespmem:$0x1F400] =	vst v63  }
0x114: {  	_ =	swait.ge [sflag:s6], $0x2000  }
0x115: {  	[sflag:s6] =	ssyncset.done $0x0  }
0x116: {  	s25 =	simm.s32 $0x4C0;
	[sflag:s6] =	ssyncadd.s32 $0xFFFFE000  }
0x117: {  	[spmem:s3] =	stream.indirect.scatter.add.f32 [tilespmem:s26], [sflag:$0x8], $0x80, s25, s17, $0xb8;
	[tilespmem:$0x1F400] =	vst v63  }
0x118: {  	_ = 	snop  }
0x119: {  	[spmem:s4] =	stream.indirect.scatter.add.f32 [tilespmem:s11], [sflag:$0xA], $0x10, s25, s17, $0xb8;
	[tilespmem:$0x1F400] =	vst v63  }
0x11a: {  	_ =	swait.ge [sflag:s19], $0x2000  }
0x11b: {  	[sflag:s19] =	ssyncset.done $0x0  }
0x11c: {  	s13 =	simm.s32 $0x180;
	[sflag:s19] =	ssyncadd.s32 $0xFFFFE000  }
0x11d: {  	[tilespmem:s20], [sflag:$0x3] =	stream.indirect.gather [hbm4b:s1+s17], $0x80, s13, s17, $0xb8;
	[tilespmem:$0x1F400] =	vst v63  }
0x11e: {  	_ =	swait.ge [sflag:s24], $0x2000  }
0x11f: {  	[sflag:s24] =	ssyncset.done $0x0  }
0x120: {  	s25 =	simm.s32 $0x500;
	[sflag:s24] =	ssyncadd.s32 $0xFFFFE000  }
0x121: {  	[spmem:s3] =	stream.indirect.scatter.add.f32 [tilespmem:s9], [sflag:$0x5], $0x80, s25, s17, $0xb8;
	[tilespmem:$0x1F400] =	vst v63  }
0x122: {  	_ = 	snop  }
0x123: {  	[spmem:s4] =	stream.indirect.scatter.add.f32 [tilespmem:s11], [sflag:$0xA], $0x10, s25, s17, $0xb8;
	[tilespmem:$0x1F400] =	vst v63  }
0x124: {  	_ =	swait.ge [sflag:s8], $0x2000  }
0x125: {  	[sflag:s8] =	ssyncset.done $0x0  }
0x126: {  	s13 =	simm.s32 $0x1C0;
	[sflag:s8] =	ssyncadd.s32 $0xFFFFE000  }
0x127: {  	[tilespmem:s26], [sflag:$0x4] =	stream.indirect.gather [hbm4b:s1+s17], $0x80, s13, s17, $0xb8;
	[tilespmem:$0x1F400] =	vst v63  }
0x128: {  	_ =	swait.ge [sflag:s28], $0x2000  }
0x129: {  	[sflag:s28] =	ssyncset.done $0x0  }
0x12a: {  	s25 =	simm.s32 $0x540;
	[sflag:s28] =	ssyncadd.s32 $0xFFFFE000  }
0x12b: {  	[spmem:s3] =	stream.indirect.scatter.add.f32 [tilespmem:s18], [sflag:$0x6], $0x80, s25, s17, $0xb8;
	[tilespmem:$0x1F400] =	vst v63  }
0x12c: {  	_ = 	snop  }
0x12d: {  	[spmem:s4] =	stream.indirect.scatter.add.f32 [tilespmem:s11], [sflag:$0xA], $0x10, s25, s17, $0xb8;
	[tilespmem:$0x1F400] =	vst v63  }
0x12e: {  	_ =	swait.ge [sflag:s30], $0x2000  }
0x12f: {  	[sflag:s30] =	ssyncset.done $0x0  }
0x130: {  	[sflag:s30] =	ssyncadd.s32 $0xFFFFE000  }
0x131: {  	_ =	swait.ge [sflag:s5], $0x200  }
0x132: {  	[sflag:s5] =	ssyncset.done $0x0  }
0x133: {  	[sflag:s5] =	ssyncadd.s32 $0xFFFFFE00  }
0x134: {  	_ =	swait.ge [sflag:s5], $0x200  }
0x135: {  	[sflag:s5] =	ssyncset.done $0x0  }
0x136: {  	[sflag:s5] =	ssyncadd.s32 $0xFFFFFE00  }
0x137: {  	[tilespmem:s9], [sflag:$0x1] =	stream.indirect.gather [hbm4b:s1+s17], $0x80, s15, s17, $0xb8;
	[tilespmem:$0x1F400] =	vst v63  }
0x138: {  	_ =	swait.ge [sflag:s2], $0x2000  }
0x139: {  	[sflag:s2] =	ssyncset.done $0x0  }
0x13a: {  	s13 =	simm.s32 $0x580;
	[sflag:s2] =	ssyncadd.s32 $0xFFFFE000  }
0x13b: {  	[spmem:s3] =	stream.indirect.scatter.add.f32 [tilespmem:s20], [sflag:$0x7], $0x80, s13, s17, $0xb8;
	[tilespmem:$0x1F400] =	vst v63  }
0x13c: {  	_ = 	snop  }
0x13d: {  	[spmem:s4] =	stream.indirect.scatter.add.f32 [tilespmem:s11], [sflag:$0xA], $0x10, s13, s17, $0xb8;
	[tilespmem:$0x1F400] =	vst v63  }
0x13e: {  	_ =	swait.ge [sflag:s7], $0x2000  }
0x13f: {  	[sflag:s7] =	ssyncset.done $0x0  }
0x140: {  	s15 =	simm.s32 $0x240;
	[sflag:s7] =	ssyncadd.s32 $0xFFFFE000  }
0x141: {  	[tilespmem:s18], [sflag:$0x2] =	stream.indirect.gather [hbm4b:s1+s17], $0x80, s15, s17, $0xb8;
	[tilespmem:$0x1F400] =	vst v63  }
0x142: {  	_ =	swait.ge [sflag:s6], $0x2000  }
0x143: {  	[sflag:s6] =	ssyncset.done $0x0  }
0x144: {  	s25 =	simm.s32 $0x5C0;
	[sflag:s6] =	ssyncadd.s32 $0xFFFFE000  }
0x145: {  	[spmem:s3] =	stream.indirect.scatter.add.f32 [tilespmem:s26], [sflag:$0x8], $0x80, s25, s17, $0xb8;
	[tilespmem:$0x1F400] =	vst v63  }
0x146: {  	_ = 	snop  }
0x147: {  	[spmem:s4] =	stream.indirect.scatter.add.f32 [tilespmem:s11], [sflag:$0xA], $0x10, s25, s17, $0xb8;
	[tilespmem:$0x1F400] =	vst v63  }
0x148: {  	_ =	swait.ge [sflag:s19], $0x2000  }
0x149: {  	[sflag:s19] =	ssyncset.done $0x0  }
0x14a: {  	s13 =	simm.s32 $0x280;
	[sflag:s19] =	ssyncadd.s32 $0xFFFFE000  }
0x14b: {  	[tilespmem:s20], [sflag:$0x3] =	stream.indirect.gather [hbm4b:s1+s17], $0x80, s13, s17, $0xb8;
	[tilespmem:$0x1F400] =	vst v63  }
0x14c: {  	_ =	swait.ge [sflag:s8], $0x2000  }
0x14d: {  	[sflag:s8] =	ssyncset.done $0x0  }
0x14e: {  	[sflag:s8] =	ssyncadd.s32 $0xFFFFE000  }
0x14f: {  	_ =	swait.ge [sflag:s14], $0x400  }
0x150: {  	[sflag:s14] =	ssyncset.done $0x0  }
0x151: {  	[sflag:s14] =	ssyncadd.s32 $0xFFFFFC00  }
0x152: {  	_ =	swait.ge [sflag:s14], $0x400  }
0x153: {  	[sflag:s14] =	ssyncset.done $0x0  }
0x154: {  	[sflag:s14] =	ssyncadd.s32 $0xFFFFFC00  }
0x155: {  	_ =	swait.ge [sflag:s14], $0x400  }
0x156: {  	[sflag:s14] =	ssyncset.done $0x0  }
0x157: {  	[sflag:s14] =	ssyncadd.s32 $0xFFFFFC00  }
0x158: {  	_ =	swait.ge [sflag:s14], $0x400  }
0x159: {  	[sflag:s14] =	ssyncset.done $0x0  }
0x15a: {  	[sflag:s14] =	ssyncadd.s32 $0xFFFFFC00  }
0x15b: {  	_ =	swait.ge [sflag:s14], $0x400  }
0x15c: {  	[sflag:s14] =	ssyncset.done $0x0  }
0x15d: {  	[sflag:s14] =	ssyncadd.s32 $0xFFFFFC00  }
0x15e: {  	_ =	swait.ge [sflag:s14], $0x400  }
0x15f: {  	[sflag:s14] =	ssyncset.done $0x0  }
0x160: {  	[sflag:s14] =	ssyncadd.s32 $0xFFFFFC00  }
0x161: {  	_ =	swait.ge [sflag:s14], $0x400  }
0x162: {  	[sflag:s14] =	ssyncset.done $0x0  }
0x163: {  	[sflag:s14] =	ssyncadd.s32 $0xFFFFFC00  }
0x164: {  	_ =	swait.ge [sflag:s14], $0x400  }
0x165: {  	p0 =	seq.s32 s31, $0x480;
	[sflag:s14] =	ssyncset.done $0x0;
	s12 =	rddreg [dreg:$0xc]  }
0x166: {  	s25 =	simm.s32 @!p0 $0x0;
	[sflag:s14] =	ssyncadd.s32 $0xFFFFFC00;
	s12 =	sadd.s32 @!p0 s31, s12  }
0x167: {  	[tilespmem:s25], [sflag:$0x9] =	stream.linear.gather @!p0 [hbm4b:s12+s25], $0x200, $0x38;
	[tilespmem:$0x1F400] =	vst v63  }
0x168: {  	s12 =	rddreg [dreg:$0xd]  }
0x169: {  	s13 =	simm.s32 @!p0 $0x400;
	s12 =	sadd.s32 @!p0 s31, s12  }
0x16a: {  	[tilespmem:s13], [sflag:$0x9] =	stream.linear.gather @!p0 [hbm4b:s12+s25], $0x200, $0x38;
	[tilespmem:$0x1F400] =	vst v63  }
0x16b: {  	_ =	swait.ge [sflag:s24], $0x2000  }
0x16c: {  	[sflag:s24] =	ssyncset.done $0x0  }
0x16d: {  	[sflag:s24] =	ssyncadd.s32 $0xFFFFE000  }
0x16e: {  	[spmem:s3] =	stream.indirect.scatter.add.f32 [tilespmem:s9], [sflag:$0x5], $0x80, s23, s17, $0xb8;
	[tilespmem:$0x1F400] =	vst v63  }
0x16f: {  	_ = 	snop  }
0x170: {  	[spmem:s4] =	stream.indirect.scatter.add.f32 [tilespmem:s11], [sflag:$0xA], $0x10, s23, s17, $0xb8;
	[tilespmem:$0x1F400] =	vst v63  }
0x171: {  	s15 =	simm.s32 $0x2C0  }
0x172: {  	[tilespmem:s26], [sflag:$0x4] =	stream.indirect.gather [hbm4b:s1+s17], $0x80, s15, s17, $0xb8;
	[tilespmem:$0x1F400] =	vst v63  }
0x173: {  	_ =	swait.ge [sflag:s28], $0x2000  }
0x174: {  	[sflag:s28] =	ssyncset.done $0x0  }
0x175: {  	s13 =	simm.s32 $0x640;
	[sflag:s28] =	ssyncadd.s32 $0xFFFFE000  }
0x176: {  	[spmem:s3] =	stream.indirect.scatter.add.f32 [tilespmem:s18], [sflag:$0x6], $0x80, s13, s17, $0xb8;
	[tilespmem:$0x1F400] =	vst v63  }
0x177: {  	_ = 	snop  }
0x178: {  	[spmem:s4] =	stream.indirect.scatter.add.f32 [tilespmem:s11], [sflag:$0xA], $0x10, s13, s17, $0xb8;
	[tilespmem:$0x1F400] =	vst v63  }
0x179: {  	_ =	swait.ge [sflag:s30], $0x2000  }
0x17a: {  	[sflag:s30] =	ssyncset.done $0x0  }
0x17b: {  	s15 =	simm.s32 $0x300;
	[sflag:s30] =	ssyncadd.s32 $0xFFFFE000  }
0x17c: {  	[tilespmem:s9], [sflag:$0x1] =	stream.indirect.gather [hbm4b:s1+s17], $0x80, s15, s17, $0xb8;
	[tilespmem:$0x1F400] =	vst v63  }
0x17d: {  	_ =	swait.ge [sflag:s2], $0x2000  }
0x17e: {  	[sflag:s2] =	ssyncset.done $0x0  }
0x17f: {  	s13 =	simm.s32 $0x680;
	[sflag:s2] =	ssyncadd.s32 $0xFFFFE000  }
0x180: {  	[spmem:s3] =	stream.indirect.scatter.add.f32 [tilespmem:s20], [sflag:$0x7], $0x80, s13, s17, $0xb8;
	[tilespmem:$0x1F400] =	vst v63  }
0x181: {  	_ = 	snop  }
0x182: {  	[spmem:s4] =	stream.indirect.scatter.add.f32 [tilespmem:s11], [sflag:$0xA], $0x10, s13, s17, $0xb8;
	[tilespmem:$0x1F400] =	vst v63  }
0x183: {  	_ =	swait.ge [sflag:s7], $0x2000  }
0x184: {  	[sflag:s7] =	ssyncset.done $0x0  }
0x185: {  	s15 =	simm.s32 $0x340;
	[sflag:s7] =	ssyncadd.s32 $0xFFFFE000  }
0x186: {  	[tilespmem:s18], [sflag:$0x2] =	stream.indirect.gather [hbm4b:s1+s17], $0x80, s15, s17, $0xb8;
	[tilespmem:$0x1F400] =	vst v63  }
0x187: {  	_ =	swait.ge [sflag:s6], $0x2000  }
0x188: {  	[sflag:s6] =	ssyncset.done $0x0  }
0x189: {  	[sflag:s6] =	ssyncadd.s32 $0xFFFFE000  }
0x18a: {  	[spmem:s3] =	stream.indirect.scatter.add.f32 [tilespmem:s26], [sflag:$0x8], $0x80, s16, s17, $0xb8;
	[tilespmem:$0x1F400] =	vst v63  }
0x18b: {  	_ = 	snop  }
0x18c: {  	[spmem:s4] =	stream.indirect.scatter.add.f32 [tilespmem:s11], [sflag:$0xA], $0x10, s16, s17, $0xb8;
	[tilespmem:$0x1F400] =	vst v63  }
0x18d: {  	_ =	swait.ge [sflag:s19], $0x2000  }
0x18e: {  	[sflag:s19] =	ssyncset.done $0x0  }
0x18f: {  	s13 =	simm.s32 $0x380;
	[sflag:s19] =	ssyncadd.s32 $0xFFFFE000  }
0x190: {  	[tilespmem:s20], [sflag:$0x3] =	stream.indirect.gather [hbm4b:s1+s17], $0x80, s13, s17, $0xb8;
	[tilespmem:$0x1F400] =	vst v63  }
0x191: {  	_ =	swait.ge [sflag:s24], $0x2000  }
0x192: {  	[sflag:s24] =	ssyncset.done $0x0  }
0x193: {  	[sflag:s24] =	ssyncadd.s32 $0xFFFFE000  }
0x194: {  	[spmem:s3] =	stream.indirect.scatter.add.f32 [tilespmem:s9], [sflag:$0x5], $0x80, s29, s17, $0xb8;
	[tilespmem:$0x1F400] =	vst v63  }
0x195: {  	_ = 	snop  }
0x196: {  	[spmem:s4] =	stream.indirect.scatter.add.f32 [tilespmem:s11], [sflag:$0xA], $0x10, s29, s17, $0xb8;
	[tilespmem:$0x1F400] =	vst v63  }
0x197: {  	_ =	swait.ge [sflag:s8], $0x2000  }
0x198: {  	[sflag:s8] =	ssyncset.done $0x0  }
0x199: {  	s15 =	simm.s32 $0x3C0;
	[sflag:s8] =	ssyncadd.s32 $0xFFFFE000  }
0x19a: {  	[tilespmem:s26], [sflag:$0x4] =	stream.indirect.gather [hbm4b:s1+s17], $0x80, s15, s17, $0xb8;
	[tilespmem:$0x1F400] =	vst v63  }
0x19b: {  	_ =	swait.ge [sflag:s28], $0x2000  }
0x19c: {  	[sflag:s28] =	ssyncset.done $0x0  }
0x19d: {  	[sflag:s28] =	ssyncadd.s32 $0xFFFFE000  }
0x19e: {  	[spmem:s3] =	stream.indirect.scatter.add.f32 [tilespmem:s18], [sflag:$0x6], $0x80, s0, s17, $0xb8;
	[tilespmem:$0x1F400] =	vst v63  }
0x19f: {  	_ = 	snop  }
0x1a0: {  	[spmem:s4] =	stream.indirect.scatter.add.f32 [tilespmem:s11], [sflag:$0xA], $0x10, s0, s17, $0xb8;
	[tilespmem:$0x1F400] =	vst v63  }
0x1a1: {  	_ =	swait.ge [sflag:s30], $0x2000  }
0x1a2: {  	[sflag:s30] =	ssyncset.done $0x0  }
0x1a3: {  	s12 =	simm.s32 @p0 $0x3;
	[sflag:s30] =	ssyncadd.s32 $0xFFFFE000  }
0x1a4: {  	_ =	swait.ge @p0 [sflag:s12], $0x2000  }
0x1a5: {  	s13 =	simm.s32 @p0 $0x780;
	[sflag:s12] =	ssyncset.done @p0 $0x0  }
0x1a6: {  	s15 =	simm.s32 @p0 $0x4800;
	[sflag:s12] =	ssyncadd.s32 @p0 $0xFFFFE000;
	s12 =	simm.s32 @p0 $0x40  }
0x1a7: {  	[spmem:s3] =	stream.indirect.scatter.add.f32 @p0 [tilespmem:s15], [sflag:$0x7], $0x80, s13, s12, $0xb8;
	[tilespmem:$0x1F400] =	vst v63  }
0x1a8: {  	s15 =	simm.s32 @p0 $0x1C800  }
0x1a9: {  	[spmem:s4] =	stream.indirect.scatter.add.f32 @p0 [tilespmem:s15], [sflag:$0xA], $0x10, s13, s12, $0xb8;
	[tilespmem:$0x1F400] =	vst v63  }
0x1aa: {  	s12 =	simm.s32 @p0 $0x6  }
0x1ab: {  	_ =	swait.ge @p0 [sflag:s12], $0x2000  }
0x1ac: {  	[sflag:s12] =	ssyncset.done @p0 $0x0  }
0x1ad: {  	[sflag:s12] =	ssyncadd.s32 @p0 $0xFFFFE000;
	s12 =	simm.s32 @!p0 $0x9  }
0x1ae: {  	_ =	swait.ge @!p0 [sflag:s12], $0x200  }
0x1af: {  	[sflag:s12] =	ssyncset.done @!p0 $0x0  }
0x1b0: {  	[sflag:s12] =	ssyncadd.s32 @!p0 $0xFFFFFE00  }
0x1b1: {  	_ =	swait.ge @!p0 [sflag:s12], $0x200  }
0x1b2: {  	[sflag:s12] =	ssyncset.done @!p0 $0x0  }
0x1b3: {  	s13 =	simm.s32 @!p0 $0x800;
	[sflag:s12] =	ssyncadd.s32 @!p0 $0xFFFFFE00;
	s12 =	simm.s32 @!p0 $0x40  }
0x1b4: {  	[tilespmem:s13], [sflag:$0x1] =	stream.indirect.gather @!p0 [hbm4b:s1+s12], $0x80, s25, s12, $0xb8;
	[tilespmem:$0x1F400] =	vst v63  }
0x1b5: {  	s13 =	simm.s32 @!p0 $0x3  }
0x1b6: {  	_ =	swait.ge @!p0 [sflag:s13], $0x2000  }
0x1b7: {  	[sflag:s13] =	ssyncset.done @!p0 $0x0  }
0x1b8: {  	s15 =	simm.s32 @!p0 $0x4800;
	[sflag:s13] =	ssyncadd.s32 @!p0 $0xFFFFE000;
	s13 =	simm.s32 @!p0 $0x780  }
0x1b9: {  	[spmem:s3] =	stream.indirect.scatter.add.f32 @!p0 [tilespmem:s15], [sflag:$0x7], $0x80, s13, s12, $0xb8;
	[tilespmem:$0x1F400] =	vst v63  }
0x1ba: {  	s15 =	simm.s32 @!p0 $0x1C800  }
0x1bb: {  	[spmem:s4] =	stream.indirect.scatter.add.f32 @!p0 [tilespmem:s15], [sflag:$0xA], $0x10, s13, s12, $0xb8;
	[tilespmem:$0x1F400] =	vst v63  }
0x1bc: {  	s13 =	simm.s32 @!p0 $0x6  }
0x1bd: {  	_ =	swait.ge @!p0 [sflag:s13], $0x2000  }
0x1be: {  	[sflag:s13] =	ssyncset.done @!p0 $0x0  }
0x1bf: {  	[sflag:s13] =	ssyncadd.s32 @!p0 $0xFFFFE000;
	s13 =	simm.s32 @!p0 $0x2800  }
0x1c0: {  	[tilespmem:s13], [sflag:$0x2] =	stream.indirect.gather @!p0 [hbm4b:s1+s12], $0x80, s12, s12, $0xb8;
	[tilespmem:$0x1F400] =	vst v63  }
0x1c1: {  	_ =	swait.ge [sflag:s6], $0x2000  }
0x1c2: {  	[sflag:s6] =	ssyncset.done $0x0  }
0x1c3: {  	[sflag:s6] =	ssyncadd.s32 $0xFFFFE000  }
0x1c4: {  	[spmem:s3] =	stream.indirect.scatter.add.f32 [tilespmem:s26], [sflag:$0x8], $0x80, s22, s17, $0xb8;
	[tilespmem:$0x1F400] =	vst v63  }
.Ltmp5:
0x1c5: {  	_ = 	snop;
	(pc) =	sbr.rel @p0 .LBB2_10-.Ltmp5, $4  }
0x1c6: {  	[spmem:s4] =	stream.indirect.scatter.add.f32 [tilespmem:s11], [sflag:$0xA], $0x10, s22, s17, $0xb8;
	[tilespmem:$0x1F400] =	vst v63  }
0x1c7: {  	_ =	swait.ge [sflag:s19], $0x2000  }
0x1c8: {  	[sflag:s19] =	ssyncset.done $0x0  }
0x1c9: {  	s21 =	simm.s32 $0x400;
	[sflag:s19] =	ssyncadd.s32 $0xFFFFE000  }
.Ltmp6:
0x1ca: {  	(pc) =	sbr.rel .LBB2_8-.Ltmp6, $3  }
0x1cb: {  	_ =	sdelay $0x1  }
0x1cc: {  	s12 =	simm.s32 $0x80;
	s31 =	sadd.s32 $0x80, s31  }
0x1cd: {  	[tilespmem:s20], [sflag:$0x3] =	stream.indirect.gather [hbm4b:s1+s17], $0x80, s12, s17, $0xb8;
	[tilespmem:$0x1F400] =	vst v63  }
.LBB2_11:
0x1ce: {  	_ =	sfence.sel $0x180000  }
0x1cf: {  	[bflag:$0x0] =	sbarrier.arrive $0xFFFF  }
0x1d0: {  	_ =	strace $0x90000047  }
0x1d1: {  	s0 =	stileid.u32;
	[bflag:$0x2] =	sbarrier.arrive $0xFFFF  }
0x1d2: {  	p0 =	sne.s32 s0, $0x0;
	s0 =	rddreg [dreg:$0x5]  }
0x1d3: {  	s0 =	sadd.s32 @!p0 $0x100000, s0  }
0x1d4: {  	[sflag:s0] =	ssyncadd.tile.s32 @!p0 $0x1;
	_ =	shalt  }
.Lfunc_end2:
_tile_overlayer_lowered:
.L_overlay_start_2:
0x1d5: {  	(tag) =	ssettag $0x2  }
0x1d6: {  	s0 =	rddreg [dreg:$0x0];
	s2 =	stileid.u32  }
0x1d7: {  	s1 =	rddreg [dreg:$0x1];
	p0 =	sne.s32 s2, $0x0  }
0x1d8: {  	s3 =	rddreg [dreg:$0x2];
	[bflag:$0x3] =	sbarrier.arrive $0xFFFF;
	s2 =	simm.s32 @!p0 $0x1C0B  }
0x1d9: {  	[timem:s3], [sflag:s2] =	dma.local @!p0 [hbm:s0], s1  }
0x1da: {  	s0 =	simm.s32 @!p0 $0xB  }
0x1db: {  	_ =	swait.ge @!p0 [sflag:s0], s1  }
0x1dc: {  	s1 =	ssub.s32 @!p0 $0x0, s1;
	[sflag:s0] =	ssyncset.done @!p0 $0x0  }
0x1dd: {  	[sflag:s0] =	ssyncadd.s32 @!p0 s1  }
0x1de: {  	[bflag:$0x3] =	sbarrier.arrive $0xFFFF  }
0x1df: {  	_ =	shalt  }

// kernel: kernel.9.cloned.1.call-start
scs
__scs_entry_jumppad:
0x0: {  	(pc) =	sbr.rel $0x88, $3  }
0x1: {  	(tag) =	ssettag $0x0;
	lr =	simm.s32 $0x1  }
0x2: {  	[smem:$0x3F99] =	sst lr;
	_ =	strace $0xD0000000  }
0x3: {  	_ = 	snop  }
0x4: {  	_ = 	snop  }
0x5: {  	_ = 	snop  }
0x6: {  	_ = 	snop  }
0x7: {  	_ = 	snop  }
__scs_overlays_trampoline_lowered:
0x8: {  	[smem:$0x3FA8] =	sst s0  }
0x9: {  	[smem:$0x3FA9] =	sst s1  }
0xa: {  	[smem:$0x3FAA] =	sst s2  }
0xb: {  	[smem:$0x3FAB] =	sst s3  }
0xc: {  	[smem:$0x3FAC] =	sst s4  }
0xd: {  	[smem:$0x3FAD] =	sst s5  }
0xe: {  	[smem:$0x3FAE] =	sst s6  }
0xf: {  	[smem:$0x3FAF] =	sst s7  }
0x10: {  	[smem:$0x3FB0] =	sst s8  }
0x11: {  	[smem:$0x3FB1] =	sst s9;
	s0 =	simm.s32 @!p0 $0x0  }
0x12: {  	s1 =	sld [smem:$0x3F97];
	s0 =	simm.s32 @p0 $0x1  }
0x13: {  	[smem:$0x3FB2] =	sst s0;
	s0 =	simm.s32 @!p1 $0x0  }
0x14: {  	s2 =	sld [smem:$0x3F96];
	s0 =	simm.s32 @p1 $0x1  }
0x15: {  	[smem:$0x3FB3] =	sst s0;
	s0 =	simm.s32 @!p2 $0x0  }
0x16: {  	s3 =	sld [smem:$0x3FDB];
	s0 =	simm.s32 @p2 $0x1  }
0x17: {  	s4 =	simm.s32 $0x1BF5;
	[smem:$0x3FB5] =	sst s0  }
0x18: {  	s0 =	sld [smem:$0x3F98];
	_ =	swait.ge [sflag:s4], $0x0  }
0x19: {  	s7 =	sld [smem:$0x3F99]  }
0x1a: {  	s8 =	sadd.s32 $0xFFFFE003, lr  }
0x1b: {  	s9 =	sadd.s32 $0xFFFFFEF7, lr;
	s5 =	simm.s32 $0xFFFFFFFF;
	p2 =	slt.u32 s8, $0xFFFFF086  }
0x1c: {  	p1 =	slt.u32 s9, $0xF7A;
	s5 =	simm.s32 @!p2 $0x0  }
0x1d: {  	s5 =	simm.s32 @p1 $0x1;
	p0 =	seq.s32 s7, s2  }
0x1e: {  	s7 =	smul.u32 @!p0 $0xF7A, s2;
	p2 =	seq.s32 @!p0 s5, $0x0  }
0x1f: {  	s9 =	smul.u32 $0xF7A, s1;
	s8 =	simm.s32 @!p0 $0x1BF5;
	p2 =	por !p2, p0  }
0x20: {  	[sflag:s8] =	ssyncset.s32 @!p0 $0xFFFFF086;
	s6 =	sadd.s32 @!p0 s3, s7;
	s7 =	simm.s32 @!p0 $0x108  }
0x21: {  	s3 =	sadd.s32 s3, s9;
	s6 =	sadd.s32 @!p0 $0x88, s6;
	s7 =	simm.s32 @p2 $0x1082  }
0x22: {  	[simem:s7], [sflag:s8] =	dma.local @!p0 [hbm:s6], $0xF7A  }
0x23: {  	s9 =	sor.u32 $0xD0000000, s2;
	s6 =	simm.s32 $0x108;
	_ =	swait.ge @!p0 [sflag:s8], $0x0  }
0x24: {  	s3 =	sadd.s32 $0x88, s3;
	s6 =	simm.s32 @!p1 $0x1082;
	[sflag:s4] =	ssyncset.s32 $0xFFFFF086  }
0x25: {  	[simem:s6], [sflag:s4] =	dma.local [hbm:s3], $0xF7A  }
0x26: {  	[smem:$0x3F99] =	sst s1;
	(tag) =	ssettag s2;
	_ =	strace s9  }
0x27: {  	s1 =	sld [smem:$0x3FA9]  }
0x28: {  	s2 =	sld [smem:$0x3FAA]  }
0x29: {  	s4 =	sld [smem:$0x3FAC]  }
0x2a: {  	p0 =	seq.s32 s5, $0x0;
	s5 =	sld [smem:$0x3FAD]  }
0x2b: {  	s6 =	sld [smem:$0x3FAE]  }
0x2c: {  	s7 =	sld [smem:$0x3FAF]  }
0x2d: {  	s3 =	simm.s32 $0x108;
	s8 =	sld [smem:$0x3FB0]  }
0x2e: {  	s3 =	simm.s32 @!p0 $0x1082;
	s9 =	sld [smem:$0x3FB1]  }
0x2f: {  	lr =	sadd.s32 s0, s3;
	s0 =	sld [smem:$0x3FA8]  }
0x30: {  	s3 =	sld [smem:$0x3FAB]  }
0x31: {  	[smem:$0x3FB4] =	sst s10  }
0x32: {  	s10 =	sld [smem:$0x3FB2];
	_ =	sdelay $0x3  }
0x33: {  	p0 =	seq.s32 s10, $0x1;
	s10 =	sld [smem:$0x3FB4];
	_ =	sdelay $0x3  }
0x34: {  	[smem:$0x3FB4] =	sst s10  }
0x35: {  	s10 =	sld [smem:$0x3FB3];
	_ =	sdelay $0x3  }
0x36: {  	p1 =	seq.s32 s10, $0x1;
	s10 =	sld [smem:$0x3FB4];
	_ =	sdelay $0x3  }
0x37: {  	[smem:$0x3FB4] =	sst s10  }
0x38: {  	s10 =	sld [smem:$0x3FB5]  }
0x39: {  	_ = 	snop;
	(pc) =	sbr.ind lr, $3  }
0x3a: {  	_ = 	snop  }
0x3b: {  	_ = 	snop  }
0x3c: {  	p2 =	seq.s32 s10, $0x1;
	s10 =	sld [smem:$0x3FB4]  }
0x3d: {  	_ =	shalt  }
0x3e: {  	_ =	shalt  }
0x3f: {  	_ =	shalt  }
0x40: {  	_ =	shalt  }
0x41: {  	_ =	shalt  }
0x42: {  	_ =	shalt  }
0x43: {  	_ =	shalt  }
0x44: {  	_ =	shalt  }
0x45: {  	_ =	shalt  }
0x46: {  	_ =	shalt  }
0x47: {  	_ =	shalt  }
0x48: {  	_ =	shalt  }
0x49: {  	_ =	shalt  }
0x4a: {  	_ =	shalt  }
0x4b: {  	_ =	shalt  }
0x4c: {  	_ =	shalt  }
0x4d: {  	_ =	shalt  }
0x4e: {  	_ =	shalt  }
0x4f: {  	_ =	shalt  }
0x50: {  	_ =	shalt  }
0x51: {  	_ =	shalt  }
0x52: {  	_ =	shalt  }
0x53: {  	_ =	shalt  }
0x54: {  	_ =	shalt  }
0x55: {  	_ =	shalt  }
0x56: {  	_ =	shalt  }
0x57: {  	_ =	shalt  }
0x58: {  	_ =	shalt  }
0x59: {  	_ =	shalt  }
0x5a: {  	_ =	shalt  }
0x5b: {  	_ =	shalt  }
0x5c: {  	_ =	shalt  }
0x5d: {  	_ =	shalt  }
0x5e: {  	_ =	shalt  }
0x5f: {  	_ =	shalt  }
0x60: {  	_ =	shalt  }
0x61: {  	_ =	shalt  }
0x62: {  	_ =	shalt  }
0x63: {  	_ =	shalt  }
0x64: {  	_ =	shalt  }
0x65: {  	_ =	shalt  }
0x66: {  	_ =	shalt  }
0x67: {  	_ =	shalt  }
0x68: {  	_ =	shalt  }
0x69: {  	_ =	shalt  }
0x6a: {  	_ =	shalt  }
0x6b: {  	_ =	shalt  }
0x6c: {  	_ =	shalt  }
0x6d: {  	_ =	shalt  }
0x6e: {  	_ =	shalt  }
0x6f: {  	_ =	shalt  }
0x70: {  	_ =	shalt  }
0x71: {  	_ =	shalt  }
0x72: {  	_ =	shalt  }
0x73: {  	_ =	shalt  }
0x74: {  	_ =	shalt  }
0x75: {  	_ =	shalt  }
0x76: {  	_ =	shalt  }
0x77: {  	_ =	shalt  }
0x78: {  	_ =	shalt  }
0x79: {  	_ =	shalt  }
0x7a: {  	_ =	shalt  }
0x7b: {  	_ =	shalt  }
0x7c: {  	_ =	shalt  }
0x7d: {  	_ =	shalt  }
0x7e: {  	_ =	shalt  }
0x7f: {  	_ =	shalt  }
0x80: {  	_ =	shalt  }
0x81: {  	_ =	shalt  }
0x82: {  	_ =	shalt  }
0x83: {  	_ =	shalt  }
0x84: {  	_ =	shalt  }
0x85: {  	_ =	shalt  }
0x86: {  	_ =	shalt  }
0x87: {  	_ =	shalt  }
.Lfunc_end0:
.L_simem_size_0:
called_computation.1_lowered:
.L_overlay_start_0:
0x88: {  	s2 =	sld [smem:$0x3FD9]  }
0x89: {  	s3 =	sld [smem:$0x3FFE];
	_ =	sdelay $0x1  }
0x8a: {  	s1 =	srdreg.scid  }
0x8b: {  	s0 =	sand.u32 $0x1, s1  }
0x8c: {  	s17 =	sshll.u32 s0, $0xA;
	s2 =	sadd.s32 s3, s2  }
0x8d: {  	s2 =	sadd.s32 s2, s17  }
0x8e: {  	[smem:$0x3FC0] =	sst s2  }
0x8f: {  	_ = 	snop  }
0x90: {  	s2 =	sld [smem:$0x3FD0];
	(tm) =	ssettm $0x1  }
0x91: {  	s18 =	sld [smem:$0x3FFB];
	_ =	sdelay $0x3  }
0x92: {  	_ =	strace s18  }
0x93: {  	s3 =	sld [smem:$0x3FFC];
	_ =	sdelay $0x3  }
0x94: {  	_ =	strace s3  }
0x95: {  	s3 =	sld [smem:$0x3FFD];
	_ =	sdelay $0x3  }
0x96: {  	_ =	strace s3  }
0x97: {  	_ =	strace $0x8FFFFFFF  }
0x98: {  	s19 =	sld [smem:$0x3FDB];
	_ =	sdelay $0x1  }
0x99: {  	s4 =	simm.s32 $_scs_section_size  }
0x9a: {  	s5 =	simm.s32 $_size__tile_overlayer_lowered;
	s6 =	simm.s32 $_tile_overlayer_lowered  }
0x9b: {  	s22 =	simm.s32 $0x1BFF;
	s21 =	sshll.u32 s6, $0x1;
	s3 =	sadd.s32 s4, s19  }
0x9c: {  	s7 =	simm.s32 $0x0;
	s20 =	sshll.u32 s5, $0x1;
	s5 =	sadd.s32 s21, s3  }
0x9d: {  	[timem:s7], [sflag:s22] =	dma.local [hbm:s5], s20  }
0x9e: {  	_ =	swait.ge [sflag:s22], s20  }
0x9f: {  	s4 =	ssub.s32 $0x0, s20;
	[sflag:s22] =	ssyncset.done $0x0  }
0xa0: {  	[sflag:s22] =	ssyncadd.s32 s4;
	_ =	sdelay $0x1  }
0xa1: {  	s23 =	simm.s32 $0x1B8B  }
0xa2: {  	_ =	swait.ge [sflag:s23], $0x1  }
0xa3: {  	[sflag:s23] =	ssyncset.done $0x0  }
0xa4: {  	s25 =	simm.s32 $0x1B8E;
	s24 =	sld [smem:$0x3FFE];
	[sflag:s23] =	ssyncadd.s32 $0xFFFFFFFF  }
0xa5: {  	s26 =	simm.s32 $execute0_lowered;
	[smem:$0x3FD2] =	sst s25  }
0xa6: {  	s5 =	sshll.u32 s26, $0x1;
	_ =	strace $0x80000049;
	[dreg:$0x1] =	wrdreg $0xFFFFFFFF  }
0xa7: {  	s28 =	simm.s32 $_size_execute0_lowered;
	s3 =	sadd.s32 s3, s5;
	[dreg:$0x0] =	wrdreg $0x0  }
0xa8: {  	s5 =	sshll.u32 s28, $0x1;
	[dreg:$0x2] =	wrdreg s3  }
0xa9: {  	[dreg:$0x3] =	wrdreg s5  }
0xaa: {  	[dreg:$0x4] =	wrdreg $0xC0  }
0xab: {  	_ =	task [dreg:s7], $0x5FFFF  }
0xac: {  	[dreg:$0x1] =	wrdreg $0xFFFFFFFF  }
0xad: {  	[dreg:$0x0] =	wrdreg $0x60  }
0xae: {  	[dreg:$0x2] =	wrdreg s2  }
0xaf: {  	[dreg:$0x3] =	wrdreg s24  }
0xb0: {  	[dreg:$0x4] =	wrdreg $0x90000  }
0xb1: {  	[dreg:$0x5] =	wrdreg $0x9  }
0xb2: {  	_ =	task.clear_ibuf [dreg:s7], $0x6FFFF;
	_ =	strace $0x90000049  }
0xb3: {  	s29 =	simm.s32 $0x9;
	_ =	strace $0x8000004B  }
0xb4: {  	_ =	swait.ge [sflag:s29], $0x1  }
0xb5: {  	[sflag:s29] =	ssyncadd.s32 $0xFFFFFFFF  }
0xb6: {  	_ =	strace $0x9000004B  }
0xb7: {  	_ =	sfence  }
0xb8: {  	s30 =	sld [smem:$0x0];
	_ =	sdelay $0x2  }
0xb9: {  	s31 =	sshll.u32 s1, $0xD;
	s1 =	sshrl.u32 s1, $0x2  }
0xba: {  	s3 =	sand.u32 $0x4000, s31;
	s1 =	sadd.s32 s1, s30  }
0xbb: {  	s0 =	sor.u32 s3, s0;
	s1 =	sshll.u32 s1, $0x11  }
0xbc: {  	s0 =	sor.u32 s1, s0  }
0xbd: {  	s0 =	sadd.s32 $0x8F2B, s0  }
0xbe: {  	[sflag:s0] =	ssyncadd.remote.s32 $0x1  }
0xbf: {  	_ =	sfence.sel $0xFFFF  }
0xc0: {  	[dreg:$0x0] =	wrdreg $0xFFFFFFFF;
	(pc) =	sbr.abs _section_cstart, $3  }
0xc1: {  	[dreg:$0x1] =	wrdreg $0xFFFFFFFF  }
0xc2: {  	_ =	task.clear_ibuf [dreg:s7], $0x2FFFF;
	_ =	strace $0x9FFFFFFF  }
0xc3: {  	(tm) =	ssettm $0x7FFFFFFF  }
tec
execute0_lowered:
.L_overlay_start_1:
0x0: {  	(tag) =	ssettag $0x1  }
0x1: {  	s0 =	rddreg [dreg:$0x0]  }
0x2: {  	s1 =	rddreg [dreg:$0x1]  }
0x3: {  	s2 =	rddreg [dreg:$0x2]  }
0x4: {  	s4 =	srdreg.scid;
	s12 =	stileid.u32  }
0x5: {  	s3 =	simm.s32 $0x0;
	s28 =	simm.s32 $0x1;
	s30 =	simm.s32 $0x7000  }
0x6: {  	s31 =	simm.s32 $0x2;
	s13 =	simm.s32 $0x7;
	s6 =	smul.u32 $0xA000, s12  }
0x7: {  	s29 =	simm.s32 $0xF80;
	s5 =	sand.u32 $0x1, s4;
	s11 =	smul.u32 $0x28000, s12  }
0x8: {  	[smem:$0x7FF] =	sst s3;
	s7 =	sadd.s32 $0x1600, s1;
	s18 =	smul.u32 $0x50, s12  }
0x9: {  	s4 =	smul.u32 $0xA0000, s5;
	_ =	strace $0x8000004A;
	s8 =	ssub.s32 $0x2, s5  }
0xa: {  	s16 =	sshll.u32 s5, $0x4;
	s5 =	smul.u32 $0x500, s5;
	s10 =	sshrl.u32 s8, $0x1  }
0xb: {  	s17 =	sshrl.u32 s11, $0x2;
	s11 =	simm.s32 $0x4;
	s4 =	sadd.s32 s6, s4  }
0xc: {  	s8 =	ssub.s32 s8, s10;
	s10 =	sadd.s32 s17, s2;
	s5 =	sadd.s32 s18, s5  }
0xd: {  	s18 =	simm.s32 $0x1000;
	s9 =	sshrl.u32 s4, $0x3;
	s4 =	sadd.s32 $0xB600, s1  }
0xe: {  	s19 =	sadd.s32 $0x2000, s10;
	s21 =	sadd.s32 $0x4000, s10;
	s22 =	sadd.s32 $0x6000, s10  }
0xf: {  	s23 =	sadd.s32 $0x8000, s10;
	s5 =	sshll.u32 s5, $0x4;
	[dreg:$0x5] =	wrdreg s19  }
0x10: {  	s26 =	smax.u32 s8, $0x1;
	s10 =	simm.s32 $0x0;
	[dreg:$0x6] =	wrdreg s21  }
0x11: {  	s1 =	sadd.s32 s9, s1;
	s9 =	sor.u32 s12, s16;
	[dreg:$0x7] =	wrdreg s22  }
0x12: {  	s12 =	sadd.s32 s6, s2;
	[dreg:$0x8] =	wrdreg s23;
	s25 =	sadd.s32 $0x100, s5  }
0x13: {  	[dreg:$0xc] =	wrdreg s26;
	s5 =	sor.u32 $0x80, s5;
	s21 =	simm.s32 $0x80  }
0x14: {  	s22 =	simm.s32 $0x3000;
	s26 =	simm.s32 $0xC00;
	s23 =	simm.s32 $0x8  }
0x15: {  	s19 =	simm.s32 $0xE80;
	s20 =	smul.u32 $0x500, s9;
	s1 =	sadd.s32 $0x1F000, s1  }
0x16: {  	s14 =	sadd.s32 s25, s0;
	s15 =	sadd.s32 s25, s7;
	s16 =	sadd.s32 s5, s0  }
.Ltmp0:
0x17: {  	s17 =	sadd.s32 s5, s7;
	s25 =	simm.s32 $0x400;
	(pc) =	sbr.rel .LBB2_1-.Ltmp0, $4  }
0x18: {  	s9 =	simm.s32 $0x6;
	s5 =	simm.s32 $0x780;
	[dreg:$0x4] =	wrdreg s12  }
0x19: {  	[dreg:$0xb] =	wrdreg s1;
	s1 =	simm.s32 $0x5;
	s24 =	sadd.s32 s0, s20  }
0x1a: {  	s6 =	sadd.s32 s7, s20;
	s7 =	simm.s32 $0x3;
	[dreg:$0x9] =	wrdreg s24  }
0x1b: {  	v0 =	vimm.f32 $0.0e+00;
	s0 =	simm.s32 $0x9;
	[dreg:$0xa] =	wrdreg s6;
	s24 =	simm.s32 $0x5000  }
.LBB2_6:
0x1c: {  	_ =	swait.ge [sflag:s23], $0x2000  }
0x1d: {  	[sflag:s23] =	ssyncset.done $0x0  }
0x1e: {  	[sflag:s23] =	ssyncadd.s32 $0xFFFFE000  }
0x1f: {  	s6 =	stileid.u32;
	[bflag:$0x0] =	sbarrier.arrive $0xFFFF  }
0x20: {  	s6 =	sshll.u32 s6, $0x6;
	s12 =	rddreg [dreg:$0x4]  }
0x21: {  	s6 =	sor.u32 $0x1C0A, s6;
	s10 =	rddreg [dreg:$0xb];
	s8 =	sshrl.u32 s12, $0x3  }
0x22: {  	[hbm:s10], [sflag:s6] =	dma.local [spmem:s8], $0x1400  }
0x23: {  	s8 =	simm.s32 $0xA  }
0x24: {  	_ =	swait.ge [sflag:s8], $0x1400  }
0x25: {  	s6 =	rddreg [dreg:$0xd]  }
0x26: {  	s20 =	rddreg [dreg:$0xc];
	s10 =	sadd.s32 $0x1, s6  }
0x27: {  	p0 =	sne.s32 s10, s20  }
.Ltmp1:
0x28: {  	_ = 	snop;
	(pc) =	sbr.rel @!p0 .LBB2_7-.Ltmp1, $3  }
0x29: {  	_ =	sdelay $0x1  }
0x2a: {  	[sflag:s8] =	ssyncset.done $0x0  }
0x2b: {  	[sflag:s8] =	ssyncadd.s32 $0xFFFFEC00  }
.LBB2_1:
0x2c: {  	s6 =	sand.u32 $0x7F00, s3  }
0x2d: {  	[dreg:$0xd] =	wrdreg s10;
	s8 =	sand.u32 $0x30, s3;
	s20 =	sshrl.u32 s6, $0x2  }
0x2e: {  	s6 =	simm.s32 $0x40;
	s8 =	sor.u32 s8, s20;
	s20 =	simm.s32 $0x0  }
.LBB2_2:
0x2f: {  	p0 =	sne.s32 s6, $0x7FC0  }
0x30: {  	[tilespmem:s8+$0x1000] =	vst v0;
	s20 =	sadd.s32 $0x10, s20;
	s8 =	smov.u32 s6;
	s6 =	sadd.s32 $0x40, s6  }
.Ltmp2:
0x31: {  	(pc) =	sbr.rel @p0 .LBB2_2-.Ltmp2, $4  }
0x32: {  	_ = 	snop  }
0x33: {  	s8 =	sand.u32 $0x7F00, s8  }
0x34: {  	s10 =	sand.u32 $0x30, s20;
	s8 =	sshrl.u32 s8, $0x2  }
0x35: {  	s8 =	sor.u32 s10, s8  }
0x36: {  	[tilespmem:s8+$0x1000] =	vst v0;
	s8 =	simm.s32 $0xA  }
0x37: {  	[spmem:s12] =	stream.linear.scatter [tilespmem:s18], [sflag:$0xA], $0x2000, $0x38;
	[tilespmem:$0x13000] =	vst v63  }
0x38: {  	_ =	swait.ge [sflag:s8], $0x2000  }
0x39: {  	[sflag:s8] =	ssyncset.done $0x0  }
0x3a: {  	s6 =	rddreg [dreg:$0x5];
	[sflag:s8] =	ssyncadd.s32 $0xFFFFE000  }
0x3b: {  	[spmem:s6] =	stream.linear.scatter [tilespmem:s18], [sflag:$0xA], $0x2000, $0x38;
	[tilespmem:$0x13000] =	vst v63  }
0x3c: {  	_ =	swait.ge [sflag:s8], $0x2000  }
0x3d: {  	[sflag:s8] =	ssyncset.done $0x0  }
0x3e: {  	s10 =	rddreg [dreg:$0x6];
	[sflag:s8] =	ssyncadd.s32 $0xFFFFE000  }
0x3f: {  	[spmem:s10] =	stream.linear.scatter [tilespmem:s18], [sflag:$0xA], $0x2000, $0x38;
	[tilespmem:$0x13000] =	vst v63  }
0x40: {  	_ =	swait.ge [sflag:s8], $0x2000  }
0x41: {  	[sflag:s8] =	ssyncset.done $0x0  }
0x42: {  	s12 =	rddreg [dreg:$0x7];
	[sflag:s8] =	ssyncadd.s32 $0xFFFFE000  }
0x43: {  	[spmem:s12] =	stream.linear.scatter [tilespmem:s18], [sflag:$0xA], $0x2000, $0x38;
	[tilespmem:$0x13000] =	vst v63  }
0x44: {  	_ =	swait.ge [sflag:s8], $0x2000  }
0x45: {  	[sflag:s8] =	ssyncset.done $0x0  }
0x46: {  	s20 =	rddreg [dreg:$0x8];
	[sflag:s8] =	ssyncadd.s32 $0xFFFFE000  }
0x47: {  	[spmem:s20] =	stream.linear.scatter [tilespmem:s18], [sflag:$0xA], $0x2000, $0x38;
	[tilespmem:$0x13000] =	vst v63  }
0x48: {  	_ =	swait.ge [sflag:s8], $0x2000  }
0x49: {  	[sflag:s8] =	ssyncset.done $0x0  }
0x4a: {  	[sflag:s8] =	ssyncadd.s32 $0xFFFFE000  }
0x4b: {  	[bflag:$0x0] =	sbarrier.arrive $0xFFFF  }
0x4c: {  	s20 =	simm.s32 $0x0;
	s10 =	rddreg [dreg:$0x9]  }
0x4d: {  	[tilespmem:s20], [sflag:$0xA] =	stream.linear.gather [hbm4b:s10+s20], $0x400, $0x38;
	[tilespmem:$0x13000] =	vst v63  }
0x4e: {  	_ =	swait.ge [sflag:s8], $0x400  }
0x4f: {  	[sflag:s8] =	ssyncset.done $0x0  }
0x50: {  	s10 =	simm.s32 $0x800;
	s12 =	rddreg [dreg:$0xa];
	[sflag:s8] =	ssyncadd.s32 $0xFFFFFC00  }
0x51: {  	[tilespmem:s10], [sflag:$0xA] =	stream.linear.gather [hbm4b:s12+s20], $0x400, $0x38;
	[tilespmem:$0x13000] =	vst v63  }
0x52: {  	_ =	swait.ge [sflag:s8], $0x400  }
0x53: {  	[sflag:s8] =	ssyncset.done $0x0  }
0x54: {  	[sflag:s8] =	ssyncadd.s32 $0xFFFFFC00  }
0x55: {  	[tilespmem:s18], [sflag:$0x1] =	stream.indirect.gather [hbm4b:s4+s21], $0x40, s20, s21, $0xb8;
	[tilespmem:$0x13000] =	vst v63  }
0x56: {  	_ = 	snop  }
0x57: {  	[tilespmem:s22], [sflag:$0x2] =	stream.indirect.gather [hbm4b:s4+s21], $0x40, s21, s21, $0xb8;
	[tilespmem:$0x13000] =	vst v63  }
0x58: {  	s12 =	simm.s32 $0x100  }
0x59: {  	[tilespmem:s24], [sflag:$0x3] =	stream.indirect.gather [hbm4b:s4+s21], $0x40, s12, s21, $0xb8;
	[tilespmem:$0x13000] =	vst v63  }
.LBB2_4:
0x5a: {  	p0 =	seq.s32 s20, $0x0  }
0x5b: {  	s6 =	simm.s32 @!p0 $0x8  }
0x5c: {  	_ =	swait.ge @!p0 [sflag:s6], $0x2000  }
0x5d: {  	[sflag:s6] =	ssyncset.done @!p0 $0x0  }
0x5e: {  	s12 =	sadd.s32 s20, s16;
	[sflag:s6] =	ssyncadd.s32 @!p0 $0xFFFFE000  }
0x5f: {  	[tilespmem:s25], [sflag:$0x9] =	stream.linear.gather [hbm4b:s12+s3], $0x400, $0x38;
	[tilespmem:$0x13000] =	vst v63  }
0x60: {  	s8 =	sadd.s32 s20, s17  }
0x61: {  	[tilespmem:s26], [sflag:$0x9] =	stream.linear.gather [hbm4b:s8+s3], $0x400, $0x38;
	[tilespmem:$0x13000] =	vst v63  }
0x62: {  	_ =	swait.ge [sflag:s28], $0x2000  }
0x63: {  	[sflag:s28] =	ssyncset.done $0x0  }
0x64: {  	s10 =	simm.s32 $0x800;
	[sflag:s28] =	ssyncadd.s32 $0xFFFFE000  }
0x65: {  	[spmem:s2] =	stream.indirect.scatter.add.f32 [tilespmem:s18], [sflag:$0x5], $0x40, s10, s21, $0xb8;
	[tilespmem:$0x13000] =	vst v63  }
0x66: {  	s12 =	simm.s32 $0x180  }
0x67: {  	[tilespmem:s30], [sflag:$0x4] =	stream.indirect.gather [hbm4b:s4+s21], $0x40, s12, s21, $0xb8;
	[tilespmem:$0x13000] =	vst v63  }
0x68: {  	_ =	swait.ge [sflag:s31], $0x2000  }
0x69: {  	[sflag:s31] =	ssyncset.done $0x0  }
0x6a: {  	s8 =	simm.s32 $0x880;
	[sflag:s31] =	ssyncadd.s32 $0xFFFFE000  }
0x6b: {  	[spmem:s2] =	stream.indirect.scatter.add.f32 [tilespmem:s22], [sflag:$0x6], $0x40, s8, s21, $0xb8;
	[tilespmem:$0x13000] =	vst v63  }
0x6c: {  	_ =	swait.ge [sflag:s1], $0x2000  }
0x6d: {  	[sflag:s1] =	ssyncset.done $0x0  }
0x6e: {  	s10 =	simm.s32 $0x200;
	[sflag:s1] =	ssyncadd.s32 $0xFFFFE000  }
0x6f: {  	[tilespmem:s18], [sflag:$0x1] =	stream.indirect.gather [hbm4b:s4+s21], $0x40, s10, s21, $0xb8;
	[tilespmem:$0x13000] =	vst v63  }
0x70: {  	_ =	swait.ge [sflag:s7], $0x2000  }
0x71: {  	[sflag:s7] =	ssyncset.done $0x0  }
0x72: {  	s12 =	simm.s32 $0x900;
	[sflag:s7] =	ssyncadd.s32 $0xFFFFE000  }
0x73: {  	[spmem:s2] =	stream.indirect.scatter.add.f32 [tilespmem:s24], [sflag:$0x7], $0x40, s12, s21, $0xb8;
	[tilespmem:$0x13000] =	vst v63  }
0x74: {  	_ =	swait.ge [sflag:s9], $0x2000  }
0x75: {  	[sflag:s9] =	ssyncset.done $0x0  }
0x76: {  	s8 =	simm.s32 $0x280;
	[sflag:s9] =	ssyncadd.s32 $0xFFFFE000  }
0x77: {  	[tilespmem:s22], [sflag:$0x2] =	stream.indirect.gather [hbm4b:s4+s21], $0x40, s8, s21, $0xb8;
	[tilespmem:$0x13000] =	vst v63  }
0x78: {  	_ =	swait.ge [sflag:s11], $0x2000  }
0x79: {  	[sflag:s11] =	ssyncset.done $0x0  }
0x7a: {  	s10 =	simm.s32 $0x980;
	[sflag:s11] =	ssyncadd.s32 $0xFFFFE000  }
0x7b: {  	[spmem:s2] =	stream.indirect.scatter.add.f32 [tilespmem:s30], [sflag:$0x8], $0x40, s10, s21, $0xb8;
	[tilespmem:$0x13000] =	vst v63  }
0x7c: {  	_ =	swait.ge [sflag:s13], $0x2000  }
0x7d: {  	[sflag:s13] =	ssyncset.done $0x0  }
0x7e: {  	s12 =	simm.s32 $0x300;
	[sflag:s13] =	ssyncadd.s32 $0xFFFFE000  }
0x7f: {  	[tilespmem:s24], [sflag:$0x3] =	stream.indirect.gather [hbm4b:s4+s21], $0x40, s12, s21, $0xb8;
	[tilespmem:$0x13000] =	vst v63  }
0x80: {  	_ =	swait.ge [sflag:s28], $0x2000  }
0x81: {  	[sflag:s28] =	ssyncset.done $0x0  }
0x82: {  	s8 =	simm.s32 $0xA00;
	[sflag:s28] =	ssyncadd.s32 $0xFFFFE000  }
0x83: {  	[spmem:s2] =	stream.indirect.scatter.add.f32 [tilespmem:s18], [sflag:$0x5], $0x40, s8, s21, $0xb8;
	[tilespmem:$0x13000] =	vst v63  }
0x84: {  	_ =	swait.ge [sflag:s23], $0x2000  }
0x85: {  	[sflag:s23] =	ssyncset.done $0x0  }
0x86: {  	s10 =	simm.s32 $0x380;
	[sflag:s23] =	ssyncadd.s32 $0xFFFFE000  }
0x87: {  	[tilespmem:s30], [sflag:$0x4] =	stream.indirect.gather [hbm4b:s4+s21], $0x40, s10, s21, $0xb8;
	[tilespmem:$0x13000] =	vst v63  }
0x88: {  	_ =	swait.ge [sflag:s31], $0x2000  }
0x89: {  	[sflag:s31] =	ssyncset.done $0x0  }
0x8a: {  	s12 =	simm.s32 $0xA80;
	[sflag:s31] =	ssyncadd.s32 $0xFFFFE000  }
0x8b: {  	[spmem:s2] =	stream.indirect.scatter.add.f32 [tilespmem:s22], [sflag:$0x6], $0x40, s12, s21, $0xb8;
	[tilespmem:$0x13000] =	vst v63  }
0x8c: {  	_ =	swait.ge [sflag:s1], $0x2000  }
0x8d: {  	[sflag:s1] =	ssyncset.done $0x0  }
0x8e: {  	[sflag:s1] =	ssyncadd.s32 $0xFFFFE000  }
0x8f: {  	_ =	swait.ge [sflag:s0], $0x400  }
0x90: {  	[sflag:s0] =	ssyncset.done $0x0  }
0x91: {  	[sflag:s0] =	ssyncadd.s32 $0xFFFFFC00  }
0x92: {  	_ =	swait.ge [sflag:s0], $0x400  }
0x93: {  	[sflag:s0] =	ssyncset.done $0x0  }
0x94: {  	[sflag:s0] =	ssyncadd.s32 $0xFFFFFC00  }
0x95: {  	[tilespmem:s18], [sflag:$0x1] =	stream.indirect.gather [hbm4b:s4+s21], $0x40, s25, s21, $0xb8;
	[tilespmem:$0x13000] =	vst v63  }
0x96: {  	_ =	swait.ge [sflag:s7], $0x2000  }
0x97: {  	[sflag:s7] =	ssyncset.done $0x0  }
0x98: {  	s8 =	simm.s32 $0xB00;
	[sflag:s7] =	ssyncadd.s32 $0xFFFFE000  }
0x99: {  	[spmem:s2] =	stream.indirect.scatter.add.f32 [tilespmem:s24], [sflag:$0x7], $0x40, s8, s21, $0xb8;
	[tilespmem:$0x13000] =	vst v63  }
0x9a: {  	_ =	swait.ge [sflag:s9], $0x2000  }
0x9b: {  	[sflag:s9] =	ssyncset.done $0x0  }
0x9c: {  	s10 =	simm.s32 $0x480;
	[sflag:s9] =	ssyncadd.s32 $0xFFFFE000  }
0x9d: {  	[tilespmem:s22], [sflag:$0x2] =	stream.indirect.gather [hbm4b:s4+s21], $0x40, s10, s21, $0xb8;
	[tilespmem:$0x13000] =	vst v63  }
0x9e: {  	_ =	swait.ge [sflag:s11], $0x2000  }
0x9f: {  	[sflag:s11] =	ssyncset.done $0x0  }
0xa0: {  	s12 =	simm.s32 $0xB80;
	[sflag:s11] =	ssyncadd.s32 $0xFFFFE000  }
0xa1: {  	[spmem:s2] =	stream.indirect.scatter.add.f32 [tilespmem:s30], [sflag:$0x8], $0x40, s12, s21, $0xb8;
	[tilespmem:$0x13000] =	vst v63  }
0xa2: {  	_ =	swait.ge [sflag:s13], $0x2000  }
0xa3: {  	[sflag:s13] =	ssyncset.done $0x0  }
0xa4: {  	s8 =	simm.s32 $0x500;
	[sflag:s13] =	ssyncadd.s32 $0xFFFFE000  }
0xa5: {  	[tilespmem:s24], [sflag:$0x3] =	stream.indirect.gather [hbm4b:s4+s21], $0x40, s8, s21, $0xb8;
	[tilespmem:$0x13000] =	vst v63  }
0xa6: {  	_ =	swait.ge [sflag:s23], $0x2000  }
0xa7: {  	p0 =	seq.s32 s20, $0x400;
	[sflag:s23] =	ssyncset.done $0x0  }
0xa8: {  	s6 =	simm.s32 @!p0 $0x0;
	s8 =	sadd.s32 @!p0 s20, s14;
	[sflag:s23] =	ssyncadd.s32 $0xFFFFE000  }
0xa9: {  	[tilespmem:s6], [sflag:$0x9] =	stream.linear.gather @!p0 [hbm4b:s8+s6], $0x400, $0x38;
	[tilespmem:$0x13000] =	vst v63  }
0xaa: {  	s10 =	simm.s32 @!p0 $0x800;
	s8 =	sadd.s32 @!p0 s20, s15  }
0xab: {  	[tilespmem:s10], [sflag:$0x9] =	stream.linear.gather @!p0 [hbm4b:s8+s6], $0x400, $0x38;
	[tilespmem:$0x13000] =	vst v63  }
0xac: {  	_ =	swait.ge [sflag:s28], $0x2000  }
0xad: {  	[sflag:s28] =	ssyncset.done $0x0  }
0xae: {  	[sflag:s28] =	ssyncadd.s32 $0xFFFFE000  }
0xaf: {  	[spmem:s2] =	stream.indirect.scatter.add.f32 [tilespmem:s18], [sflag:$0x5], $0x40, s26, s21, $0xb8;
	[tilespmem:$0x13000] =	vst v63  }
0xb0: {  	s10 =	simm.s32 $0x580  }
0xb1: {  	[tilespmem:s30], [sflag:$0x4] =	stream.indirect.gather [hbm4b:s4+s21], $0x40, s10, s21, $0xb8;
	[tilespmem:$0x13000] =	vst v63  }
0xb2: {  	_ =	swait.ge [sflag:s31], $0x2000  }
0xb3: {  	[sflag:s31] =	ssyncset.done $0x0  }
0xb4: {  	s12 =	simm.s32 $0xC80;
	[sflag:s31] =	ssyncadd.s32 $0xFFFFE000  }
0xb5: {  	[spmem:s2] =	stream.indirect.scatter.add.f32 [tilespmem:s22], [sflag:$0x6], $0x40, s12, s21, $0xb8;
	[tilespmem:$0x13000] =	vst v63  }
0xb6: {  	_ =	swait.ge [sflag:s1], $0x2000  }
0xb7: {  	[sflag:s1] =	ssyncset.done $0x0  }
0xb8: {  	s10 =	simm.s32 $0x600;
	[sflag:s1] =	ssyncadd.s32 $0xFFFFE000  }
0xb9: {  	[tilespmem:s18], [sflag:$0x1] =	stream.indirect.gather [hbm4b:s4+s21], $0x40, s10, s21, $0xb8;
	[tilespmem:$0x13000] =	vst v63  }
0xba: {  	_ =	swait.ge [sflag:s7], $0x2000  }
0xbb: {  	[sflag:s7] =	ssyncset.done $0x0  }
0xbc: {  	s12 =	simm.s32 $0xD00;
	[sflag:s7] =	ssyncadd.s32 $0xFFFFE000  }
0xbd: {  	[spmem:s2] =	stream.indirect.scatter.add.f32 [tilespmem:s24], [sflag:$0x7], $0x40, s12, s21, $0xb8;
	[tilespmem:$0x13000] =	vst v63  }
0xbe: {  	_ =	swait.ge [sflag:s9], $0x2000  }
0xbf: {  	[sflag:s9] =	ssyncset.done $0x0  }
0xc0: {  	s10 =	simm.s32 $0x680;
	[sflag:s9] =	ssyncadd.s32 $0xFFFFE000  }
0xc1: {  	[tilespmem:s22], [sflag:$0x2] =	stream.indirect.gather [hbm4b:s4+s21], $0x40, s10, s21, $0xb8;
	[tilespmem:$0x13000] =	vst v63  }
0xc2: {  	_ =	swait.ge [sflag:s11], $0x2000  }
0xc3: {  	[sflag:s11] =	ssyncset.done $0x0  }
0xc4: {  	s12 =	simm.s32 $0xD80;
	[sflag:s11] =	ssyncadd.s32 $0xFFFFE000  }
0xc5: {  	[spmem:s2] =	stream.indirect.scatter.add.f32 [tilespmem:s30], [sflag:$0x8], $0x40, s12, s21, $0xb8;
	[tilespmem:$0x13000] =	vst v63  }
0xc6: {  	_ =	swait.ge [sflag:s13], $0x2000  }
0xc7: {  	[sflag:s13] =	ssyncset.done $0x0  }
0xc8: {  	s10 =	simm.s32 $0x700;
	[sflag:s13] =	ssyncadd.s32 $0xFFFFE000  }
0xc9: {  	[tilespmem:s24], [sflag:$0x3] =	stream.indirect.gather [hbm4b:s4+s21], $0x40, s10, s21, $0xb8;
	[tilespmem:$0x13000] =	vst v63  }
0xca: {  	_ =	swait.ge [sflag:s28], $0x2000  }
0xcb: {  	[sflag:s28] =	ssyncset.done $0x0  }
0xcc: {  	s12 =	simm.s32 $0xE00;
	[sflag:s28] =	ssyncadd.s32 $0xFFFFE000  }
0xcd: {  	[spmem:s2] =	stream.indirect.scatter.add.f32 [tilespmem:s18], [sflag:$0x5], $0x40, s12, s21, $0xb8;
	[tilespmem:$0x13000] =	vst v63  }
0xce: {  	_ =	swait.ge [sflag:s23], $0x2000  }
0xcf: {  	[sflag:s23] =	ssyncset.done $0x0  }
0xd0: {  	[sflag:s23] =	ssyncadd.s32 $0xFFFFE000  }
0xd1: {  	[tilespmem:s30], [sflag:$0x4] =	stream.indirect.gather [hbm4b:s4+s21], $0x40, s5, s21, $0xb8;
	[tilespmem:$0x13000] =	vst v63  }
0xd2: {  	_ =	swait.ge [sflag:s31], $0x2000  }
0xd3: {  	[sflag:s31] =	ssyncset.done $0x0  }
0xd4: {  	[sflag:s31] =	ssyncadd.s32 $0xFFFFE000  }
0xd5: {  	[spmem:s2] =	stream.indirect.scatter.add.f32 [tilespmem:s22], [sflag:$0x6], $0x40, s19, s21, $0xb8;
	[tilespmem:$0x13000] =	vst v63  }
0xd6: {  	_ =	swait.ge [sflag:s1], $0x2000  }
0xd7: {  	[sflag:s1] =	ssyncset.done $0x0  }
0xd8: {  	s8 =	simm.s32 @p0 $0x3;
	[sflag:s1] =	ssyncadd.s32 $0xFFFFE000  }
0xd9: {  	_ =	swait.ge @p0 [sflag:s8], $0x2000  }
0xda: {  	s10 =	simm.s32 @p0 $0xF00;
	[sflag:s8] =	ssyncset.done @p0 $0x0  }
0xdb: {  	s12 =	simm.s32 @p0 $0x5000;
	[sflag:s8] =	ssyncadd.s32 @p0 $0xFFFFE000;
	s8 =	simm.s32 @p0 $0x80  }
0xdc: {  	[spmem:s2] =	stream.indirect.scatter.add.f32 @p0 [tilespmem:s12], [sflag:$0x7], $0x40, s10, s8, $0xb8;
	[tilespmem:$0x13000] =	vst v63  }
0xdd: {  	s8 =	simm.s32 @p0 $0x6  }
0xde: {  	_ =	swait.ge @p0 [sflag:s8], $0x2000  }
0xdf: {  	[sflag:s8] =	ssyncset.done @p0 $0x0  }
0xe0: {  	[sflag:s8] =	ssyncadd.s32 @p0 $0xFFFFE000;
	s8 =	simm.s32 @!p0 $0x9  }
0xe1: {  	_ =	swait.ge @!p0 [sflag:s8], $0x400  }
0xe2: {  	[sflag:s8] =	ssyncset.done @!p0 $0x0  }
0xe3: {  	[sflag:s8] =	ssyncadd.s32 @!p0 $0xFFFFFC00  }
0xe4: {  	_ =	swait.ge @!p0 [sflag:s8], $0x400  }
0xe5: {  	[sflag:s8] =	ssyncset.done @!p0 $0x0  }
0xe6: {  	s10 =	simm.s32 @!p0 $0x1000;
	[sflag:s8] =	ssyncadd.s32 @!p0 $0xFFFFFC00;
	s8 =	simm.s32 @!p0 $0x80  }
0xe7: {  	[tilespmem:s10], [sflag:$0x1] =	stream.indirect.gather @!p0 [hbm4b:s4+s8], $0x40, s6, s8, $0xb8;
	[tilespmem:$0x13000] =	vst v63  }
0xe8: {  	s6 =	simm.s32 @!p0 $0x3  }
0xe9: {  	_ =	swait.ge @!p0 [sflag:s6], $0x2000  }
0xea: {  	[sflag:s6] =	ssyncset.done @!p0 $0x0  }
0xeb: {  	s10 =	simm.s32 @!p0 $0x5000;
	[sflag:s6] =	ssyncadd.s32 @!p0 $0xFFFFE000;
	s6 =	simm.s32 @!p0 $0xF00  }
0xec: {  	[spmem:s2] =	stream.indirect.scatter.add.f32 @!p0 [tilespmem:s10], [sflag:$0x7], $0x40, s6, s8, $0xb8;
	[tilespmem:$0x13000] =	vst v63  }
0xed: {  	s6 =	simm.s32 @!p0 $0x6  }
0xee: {  	_ =	swait.ge @!p0 [sflag:s6], $0x2000  }
0xef: {  	[sflag:s6] =	ssyncset.done @!p0 $0x0  }
0xf0: {  	[sflag:s6] =	ssyncadd.s32 @!p0 $0xFFFFE000;
	s6 =	simm.s32 @!p0 $0x3000  }
0xf1: {  	[tilespmem:s6], [sflag:$0x2] =	stream.indirect.gather @!p0 [hbm4b:s4+s8], $0x40, s8, s8, $0xb8;
	[tilespmem:$0x13000] =	vst v63  }
0xf2: {  	_ =	swait.ge [sflag:s11], $0x2000  }
0xf3: {  	[sflag:s11] =	ssyncset.done $0x0  }
.Ltmp3:
0xf4: {  	[sflag:s11] =	ssyncadd.s32 $0xFFFFE000;
	(pc) =	sbr.rel @p0 .LBB2_6-.Ltmp3, $4  }
0xf5: {  	[spmem:s2] =	stream.indirect.scatter.add.f32 [tilespmem:s30], [sflag:$0x8], $0x40, s29, s21, $0xb8;
	[tilespmem:$0x13000] =	vst v63  }
0xf6: {  	_ =	swait.ge [sflag:s13], $0x2000  }
0xf7: {  	[sflag:s13] =	ssyncset.done $0x0  }
0xf8: {  	[sflag:s13] =	ssyncadd.s32 $0xFFFFE000  }
.Ltmp4:
0xf9: {  	(pc) =	sbr.rel .LBB2_4-.Ltmp4, $3  }
0xfa: {  	_ =	sdelay $0x1  }
0xfb: {  	s6 =	simm.s32 $0x100;
	s20 =	sadd.s32 $0x100, s20  }
0xfc: {  	[tilespmem:s24], [sflag:$0x3] =	stream.indirect.gather [hbm4b:s4+s21], $0x40, s6, s21, $0xb8;
	[tilespmem:$0x13000] =	vst v63  }
.LBB2_7:
0xfd: {  	_ =	sfence.sel $0x180000  }
0xfe: {  	[bflag:$0x0] =	sbarrier.arrive $0xFFFF  }
0xff: {  	_ =	strace $0x9000004A  }
0x100: {  	s0 =	stileid.u32;
	[bflag:$0x2] =	sbarrier.arrive $0xFFFF  }
0x101: {  	p0 =	sne.s32 s0, $0x0;
	s0 =	rddreg [dreg:$0x3]  }
0x102: {  	s0 =	sadd.s32 @!p0 $0x100000, s0  }
0x103: {  	[sflag:s0] =	ssyncadd.tile.s32 @!p0 $0x1;
	_ =	shalt  }
.Lfunc_end2:
_tile_overlayer_lowered:
.L_overlay_start_2:
0x104: {  	(tag) =	ssettag $0x2  }
0x105: {  	s0 =	rddreg [dreg:$0x0];
	s2 =	stileid.u32  }
0x106: {  	s1 =	rddreg [dreg:$0x1];
	p0 =	sne.s32 s2, $0x0  }
0x107: {  	s3 =	rddreg [dreg:$0x2];
	[bflag:$0x3] =	sbarrier.arrive $0xFFFF;
	s2 =	simm.s32 @!p0 $0x1C0A  }
0x108: {  	[timem:s3], [sflag:s2] =	dma.local @!p0 [hbm:s0], s1  }
0x109: {  	s0 =	simm.s32 @!p0 $0xA  }
0x10a: {  	_ =	swait.ge @!p0 [sflag:s0], s1  }
0x10b: {  	s1 =	ssub.s32 @!p0 $0x0, s1;
	[sflag:s0] =	ssyncset.done @!p0 $0x0  }
0x10c: {  	[sflag:s0] =	ssyncadd.s32 @!p0 s1  }
0x10d: {  	[bflag:$0x3] =	sbarrier.arrive $0xFFFF  }
0x10e: {  	_ =	shalt  }

</sc_bundles>
